<compile_context>
chip_gen: v7x
topology: tpu7x:2x2x1
jax: 0.10.2.dev20260603
libtpu: 0.0.44.dev20260713+nightly
codegen_flags: <defaults>
</compile_context>

<pallas_src>
import functools

import numpy as np
import jax
import jax.numpy as jnp
from jax import lax
from jax.experimental import pallas as pl
from jax.experimental.pallas import tpu as pltpu
from jax.experimental.pallas import tpu_sc as plsc


def _norm_pdf_np(z):
    return np.exp(-0.5 * z * z) / np.sqrt(2.0 * np.pi)


def _select_indices(frame_count: int) -> list:
    rng = np.random.RandomState(0)
    num_segments = 1
    idxs = np.linspace(0, frame_count - 1, frame_count, dtype=int)
    if frame_count <= num_segments * 2:
        idxs = np.repeat(idxs, int(frame_count * num_segments / len(idxs)))
        frame_count *= num_segments
    seg_sizes = _norm_pdf_np(np.linspace(-1, 1, num_segments))
    seg_sizes = 1 - seg_sizes if frame_count > num_segments else seg_sizes
    seg_sizes = seg_sizes / seg_sizes.sum() * frame_count
    seg_sizes = seg_sizes.astype(int)
    choices = []
    last_idx = 0
    for i, seg_size in enumerate(seg_sizes):
        next_idx = last_idx + seg_size if i < len(seg_sizes) - 1 else None
        choices.append(int(rng.choice(idxs[last_idx:next_idx], 1)[0]))
        last_idx = next_idx
    return choices


@functools.lru_cache(maxsize=None)
def _make_sc_gather(n_groups: int, ftiles: int, wsub: int, flanes: int,
                    ift: int, ilane: int):
    info = plsc.get_sparse_core_info()
    nw = info.num_cores * info.num_subcores
    while nw > 1 and n_groups % nw != 0:
        nw -= 1
    chunk = n_groups // nw
    mesh = plsc.VectorSubcoreMesh(core_axis_name="c", subcore_axis_name="s")

    il8 = (ilane // 8) * 8
    lane_in_block = ilane - il8
    full_vregs, tail = divmod(chunk, 16)

    @functools.partial(
        pl.kernel,
        mesh=mesh,
        out_type=jax.ShapeDtypeStruct((n_groups, wsub), jnp.float32),
        scratch_types=[
            pltpu.VMEM((wsub, chunk, 8), jnp.float32),
            pltpu.VMEM((chunk, wsub), jnp.float32),
            pltpu.SemaphoreType.DMA,
        ],
        compiler_params=pltpu.CompilerParams(
            use_tc_tiling_on_sc=False,
            needs_layout_passes=False,
        ),
    )
    def sc_gather(x_hbm, out_hbm, blocks, colt, sem):
        wid = lax.axis_index("s") * info.num_cores + lax.axis_index("c")
        g0 = wid * chunk

        @pl.when(wid < nw)
        def _():
            descs = [
                pltpu.make_async_copy(
                    x_hbm.at[pl.ds(g0, chunk), ift, wi, pl.ds(il8, 8)],
                    blocks.at[wi],
                    sem,
                )
                for wi in range(wsub)
            ]
            for d in descs:
                d.start()
            lane16 = lax.iota(jnp.int32, 16)
            lanei = jnp.full((16,), lane_in_block, jnp.int32)
            for wi in range(wsub):
                descs[wi].wait()
                coli = jnp.full((16,), wi, jnp.int32)
                for j in range(full_vregs):
                    rows = j * 16 + lane16
                    vals = plsc.load_gather(blocks.at[wi], [rows, lanei])
                    plsc.store_scatter(colt, [rows, coli], vals)
                if tail:
                    rows = full_vregs * 16 + lane16
                    msk = lane16 < tail
                    vals = plsc.load_gather(
                        blocks.at[wi], [rows, lanei], mask=msk
                    )
                    plsc.store_scatter(colt, [rows, coli], vals, mask=msk)
            pltpu.sync_copy(colt, out_hbm.at[pl.ds(g0, chunk)])

    return sc_gather


def kernel(x):
    frames, chn, hgt, wdt = x.shape
    choices = _select_indices(frames)
    ch = choices[0]
    flanes = 128
    wsub = 8
    ftiles = frames // flanes
    wtiles = wdt // wsub
    n_groups = chn * hgt * wtiles
    xv = (
        x.reshape(ftiles, flanes, chn, hgt, wtiles, wsub)
        .transpose(2, 3, 4, 0, 5, 1)
        .reshape(n_groups, ftiles, wsub, flanes)
    )
    sc_gather = _make_sc_gather(
        n_groups, ftiles, wsub, flanes, ch // flanes, ch % flanes
    )
    out2 = sc_gather(xv)
    return out2.reshape(1, chn, hgt, wdt)

# --- scband reference (transcript-rebuilt; emitter-appended) ---
"""Pipeline reference for scband-cpudynamic-select-segments-normal-1400159338864 (READ-ONLY COPY).

The authoritative reference and input builder live on the scoring server;
editing this copy changes nothing except your own understanding.
"""

import jax, jax.numpy as jnp
import numpy as np


def _norm_pdf(z):
    return np.exp(-0.5 * z * z) / np.sqrt(2.0 * np.pi)


def setup_inputs(seed: int = 0) -> dict:
    key = jax.random.key(seed)
    x = jax.random.normal(key, (256, 3, 224, 224), dtype=jnp.float32)
    return {"x": x}


def reference(x) -> jnp.ndarray:
    # Faithful translation of CPUDynamicSelectSegmentsNormal.__call__
    # Index computation is host-side numpy logic (non-differentiable ints).
    rng = np.random.RandomState(0)
    num_segments = 1
    frame_count = x.shape[0]
    idxs = np.linspace(0, frame_count - 1, frame_count, dtype=int)
    if frame_count <= num_segments * 2:
        idxs = np.repeat(idxs, int(frame_count * num_segments / len(idxs)))
        frame_count *= num_segments
    seg_sizes = _norm_pdf(np.linspace(-1, 1, num_segments))
    seg_sizes = 1 - seg_sizes if frame_count > num_segments else seg_sizes
    seg_sizes = seg_sizes / seg_sizes.sum() * frame_count
    seg_sizes = seg_sizes.astype(int)
    choices = []
    last_idx = 0
    for i, seg_size in enumerate(seg_sizes):
        next_idx = last_idx + seg_size if i < len(seg_sizes) - 1 else None
        choices.append(int(rng.choice(idxs[last_idx:next_idx], 1)[0]))
        last_idx = next_idx
    choices = jnp.asarray(choices, dtype=jnp.int32)
    # gather selected frames (maps to SparseCore gather)
    out = jnp.take(x, choices, axis=0)
    return out

if __name__ == "__main__":
    import jax
    _d = setup_inputs()
    print(jax.jit(kernel)(*tuple(_d.values())))

</pallas_src>

<mosaic_0001>
#map = affine_map<(d0, d1) -> (0, 0, 0, 0)>
#map1 = affine_map<(d0, d1) -> (0, 0)>
module attributes {stable_mosaic.version = 14 : i64} {
  func.func @sc_gather(%arg0: i32, %arg1: i32, %arg2: memref<18816x2x8x128xf32, #tpu.memory_space<hbm>>, %arg3: memref<18816x8xf32, #tpu.memory_space<hbm>>, %arg4: memref<8x588x8xf32, #tpu.memory_space<vmem>>, %arg5: memref<588x8xf32, #tpu.memory_space<vmem>>, %arg6: memref<!tpu.dma_semaphore, #tpu.memory_space<semaphore_mem>>) attributes {dimension_semantics = [#tpu.dimension_semantics<core_parallel>, #tpu.dimension_semantics<subcore_parallel>], iteration_bounds = array<i64: 2, 16>, scalar_prefetch = 0 : i64, scratch_operands = 3 : i64, tpu.core_type = #tpu.core_type<sc_vector_subcore>, window_params = [{transform_indices = #map}, {transform_indices = #map1}]} {
    %mul3A = arith.constant 2 : i32
    %mul3A_0 = arith.muli %arg1, %mul3A : i32
    %add3A = arith.addi %mul3A_0, %arg0 : i32
    %mul3A_1 = arith.constant 588 : i32
    %mul3A_2 = arith.muli %add3A, %mul3A_1 : i32
    %lt3A = arith.constant 32 : i32
    %lt3A_3 = arith.cmpi slt, %add3A, %lt3A : i32
    %convert_element_type3A = arith.extui %lt3A_3 : i1 to i32
    %cond3A = arith.constant 0 : i32
    %cond3A_4 = arith.cmpi ne, %convert_element_type3A, %cond3A : i32
    scf.if %cond3A_4 {
      %dma_start3A = arith.constant 1 : i32
      %dma_start3A_5 = arith.constant 0 : i32
      %dma_start3A_6 = arith.constant 0 : i32
      %dma_start3A_7 = arith.constant 0 : i32
      %dma_start3A_8 = arith.constant 0 : i32
      %dma_start3A_9 = tpu.memref_slice %arg4[%dma_start3A_6, %dma_start3A_7, %dma_start3A_8] : memref<8x588x8xf32, #tpu.memory_space<vmem>> -> memref<1x588x8xf32, #tpu.memory_space<vmem>>
      %dma_start3A_10 = tpu.memref_squeeze %dma_start3A_9 : memref<1x588x8xf32, #tpu.memory_space<vmem>> -> memref<588x8xf32, #tpu.memory_space<vmem>>
      %dma_start3A_11 = arith.constant 40 : i32
      %dma_start3A_12 = tpu.memref_slice %arg2[%mul3A_2, %dma_start3A, %dma_start3A_5, %dma_start3A_11] : memref<18816x2x8x128xf32, #tpu.memory_space<hbm>> -> memref<588x1x1x8xf32, #tpu.memory_space<hbm>>
      %dma_start3A_13 = tpu.memref_squeeze %dma_start3A_12 : memref<588x1x1x8xf32, #tpu.memory_space<hbm>> -> memref<588x8xf32, #tpu.memory_space<hbm>>
      %dma_start3A_14 = arith.constant 0 : i32
      %dma_start3A_15 = arith.constant 0 : i32
      %dma_start3A_16 = tpu.memref_slice %arg4[%dma_start3A_6, %dma_start3A_14, %dma_start3A_15] : memref<8x588x8xf32, #tpu.memory_space<vmem>> -> memref<1x588x8xf32, #tpu.memory_space<vmem>>
      %dma_start3A_17 = tpu.memref_squeeze %dma_start3A_16 : memref<1x588x8xf32, #tpu.memory_space<vmem>> -> memref<588x8xf32, #tpu.memory_space<vmem>>
      %dma_start3A_18 = arith.constant 40 : i32
      %dma_start3A_19 = tpu.memref_slice %arg2[%mul3A_2, %dma_start3A, %dma_start3A_5, %dma_start3A_18] : memref<18816x2x8x128xf32, #tpu.memory_space<hbm>> -> memref<588x1x1x8xf32, #tpu.memory_space<hbm>>
      %dma_start3A_20 = tpu.memref_squeeze %dma_start3A_19 : memref<588x1x1x8xf32, #tpu.memory_space<hbm>> -> memref<588x8xf32, #tpu.memory_space<hbm>>
      tpu.enqueue_dma source(%dma_start3A_20 : memref<588x8xf32, #tpu.memory_space<hbm>>) target(%dma_start3A_17 : memref<588x8xf32, #tpu.memory_space<vmem>>) target_semaphore(%arg6 : memref<!tpu.dma_semaphore, #tpu.memory_space<semaphore_mem>>)
      %dma_start3A_21 = arith.constant 1 : i32
      %dma_start3A_22 = arith.constant 1 : i32
      %dma_start3A_23 = arith.constant 1 : i32
      %dma_start3A_24 = arith.constant 0 : i32
      %dma_start3A_25 = arith.constant 0 : i32
      %dma_start3A_26 = tpu.memref_slice %arg4[%dma_start3A_23, %dma_start3A_24, %dma_start3A_25] : memref<8x588x8xf32, #tpu.memory_space<vmem>> -> memref<1x588x8xf32, #tpu.memory_space<vmem>>
      %dma_start3A_27 = tpu.memref_squeeze %dma_start3A_26 : memref<1x588x8xf32, #tpu.memory_space<vmem>> -> memref<588x8xf32, #tpu.memory_space<vmem>>
      %dma_start3A_28 = arith.constant 40 : i32
      %dma_start3A_29 = tpu.memref_slice %arg2[%mul3A_2, %dma_start3A_21, %dma_start3A_22, %dma_start3A_28] : memref<18816x2x8x128xf32, #tpu.memory_space<hbm>> -> memref<588x1x1x8xf32, #tpu.memory_space<hbm>>
      %dma_start3A_30 = tpu.memref_squeeze %dma_start3A_29 : memref<588x1x1x8xf32, #tpu.memory_space<hbm>> -> memref<588x8xf32, #tpu.memory_space<hbm>>
      %dma_start3A_31 = arith.constant 0 : i32
      %dma_start3A_32 = arith.constant 0 : i32
      %dma_start3A_33 = tpu.memref_slice %arg4[%dma_start3A_23, %dma_start3A_31, %dma_start3A_32] : memref<8x588x8xf32, #tpu.memory_space<vmem>> -> memref<1x588x8xf32, #tpu.memory_space<vmem>>
      %dma_start3A_34 = tpu.memref_squeeze %dma_start3A_33 : memref<1x588x8xf32, #tpu.memory_space<vmem>> -> memref<588x8xf32, #tpu.memory_space<vmem>>
      %dma_start3A_35 = arith.constant 40 : i32
      %dma_start3A_36 = tpu.memref_slice %arg2[%mul3A_2, %dma_start3A_21, %dma_start3A_22, %dma_start3A_35] : memref<18816x2x8x128xf32, #tpu.memory_space<hbm>> -> memref<588x1x1x8xf32, #tpu.memory_space<hbm>>
      %dma_start3A_37 = tpu.memref_squeeze %dma_start3A_36 : memref<588x1x1x8xf32, #tpu.memory_space<hbm>> -> memref<588x8xf32, #tpu.memory_space<hbm>>
      tpu.enqueue_dma source(%dma_start3A_37 : memref<588x8xf32, #tpu.memory_space<hbm>>) target(%dma_start3A_34 : memref<588x8xf32, #tpu.memory_space<vmem>>) target_semaphore(%arg6 : memref<!tpu.dma_semaphore, #tpu.memory_space<semaphore_mem>>)
      %dma_start3A_38 = arith.constant 1 : i32
      %dma_start3A_39 = arith.constant 2 : i32
      %dma_start3A_40 = arith.constant 2 : i32
      %dma_start3A_41 = arith.constant 0 : i32
      %dma_start3A_42 = arith.constant 0 : i32
      %dma_start3A_43 = tpu.memref_slice %arg4[%dma_start3A_40, %dma_start3A_41, %dma_start3A_42] : memref<8x588x8xf32, #tpu.memory_space<vmem>> -> memref<1x588x8xf32, #tpu.memory_space<vmem>>
      %dma_start3A_44 = tpu.memref_squeeze %dma_start3A_43 : memref<1x588x8xf32, #tpu.memory_space<vmem>> -> memref<588x8xf32, #tpu.memory_space<vmem>>
      %dma_start3A_45 = arith.constant 40 : i32
      %dma_start3A_46 = tpu.memref_slice %arg2[%mul3A_2, %dma_start3A_38, %dma_start3A_39, %dma_start3A_45] : memref<18816x2x8x128xf32, #tpu.memory_space<hbm>> -> memref<588x1x1x8xf32, #tpu.memory_space<hbm>>
      %dma_start3A_47 = tpu.memref_squeeze %dma_start3A_46 : memref<588x1x1x8xf32, #tpu.memory_space<hbm>> -> memref<588x8xf32, #tpu.memory_space<hbm>>
      %dma_start3A_48 = arith.constant 0 : i32
      %dma_start3A_49 = arith.constant 0 : i32
      %dma_start3A_50 = tpu.memref_slice %arg4[%dma_start3A_40, %dma_start3A_48, %dma_start3A_49] : memref<8x588x8xf32, #tpu.memory_space<vmem>> -> memref<1x588x8xf32, #tpu.memory_space<vmem>>
      %dma_start3A_51 = tpu.memref_squeeze %dma_start3A_50 : memref<1x588x8xf32, #tpu.memory_space<vmem>> -> memref<588x8xf32, #tpu.memory_space<vmem>>
      %dma_start3A_52 = arith.constant 40 : i32
      %dma_start3A_53 = tpu.memref_slice %arg2[%mul3A_2, %dma_start3A_38, %dma_start3A_39, %dma_start3A_52] : memref<18816x2x8x128xf32, #tpu.memory_space<hbm>> -> memref<588x1x1x8xf32, #tpu.memory_space<hbm>>
      %dma_start3A_54 = tpu.memref_squeeze %dma_start3A_53 : memref<588x1x1x8xf32, #tpu.memory_space<hbm>> -> memref<588x8xf32, #tpu.memory_space<hbm>>
      tpu.enqueue_dma source(%dma_start3A_54 : memref<588x8xf32, #tpu.memory_space<hbm>>) target(%dma_start3A_51 : memref<588x8xf32, #tpu.memory_space<vmem>>) target_semaphore(%arg6 : memref<!tpu.dma_semaphore, #tpu.memory_space<semaphore_mem>>)
      %dma_start3A_55 = arith.constant 1 : i32
      %dma_start3A_56 = arith.constant 3 : i32
      %dma_start3A_57 = arith.constant 3 : i32
      %dma_start3A_58 = arith.constant 0 : i32
      %dma_start3A_59 = arith.constant 0 : i32
      %dma_start3A_60 = tpu.memref_slice %arg4[%dma_start3A_57, %dma_start3A_58, %dma_start3A_59] : memref<8x588x8xf32, #tpu.memory_space<vmem>> -> memref<1x588x8xf32, #tpu.memory_space<vmem>>
      %dma_start3A_61 = tpu.memref_squeeze %dma_start3A_60 : memref<1x588x8xf32, #tpu.memory_space<vmem>> -> memref<588x8xf32, #tpu.memory_space<vmem>>
      %dma_start3A_62 = arith.constant 40 : i32
      %dma_start3A_63 = tpu.memref_slice %arg2[%mul3A_2, %dma_start3A_55, %dma_start3A_56, %dma_start3A_62] : memref<18816x2x8x128xf32, #tpu.memory_space<hbm>> -> memref<588x1x1x8xf32, #tpu.memory_space<hbm>>
      %dma_start3A_64 = tpu.memref_squeeze %dma_start3A_63 : memref<588x1x1x8xf32, #tpu.memory_space<hbm>> -> memref<588x8xf32, #tpu.memory_space<hbm>>
      %dma_start3A_65 = arith.constant 0 : i32
      %dma_start3A_66 = arith.constant 0 : i32
      %dma_start3A_67 = tpu.memref_slice %arg4[%dma_start3A_57, %dma_start3A_65, %dma_start3A_66] : memref<8x588x8xf32, #tpu.memory_space<vmem>> -> memref<1x588x8xf32, #tpu.memory_space<vmem>>
      %dma_start3A_68 = tpu.memref_squeeze %dma_start3A_67 : memref<1x588x8xf32, #tpu.memory_space<vmem>> -> memref<588x8xf32, #tpu.memory_space<vmem>>
      %dma_start3A_69 = arith.constant 40 : i32
      %dma_start3A_70 = tpu.memref_slice %arg2[%mul3A_2, %dma_start3A_55, %dma_start3A_56, %dma_start3A_69] : memref<18816x2x8x128xf32, #tpu.memory_space<hbm>> -> memref<588x1x1x8xf32, #tpu.memory_space<hbm>>
      %dma_start3A_71 = tpu.memref_squeeze %dma_start3A_70 : memref<588x1x1x8xf32, #tpu.memory_space<hbm>> -> memref<588x8xf32, #tpu.memory_space<hbm>>
      tpu.enqueue_dma source(%dma_start3A_71 : memref<588x8xf32, #tpu.memory_space<hbm>>) target(%dma_start3A_68 : memref<588x8xf32, #tpu.memory_space<vmem>>) target_semaphore(%arg6 : memref<!tpu.dma_semaphore, #tpu.memory_space<semaphore_mem>>)
      %dma_start3A_72 = arith.constant 1 : i32
      %dma_start3A_73 = arith.constant 4 : i32
      %dma_start3A_74 = arith.constant 4 : i32
      %dma_start3A_75 = arith.constant 0 : i32
      %dma_start3A_76 = arith.constant 0 : i32
      %dma_start3A_77 = tpu.memref_slice %arg4[%dma_start3A_74, %dma_start3A_75, %dma_start3A_76] : memref<8x588x8xf32, #tpu.memory_space<vmem>> -> memref<1x588x8xf32, #tpu.memory_space<vmem>>
      %dma_start3A_78 = tpu.memref_squeeze %dma_start3A_77 : memref<1x588x8xf32, #tpu.memory_space<vmem>> -> memref<588x8xf32, #tpu.memory_space<vmem>>
      %dma_start3A_79 = arith.constant 40 : i32
      %dma_start3A_80 = tpu.memref_slice %arg2[%mul3A_2, %dma_start3A_72, %dma_start3A_73, %dma_start3A_79] : memref<18816x2x8x128xf32, #tpu.memory_space<hbm>> -> memref<588x1x1x8xf32, #tpu.memory_space<hbm>>
      %dma_start3A_81 = tpu.memref_squeeze %dma_start3A_80 : memref<588x1x1x8xf32, #tpu.memory_space<hbm>> -> memref<588x8xf32, #tpu.memory_space<hbm>>
      %dma_start3A_82 = arith.constant 0 : i32
      %dma_start3A_83 = arith.constant 0 : i32
      %dma_start3A_84 = tpu.memref_slice %arg4[%dma_start3A_74, %dma_start3A_82, %dma_start3A_83] : memref<8x588x8xf32, #tpu.memory_space<vmem>> -> memref<1x588x8xf32, #tpu.memory_space<vmem>>
      %dma_start3A_85 = tpu.memref_squeeze %dma_start3A_84 : memref<1x588x8xf32, #tpu.memory_space<vmem>> -> memref<588x8xf32, #tpu.memory_space<vmem>>
      %dma_start3A_86 = arith.constant 40 : i32
      %dma_start3A_87 = tpu.memref_slice %arg2[%mul3A_2, %dma_start3A_72, %dma_start3A_73, %dma_start3A_86] : memref<18816x2x8x128xf32, #tpu.memory_space<hbm>> -> memref<588x1x1x8xf32, #tpu.memory_space<hbm>>
      %dma_start3A_88 = tpu.memref_squeeze %dma_start3A_87 : memref<588x1x1x8xf32, #tpu.memory_space<hbm>> -> memref<588x8xf32, #tpu.memory_space<hbm>>
      tpu.enqueue_dma source(%dma_start3A_88 : memref<588x8xf32, #tpu.memory_space<hbm>>) target(%dma_start3A_85 : memref<588x8xf32, #tpu.memory_space<vmem>>) target_semaphore(%arg6 : memref<!tpu.dma_semaphore, #tpu.memory_space<semaphore_mem>>)
      %dma_start3A_89 = arith.constant 1 : i32
      %dma_start3A_90 = arith.constant 5 : i32
      %dma_start3A_91 = arith.constant 5 : i32
      %dma_start3A_92 = arith.constant 0 : i32
      %dma_start3A_93 = arith.constant 0 : i32
      %dma_start3A_94 = tpu.memref_slice %arg4[%dma_start3A_91, %dma_start3A_92, %dma_start3A_93] : memref<8x588x8xf32, #tpu.memory_space<vmem>> -> memref<1x588x8xf32, #tpu.memory_space<vmem>>
      %dma_start3A_95 = tpu.memref_squeeze %dma_start3A_94 : memref<1x588x8xf32, #tpu.memory_space<vmem>> -> memref<588x8xf32, #tpu.memory_space<vmem>>
      %dma_start3A_96 = arith.constant 40 : i32
      %dma_start3A_97 = tpu.memref_slice %arg2[%mul3A_2, %dma_start3A_89, %dma_start3A_90, %dma_start3A_96] : memref<18816x2x8x128xf32, #tpu.memory_space<hbm>> -> memref<588x1x1x8xf32, #tpu.memory_space<hbm>>
      %dma_start3A_98 = tpu.memref_squeeze %dma_start3A_97 : memref<588x1x1x8xf32, #tpu.memory_space<hbm>> -> memref<588x8xf32, #tpu.memory_space<hbm>>
      %dma_start3A_99 = arith.constant 0 : i32
      %dma_start3A_100 = arith.constant 0 : i32
      %dma_start3A_101 = tpu.memref_slice %arg4[%dma_start3A_91, %dma_start3A_99, %dma_start3A_100] : memref<8x588x8xf32, #tpu.memory_space<vmem>> -> memref<1x588x8xf32, #tpu.memory_space<vmem>>
      %dma_start3A_102 = tpu.memref_squeeze %dma_start3A_101 : memref<1x588x8xf32, #tpu.memory_space<vmem>> -> memref<588x8xf32, #tpu.memory_space<vmem>>
      %dma_start3A_103 = arith.constant 40 : i32
      %dma_start3A_104 = tpu.memref_slice %arg2[%mul3A_2, %dma_start3A_89, %dma_start3A_90, %dma_start3A_103] : memref<18816x2x8x128xf32, #tpu.memory_space<hbm>> -> memref<588x1x1x8xf32, #tpu.memory_space<hbm>>
      %dma_start3A_105 = tpu.memref_squeeze %dma_start3A_104 : memref<588x1x1x8xf32, #tpu.memory_space<hbm>> -> memref<588x8xf32, #tpu.memory_space<hbm>>
      tpu.enqueue_dma source(%dma_start3A_105 : memref<588x8xf32, #tpu.memory_space<hbm>>) target(%dma_start3A_102 : memref<588x8xf32, #tpu.memory_space<vmem>>) target_semaphore(%arg6 : memref<!tpu.dma_semaphore, #tpu.memory_space<semaphore_mem>>)
      %dma_start3A_106 = arith.constant 1 : i32
      %dma_start3A_107 = arith.constant 6 : i32
      %dma_start3A_108 = arith.constant 6 : i32
      %dma_start3A_109 = arith.constant 0 : i32
      %dma_start3A_110 = arith.constant 0 : i32
      %dma_start3A_111 = tpu.memref_slice %arg4[%dma_start3A_108, %dma_start3A_109, %dma_start3A_110] : memref<8x588x8xf32, #tpu.memory_space<vmem>> -> memref<1x588x8xf32, #tpu.memory_space<vmem>>
      %dma_start3A_112 = tpu.memref_squeeze %dma_start3A_111 : memref<1x588x8xf32, #tpu.memory_space<vmem>> -> memref<588x8xf32, #tpu.memory_space<vmem>>
      %dma_start3A_113 = arith.constant 40 : i32
      %dma_start3A_114 = tpu.memref_slice %arg2[%mul3A_2, %dma_start3A_106, %dma_start3A_107, %dma_start3A_113] : memref<18816x2x8x128xf32, #tpu.memory_space<hbm>> -> memref<588x1x1x8xf32, #tpu.memory_space<hbm>>
      %dma_start3A_115 = tpu.memref_squeeze %dma_start3A_114 : memref<588x1x1x8xf32, #tpu.memory_space<hbm>> -> memref<588x8xf32, #tpu.memory_space<hbm>>
      %dma_start3A_116 = arith.constant 0 : i32
      %dma_start3A_117 = arith.constant 0 : i32
      %dma_start3A_118 = tpu.memref_slice %arg4[%dma_start3A_108, %dma_start3A_116, %dma_start3A_117] : memref<8x588x8xf32, #tpu.memory_space<vmem>> -> memref<1x588x8xf32, #tpu.memory_space<vmem>>
      %dma_start3A_119 = tpu.memref_squeeze %dma_start3A_118 : memref<1x588x8xf32, #tpu.memory_space<vmem>> -> memref<588x8xf32, #tpu.memory_space<vmem>>
      %dma_start3A_120 = arith.constant 40 : i32
      %dma_start3A_121 = tpu.memref_slice %arg2[%mul3A_2, %dma_start3A_106, %dma_start3A_107, %dma_start3A_120] : memref<18816x2x8x128xf32, #tpu.memory_space<hbm>> -> memref<588x1x1x8xf32, #tpu.memory_space<hbm>>
      %dma_start3A_122 = tpu.memref_squeeze %dma_start3A_121 : memref<588x1x1x8xf32, #tpu.memory_space<hbm>> -> memref<588x8xf32, #tpu.memory_space<hbm>>
      tpu.enqueue_dma source(%dma_start3A_122 : memref<588x8xf32, #tpu.memory_space<hbm>>) target(%dma_start3A_119 : memref<588x8xf32, #tpu.memory_space<vmem>>) target_semaphore(%arg6 : memref<!tpu.dma_semaphore, #tpu.memory_space<semaphore_mem>>)
      %dma_start3A_123 = arith.constant 1 : i32
      %dma_start3A_124 = arith.constant 7 : i32
      %dma_start3A_125 = arith.constant 7 : i32
      %dma_start3A_126 = arith.constant 0 : i32
      %dma_start3A_127 = arith.constant 0 : i32
      %dma_start3A_128 = tpu.memref_slice %arg4[%dma_start3A_125, %dma_start3A_126, %dma_start3A_127] : memref<8x588x8xf32, #tpu.memory_space<vmem>> -> memref<1x588x8xf32, #tpu.memory_space<vmem>>
      %dma_start3A_129 = tpu.memref_squeeze %dma_start3A_128 : memref<1x588x8xf32, #tpu.memory_space<vmem>> -> memref<588x8xf32, #tpu.memory_space<vmem>>
      %dma_start3A_130 = arith.constant 40 : i32
      %dma_start3A_131 = tpu.memref_slice %arg2[%mul3A_2, %dma_start3A_123, %dma_start3A_124, %dma_start3A_130] : memref<18816x2x8x128xf32, #tpu.memory_space<hbm>> -> memref<588x1x1x8xf32, #tpu.memory_space<hbm>>
      %dma_start3A_132 = tpu.memref_squeeze %dma_start3A_131 : memref<588x1x1x8xf32, #tpu.memory_space<hbm>> -> memref<588x8xf32, #tpu.memory_space<hbm>>
      %dma_start3A_133 = arith.constant 0 : i32
      %dma_start3A_134 = arith.constant 0 : i32
      %dma_start3A_135 = tpu.memref_slice %arg4[%dma_start3A_125, %dma_start3A_133, %dma_start3A_134] : memref<8x588x8xf32, #tpu.memory_space<vmem>> -> memref<1x588x8xf32, #tpu.memory_space<vmem>>
      %dma_start3A_136 = tpu.memref_squeeze %dma_start3A_135 : memref<1x588x8xf32, #tpu.memory_space<vmem>> -> memref<588x8xf32, #tpu.memory_space<vmem>>
      %dma_start3A_137 = arith.constant 40 : i32
      %dma_start3A_138 = tpu.memref_slice %arg2[%mul3A_2, %dma_start3A_123, %dma_start3A_124, %dma_start3A_137] : memref<18816x2x8x128xf32, #tpu.memory_space<hbm>> -> memref<588x1x1x8xf32, #tpu.memory_space<hbm>>
      %dma_start3A_139 = tpu.memref_squeeze %dma_start3A_138 : memref<588x1x1x8xf32, #tpu.memory_space<hbm>> -> memref<588x8xf32, #tpu.memory_space<hbm>>
      tpu.enqueue_dma source(%dma_start3A_139 : memref<588x8xf32, #tpu.memory_space<hbm>>) target(%dma_start3A_136 : memref<588x8xf32, #tpu.memory_space<vmem>>) target_semaphore(%arg6 : memref<!tpu.dma_semaphore, #tpu.memory_space<semaphore_mem>>)
      %iota3A = tpu.iota {dimensions = array<i32: 0>} : vector<16xi32>
      %broadcast_in_dim3A = arith.constant 4 : i32
      %broadcast_in_dim3A_140 = vector.broadcast %broadcast_in_dim3A : i32 to vector<16xi32>
      %dma_wait3A = arith.constant 1 : i32
      %dma_wait3A_141 = arith.constant 0 : i32
      %dma_wait3A_142 = arith.constant 0 : i32
      %dma_wait3A_143 = arith.constant 0 : i32
      %dma_wait3A_144 = arith.constant 0 : i32
      %dma_wait3A_145 = tpu.memref_slice %arg4[%dma_wait3A_142, %dma_wait3A_143, %dma_wait3A_144] : memref<8x588x8xf32, #tpu.memory_space<vmem>> -> memref<1x588x8xf32, #tpu.memory_space<vmem>>
      %dma_wait3A_146 = tpu.memref_squeeze %dma_wait3A_145 : memref<1x588x8xf32, #tpu.memory_space<vmem>> -> memref<588x8xf32, #tpu.memory_space<vmem>>
      %dma_wait3A_147 = arith.constant 40 : i32
      %dma_wait3A_148 = tpu.memref_slice %arg2[%mul3A_2, %dma_wait3A, %dma_wait3A_141, %dma_wait3A_147] : memref<18816x2x8x128xf32, #tpu.memory_space<hbm>> -> memref<588x1x1x8xf32, #tpu.memory_space<hbm>>
      %dma_wait3A_149 = tpu.memref_squeeze %dma_wait3A_148 : memref<588x1x1x8xf32, #tpu.memory_space<hbm>> -> memref<588x8xf32, #tpu.memory_space<hbm>>
      %dma_wait3A_150 = arith.constant 0 : i32
      %dma_wait3A_151 = arith.constant 0 : i32
      %dma_wait3A_152 = tpu.memref_slice %arg4[%dma_wait3A_142, %dma_wait3A_150, %dma_wait3A_151] : memref<8x588x8xf32, #tpu.memory_space<vmem>> -> memref<1x588x8xf32, #tpu.memory_space<vmem>>
      %dma_wait3A_153 = tpu.memref_squeeze %dma_wait3A_152 : memref<1x588x8xf32, #tpu.memory_space<vmem>> -> memref<588x8xf32, #tpu.memory_space<vmem>>
      %dma_wait3A_154 = arith.constant 40 : i32
      %dma_wait3A_155 = tpu.memref_slice %arg2[%mul3A_2, %dma_wait3A, %dma_wait3A_141, %dma_wait3A_154] : memref<18816x2x8x128xf32, #tpu.memory_space<hbm>> -> memref<588x1x1x8xf32, #tpu.memory_space<hbm>>
      %dma_wait3A_156 = tpu.memref_squeeze %dma_wait3A_155 : memref<588x1x1x8xf32, #tpu.memory_space<hbm>> -> memref<588x8xf32, #tpu.memory_space<hbm>>
      tpu.wait_dma2 semaphore(%arg6 : memref<!tpu.dma_semaphore, #tpu.memory_space<semaphore_mem>>) src(%dma_wait3A_156 : memref<588x8xf32, #tpu.memory_space<hbm>>) dst(%dma_wait3A_153 : memref<588x8xf32, #tpu.memory_space<vmem>>)
      %broadcast_in_dim3A_157 = arith.constant 0 : i32
      %broadcast_in_dim3A_158 = vector.broadcast %broadcast_in_dim3A_157 : i32 to vector<16xi32>
      %add3A_159 = arith.constant 0 : i32
      %add3A_160 = vector.broadcast %add3A_159 : i32 to vector<16xi32>
      %add3A_161 = arith.addi %add3A_160, %iota3A : vector<16xi32>
      %gather3A = arith.constant 0 : i32
      %gather3A_162 = arith.constant 0 : i32
      %gather3A_163 = arith.constant 0 : i32
      %gather3A_164 = tpu.memref_slice %arg4[%gather3A, %gather3A_162, %gather3A_163] : memref<8x588x8xf32, #tpu.memory_space<vmem>> -> memref<1x588x8xf32, #tpu.memory_space<vmem>>
      %gather3A_165 = tpu.memref_squeeze %gather3A_164 : memref<1x588x8xf32, #tpu.memory_space<vmem>> -> memref<588x8xf32, #tpu.memory_space<vmem>>
      %gather3A_166 = tpu.vector_load_idx %gather3A_165[%add3A_161, %broadcast_in_dim3A_140] : memref<588x8xf32, #tpu.memory_space<vmem>>[vector<16xi32>, vector<16xi32>], vector<16xf32>,
      tpu.vector_store_idx %arg5[%add3A_161, %broadcast_in_dim3A_158], %gather3A_166 : memref<588x8xf32, #tpu.memory_space<vmem>>[vector<16xi32>, vector<16xi32>], vector<16xf32>,
      %add3A_167 = arith.constant 16 : i32
      %add3A_168 = vector.broadcast %add3A_167 : i32 to vector<16xi32>
      %add3A_169 = arith.addi %add3A_168, %iota3A : vector<16xi32>
      %gather3A_170 = arith.constant 0 : i32
      %gather3A_171 = arith.constant 0 : i32
      %gather3A_172 = arith.constant 0 : i32
      %gather3A_173 = tpu.memref_slice %arg4[%gather3A_170, %gather3A_171, %gather3A_172] : memref<8x588x8xf32, #tpu.memory_space<vmem>> -> memref<1x588x8xf32, #tpu.memory_space<vmem>>
      %gather3A_174 = tpu.memref_squeeze %gather3A_173 : memref<1x588x8xf32, #tpu.memory_space<vmem>> -> memref<588x8xf32, #tpu.memory_space<vmem>>
      %gather3A_175 = tpu.vector_load_idx %gather3A_174[%add3A_169, %broadcast_in_dim3A_140] : memref<588x8xf32, #tpu.memory_space<vmem>>[vector<16xi32>, vector<16xi32>], vector<16xf32>,
      tpu.vector_store_idx %arg5[%add3A_169, %broadcast_in_dim3A_158], %gather3A_175 : memref<588x8xf32, #tpu.memory_space<vmem>>[vector<16xi32>, vector<16xi32>], vector<16xf32>,
      %add3A_176 = arith.constant 32 : i32
      %add3A_177 = vector.broadcast %add3A_176 : i32 to vector<16xi32>
      %add3A_178 = arith.addi %add3A_177, %iota3A : vector<16xi32>
      %gather3A_179 = arith.constant 0 : i32
      %gather3A_180 = arith.constant 0 : i32
      %gather3A_181 = arith.constant 0 : i32
      %gather3A_182 = tpu.memref_slice %arg4[%gather3A_179, %gather3A_180, %gather3A_181] : memref<8x588x8xf32, #tpu.memory_space<vmem>> -> memref<1x588x8xf32, #tpu.memory_space<vmem>>
      %gather3A_183 = tpu.memref_squeeze %gather3A_182 : memref<1x588x8xf32, #tpu.memory_space<vmem>> -> memref<588x8xf32, #tpu.memory_space<vmem>>
      %gather3A_184 = tpu.vector_load_idx %gather3A_183[%add3A_178, %broadcast_in_dim3A_140] : memref<588x8xf32, #tpu.memory_space<vmem>>[vector<16xi32>, vector<16xi32>], vector<16xf32>,
      tpu.vector_store_idx %arg5[%add3A_178, %broadcast_in_dim3A_158], %gather3A_184 : memref<588x8xf32, #tpu.memory_space<vmem>>[vector<16xi32>, vector<16xi32>], vector<16xf32>,
      %add3A_185 = arith.constant 48 : i32
      %add3A_186 = vector.broadcast %add3A_185 : i32 to vector<16xi32>
      %add3A_187 = arith.addi %add3A_186, %iota3A : vector<16xi32>
      %gather3A_188 = arith.constant 0 : i32
      %gather3A_189 = arith.constant 0 : i32
      %gather3A_190 = arith.constant 0 : i32
      %gather3A_191 = tpu.memref_slice %arg4[%gather3A_188, %gather3A_189, %gather3A_190] : memref<8x588x8xf32, #tpu.memory_space<vmem>> -> memref<1x588x8xf32, #tpu.memory_space<vmem>>
      %gather3A_192 = tpu.memref_squeeze %gather3A_191 : memref<1x588x8xf32, #tpu.memory_space<vmem>> -> memref<588x8xf32, #tpu.memory_space<vmem>>
      %gather3A_193 = tpu.vector_load_idx %gather3A_192[%add3A_187, %broadcast_in_dim3A_140] : memref<588x8xf32, #tpu.memory_space<vmem>>[vector<16xi32>, vector<16xi32>], vector<16xf32>,
      tpu.vector_store_idx %arg5[%add3A_187, %broadcast_in_dim3A_158], %gather3A_193 : memref<588x8xf32, #tpu.memory_space<vmem>>[vector<16xi32>, vector<16xi32>], vector<16xf32>,
      %add3A_194 = arith.constant 64 : i32
      %add3A_195 = vector.broadcast %add3A_194 : i32 to vector<16xi32>
      %add3A_196 = arith.addi %add3A_195, %iota3A : vector<16xi32>
      %gather3A_197 = arith.constant 0 : i32
      %gather3A_198 = arith.constant 0 : i32
      %gather3A_199 = arith.constant 0 : i32
      %gather3A_200 = tpu.memref_slice %arg4[%gather3A_197, %gather3A_198, %gather3A_199] : memref<8x588x8xf32, #tpu.memory_space<vmem>> -> memref<1x588x8xf32, #tpu.memory_space<vmem>>
      %gather3A_201 = tpu.memref_squeeze %gather3A_200 : memref<1x588x8xf32, #tpu.memory_space<vmem>> -> memref<588x8xf32, #tpu.memory_space<vmem>>
      %gather3A_202 = tpu.vector_load_idx %gather3A_201[%add3A_196, %broadcast_in_dim3A_140] : memref<588x8xf32, #tpu.memory_space<vmem>>[vector<16xi32>, vector<16xi32>], vector<16xf32>,
      tpu.vector_store_idx %arg5[%add3A_196, %broadcast_in_dim3A_158], %gather3A_202 : memref<588x8xf32, #tpu.memory_space<vmem>>[vector<16xi32>, vector<16xi32>], vector<16xf32>,
      %add3A_203 = arith.constant 80 : i32
      %add3A_204 = vector.broadcast %add3A_203 : i32 to vector<16xi32>
      %add3A_205 = arith.addi %add3A_204, %iota3A : vector<16xi32>
      %gather3A_206 = arith.constant 0 : i32
      %gather3A_207 = arith.constant 0 : i32
      %gather3A_208 = arith.constant 0 : i32
      %gather3A_209 = tpu.memref_slice %arg4[%gather3A_206, %gather3A_207, %gather3A_208] : memref<8x588x8xf32, #tpu.memory_space<vmem>> -> memref<1x588x8xf32, #tpu.memory_space<vmem>>
      %gather3A_210 = tpu.memref_squeeze %gather3A_209 : memref<1x588x8xf32, #tpu.memory_space<vmem>> -> memref<588x8xf32, #tpu.memory_space<vmem>>
      %gather3A_211 = tpu.vector_load_idx %gather3A_210[%add3A_205, %broadcast_in_dim3A_140] : memref<588x8xf32, #tpu.memory_space<vmem>>[vector<16xi32>, vector<16xi32>], vector<16xf32>,
      tpu.vector_store_idx %arg5[%add3A_205, %broadcast_in_dim3A_158], %gather3A_211 : memref<588x8xf32, #tpu.memory_space<vmem>>[vector<16xi32>, vector<16xi32>], vector<16xf32>,
      %add3A_212 = arith.constant 96 : i32
      %add3A_213 = vector.broadcast %add3A_212 : i32 to vector<16xi32>
      %add3A_214 = arith.addi %add3A_213, %iota3A : vector<16xi32>
      %gather3A_215 = arith.constant 0 : i32
      %gather3A_216 = arith.constant 0 : i32
      %gather3A_217 = arith.constant 0 : i32
      %gather3A_218 = tpu.memref_slice %arg4[%gather3A_215, %gather3A_216, %gather3A_217] : memref<8x588x8xf32, #tpu.memory_space<vmem>> -> memref<1x588x8xf32, #tpu.memory_space<vmem>>
      %gather3A_219 = tpu.memref_squeeze %gather3A_218 : memref<1x588x8xf32, #tpu.memory_space<vmem>> -> memref<588x8xf32, #tpu.memory_space<vmem>>
      %gather3A_220 = tpu.vector_load_idx %gather3A_219[%add3A_214, %broadcast_in_dim3A_140] : memref<588x8xf32, #tpu.memory_space<vmem>>[vector<16xi32>, vector<16xi32>], vector<16xf32>,
      tpu.vector_store_idx %arg5[%add3A_214, %broadcast_in_dim3A_158], %gather3A_220 : memref<588x8xf32, #tpu.memory_space<vmem>>[vector<16xi32>, vector<16xi32>], vector<16xf32>,
      %add3A_221 = arith.constant 112 : i32
      %add3A_222 = vector.broadcast %add3A_221 : i32 to vector<16xi32>
      %add3A_223 = arith.addi %add3A_222, %iota3A : vector<16xi32>
      %gather3A_224 = arith.constant 0 : i32
      %gather3A_225 = arith.constant 0 : i32
      %gather3A_226 = arith.constant 0 : i32
      %gather3A_227 = tpu.memref_slice %arg4[%gather3A_224, %gather3A_225, %gather3A_226] : memref<8x588x8xf32, #tpu.memory_space<vmem>> -> memref<1x588x8xf32, #tpu.memory_space<vmem>>
      %gather3A_228 = tpu.memref_squeeze %gather3A_227 : memref<1x588x8xf32, #tpu.memory_space<vmem>> -> memref<588x8xf32, #tpu.memory_space<vmem>>
      %gather3A_229 = tpu.vector_load_idx %gather3A_228[%add3A_223, %broadcast_in_dim3A_140] : memref<588x8xf32, #tpu.memory_space<vmem>>[vector<16xi32>, vector<16xi32>], vector<16xf32>,
      tpu.vector_store_idx %arg5[%add3A_223, %broadcast_in_dim3A_158], %gather3A_229 : memref<588x8xf32, #tpu.memory_space<vmem>>[vector<16xi32>, vector<16xi32>], vector<16xf32>,
      %add3A_230 = arith.constant 128 : i32
      %add3A_231 = vector.broadcast %add3A_230 : i32 to vector<16xi32>
      %add3A_232 = arith.addi %add3A_231, %iota3A : vector<16xi32>
      %gather3A_233 = arith.constant 0 : i32
      %gather3A_234 = arith.constant 0 : i32
      %gather3A_235 = arith.constant 0 : i32
      %gather3A_236 = tpu.memref_slice %arg4[%gather3A_233, %gather3A_234, %gather3A_235] : memref<8x588x8xf32, #tpu.memory_space<vmem>> -> memref<1x588x8xf32, #tpu.memory_space<vmem>>
      %gather3A_237 = tpu.memref_squeeze %gather3A_236 : memref<1x588x8xf32, #tpu.memory_space<vmem>> -> memref<588x8xf32, #tpu.memory_space<vmem>>
      %gather3A_238 = tpu.vector_load_idx %gather3A_237[%add3A_232, %broadcast_in_dim3A_140] : memref<588x8xf32, #tpu.memory_space<vmem>>[vector<16xi32>, vector<16xi32>], vector<16xf32>,
      tpu.vector_store_idx %arg5[%add3A_232, %broadcast_in_dim3A_158], %gather3A_238 : memref<588x8xf32, #tpu.memory_space<vmem>>[vector<16xi32>, vector<16xi32>], vector<16xf32>,
      %add3A_239 = arith.constant 144 : i32
      %add3A_240 = vector.broadcast %add3A_239 : i32 to vector<16xi32>
      %add3A_241 = arith.addi %add3A_240, %iota3A : vector<16xi32>
      %gather3A_242 = arith.constant 0 : i32
      %gather3A_243 = arith.constant 0 : i32
      %gather3A_244 = arith.constant 0 : i32
      %gather3A_245 = tpu.memref_slice %arg4[%gather3A_242, %gather3A_243, %gather3A_244] : memref<8x588x8xf32, #tpu.memory_space<vmem>> -> memref<1x588x8xf32, #tpu.memory_space<vmem>>
      %gather3A_246 = tpu.memref_squeeze %gather3A_245 : memref<1x588x8xf32, #tpu.memory_space<vmem>> -> memref<588x8xf32, #tpu.memory_space<vmem>>
      %gather3A_247 = tpu.vector_load_idx %gather3A_246[%add3A_241, %broadcast_in_dim3A_140] : memref<588x8xf32, #tpu.memory_space<vmem>>[vector<16xi32>, vector<16xi32>], vector<16xf32>,
      tpu.vector_store_idx %arg5[%add3A_241, %broadcast_in_dim3A_158], %gather3A_247 : memref<588x8xf32, #tpu.memory_space<vmem>>[vector<16xi32>, vector<16xi32>], vector<16xf32>,
      %add3A_248 = arith.constant 160 : i32
      %add3A_249 = vector.broadcast %add3A_248 : i32 to vector<16xi32>
      %add3A_250 = arith.addi %add3A_249, %iota3A : vector<16xi32>
      %gather3A_251 = arith.constant 0 : i32
      %gather3A_252 = arith.constant 0 : i32
      %gather3A_253 = arith.constant 0 : i32
      %gather3A_254 = tpu.memref_slice %arg4[%gather3A_251, %gather3A_252, %gather3A_253] : memref<8x588x8xf32, #tpu.memory_space<vmem>> -> memref<1x588x8xf32, #tpu.memory_space<vmem>>
      %gather3A_255 = tpu.memref_squeeze %gather3A_254 : memref<1x588x8xf32, #tpu.memory_space<vmem>> -> memref<588x8xf32, #tpu.memory_space<vmem>>
      %gather3A_256 = tpu.vector_load_idx %gather3A_255[%add3A_250, %broadcast_in_dim3A_140] : memref<588x8xf32, #tpu.memory_space<vmem>>[vector<16xi32>, vector<16xi32>], vector<16xf32>,
      tpu.vector_store_idx %arg5[%add3A_250, %broadcast_in_dim3A_158], %gather3A_256 : memref<588x8xf32, #tpu.memory_space<vmem>>[vector<16xi32>, vector<16xi32>], vector<16xf32>,
      %add3A_257 = arith.constant 176 : i32
      %add3A_258 = vector.broadcast %add3A_257 : i32 to vector<16xi32>
      %add3A_259 = arith.addi %add3A_258, %iota3A : vector<16xi32>
      %gather3A_260 = arith.constant 0 : i32
      %gather3A_261 = arith.constant 0 : i32
      %gather3A_262 = arith.constant 0 : i32
      %gather3A_263 = tpu.memref_slice %arg4[%gather3A_260, %gather3A_261, %gather3A_262] : memref<8x588x8xf32, #tpu.memory_space<vmem>> -> memref<1x588x8xf32, #tpu.memory_space<vmem>>
      %gather3A_264 = tpu.memref_squeeze %gather3A_263 : memref<1x588x8xf32, #tpu.memory_space<vmem>> -> memref<588x8xf32, #tpu.memory_space<vmem>>
      %gather3A_265 = tpu.vector_load_idx %gather3A_264[%add3A_259, %broadcast_in_dim3A_140] : memref<588x8xf32, #tpu.memory_space<vmem>>[vector<16xi32>, vector<16xi32>], vector<16xf32>,
      tpu.vector_store_idx %arg5[%add3A_259, %broadcast_in_dim3A_158], %gather3A_265 : memref<588x8xf32, #tpu.memory_space<vmem>>[vector<16xi32>, vector<16xi32>], vector<16xf32>,
      %add3A_266 = arith.constant 192 : i32
      %add3A_267 = vector.broadcast %add3A_266 : i32 to vector<16xi32>
      %add3A_268 = arith.addi %add3A_267, %iota3A : vector<16xi32>
      %gather3A_269 = arith.constant 0 : i32
      %gather3A_270 = arith.constant 0 : i32
      %gather3A_271 = arith.constant 0 : i32
      %gather3A_272 = tpu.memref_slice %arg4[%gather3A_269, %gather3A_270, %gather3A_271] : memref<8x588x8xf32, #tpu.memory_space<vmem>> -> memref<1x588x8xf32, #tpu.memory_space<vmem>>
      %gather3A_273 = tpu.memref_squeeze %gather3A_272 : memref<1x588x8xf32, #tpu.memory_space<vmem>> -> memref<588x8xf32, #tpu.memory_space<vmem>>
      %gather3A_274 = tpu.vector_load_idx %gather3A_273[%add3A_268, %broadcast_in_dim3A_140] : memref<588x8xf32, #tpu.memory_space<vmem>>[vector<16xi32>, vector<16xi32>], vector<16xf32>,
      tpu.vector_store_idx %arg5[%add3A_268, %broadcast_in_dim3A_158], %gather3A_274 : memref<588x8xf32, #tpu.memory_space<vmem>>[vector<16xi32>, vector<16xi32>], vector<16xf32>,
      %add3A_275 = arith.constant 208 : i32
      %add3A_276 = vector.broadcast %add3A_275 : i32 to vector<16xi32>
      %add3A_277 = arith.addi %add3A_276, %iota3A : vector<16xi32>
      %gather3A_278 = arith.constant 0 : i32
      %gather3A_279 = arith.constant 0 : i32
      %gather3A_280 = arith.constant 0 : i32
      %gather3A_281 = tpu.memref_slice %arg4[%gather3A_278, %gather3A_279, %gather3A_280] : memref<8x588x8xf32, #tpu.memory_space<vmem>> -> memref<1x588x8xf32, #tpu.memory_space<vmem>>
      %gather3A_282 = tpu.memref_squeeze %gather3A_281 : memref<1x588x8xf32, #tpu.memory_space<vmem>> -> memref<588x8xf32, #tpu.memory_space<vmem>>
      %gather3A_283 = tpu.vector_load_idx %gather3A_282[%add3A_277, %broadcast_in_dim3A_140] : memref<588x8xf32, #tpu.memory_space<vmem>>[vector<16xi32>, vector<16xi32>], vector<16xf32>,
      tpu.vector_store_idx %arg5[%add3A_277, %broadcast_in_dim3A_158], %gather3A_283 : memref<588x8xf32, #tpu.memory_space<vmem>>[vector<16xi32>, vector<16xi32>], vector<16xf32>,
      %add3A_284 = arith.constant 224 : i32
      %add3A_285 = vector.broadcast %add3A_284 : i32 to vector<16xi32>
      %add3A_286 = arith.addi %add3A_285, %iota3A : vector<16xi32>
      %gather3A_287 = arith.constant 0 : i32
      %gather3A_288 = arith.constant 0 : i32
      %gather3A_289 = arith.constant 0 : i32
      %gather3A_290 = tpu.memref_slice %arg4[%gather3A_287, %gather3A_288, %gather3A_289] : memref<8x588x8xf32, #tpu.memory_space<vmem>> -> memref<1x588x8xf32, #tpu.memory_space<vmem>>
      %gather3A_291 = tpu.memref_squeeze %gather3A_290 : memref<1x588x8xf32, #tpu.memory_space<vmem>> -> memref<588x8xf32, #tpu.memory_space<vmem>>
      %gather3A_292 = tpu.vector_load_idx %gather3A_291[%add3A_286, %broadcast_in_dim3A_140] : memref<588x8xf32, #tpu.memory_space<vmem>>[vector<16xi32>, vector<16xi32>], vector<16xf32>,
      tpu.vector_store_idx %arg5[%add3A_286, %broadcast_in_dim3A_158], %gather3A_292 : memref<588x8xf32, #tpu.memory_space<vmem>>[vector<16xi32>, vector<16xi32>], vector<16xf32>,
      %add3A_293 = arith.constant 240 : i32
      %add3A_294 = vector.broadcast %add3A_293 : i32 to vector<16xi32>
      %add3A_295 = arith.addi %add3A_294, %iota3A : vector<16xi32>
      %gather3A_296 = arith.constant 0 : i32
      %gather3A_297 = arith.constant 0 : i32
      %gather3A_298 = arith.constant 0 : i32
      %gather3A_299 = tpu.memref_slice %arg4[%gather3A_296, %gather3A_297, %gather3A_298] : memref<8x588x8xf32, #tpu.memory_space<vmem>> -> memref<1x588x8xf32, #tpu.memory_space<vmem>>
      %gather3A_300 = tpu.memref_squeeze %gather3A_299 : memref<1x588x8xf32, #tpu.memory_space<vmem>> -> memref<588x8xf32, #tpu.memory_space<vmem>>
      %gather3A_301 = tpu.vector_load_idx %gather3A_300[%add3A_295, %broadcast_in_dim3A_140] : memref<588x8xf32, #tpu.memory_space<vmem>>[vector<16xi32>, vector<16xi32>], vector<16xf32>,
      tpu.vector_store_idx %arg5[%add3A_295, %broadcast_in_dim3A_158], %gather3A_301 : memref<588x8xf32, #tpu.memory_space<vmem>>[vector<16xi32>, vector<16xi32>], vector<16xf32>,
      %add3A_302 = arith.constant 256 : i32
      %add3A_303 = vector.broadcast %add3A_302 : i32 to vector<16xi32>
      %add3A_304 = arith.addi %add3A_303, %iota3A : vector<16xi32>
      %gather3A_305 = arith.constant 0 : i32
      %gather3A_306 = arith.constant 0 : i32
      %gather3A_307 = arith.constant 0 : i32
      %gather3A_308 = tpu.memref_slice %arg4[%gather3A_305, %gather3A_306, %gather3A_307] : memref<8x588x8xf32, #tpu.memory_space<vmem>> -> memref<1x588x8xf32, #tpu.memory_space<vmem>>
      %gather3A_309 = tpu.memref_squeeze %gather3A_308 : memref<1x588x8xf32, #tpu.memory_space<vmem>> -> memref<588x8xf32, #tpu.memory_space<vmem>>
      %gather3A_310 = tpu.vector_load_idx %gather3A_309[%add3A_304, %broadcast_in_dim3A_140] : memref<588x8xf32, #tpu.memory_space<vmem>>[vector<16xi32>, vector<16xi32>], vector<16xf32>,
      tpu.vector_store_idx %arg5[%add3A_304, %broadcast_in_dim3A_158], %gather3A_310 : memref<588x8xf32, #tpu.memory_space<vmem>>[vector<16xi32>, vector<16xi32>], vector<16xf32>,
      %add3A_311 = arith.constant 272 : i32
      %add3A_312 = vector.broadcast %add3A_311 : i32 to vector<16xi32>
      %add3A_313 = arith.addi %add3A_312, %iota3A : vector<16xi32>
      %gather3A_314 = arith.constant 0 : i32
      %gather3A_315 = arith.constant 0 : i32
      %gather3A_316 = arith.constant 0 : i32
      %gather3A_317 = tpu.memref_slice %arg4[%gather3A_314, %gather3A_315, %gather3A_316] : memref<8x588x8xf32, #tpu.memory_space<vmem>> -> memref<1x588x8xf32, #tpu.memory_space<vmem>>
      %gather3A_318 = tpu.memref_squeeze %gather3A_317 : memref<1x588x8xf32, #tpu.memory_space<vmem>> -> memref<588x8xf32, #tpu.memory_space<vmem>>
      %gather3A_319 = tpu.vector_load_idx %gather3A_318[%add3A_313, %broadcast_in_dim3A_140] : memref<588x8xf32, #tpu.memory_space<vmem>>[vector<16xi32>, vector<16xi32>], vector<16xf32>,
      tpu.vector_store_idx %arg5[%add3A_313, %broadcast_in_dim3A_158], %gather3A_319 : memref<588x8xf32, #tpu.memory_space<vmem>>[vector<16xi32>, vector<16xi32>], vector<16xf32>,
      %add3A_320 = arith.constant 288 : i32
      %add3A_321 = vector.broadcast %add3A_320 : i32 to vector<16xi32>
      %add3A_322 = arith.addi %add3A_321, %iota3A : vector<16xi32>
      %gather3A_323 = arith.constant 0 : i32
      %gather3A_324 = arith.constant 0 : i32
      %gather3A_325 = arith.constant 0 : i32
      %gather3A_326 = tpu.memref_slice %arg4[%gather3A_323, %gather3A_324, %gather3A_325] : memref<8x588x8xf32, #tpu.memory_space<vmem>> -> memref<1x588x8xf32, #tpu.memory_space<vmem>>
      %gather3A_327 = tpu.memref_squeeze %gather3A_326 : memref<1x588x8xf32, #tpu.memory_space<vmem>> -> memref<588x8xf32, #tpu.memory_space<vmem>>
      %gather3A_328 = tpu.vector_load_idx %gather3A_327[%add3A_322, %broadcast_in_dim3A_140] : memref<588x8xf32, #tpu.memory_space<vmem>>[vector<16xi32>, vector<16xi32>], vector<16xf32>,
      tpu.vector_store_idx %arg5[%add3A_322, %broadcast_in_dim3A_158], %gather3A_328 : memref<588x8xf32, #tpu.memory_space<vmem>>[vector<16xi32>, vector<16xi32>], vector<16xf32>,
      %add3A_329 = arith.constant 304 : i32
      %add3A_330 = vector.broadcast %add3A_329 : i32 to vector<16xi32>
      %add3A_331 = arith.addi %add3A_330, %iota3A : vector<16xi32>
      %gather3A_332 = arith.constant 0 : i32
      %gather3A_333 = arith.constant 0 : i32
      %gather3A_334 = arith.constant 0 : i32
      %gather3A_335 = tpu.memref_slice %arg4[%gather3A_332, %gather3A_333, %gather3A_334] : memref<8x588x8xf32, #tpu.memory_space<vmem>> -> memref<1x588x8xf32, #tpu.memory_space<vmem>>
      %gather3A_336 = tpu.memref_squeeze %gather3A_335 : memref<1x588x8xf32, #tpu.memory_space<vmem>> -> memref<588x8xf32, #tpu.memory_space<vmem>>
      %gather3A_337 = tpu.vector_load_idx %gather3A_336[%add3A_331, %broadcast_in_dim3A_140] : memref<588x8xf32, #tpu.memory_space<vmem>>[vector<16xi32>, vector<16xi32>], vector<16xf32>,
      tpu.vector_store_idx %arg5[%add3A_331, %broadcast_in_dim3A_158], %gather3A_337 : memref<588x8xf32, #tpu.memory_space<vmem>>[vector<16xi32>, vector<16xi32>], vector<16xf32>,
      %add3A_338 = arith.constant 320 : i32
      %add3A_339 = vector.broadcast %add3A_338 : i32 to vector<16xi32>
      %add3A_340 = arith.addi %add3A_339, %iota3A : vector<16xi32>
      %gather3A_341 = arith.constant 0 : i32
      %gather3A_342 = arith.constant 0 : i32
      %gather3A_343 = arith.constant 0 : i32
      %gather3A_344 = tpu.memref_slice %arg4[%gather3A_341, %gather3A_342, %gather3A_343] : memref<8x588x8xf32, #tpu.memory_space<vmem>> -> memref<1x588x8xf32, #tpu.memory_space<vmem>>
      %gather3A_345 = tpu.memref_squeeze %gather3A_344 : memref<1x588x8xf32, #tpu.memory_space<vmem>> -> memref<588x8xf32, #tpu.memory_space<vmem>>
      %gather3A_346 = tpu.vector_load_idx %gather3A_345[%add3A_340, %broadcast_in_dim3A_140] : memref<588x8xf32, #tpu.memory_space<vmem>>[vector<16xi32>, vector<16xi32>], vector<16xf32>,
      tpu.vector_store_idx %arg5[%add3A_340, %broadcast_in_dim3A_158], %gather3A_346 : memref<588x8xf32, #tpu.memory_space<vmem>>[vector<16xi32>, vector<16xi32>], vector<16xf32>,
      %add3A_347 = arith.constant 336 : i32
      %add3A_348 = vector.broadcast %add3A_347 : i32 to vector<16xi32>
      %add3A_349 = arith.addi %add3A_348, %iota3A : vector<16xi32>
      %gather3A_350 = arith.constant 0 : i32
      %gather3A_351 = arith.constant 0 : i32
      %gather3A_352 = arith.constant 0 : i32
      %gather3A_353 = tpu.memref_slice %arg4[%gather3A_350, %gather3A_351, %gather3A_352] : memref<8x588x8xf32, #tpu.memory_space<vmem>> -> memref<1x588x8xf32, #tpu.memory_space<vmem>>
      %gather3A_354 = tpu.memref_squeeze %gather3A_353 : memref<1x588x8xf32, #tpu.memory_space<vmem>> -> memref<588x8xf32, #tpu.memory_space<vmem>>
      %gather3A_355 = tpu.vector_load_idx %gather3A_354[%add3A_349, %broadcast_in_dim3A_140] : memref<588x8xf32, #tpu.memory_space<vmem>>[vector<16xi32>, vector<16xi32>], vector<16xf32>,
      tpu.vector_store_idx %arg5[%add3A_349, %broadcast_in_dim3A_158], %gather3A_355 : memref<588x8xf32, #tpu.memory_space<vmem>>[vector<16xi32>, vector<16xi32>], vector<16xf32>,
      %add3A_356 = arith.constant 352 : i32
      %add3A_357 = vector.broadcast %add3A_356 : i32 to vector<16xi32>
      %add3A_358 = arith.addi %add3A_357, %iota3A : vector<16xi32>
      %gather3A_359 = arith.constant 0 : i32
      %gather3A_360 = arith.constant 0 : i32
      %gather3A_361 = arith.constant 0 : i32
      %gather3A_362 = tpu.memref_slice %arg4[%gather3A_359, %gather3A_360, %gather3A_361] : memref<8x588x8xf32, #tpu.memory_space<vmem>> -> memref<1x588x8xf32, #tpu.memory_space<vmem>>
      %gather3A_363 = tpu.memref_squeeze %gather3A_362 : memref<1x588x8xf32, #tpu.memory_space<vmem>> -> memref<588x8xf32, #tpu.memory_space<vmem>>
      %gather3A_364 = tpu.vector_load_idx %gather3A_363[%add3A_358, %broadcast_in_dim3A_140] : memref<588x8xf32, #tpu.memory_space<vmem>>[vector<16xi32>, vector<16xi32>], vector<16xf32>,
      tpu.vector_store_idx %arg5[%add3A_358, %broadcast_in_dim3A_158], %gather3A_364 : memref<588x8xf32, #tpu.memory_space<vmem>>[vector<16xi32>, vector<16xi32>], vector<16xf32>,
      %add3A_365 = arith.constant 368 : i32
      %add3A_366 = vector.broadcast %add3A_365 : i32 to vector<16xi32>
      %add3A_367 = arith.addi %add3A_366, %iota3A : vector<16xi32>
      %gather3A_368 = arith.constant 0 : i32
      %gather3A_369 = arith.constant 0 : i32
      %gather3A_370 = arith.constant 0 : i32
      %gather3A_371 = tpu.memref_slice %arg4[%gather3A_368, %gather3A_369, %gather3A_370] : memref<8x588x8xf32, #tpu.memory_space<vmem>> -> memref<1x588x8xf32, #tpu.memory_space<vmem>>
      %gather3A_372 = tpu.memref_squeeze %gather3A_371 : memref<1x588x8xf32, #tpu.memory_space<vmem>> -> memref<588x8xf32, #tpu.memory_space<vmem>>
      %gather3A_373 = tpu.vector_load_idx %gather3A_372[%add3A_367, %broadcast_in_dim3A_140] : memref<588x8xf32, #tpu.memory_space<vmem>>[vector<16xi32>, vector<16xi32>], vector<16xf32>,
      tpu.vector_store_idx %arg5[%add3A_367, %broadcast_in_dim3A_158], %gather3A_373 : memref<588x8xf32, #tpu.memory_space<vmem>>[vector<16xi32>, vector<16xi32>], vector<16xf32>,
      %add3A_374 = arith.constant 384 : i32
      %add3A_375 = vector.broadcast %add3A_374 : i32 to vector<16xi32>
      %add3A_376 = arith.addi %add3A_375, %iota3A : vector<16xi32>
      %gather3A_377 = arith.constant 0 : i32
      %gather3A_378 = arith.constant 0 : i32
      %gather3A_379 = arith.constant 0 : i32
      %gather3A_380 = tpu.memref_slice %arg4[%gather3A_377, %gather3A_378, %gather3A_379] : memref<8x588x8xf32, #tpu.memory_space<vmem>> -> memref<1x588x8xf32, #tpu.memory_space<vmem>>
      %gather3A_381 = tpu.memref_squeeze %gather3A_380 : memref<1x588x8xf32, #tpu.memory_space<vmem>> -> memref<588x8xf32, #tpu.memory_space<vmem>>
      %gather3A_382 = tpu.vector_load_idx %gather3A_381[%add3A_376, %broadcast_in_dim3A_140] : memref<588x8xf32, #tpu.memory_space<vmem>>[vector<16xi32>, vector<16xi32>], vector<16xf32>,
      tpu.vector_store_idx %arg5[%add3A_376, %broadcast_in_dim3A_158], %gather3A_382 : memref<588x8xf32, #tpu.memory_space<vmem>>[vector<16xi32>, vector<16xi32>], vector<16xf32>,
      %add3A_383 = arith.constant 400 : i32
      %add3A_384 = vector.broadcast %add3A_383 : i32 to vector<16xi32>
      %add3A_385 = arith.addi %add3A_384, %iota3A : vector<16xi32>
      %gather3A_386 = arith.constant 0 : i32
      %gather3A_387 = arith.constant 0 : i32
      %gather3A_388 = arith.constant 0 : i32
      %gather3A_389 = tpu.memref_slice %arg4[%gather3A_386, %gather3A_387, %gather3A_388] : memref<8x588x8xf32, #tpu.memory_space<vmem>> -> memref<1x588x8xf32, #tpu.memory_space<vmem>>
      %gather3A_390 = tpu.memref_squeeze %gather3A_389 : memref<1x588x8xf32, #tpu.memory_space<vmem>> -> memref<588x8xf32, #tpu.memory_space<vmem>>
      %gather3A_391 = tpu.vector_load_idx %gather3A_390[%add3A_385, %broadcast_in_dim3A_140] : memref<588x8xf32, #tpu.memory_space<vmem>>[vector<16xi32>, vector<16xi32>], vector<16xf32>,
      tpu.vector_store_idx %arg5[%add3A_385, %broadcast_in_dim3A_158], %gather3A_391 : memref<588x8xf32, #tpu.memory_space<vmem>>[vector<16xi32>, vector<16xi32>], vector<16xf32>,
      %add3A_392 = arith.constant 416 : i32
      %add3A_393 = vector.broadcast %add3A_392 : i32 to vector<16xi32>
      %add3A_394 = arith.addi %add3A_393, %iota3A : vector<16xi32>
      %gather3A_395 = arith.constant 0 : i32
      %gather3A_396 = arith.constant 0 : i32
      %gather3A_397 = arith.constant 0 : i32
      %gather3A_398 = tpu.memref_slice %arg4[%gather3A_395, %gather3A_396, %gather3A_397] : memref<8x588x8xf32, #tpu.memory_space<vmem>> -> memref<1x588x8xf32, #tpu.memory_space<vmem>>
      %gather3A_399 = tpu.memref_squeeze %gather3A_398 : memref<1x588x8xf32, #tpu.memory_space<vmem>> -> memref<588x8xf32, #tpu.memory_space<vmem>>
      %gather3A_400 = tpu.vector_load_idx %gather3A_399[%add3A_394, %broadcast_in_dim3A_140] : memref<588x8xf32, #tpu.memory_space<vmem>>[vector<16xi32>, vector<16xi32>], vector<16xf32>,
      tpu.vector_store_idx %arg5[%add3A_394, %broadcast_in_dim3A_158], %gather3A_400 : memref<588x8xf32, #tpu.memory_space<vmem>>[vector<16xi32>, vector<16xi32>], vector<16xf32>,
      %add3A_401 = arith.constant 432 : i32
      %add3A_402 = vector.broadcast %add3A_401 : i32 to vector<16xi32>
      %add3A_403 = arith.addi %add3A_402, %iota3A : vector<16xi32>
      %gather3A_404 = arith.constant 0 : i32
      %gather3A_405 = arith.constant 0 : i32
      %gather3A_406 = arith.constant 0 : i32
      %gather3A_407 = tpu.memref_slice %arg4[%gather3A_404, %gather3A_405, %gather3A_406] : memref<8x588x8xf32, #tpu.memory_space<vmem>> -> memref<1x588x8xf32, #tpu.memory_space<vmem>>
      %gather3A_408 = tpu.memref_squeeze %gather3A_407 : memref<1x588x8xf32, #tpu.memory_space<vmem>> -> memref<588x8xf32, #tpu.memory_space<vmem>>
      %gather3A_409 = tpu.vector_load_idx %gather3A_408[%add3A_403, %broadcast_in_dim3A_140] : memref<588x8xf32, #tpu.memory_space<vmem>>[vector<16xi32>, vector<16xi32>], vector<16xf32>,
      tpu.vector_store_idx %arg5[%add3A_403, %broadcast_in_dim3A_158], %gather3A_409 : memref<588x8xf32, #tpu.memory_space<vmem>>[vector<16xi32>, vector<16xi32>], vector<16xf32>,
      %add3A_410 = arith.constant 448 : i32
      %add3A_411 = vector.broadcast %add3A_410 : i32 to vector<16xi32>
      %add3A_412 = arith.addi %add3A_411, %iota3A : vector<16xi32>
      %gather3A_413 = arith.constant 0 : i32
      %gather3A_414 = arith.constant 0 : i32
      %gather3A_415 = arith.constant 0 : i32
      %gather3A_416 = tpu.memref_slice %arg4[%gather3A_413, %gather3A_414, %gather3A_415] : memref<8x588x8xf32, #tpu.memory_space<vmem>> -> memref<1x588x8xf32, #tpu.memory_space<vmem>>
      %gather3A_417 = tpu.memref_squeeze %gather3A_416 : memref<1x588x8xf32, #tpu.memory_space<vmem>> -> memref<588x8xf32, #tpu.memory_space<vmem>>
      %gather3A_418 = tpu.vector_load_idx %gather3A_417[%add3A_412, %broadcast_in_dim3A_140] : memref<588x8xf32, #tpu.memory_space<vmem>>[vector<16xi32>, vector<16xi32>], vector<16xf32>,
      tpu.vector_store_idx %arg5[%add3A_412, %broadcast_in_dim3A_158], %gather3A_418 : memref<588x8xf32, #tpu.memory_space<vmem>>[vector<16xi32>, vector<16xi32>], vector<16xf32>,
      %add3A_419 = arith.constant 464 : i32
      %add3A_420 = vector.broadcast %add3A_419 : i32 to vector<16xi32>
      %add3A_421 = arith.addi %add3A_420, %iota3A : vector<16xi32>
      %gather3A_422 = arith.constant 0 : i32
      %gather3A_423 = arith.constant 0 : i32
      %gather3A_424 = arith.constant 0 : i32
      %gather3A_425 = tpu.memref_slice %arg4[%gather3A_422, %gather3A_423, %gather3A_424] : memref<8x588x8xf32, #tpu.memory_space<vmem>> -> memref<1x588x8xf32, #tpu.memory_space<vmem>>
      %gather3A_426 = tpu.memref_squeeze %gather3A_425 : memref<1x588x8xf32, #tpu.memory_space<vmem>> -> memref<588x8xf32, #tpu.memory_space<vmem>>
      %gather3A_427 = tpu.vector_load_idx %gather3A_426[%add3A_421, %broadcast_in_dim3A_140] : memref<588x8xf32, #tpu.memory_space<vmem>>[vector<16xi32>, vector<16xi32>], vector<16xf32>,
      tpu.vector_store_idx %arg5[%add3A_421, %broadcast_in_dim3A_158], %gather3A_427 : memref<588x8xf32, #tpu.memory_space<vmem>>[vector<16xi32>, vector<16xi32>], vector<16xf32>,
      %add3A_428 = arith.constant 480 : i32
      %add3A_429 = vector.broadcast %add3A_428 : i32 to vector<16xi32>
      %add3A_430 = arith.addi %add3A_429, %iota3A : vector<16xi32>
      %gather3A_431 = arith.constant 0 : i32
      %gather3A_432 = arith.constant 0 : i32
      %gather3A_433 = arith.constant 0 : i32
      %gather3A_434 = tpu.memref_slice %arg4[%gather3A_431, %gather3A_432, %gather3A_433] : memref<8x588x8xf32, #tpu.memory_space<vmem>> -> memref<1x588x8xf32, #tpu.memory_space<vmem>>
      %gather3A_435 = tpu.memref_squeeze %gather3A_434 : memref<1x588x8xf32, #tpu.memory_space<vmem>> -> memref<588x8xf32, #tpu.memory_space<vmem>>
      %gather3A_436 = tpu.vector_load_idx %gather3A_435[%add3A_430, %broadcast_in_dim3A_140] : memref<588x8xf32, #tpu.memory_space<vmem>>[vector<16xi32>, vector<16xi32>], vector<16xf32>,
      tpu.vector_store_idx %arg5[%add3A_430, %broadcast_in_dim3A_158], %gather3A_436 : memref<588x8xf32, #tpu.memory_space<vmem>>[vector<16xi32>, vector<16xi32>], vector<16xf32>,
      %add3A_437 = arith.constant 496 : i32
      %add3A_438 = vector.broadcast %add3A_437 : i32 to vector<16xi32>
      %add3A_439 = arith.addi %add3A_438, %iota3A : vector<16xi32>
      %gather3A_440 = arith.constant 0 : i32
      %gather3A_441 = arith.constant 0 : i32
      %gather3A_442 = arith.constant 0 : i32
      %gather3A_443 = tpu.memref_slice %arg4[%gather3A_440, %gather3A_441, %gather3A_442] : memref<8x588x8xf32, #tpu.memory_space<vmem>> -> memref<1x588x8xf32, #tpu.memory_space<vmem>>
      %gather3A_444 = tpu.memref_squeeze %gather3A_443 : memref<1x588x8xf32, #tpu.memory_space<vmem>> -> memref<588x8xf32, #tpu.memory_space<vmem>>
      %gather3A_445 = tpu.vector_load_idx %gather3A_444[%add3A_439, %broadcast_in_dim3A_140] : memref<588x8xf32, #tpu.memory_space<vmem>>[vector<16xi32>, vector<16xi32>], vector<16xf32>,
      tpu.vector_store_idx %arg5[%add3A_439, %broadcast_in_dim3A_158], %gather3A_445 : memref<588x8xf32, #tpu.memory_space<vmem>>[vector<16xi32>, vector<16xi32>], vector<16xf32>,
      %add3A_446 = arith.constant 512 : i32
      %add3A_447 = vector.broadcast %add3A_446 : i32 to vector<16xi32>
      %add3A_448 = arith.addi %add3A_447, %iota3A : vector<16xi32>
      %gather3A_449 = arith.constant 0 : i32
      %gather3A_450 = arith.constant 0 : i32
      %gather3A_451 = arith.constant 0 : i32
      %gather3A_452 = tpu.memref_slice %arg4[%gather3A_449, %gather3A_450, %gather3A_451] : memref<8x588x8xf32, #tpu.memory_space<vmem>> -> memref<1x588x8xf32, #tpu.memory_space<vmem>>
      %gather3A_453 = tpu.memref_squeeze %gather3A_452 : memref<1x588x8xf32, #tpu.memory_space<vmem>> -> memref<588x8xf32, #tpu.memory_space<vmem>>
      %gather3A_454 = tpu.vector_load_idx %gather3A_453[%add3A_448, %broadcast_in_dim3A_140] : memref<588x8xf32, #tpu.memory_space<vmem>>[vector<16xi32>, vector<16xi32>], vector<16xf32>,
      tpu.vector_store_idx %arg5[%add3A_448, %broadcast_in_dim3A_158], %gather3A_454 : memref<588x8xf32, #tpu.memory_space<vmem>>[vector<16xi32>, vector<16xi32>], vector<16xf32>,
      %add3A_455 = arith.constant 528 : i32
      %add3A_456 = vector.broadcast %add3A_455 : i32 to vector<16xi32>
      %add3A_457 = arith.addi %add3A_456, %iota3A : vector<16xi32>
      %gather3A_458 = arith.constant 0 : i32
      %gather3A_459 = arith.constant 0 : i32
      %gather3A_460 = arith.constant 0 : i32
      %gather3A_461 = tpu.memref_slice %arg4[%gather3A_458, %gather3A_459, %gather3A_460] : memref<8x588x8xf32, #tpu.memory_space<vmem>> -> memref<1x588x8xf32, #tpu.memory_space<vmem>>
      %gather3A_462 = tpu.memref_squeeze %gather3A_461 : memref<1x588x8xf32, #tpu.memory_space<vmem>> -> memref<588x8xf32, #tpu.memory_space<vmem>>
      %gather3A_463 = tpu.vector_load_idx %gather3A_462[%add3A_457, %broadcast_in_dim3A_140] : memref<588x8xf32, #tpu.memory_space<vmem>>[vector<16xi32>, vector<16xi32>], vector<16xf32>,
      tpu.vector_store_idx %arg5[%add3A_457, %broadcast_in_dim3A_158], %gather3A_463 : memref<588x8xf32, #tpu.memory_space<vmem>>[vector<16xi32>, vector<16xi32>], vector<16xf32>,
      %add3A_464 = arith.constant 544 : i32
      %add3A_465 = vector.broadcast %add3A_464 : i32 to vector<16xi32>
      %add3A_466 = arith.addi %add3A_465, %iota3A : vector<16xi32>
      %gather3A_467 = arith.constant 0 : i32
      %gather3A_468 = arith.constant 0 : i32
      %gather3A_469 = arith.constant 0 : i32
      %gather3A_470 = tpu.memref_slice %arg4[%gather3A_467, %gather3A_468, %gather3A_469] : memref<8x588x8xf32, #tpu.memory_space<vmem>> -> memref<1x588x8xf32, #tpu.memory_space<vmem>>
      %gather3A_471 = tpu.memref_squeeze %gather3A_470 : memref<1x588x8xf32, #tpu.memory_space<vmem>> -> memref<588x8xf32, #tpu.memory_space<vmem>>
      %gather3A_472 = tpu.vector_load_idx %gather3A_471[%add3A_466, %broadcast_in_dim3A_140] : memref<588x8xf32, #tpu.memory_space<vmem>>[vector<16xi32>, vector<16xi32>], vector<16xf32>,
      tpu.vector_store_idx %arg5[%add3A_466, %broadcast_in_dim3A_158], %gather3A_472 : memref<588x8xf32, #tpu.memory_space<vmem>>[vector<16xi32>, vector<16xi32>], vector<16xf32>,
      %add3A_473 = arith.constant 560 : i32
      %add3A_474 = vector.broadcast %add3A_473 : i32 to vector<16xi32>
      %add3A_475 = arith.addi %add3A_474, %iota3A : vector<16xi32>
      %gather3A_476 = arith.constant 0 : i32
      %gather3A_477 = arith.constant 0 : i32
      %gather3A_478 = arith.constant 0 : i32
      %gather3A_479 = tpu.memref_slice %arg4[%gather3A_476, %gather3A_477, %gather3A_478] : memref<8x588x8xf32, #tpu.memory_space<vmem>> -> memref<1x588x8xf32, #tpu.memory_space<vmem>>
      %gather3A_480 = tpu.memref_squeeze %gather3A_479 : memref<1x588x8xf32, #tpu.memory_space<vmem>> -> memref<588x8xf32, #tpu.memory_space<vmem>>
      %gather3A_481 = tpu.vector_load_idx %gather3A_480[%add3A_475, %broadcast_in_dim3A_140] : memref<588x8xf32, #tpu.memory_space<vmem>>[vector<16xi32>, vector<16xi32>], vector<16xf32>,
      tpu.vector_store_idx %arg5[%add3A_475, %broadcast_in_dim3A_158], %gather3A_481 : memref<588x8xf32, #tpu.memory_space<vmem>>[vector<16xi32>, vector<16xi32>], vector<16xf32>,
      %add3A_482 = arith.constant 576 : i32
      %add3A_483 = vector.broadcast %add3A_482 : i32 to vector<16xi32>
      %add3A_484 = arith.addi %add3A_483, %iota3A : vector<16xi32>
      %lt3A_485 = arith.constant 12 : i32
      %lt3A_486 = vector.broadcast %lt3A_485 : i32 to vector<16xi32>
      %lt3A_487 = arith.cmpi slt, %iota3A, %lt3A_486 : vector<16xi32>
      %gather3A_488 = arith.constant 0 : i32
      %gather3A_489 = arith.constant 0 : i32
      %gather3A_490 = arith.constant 0 : i32
      %gather3A_491 = tpu.memref_slice %arg4[%gather3A_488, %gather3A_489, %gather3A_490] : memref<8x588x8xf32, #tpu.memory_space<vmem>> -> memref<1x588x8xf32, #tpu.memory_space<vmem>>
      %gather3A_492 = tpu.memref_squeeze %gather3A_491 : memref<1x588x8xf32, #tpu.memory_space<vmem>> -> memref<588x8xf32, #tpu.memory_space<vmem>>
      %gather3A_493 = tpu.vector_load_idx %gather3A_492[%add3A_484, %broadcast_in_dim3A_140] masked %lt3A_487 : memref<588x8xf32, #tpu.memory_space<vmem>>[vector<16xi32>, vector<16xi32>], vector<16xf32>, vector<16xi1>
      tpu.vector_store_idx %arg5[%add3A_484, %broadcast_in_dim3A_158], %gather3A_493 masked %lt3A_487 : memref<588x8xf32, #tpu.memory_space<vmem>>[vector<16xi32>, vector<16xi32>], vector<16xf32>, vector<16xi1>
      %dma_wait3A_494 = arith.constant 1 : i32
      %dma_wait3A_495 = arith.constant 1 : i32
      %dma_wait3A_496 = arith.constant 1 : i32
      %dma_wait3A_497 = arith.constant 0 : i32
      %dma_wait3A_498 = arith.constant 0 : i32
      %dma_wait3A_499 = tpu.memref_slice %arg4[%dma_wait3A_496, %dma_wait3A_497, %dma_wait3A_498] : memref<8x588x8xf32, #tpu.memory_space<vmem>> -> memref<1x588x8xf32, #tpu.memory_space<vmem>>
      %dma_wait3A_500 = tpu.memref_squeeze %dma_wait3A_499 : memref<1x588x8xf32, #tpu.memory_space<vmem>> -> memref<588x8xf32, #tpu.memory_space<vmem>>
      %dma_wait3A_501 = arith.constant 40 : i32
      %dma_wait3A_502 = tpu.memref_slice %arg2[%mul3A_2, %dma_wait3A_494, %dma_wait3A_495, %dma_wait3A_501] : memref<18816x2x8x128xf32, #tpu.memory_space<hbm>> -> memref<588x1x1x8xf32, #tpu.memory_space<hbm>>
      %dma_wait3A_503 = tpu.memref_squeeze %dma_wait3A_502 : memref<588x1x1x8xf32, #tpu.memory_space<hbm>> -> memref<588x8xf32, #tpu.memory_space<hbm>>
      %dma_wait3A_504 = arith.constant 0 : i32
      %dma_wait3A_505 = arith.constant 0 : i32
      %dma_wait3A_506 = tpu.memref_slice %arg4[%dma_wait3A_496, %dma_wait3A_504, %dma_wait3A_505] : memref<8x588x8xf32, #tpu.memory_space<vmem>> -> memref<1x588x8xf32, #tpu.memory_space<vmem>>
      %dma_wait3A_507 = tpu.memref_squeeze %dma_wait3A_506 : memref<1x588x8xf32, #tpu.memory_space<vmem>> -> memref<588x8xf32, #tpu.memory_space<vmem>>
      %dma_wait3A_508 = arith.constant 40 : i32
      %dma_wait3A_509 = tpu.memref_slice %arg2[%mul3A_2, %dma_wait3A_494, %dma_wait3A_495, %dma_wait3A_508] : memref<18816x2x8x128xf32, #tpu.memory_space<hbm>> -> memref<588x1x1x8xf32, #tpu.memory_space<hbm>>
      %dma_wait3A_510 = tpu.memref_squeeze %dma_wait3A_509 : memref<588x1x1x8xf32, #tpu.memory_space<hbm>> -> memref<588x8xf32, #tpu.memory_space<hbm>>
      tpu.wait_dma2 semaphore(%arg6 : memref<!tpu.dma_semaphore, #tpu.memory_space<semaphore_mem>>) src(%dma_wait3A_510 : memref<588x8xf32, #tpu.memory_space<hbm>>) dst(%dma_wait3A_507 : memref<588x8xf32, #tpu.memory_space<vmem>>)
      %broadcast_in_dim3A_511 = arith.constant 1 : i32
      %broadcast_in_dim3A_512 = vector.broadcast %broadcast_in_dim3A_511 : i32 to vector<16xi32>
      %add3A_513 = arith.constant 0 : i32
      %add3A_514 = vector.broadcast %add3A_513 : i32 to vector<16xi32>
      %add3A_515 = arith.addi %add3A_514, %iota3A : vector<16xi32>
      %gather3A_516 = arith.constant 1 : i32
      %gather3A_517 = arith.constant 0 : i32
      %gather3A_518 = arith.constant 0 : i32
      %gather3A_519 = tpu.memref_slice %arg4[%gather3A_516, %gather3A_517, %gather3A_518] : memref<8x588x8xf32, #tpu.memory_space<vmem>> -> memref<1x588x8xf32, #tpu.memory_space<vmem>>
      %gather3A_520 = tpu.memref_squeeze %gather3A_519 : memref<1x588x8xf32, #tpu.memory_space<vmem>> -> memref<588x8xf32, #tpu.memory_space<vmem>>
      %gather3A_521 = tpu.vector_load_idx %gather3A_520[%add3A_515, %broadcast_in_dim3A_140] : memref<588x8xf32, #tpu.memory_space<vmem>>[vector<16xi32>, vector<16xi32>], vector<16xf32>,
      tpu.vector_store_idx %arg5[%add3A_515, %broadcast_in_dim3A_512], %gather3A_521 : memref<588x8xf32, #tpu.memory_space<vmem>>[vector<16xi32>, vector<16xi32>], vector<16xf32>,
      %add3A_522 = arith.constant 16 : i32
      %add3A_523 = vector.broadcast %add3A_522 : i32 to vector<16xi32>
      %add3A_524 = arith.addi %add3A_523, %iota3A : vector<16xi32>
      %gather3A_525 = arith.constant 1 : i32
      %gather3A_526 = arith.constant 0 : i32
      %gather3A_527 = arith.constant 0 : i32
      %gather3A_528 = tpu.memref_slice %arg4[%gather3A_525, %gather3A_526, %gather3A_527] : memref<8x588x8xf32, #tpu.memory_space<vmem>> -> memref<1x588x8xf32, #tpu.memory_space<vmem>>
      %gather3A_529 = tpu.memref_squeeze %gather3A_528 : memref<1x588x8xf32, #tpu.memory_space<vmem>> -> memref<588x8xf32, #tpu.memory_space<vmem>>
      %gather3A_530 = tpu.vector_load_idx %gather3A_529[%add3A_524, %broadcast_in_dim3A_140] : memref<588x8xf32, #tpu.memory_space<vmem>>[vector<16xi32>, vector<16xi32>], vector<16xf32>,
      tpu.vector_store_idx %arg5[%add3A_524, %broadcast_in_dim3A_512], %gather3A_530 : memref<588x8xf32, #tpu.memory_space<vmem>>[vector<16xi32>, vector<16xi32>], vector<16xf32>,
      %add3A_531 = arith.constant 32 : i32
      %add3A_532 = vector.broadcast %add3A_531 : i32 to vector<16xi32>
      %add3A_533 = arith.addi %add3A_532, %iota3A : vector<16xi32>
      %gather3A_534 = arith.constant 1 : i32
      %gather3A_535 = arith.constant 0 : i32
      %gather3A_536 = arith.constant 0 : i32
      %gather3A_537 = tpu.memref_slice %arg4[%gather3A_534, %gather3A_535, %gather3A_536] : memref<8x588x8xf32, #tpu.memory_space<vmem>> -> memref<1x588x8xf32, #tpu.memory_space<vmem>>
      %gather3A_538 = tpu.memref_squeeze %gather3A_537 : memref<1x588x8xf32, #tpu.memory_space<vmem>> -> memref<588x8xf32, #tpu.memory_space<vmem>>
      %gather3A_539 = tpu.vector_load_idx %gather3A_538[%add3A_533, %broadcast_in_dim3A_140] : memref<588x8xf32, #tpu.memory_space<vmem>>[vector<16xi32>, vector<16xi32>], vector<16xf32>,
      tpu.vector_store_idx %arg5[%add3A_533, %broadcast_in_dim3A_512], %gather3A_539 : memref<588x8xf32, #tpu.memory_space<vmem>>[vector<16xi32>, vector<16xi32>], vector<16xf32>,
      %add3A_540 = arith.constant 48 : i32
      %add3A_541 = vector.broadcast %add3A_540 : i32 to vector<16xi32>
      %add3A_542 = arith.addi %add3A_541, %iota3A : vector<16xi32>
      %gather3A_543 = arith.constant 1 : i32
      %gather3A_544 = arith.constant 0 : i32
      %gather3A_545 = arith.constant 0 : i32
      %gather3A_546 = tpu.memref_slice %arg4[%gather3A_543, %gather3A_544, %gather3A_545] : memref<8x588x8xf32, #tpu.memory_space<vmem>> -> memref<1x588x8xf32, #tpu.memory_space<vmem>>
      %gather3A_547 = tpu.memref_squeeze %gather3A_546 : memref<1x588x8xf32, #tpu.memory_space<vmem>> -> memref<588x8xf32, #tpu.memory_space<vmem>>
      %gather3A_548 = tpu.vector_load_idx %gather3A_547[%add3A_542, %broadcast_in_dim3A_140] : memref<588x8xf32, #tpu.memory_space<vmem>>[vector<16xi32>, vector<16xi32>], vector<16xf32>,
      tpu.vector_store_idx %arg5[%add3A_542, %broadcast_in_dim3A_512], %gather3A_548 : memref<588x8xf32, #tpu.memory_space<vmem>>[vector<16xi32>, vector<16xi32>], vector<16xf32>,
      %add3A_549 = arith.constant 64 : i32
      %add3A_550 = vector.broadcast %add3A_549 : i32 to vector<16xi32>
      %add3A_551 = arith.addi %add3A_550, %iota3A : vector<16xi32>
      %gather3A_552 = arith.constant 1 : i32
      %gather3A_553 = arith.constant 0 : i32
      %gather3A_554 = arith.constant 0 : i32
      %gather3A_555 = tpu.memref_slice %arg4[%gather3A_552, %gather3A_553, %gather3A_554] : memref<8x588x8xf32, #tpu.memory_space<vmem>> -> memref<1x588x8xf32, #tpu.memory_space<vmem>>
      %gather3A_556 = tpu.memref_squeeze %gather3A_555 : memref<1x588x8xf32, #tpu.memory_space<vmem>> -> memref<588x8xf32, #tpu.memory_space<vmem>>
      %gather3A_557 = tpu.vector_load_idx %gather3A_556[%add3A_551, %broadcast_in_dim3A_140] : memref<588x8xf32, #tpu.memory_space<vmem>>[vector<16xi32>, vector<16xi32>], vector<16xf32>,
      tpu.vector_store_idx %arg5[%add3A_551, %broadcast_in_dim3A_512], %gather3A_557 : memref<588x8xf32, #tpu.memory_space<vmem>>[vector<16xi32>, vector<16xi32>], vector<16xf32>,
      %add3A_558 = arith.constant 80 : i32
      %add3A_559 = vector.broadcast %add3A_558 : i32 to vector<16xi32>
      %add3A_560 = arith.addi %add3A_559, %iota3A : vector<16xi32>
      %gather3A_561 = arith.constant 1 : i32
      %gather3A_562 = arith.constant 0 : i32
      %gather3A_563 = arith.constant 0 : i32
      %gather3A_564 = tpu.memref_slice %arg4[%gather3A_561, %gather3A_562, %gather3A_563] : memref<8x588x8xf32, #tpu.memory_space<vmem>> -> memref<1x588x8xf32, #tpu.memory_space<vmem>>
      %gather3A_565 = tpu.memref_squeeze %gather3A_564 : memref<1x588x8xf32, #tpu.memory_space<vmem>> -> memref<588x8xf32, #tpu.memory_space<vmem>>
      %gather3A_566 = tpu.vector_load_idx %gather3A_565[%add3A_560, %broadcast_in_dim3A_140] : memref<588x8xf32, #tpu.memory_space<vmem>>[vector<16xi32>, vector<16xi32>], vector<16xf32>,
      tpu.vector_store_idx %arg5[%add3A_560, %broadcast_in_dim3A_512], %gather3A_566 : memref<588x8xf32, #tpu.memory_space<vmem>>[vector<16xi32>, vector<16xi32>], vector<16xf32>,
      %add3A_567 = arith.constant 96 : i32
      %add3A_568 = vector.broadcast %add3A_567 : i32 to vector<16xi32>
      %add3A_569 = arith.addi %add3A_568, %iota3A : vector<16xi32>
      %gather3A_570 = arith.constant 1 : i32
      %gather3A_571 = arith.constant 0 : i32
      %gather3A_572 = arith.constant 0 : i32
      %gather3A_573 = tpu.memref_slice %arg4[%gather3A_570, %gather3A_571, %gather3A_572] : memref<8x588x8xf32, #tpu.memory_space<vmem>> -> memref<1x588x8xf32, #tpu.memory_space<vmem>>
      %gather3A_574 = tpu.memref_squeeze %gather3A_573 : memref<1x588x8xf32, #tpu.memory_space<vmem>> -> memref<588x8xf32, #tpu.memory_space<vmem>>
      %gather3A_575 = tpu.vector_load_idx %gather3A_574[%add3A_569, %broadcast_in_dim3A_140] : memref<588x8xf32, #tpu.memory_space<vmem>>[vector<16xi32>, vector<16xi32>], vector<16xf32>,
      tpu.vector_store_idx %arg5[%add3A_569, %broadcast_in_dim3A_512], %gather3A_575 : memref<588x8xf32, #tpu.memory_space<vmem>>[vector<16xi32>, vector<16xi32>], vector<16xf32>,
      %add3A_576 = arith.constant 112 : i32
      %add3A_577 = vector.broadcast %add3A_576 : i32 to vector<16xi32>
      %add3A_578 = arith.addi %add3A_577, %iota3A : vector<16xi32>
      %gather3A_579 = arith.constant 1 : i32
      %gather3A_580 = arith.constant 0 : i32
      %gather3A_581 = arith.constant 0 : i32
      %gather3A_582 = tpu.memref_slice %arg4[%gather3A_579, %gather3A_580, %gather3A_581] : memref<8x588x8xf32, #tpu.memory_space<vmem>> -> memref<1x588x8xf32, #tpu.memory_space<vmem>>
      %gather3A_583 = tpu.memref_squeeze %gather3A_582 : memref<1x588x8xf32, #tpu.memory_space<vmem>> -> memref<588x8xf32, #tpu.memory_space<vmem>>
      %gather3A_584 = tpu.vector_load_idx %gather3A_583[%add3A_578, %broadcast_in_dim3A_140] : memref<588x8xf32, #tpu.memory_space<vmem>>[vector<16xi32>, vector<16xi32>], vector<16xf32>,
      tpu.vector_store_idx %arg5[%add3A_578, %broadcast_in_dim3A_512], %gather3A_584 : memref<588x8xf32, #tpu.memory_space<vmem>>[vector<16xi32>, vector<16xi32>], vector<16xf32>,
      %add3A_585 = arith.constant 128 : i32
      %add3A_586 = vector.broadcast %add3A_585 : i32 to vector<16xi32>
      %add3A_587 = arith.addi %add3A_586, %iota3A : vector<16xi32>
      %gather3A_588 = arith.constant 1 : i32
      %gather3A_589 = arith.constant 0 : i32
      %gather3A_590 = arith.constant 0 : i32
      %gather3A_591 = tpu.memref_slice %arg4[%gather3A_588, %gather3A_589, %gather3A_590] : memref<8x588x8xf32, #tpu.memory_space<vmem>> -> memref<1x588x8xf32, #tpu.memory_space<vmem>>
      %gather3A_592 = tpu.memref_squeeze %gather3A_591 : memref<1x588x8xf32, #tpu.memory_space<vmem>> -> memref<588x8xf32, #tpu.memory_space<vmem>>
      %gather3A_593 = tpu.vector_load_idx %gather3A_592[%add3A_587, %broadcast_in_dim3A_140] : memref<588x8xf32, #tpu.memory_space<vmem>>[vector<16xi32>, vector<16xi32>], vector<16xf32>,
      tpu.vector_store_idx %arg5[%add3A_587, %broadcast_in_dim3A_512], %gather3A_593 : memref<588x8xf32, #tpu.memory_space<vmem>>[vector<16xi32>, vector<16xi32>], vector<16xf32>,
      %add3A_594 = arith.constant 144 : i32
      %add3A_595 = vector.broadcast %add3A_594 : i32 to vector<16xi32>
      %add3A_596 = arith.addi %add3A_595, %iota3A : vector<16xi32>
      %gather3A_597 = arith.constant 1 : i32
      %gather3A_598 = arith.constant 0 : i32
      %gather3A_599 = arith.constant 0 : i32
      %gather3A_600 = tpu.memref_slice %arg4[%gather3A_597, %gather3A_598, %gather3A_599] : memref<8x588x8xf32, #tpu.memory_space<vmem>> -> memref<1x588x8xf32, #tpu.memory_space<vmem>>
      %gather3A_601 = tpu.memref_squeeze %gather3A_600 : memref<1x588x8xf32, #tpu.memory_space<vmem>> -> memref<588x8xf32, #tpu.memory_space<vmem>>
      %gather3A_602 = tpu.vector_load_idx %gather3A_601[%add3A_596, %broadcast_in_dim3A_140] : memref<588x8xf32, #tpu.memory_space<vmem>>[vector<16xi32>, vector<16xi32>], vector<16xf32>,
      tpu.vector_store_idx %arg5[%add3A_596, %broadcast_in_dim3A_512], %gather3A_602 : memref<588x8xf32, #tpu.memory_space<vmem>>[vector<16xi32>, vector<16xi32>], vector<16xf32>,
      %add3A_603 = arith.constant 160 : i32
      %add3A_604 = vector.broadcast %add3A_603 : i32 to vector<16xi32>
      %add3A_605 = arith.addi %add3A_604, %iota3A : vector<16xi32>
      %gather3A_606 = arith.constant 1 : i32
      %gather3A_607 = arith.constant 0 : i32
      %gather3A_608 = arith.constant 0 : i32
      %gather3A_609 = tpu.memref_slice %arg4[%gather3A_606, %gather3A_607, %gather3A_608] : memref<8x588x8xf32, #tpu.memory_space<vmem>> -> memref<1x588x8xf32, #tpu.memory_space<vmem>>
      %gather3A_610 = tpu.memref_squeeze %gather3A_609 : memref<1x588x8xf32, #tpu.memory_space<vmem>> -> memref<588x8xf32, #tpu.memory_space<vmem>>
      %gather3A_611 = tpu.vector_load_idx %gather3A_610[%add3A_605, %broadcast_in_dim3A_140] : memref<588x8xf32, #tpu.memory_space<vmem>>[vector<16xi32>, vector<16xi32>], vector<16xf32>,
      tpu.vector_store_idx %arg5[%add3A_605, %broadcast_in_dim3A_512], %gather3A_611 : memref<588x8xf32, #tpu.memory_space<vmem>>[vector<16xi32>, vector<16xi32>], vector<16xf32>,
      %add3A_612 = arith.constant 176 : i32
      %add3A_613 = vector.broadcast %add3A_612 : i32 to vector<16xi32>
      %add3A_614 = arith.addi %add3A_613, %iota3A : vector<16xi32>
      %gather3A_615 = arith.constant 1 : i32
      %gather3A_616 = arith.constant 0 : i32
      %gather3A_617 = arith.constant 0 : i32
      %gather3A_618 = tpu.memref_slice %arg4[%gather3A_615, %gather3A_616, %gather3A_617] : memref<8x588x8xf32, #tpu.memory_space<vmem>> -> memref<1x588x8xf32, #tpu.memory_space<vmem>>
      %gather3A_619 = tpu.memref_squeeze %gather3A_618 : memref<1x588x8xf32, #tpu.memory_space<vmem>> -> memref<588x8xf32, #tpu.memory_space<vmem>>
      %gather3A_620 = tpu.vector_load_idx %gather3A_619[%add3A_614, %broadcast_in_dim3A_140] : memref<588x8xf32, #tpu.memory_space<vmem>>[vector<16xi32>, vector<16xi32>], vector<16xf32>,
      tpu.vector_store_idx %arg5[%add3A_614, %broadcast_in_dim3A_512], %gather3A_620 : memref<588x8xf32, #tpu.memory_space<vmem>>[vector<16xi32>, vector<16xi32>], vector<16xf32>,
      %add3A_621 = arith.constant 192 : i32
      %add3A_622 = vector.broadcast %add3A_621 : i32 to vector<16xi32>
      %add3A_623 = arith.addi %add3A_622, %iota3A : vector<16xi32>
      %gather3A_624 = arith.constant 1 : i32
      %gather3A_625 = arith.constant 0 : i32
      %gather3A_626 = arith.constant 0 : i32
      %gather3A_627 = tpu.memref_slice %arg4[%gather3A_624, %gather3A_625, %gather3A_626] : memref<8x588x8xf32, #tpu.memory_space<vmem>> -> memref<1x588x8xf32, #tpu.memory_space<vmem>>
      %gather3A_628 = tpu.memref_squeeze %gather3A_627 : memref<1x588x8xf32, #tpu.memory_space<vmem>> -> memref<588x8xf32, #tpu.memory_space<vmem>>
      %gather3A_629 = tpu.vector_load_idx %gather3A_628[%add3A_623, %broadcast_in_dim3A_140] : memref<588x8xf32, #tpu.memory_space<vmem>>[vector<16xi32>, vector<16xi32>], vector<16xf32>,
      tpu.vector_store_idx %arg5[%add3A_623, %broadcast_in_dim3A_512], %gather3A_629 : memref<588x8xf32, #tpu.memory_space<vmem>>[vector<16xi32>, vector<16xi32>], vector<16xf32>,
      %add3A_630 = arith.constant 208 : i32
      %add3A_631 = vector.broadcast %add3A_630 : i32 to vector<16xi32>
      %add3A_632 = arith.addi %add3A_631, %iota3A : vector<16xi32>
      %gather3A_633 = arith.constant 1 : i32
      %gather3A_634 = arith.constant 0 : i32
      %gather3A_635 = arith.constant 0 : i32
      %gather3A_636 = tpu.memref_slice %arg4[%gather3A_633, %gather3A_634, %gather3A_635] : memref<8x588x8xf32, #tpu.memory_space<vmem>> -> memref<1x588x8xf32, #tpu.memory_space<vmem>>
      %gather3A_637 = tpu.memref_squeeze %gather3A_636 : memref<1x588x8xf32, #tpu.memory_space<vmem>> -> memref<588x8xf32, #tpu.memory_space<vmem>>
      %gather3A_638 = tpu.vector_load_idx %gather3A_637[%add3A_632, %broadcast_in_dim3A_140] : memref<588x8xf32, #tpu.memory_space<vmem>>[vector<16xi32>, vector<16xi32>], vector<16xf32>,
      tpu.vector_store_idx %arg5[%add3A_632, %broadcast_in_dim3A_512], %gather3A_638 : memref<588x8xf32, #tpu.memory_space<vmem>>[vector<16xi32>, vector<16xi32>], vector<16xf32>,
      %add3A_639 = arith.constant 224 : i32
      %add3A_640 = vector.broadcast %add3A_639 : i32 to vector<16xi32>
      %add3A_641 = arith.addi %add3A_640, %iota3A : vector<16xi32>
      %gather3A_642 = arith.constant 1 : i32
      %gather3A_643 = arith.constant 0 : i32
      %gather3A_644 = arith.constant 0 : i32
      %gather3A_645 = tpu.memref_slice %arg4[%gather3A_642, %gather3A_643, %gather3A_644] : memref<8x588x8xf32, #tpu.memory_space<vmem>> -> memref<1x588x8xf32, #tpu.memory_space<vmem>>
      %gather3A_646 = tpu.memref_squeeze %gather3A_645 : memref<1x588x8xf32, #tpu.memory_space<vmem>> -> memref<588x8xf32, #tpu.memory_space<vmem>>
      %gather3A_647 = tpu.vector_load_idx %gather3A_646[%add3A_641, %broadcast_in_dim3A_140] : memref<588x8xf32, #tpu.memory_space<vmem>>[vector<16xi32>, vector<16xi32>], vector<16xf32>,
      tpu.vector_store_idx %arg5[%add3A_641, %broadcast_in_dim3A_512], %gather3A_647 : memref<588x8xf32, #tpu.memory_space<vmem>>[vector<16xi32>, vector<16xi32>], vector<16xf32>,
      %add3A_648 = arith.constant 240 : i32
      %add3A_649 = vector.broadcast %add3A_648 : i32 to vector<16xi32>
      %add3A_650 = arith.addi %add3A_649, %iota3A : vector<16xi32>
      %gather3A_651 = arith.constant 1 : i32
      %gather3A_652 = arith.constant 0 : i32
      %gather3A_653 = arith.constant 0 : i32
      %gather3A_654 = tpu.memref_slice %arg4[%gather3A_651, %gather3A_652, %gather3A_653] : memref<8x588x8xf32, #tpu.memory_space<vmem>> -> memref<1x588x8xf32, #tpu.memory_space<vmem>>
      %gather3A_655 = tpu.memref_squeeze %gather3A_654 : memref<1x588x8xf32, #tpu.memory_space<vmem>> -> memref<588x8xf32, #tpu.memory_space<vmem>>
      %gather3A_656 = tpu.vector_load_idx %gather3A_655[%add3A_650, %broadcast_in_dim3A_140] : memref<588x8xf32, #tpu.memory_space<vmem>>[vector<16xi32>, vector<16xi32>], vector<16xf32>,
      tpu.vector_store_idx %arg5[%add3A_650, %broadcast_in_dim3A_512], %gather3A_656 : memref<588x8xf32, #tpu.memory_space<vmem>>[vector<16xi32>, vector<16xi32>], vector<16xf32>,
      %add3A_657 = arith.constant 256 : i32
      %add3A_658 = vector.broadcast %add3A_657 : i32 to vector<16xi32>
      %add3A_659 = arith.addi %add3A_658, %iota3A : vector<16xi32>
      %gather3A_660 = arith.constant 1 : i32
      %gather3A_661 = arith.constant 0 : i32
      %gather3A_662 = arith.constant 0 : i32
      %gather3A_663 = tpu.memref_slice %arg4[%gather3A_660, %gather3A_661, %gather3A_662] : memref<8x588x8xf32, #tpu.memory_space<vmem>> -> memref<1x588x8xf32, #tpu.memory_space<vmem>>
      %gather3A_664 = tpu.memref_squeeze %gather3A_663 : memref<1x588x8xf32, #tpu.memory_space<vmem>> -> memref<588x8xf32, #tpu.memory_space<vmem>>
      %gather3A_665 = tpu.vector_load_idx %gather3A_664[%add3A_659, %broadcast_in_dim3A_140] : memref<588x8xf32, #tpu.memory_space<vmem>>[vector<16xi32>, vector<16xi32>], vector<16xf32>,
      tpu.vector_store_idx %arg5[%add3A_659, %broadcast_in_dim3A_512], %gather3A_665 : memref<588x8xf32, #tpu.memory_space<vmem>>[vector<16xi32>, vector<16xi32>], vector<16xf32>,
      %add3A_666 = arith.constant 272 : i32
      %add3A_667 = vector.broadcast %add3A_666 : i32 to vector<16xi32>
      %add3A_668 = arith.addi %add3A_667, %iota3A : vector<16xi32>
      %gather3A_669 = arith.constant 1 : i32
      %gather3A_670 = arith.constant 0 : i32
      %gather3A_671 = arith.constant 0 : i32
      %gather3A_672 = tpu.memref_slice %arg4[%gather3A_669, %gather3A_670, %gather3A_671] : memref<8x588x8xf32, #tpu.memory_space<vmem>> -> memref<1x588x8xf32, #tpu.memory_space<vmem>>
      %gather3A_673 = tpu.memref_squeeze %gather3A_672 : memref<1x588x8xf32, #tpu.memory_space<vmem>> -> memref<588x8xf32, #tpu.memory_space<vmem>>
      %gather3A_674 = tpu.vector_load_idx %gather3A_673[%add3A_668, %broadcast_in_dim3A_140] : memref<588x8xf32, #tpu.memory_space<vmem>>[vector<16xi32>, vector<16xi32>], vector<16xf32>,
      tpu.vector_store_idx %arg5[%add3A_668, %broadcast_in_dim3A_512], %gather3A_674 : memref<588x8xf32, #tpu.memory_space<vmem>>[vector<16xi32>, vector<16xi32>], vector<16xf32>,
      %add3A_675 = arith.constant 288 : i32
      %add3A_676 = vector.broadcast %add3A_675 : i32 to vector<16xi32>
      %add3A_677 = arith.addi %add3A_676, %iota3A : vector<16xi32>
      %gather3A_678 = arith.constant 1 : i32
      %gather3A_679 = arith.constant 0 : i32
      %gather3A_680 = arith.constant 0 : i32
      %gather3A_681 = tpu.memref_slice %arg4[%gather3A_678, %gather3A_679, %gather3A_680] : memref<8x588x8xf32, #tpu.memory_space<vmem>> -> memref<1x588x8xf32, #tpu.memory_space<vmem>>
      %gather3A_682 = tpu.memref_squeeze %gather3A_681 : memref<1x588x8xf32, #tpu.memory_space<vmem>> -> memref<588x8xf32, #tpu.memory_space<vmem>>
      %gather3A_683 = tpu.vector_load_idx %gather3A_682[%add3A_677, %broadcast_in_dim3A_140] : memref<588x8xf32, #tpu.memory_space<vmem>>[vector<16xi32>, vector<16xi32>], vector<16xf32>,
      tpu.vector_store_idx %arg5[%add3A_677, %broadcast_in_dim3A_512], %gather3A_683 : memref<588x8xf32, #tpu.memory_space<vmem>>[vector<16xi32>, vector<16xi32>], vector<16xf32>,
      %add3A_684 = arith.constant 304 : i32
      %add3A_685 = vector.broadcast %add3A_684 : i32 to vector<16xi32>
      %add3A_686 = arith.addi %add3A_685, %iota3A : vector<16xi32>
      %gather3A_687 = arith.constant 1 : i32
      %gather3A_688 = arith.constant 0 : i32
      %gather3A_689 = arith.constant 0 : i32
      %gather3A_690 = tpu.memref_slice %arg4[%gather3A_687, %gather3A_688, %gather3A_689] : memref<8x588x8xf32, #tpu.memory_space<vmem>> -> memref<1x588x8xf32, #tpu.memory_space<vmem>>
      %gather3A_691 = tpu.memref_squeeze %gather3A_690 : memref<1x588x8xf32, #tpu.memory_space<vmem>> -> memref<588x8xf32, #tpu.memory_space<vmem>>
      %gather3A_692 = tpu.vector_load_idx %gather3A_691[%add3A_686, %broadcast_in_dim3A_140] : memref<588x8xf32, #tpu.memory_space<vmem>>[vector<16xi32>, vector<16xi32>], vector<16xf32>,
      tpu.vector_store_idx %arg5[%add3A_686, %broadcast_in_dim3A_512], %gather3A_692 : memref<588x8xf32, #tpu.memory_space<vmem>>[vector<16xi32>, vector<16xi32>], vector<16xf32>,
      %add3A_693 = arith.constant 320 : i32
      %add3A_694 = vector.broadcast %add3A_693 : i32 to vector<16xi32>
      %add3A_695 = arith.addi %add3A_694, %iota3A : vector<16xi32>
      %gather3A_696 = arith.constant 1 : i32
      %gather3A_697 = arith.constant 0 : i32
      %gather3A_698 = arith.constant 0 : i32
      %gather3A_699 = tpu.memref_slice %arg4[%gather3A_696, %gather3A_697, %gather3A_698] : memref<8x588x8xf32, #tpu.memory_space<vmem>> -> memref<1x588x8xf32, #tpu.memory_space<vmem>>
      %gather3A_700 = tpu.memref_squeeze %gather3A_699 : memref<1x588x8xf32, #tpu.memory_space<vmem>> -> memref<588x8xf32, #tpu.memory_space<vmem>>
      %gather3A_701 = tpu.vector_load_idx %gather3A_700[%add3A_695, %broadcast_in_dim3A_140] : memref<588x8xf32, #tpu.memory_space<vmem>>[vector<16xi32>, vector<16xi32>], vector<16xf32>,
      tpu.vector_store_idx %arg5[%add3A_695, %broadcast_in_dim3A_512], %gather3A_701 : memref<588x8xf32, #tpu.memory_space<vmem>>[vector<16xi32>, vector<16xi32>], vector<16xf32>,
      %add3A_702 = arith.constant 336 : i32
      %add3A_703 = vector.broadcast %add3A_702 : i32 to vector<16xi32>
      %add3A_704 = arith.addi %add3A_703, %iota3A : vector<16xi32>
      %gather3A_705 = arith.constant 1 : i32
      %gather3A_706 = arith.constant 0 : i32
      %gather3A_707 = arith.constant 0 : i32
      %gather3A_708 = tpu.memref_slice %arg4[%gather3A_705, %gather3A_706, %gather3A_707] : memref<8x588x8xf32, #tpu.memory_space<vmem>> -> memref<1x588x8xf32, #tpu.memory_space<vmem>>
      %gather3A_709 = tpu.memref_squeeze %gather3A_708 : memref<1x588x8xf32, #tpu.memory_space<vmem>> -> memref<588x8xf32, #tpu.memory_space<vmem>>
      %gather3A_710 = tpu.vector_load_idx %gather3A_709[%add3A_704, %broadcast_in_dim3A_140] : memref<588x8xf32, #tpu.memory_space<vmem>>[vector<16xi32>, vector<16xi32>], vector<16xf32>,
      tpu.vector_store_idx %arg5[%add3A_704, %broadcast_in_dim3A_512], %gather3A_710 : memref<588x8xf32, #tpu.memory_space<vmem>>[vector<16xi32>, vector<16xi32>], vector<16xf32>,
      %add3A_711 = arith.constant 352 : i32
      %add3A_712 = vector.broadcast %add3A_711 : i32 to vector<16xi32>
      %add3A_713 = arith.addi %add3A_712, %iota3A : vector<16xi32>
      %gather3A_714 = arith.constant 1 : i32
      %gather3A_715 = arith.constant 0 : i32
      %gather3A_716 = arith.constant 0 : i32
      %gather3A_717 = tpu.memref_slice %arg4[%gather3A_714, %gather3A_715, %gather3A_716] : memref<8x588x8xf32, #tpu.memory_space<vmem>> -> memref<1x588x8xf32, #tpu.memory_space<vmem>>
      %gather3A_718 = tpu.memref_squeeze %gather3A_717 : memref<1x588x8xf32, #tpu.memory_space<vmem>> -> memref<588x8xf32, #tpu.memory_space<vmem>>
      %gather3A_719 = tpu.vector_load_idx %gather3A_718[%add3A_713, %broadcast_in_dim3A_140] : memref<588x8xf32, #tpu.memory_space<vmem>>[vector<16xi32>, vector<16xi32>], vector<16xf32>,
      tpu.vector_store_idx %arg5[%add3A_713, %broadcast_in_dim3A_512], %gather3A_719 : memref<588x8xf32, #tpu.memory_space<vmem>>[vector<16xi32>, vector<16xi32>], vector<16xf32>,
      %add3A_720 = arith.constant 368 : i32
      %add3A_721 = vector.broadcast %add3A_720 : i32 to vector<16xi32>
      %add3A_722 = arith.addi %add3A_721, %iota3A : vector<16xi32>
      %gather3A_723 = arith.constant 1 : i32
      %gather3A_724 = arith.constant 0 : i32
      %gather3A_725 = arith.constant 0 : i32
      %gather3A_726 = tpu.memref_slice %arg4[%gather3A_723, %gather3A_724, %gather3A_725] : memref<8x588x8xf32, #tpu.memory_space<vmem>> -> memref<1x588x8xf32, #tpu.memory_space<vmem>>
      %gather3A_727 = tpu.memref_squeeze %gather3A_726 : memref<1x588x8xf32, #tpu.memory_space<vmem>> -> memref<588x8xf32, #tpu.memory_space<vmem>>
      %gather3A_728 = tpu.vector_load_idx %gather3A_727[%add3A_722, %broadcast_in_dim3A_140] : memref<588x8xf32, #tpu.memory_space<vmem>>[vector<16xi32>, vector<16xi32>], vector<16xf32>,
      tpu.vector_store_idx %arg5[%add3A_722, %broadcast_in_dim3A_512], %gather3A_728 : memref<588x8xf32, #tpu.memory_space<vmem>>[vector<16xi32>, vector<16xi32>], vector<16xf32>,
      %add3A_729 = arith.constant 384 : i32
      %add3A_730 = vector.broadcast %add3A_729 : i32 to vector<16xi32>
      %add3A_731 = arith.addi %add3A_730, %iota3A : vector<16xi32>
      %gather3A_732 = arith.constant 1 : i32
      %gather3A_733 = arith.constant 0 : i32
      %gather3A_734 = arith.constant 0 : i32
      %gather3A_735 = tpu.memref_slice %arg4[%gather3A_732, %gather3A_733, %gather3A_734] : memref<8x588x8xf32, #tpu.memory_space<vmem>> -> memref<1x588x8xf32, #tpu.memory_space<vmem>>
      %gather3A_736 = tpu.memref_squeeze %gather3A_735 : memref<1x588x8xf32, #tpu.memory_space<vmem>> -> memref<588x8xf32, #tpu.memory_space<vmem>>
      %gather3A_737 = tpu.vector_load_idx %gather3A_736[%add3A_731, %broadcast_in_dim3A_140] : memref<588x8xf32, #tpu.memory_space<vmem>>[vector<16xi32>, vector<16xi32>], vector<16xf32>,
      tpu.vector_store_idx %arg5[%add3A_731, %broadcast_in_dim3A_512], %gather3A_737 : memref<588x8xf32, #tpu.memory_space<vmem>>[vector<16xi32>, vector<16xi32>], vector<16xf32>,
      %add3A_738 = arith.constant 400 : i32
      %add3A_739 = vector.broadcast %add3A_738 : i32 to vector<16xi32>
      %add3A_740 = arith.addi %add3A_739, %iota3A : vector<16xi32>
      %gather3A_741 = arith.constant 1 : i32
      %gather3A_742 = arith.constant 0 : i32
      %gather3A_743 = arith.constant 0 : i32
      %gather3A_744 = tpu.memref_slice %arg4[%gather3A_741, %gather3A_742, %gather3A_743] : memref<8x588x8xf32, #tpu.memory_space<vmem>> -> memref<1x588x8xf32, #tpu.memory_space<vmem>>
      %gather3A_745 = tpu.memref_squeeze %gather3A_744 : memref<1x588x8xf32, #tpu.memory_space<vmem>> -> memref<588x8xf32, #tpu.memory_space<vmem>>
      %gather3A_746 = tpu.vector_load_idx %gather3A_745[%add3A_740, %broadcast_in_dim3A_140] : memref<588x8xf32, #tpu.memory_space<vmem>>[vector<16xi32>, vector<16xi32>], vector<16xf32>,
      tpu.vector_store_idx %arg5[%add3A_740, %broadcast_in_dim3A_512], %gather3A_746 : memref<588x8xf32, #tpu.memory_space<vmem>>[vector<16xi32>, vector<16xi32>], vector<16xf32>,
      %add3A_747 = arith.constant 416 : i32
      %add3A_748 = vector.broadcast %add3A_747 : i32 to vector<16xi32>
      %add3A_749 = arith.addi %add3A_748, %iota3A : vector<16xi32>
      %gather3A_750 = arith.constant 1 : i32
      %gather3A_751 = arith.constant 0 : i32
      %gather3A_752 = arith.constant 0 : i32
      %gather3A_753 = tpu.memref_slice %arg4[%gather3A_750, %gather3A_751, %gather3A_752] : memref<8x588x8xf32, #tpu.memory_space<vmem>> -> memref<1x588x8xf32, #tpu.memory_space<vmem>>
      %gather3A_754 = tpu.memref_squeeze %gather3A_753 : memref<1x588x8xf32, #tpu.memory_space<vmem>> -> memref<588x8xf32, #tpu.memory_space<vmem>>
      %gather3A_755 = tpu.vector_load_idx %gather3A_754[%add3A_749, %broadcast_in_dim3A_140] : memref<588x8xf32, #tpu.memory_space<vmem>>[vector<16xi32>, vector<16xi32>], vector<16xf32>,
      tpu.vector_store_idx %arg5[%add3A_749, %broadcast_in_dim3A_512], %gather3A_755 : memref<588x8xf32, #tpu.memory_space<vmem>>[vector<16xi32>, vector<16xi32>], vector<16xf32>,
      %add3A_756 = arith.constant 432 : i32
      %add3A_757 = vector.broadcast %add3A_756 : i32 to vector<16xi32>
      %add3A_758 = arith.addi %add3A_757, %iota3A : vector<16xi32>
      %gather3A_759 = arith.constant 1 : i32
      %gather3A_760 = arith.constant 0 : i32
      %gather3A_761 = arith.constant 0 : i32
      %gather3A_762 = tpu.memref_slice %arg4[%gather3A_759, %gather3A_760, %gather3A_761] : memref<8x588x8xf32, #tpu.memory_space<vmem>> -> memref<1x588x8xf32, #tpu.memory_space<vmem>>
      %gather3A_763 = tpu.memref_squeeze %gather3A_762 : memref<1x588x8xf32, #tpu.memory_space<vmem>> -> memref<588x8xf32, #tpu.memory_space<vmem>>
      %gather3A_764 = tpu.vector_load_idx %gather3A_763[%add3A_758, %broadcast_in_dim3A_140] : memref<588x8xf32, #tpu.memory_space<vmem>>[vector<16xi32>, vector<16xi32>], vector<16xf32>,
      tpu.vector_store_idx %arg5[%add3A_758, %broadcast_in_dim3A_512], %gather3A_764 : memref<588x8xf32, #tpu.memory_space<vmem>>[vector<16xi32>, vector<16xi32>], vector<16xf32>,
      %add3A_765 = arith.constant 448 : i32
      %add3A_766 = vector.broadcast %add3A_765 : i32 to vector<16xi32>
      %add3A_767 = arith.addi %add3A_766, %iota3A : vector<16xi32>
      %gather3A_768 = arith.constant 1 : i32
      %gather3A_769 = arith.constant 0 : i32
      %gather3A_770 = arith.constant 0 : i32
      %gather3A_771 = tpu.memref_slice %arg4[%gather3A_768, %gather3A_769, %gather3A_770] : memref<8x588x8xf32, #tpu.memory_space<vmem>> -> memref<1x588x8xf32, #tpu.memory_space<vmem>>
      %gather3A_772 = tpu.memref_squeeze %gather3A_771 : memref<1x588x8xf32, #tpu.memory_space<vmem>> -> memref<588x8xf32, #tpu.memory_space<vmem>>
      %gather3A_773 = tpu.vector_load_idx %gather3A_772[%add3A_767, %broadcast_in_dim3A_140] : memref<588x8xf32, #tpu.memory_space<vmem>>[vector<16xi32>, vector<16xi32>], vector<16xf32>,
      tpu.vector_store_idx %arg5[%add3A_767, %broadcast_in_dim3A_512], %gather3A_773 : memref<588x8xf32, #tpu.memory_space<vmem>>[vector<16xi32>, vector<16xi32>], vector<16xf32>,
      %add3A_774 = arith.constant 464 : i32
      %add3A_775 = vector.broadcast %add3A_774 : i32 to vector<16xi32>
      %add3A_776 = arith.addi %add3A_775, %iota3A : vector<16xi32>
      %gather3A_777 = arith.constant 1 : i32
      %gather3A_778 = arith.constant 0 : i32
      %gather3A_779 = arith.constant 0 : i32
      %gather3A_780 = tpu.memref_slice %arg4[%gather3A_777, %gather3A_778, %gather3A_779] : memref<8x588x8xf32, #tpu.memory_space<vmem>> -> memref<1x588x8xf32, #tpu.memory_space<vmem>>
      %gather3A_781 = tpu.memref_squeeze %gather3A_780 : memref<1x588x8xf32, #tpu.memory_space<vmem>> -> memref<588x8xf32, #tpu.memory_space<vmem>>
      %gather3A_782 = tpu.vector_load_idx %gather3A_781[%add3A_776, %broadcast_in_dim3A_140] : memref<588x8xf32, #tpu.memory_space<vmem>>[vector<16xi32>, vector<16xi32>], vector<16xf32>,
      tpu.vector_store_idx %arg5[%add3A_776, %broadcast_in_dim3A_512], %gather3A_782 : memref<588x8xf32, #tpu.memory_space<vmem>>[vector<16xi32>, vector<16xi32>], vector<16xf32>,
      %add3A_783 = arith.constant 480 : i32
      %add3A_784 = vector.broadcast %add3A_783 : i32 to vector<16xi32>
      %add3A_785 = arith.addi %add3A_784, %iota3A : vector<16xi32>
      %gather3A_786 = arith.constant 1 : i32
      %gather3A_787 = arith.constant 0 : i32
      %gather3A_788 = arith.constant 0 : i32
      %gather3A_789 = tpu.memref_slice %arg4[%gather3A_786, %gather3A_787, %gather3A_788] : memref<8x588x8xf32, #tpu.memory_space<vmem>> -> memref<1x588x8xf32, #tpu.memory_space<vmem>>
      %gather3A_790 = tpu.memref_squeeze %gather3A_789 : memref<1x588x8xf32, #tpu.memory_space<vmem>> -> memref<588x8xf32, #tpu.memory_space<vmem>>
      %gather3A_791 = tpu.vector_load_idx %gather3A_790[%add3A_785, %broadcast_in_dim3A_140] : memref<588x8xf32, #tpu.memory_space<vmem>>[vector<16xi32>, vector<16xi32>], vector<16xf32>,
      tpu.vector_store_idx %arg5[%add3A_785, %broadcast_in_dim3A_512], %gather3A_791 : memref<588x8xf32, #tpu.memory_space<vmem>>[vector<16xi32>, vector<16xi32>], vector<16xf32>,
      %add3A_792 = arith.constant 496 : i32
      %add3A_793 = vector.broadcast %add3A_792 : i32 to vector<16xi32>
      %add3A_794 = arith.addi %add3A_793, %iota3A : vector<16xi32>
      %gather3A_795 = arith.constant 1 : i32
      %gather3A_796 = arith.constant 0 : i32
      %gather3A_797 = arith.constant 0 : i32
      %gather3A_798 = tpu.memref_slice %arg4[%gather3A_795, %gather3A_796, %gather3A_797] : memref<8x588x8xf32, #tpu.memory_space<vmem>> -> memref<1x588x8xf32, #tpu.memory_space<vmem>>
      %gather3A_799 = tpu.memref_squeeze %gather3A_798 : memref<1x588x8xf32, #tpu.memory_space<vmem>> -> memref<588x8xf32, #tpu.memory_space<vmem>>
      %gather3A_800 = tpu.vector_load_idx %gather3A_799[%add3A_794, %broadcast_in_dim3A_140] : memref<588x8xf32, #tpu.memory_space<vmem>>[vector<16xi32>, vector<16xi32>], vector<16xf32>,
      tpu.vector_store_idx %arg5[%add3A_794, %broadcast_in_dim3A_512], %gather3A_800 : memref<588x8xf32, #tpu.memory_space<vmem>>[vector<16xi32>, vector<16xi32>], vector<16xf32>,
      %add3A_801 = arith.constant 512 : i32
      %add3A_802 = vector.broadcast %add3A_801 : i32 to vector<16xi32>
      %add3A_803 = arith.addi %add3A_802, %iota3A : vector<16xi32>
      %gather3A_804 = arith.constant 1 : i32
      %gather3A_805 = arith.constant 0 : i32
      %gather3A_806 = arith.constant 0 : i32
      %gather3A_807 = tpu.memref_slice %arg4[%gather3A_804, %gather3A_805, %gather3A_806] : memref<8x588x8xf32, #tpu.memory_space<vmem>> -> memref<1x588x8xf32, #tpu.memory_space<vmem>>
      %gather3A_808 = tpu.memref_squeeze %gather3A_807 : memref<1x588x8xf32, #tpu.memory_space<vmem>> -> memref<588x8xf32, #tpu.memory_space<vmem>>
      %gather3A_809 = tpu.vector_load_idx %gather3A_808[%add3A_803, %broadcast_in_dim3A_140] : memref<588x8xf32, #tpu.memory_space<vmem>>[vector<16xi32>, vector<16xi32>], vector<16xf32>,
      tpu.vector_store_idx %arg5[%add3A_803, %broadcast_in_dim3A_512], %gather3A_809 : memref<588x8xf32, #tpu.memory_space<vmem>>[vector<16xi32>, vector<16xi32>], vector<16xf32>,
      %add3A_810 = arith.constant 528 : i32
      %add3A_811 = vector.broadcast %add3A_810 : i32 to vector<16xi32>
      %add3A_812 = arith.addi %add3A_811, %iota3A : vector<16xi32>
      %gather3A_813 = arith.constant 1 : i32
      %gather3A_814 = arith.constant 0 : i32
      %gather3A_815 = arith.constant 0 : i32
      %gather3A_816 = tpu.memref_slice %arg4[%gather3A_813, %gather3A_814, %gather3A_815] : memref<8x588x8xf32, #tpu.memory_space<vmem>> -> memref<1x588x8xf32, #tpu.memory_space<vmem>>
      %gather3A_817 = tpu.memref_squeeze %gather3A_816 : memref<1x588x8xf32, #tpu.memory_space<vmem>> -> memref<588x8xf32, #tpu.memory_space<vmem>>
      %gather3A_818 = tpu.vector_load_idx %gather3A_817[%add3A_812, %broadcast_in_dim3A_140] : memref<588x8xf32, #tpu.memory_space<vmem>>[vector<16xi32>, vector<16xi32>], vector<16xf32>,
      tpu.vector_store_idx %arg5[%add3A_812, %broadcast_in_dim3A_512], %gather3A_818 : memref<588x8xf32, #tpu.memory_space<vmem>>[vector<16xi32>, vector<16xi32>], vector<16xf32>,
      %add3A_819 = arith.constant 544 : i32
      %add3A_820 = vector.broadcast %add3A_819 : i32 to vector<16xi32>
      %add3A_821 = arith.addi %add3A_820, %iota3A : vector<16xi32>
      %gather3A_822 = arith.constant 1 : i32
      %gather3A_823 = arith.constant 0 : i32
      %gather3A_824 = arith.constant 0 : i32
      %gather3A_825 = tpu.memref_slice %arg4[%gather3A_822, %gather3A_823, %gather3A_824] : memref<8x588x8xf32, #tpu.memory_space<vmem>> -> memref<1x588x8xf32, #tpu.memory_space<vmem>>
      %gather3A_826 = tpu.memref_squeeze %gather3A_825 : memref<1x588x8xf32, #tpu.memory_space<vmem>> -> memref<588x8xf32, #tpu.memory_space<vmem>>
      %gather3A_827 = tpu.vector_load_idx %gather3A_826[%add3A_821, %broadcast_in_dim3A_140] : memref<588x8xf32, #tpu.memory_space<vmem>>[vector<16xi32>, vector<16xi32>], vector<16xf32>,
      tpu.vector_store_idx %arg5[%add3A_821, %broadcast_in_dim3A_512], %gather3A_827 : memref<588x8xf32, #tpu.memory_space<vmem>>[vector<16xi32>, vector<16xi32>], vector<16xf32>,
      %add3A_828 = arith.constant 560 : i32
      %add3A_829 = vector.broadcast %add3A_828 : i32 to vector<16xi32>
      %add3A_830 = arith.addi %add3A_829, %iota3A : vector<16xi32>
      %gather3A_831 = arith.constant 1 : i32
      %gather3A_832 = arith.constant 0 : i32
      %gather3A_833 = arith.constant 0 : i32
      %gather3A_834 = tpu.memref_slice %arg4[%gather3A_831, %gather3A_832, %gather3A_833] : memref<8x588x8xf32, #tpu.memory_space<vmem>> -> memref<1x588x8xf32, #tpu.memory_space<vmem>>
      %gather3A_835 = tpu.memref_squeeze %gather3A_834 : memref<1x588x8xf32, #tpu.memory_space<vmem>> -> memref<588x8xf32, #tpu.memory_space<vmem>>
      %gather3A_836 = tpu.vector_load_idx %gather3A_835[%add3A_830, %broadcast_in_dim3A_140] : memref<588x8xf32, #tpu.memory_space<vmem>>[vector<16xi32>, vector<16xi32>], vector<16xf32>,
      tpu.vector_store_idx %arg5[%add3A_830, %broadcast_in_dim3A_512], %gather3A_836 : memref<588x8xf32, #tpu.memory_space<vmem>>[vector<16xi32>, vector<16xi32>], vector<16xf32>,
      %add3A_837 = arith.constant 576 : i32
      %add3A_838 = vector.broadcast %add3A_837 : i32 to vector<16xi32>
      %add3A_839 = arith.addi %add3A_838, %iota3A : vector<16xi32>
      %lt3A_840 = arith.constant 12 : i32
      %lt3A_841 = vector.broadcast %lt3A_840 : i32 to vector<16xi32>
      %lt3A_842 = arith.cmpi slt, %iota3A, %lt3A_841 : vector<16xi32>
      %gather3A_843 = arith.constant 1 : i32
      %gather3A_844 = arith.constant 0 : i32
      %gather3A_845 = arith.constant 0 : i32
      %gather3A_846 = tpu.memref_slice %arg4[%gather3A_843, %gather3A_844, %gather3A_845] : memref<8x588x8xf32, #tpu.memory_space<vmem>> -> memref<1x588x8xf32, #tpu.memory_space<vmem>>
      %gather3A_847 = tpu.memref_squeeze %gather3A_846 : memref<1x588x8xf32, #tpu.memory_space<vmem>> -> memref<588x8xf32, #tpu.memory_space<vmem>>
      %gather3A_848 = tpu.vector_load_idx %gather3A_847[%add3A_839, %broadcast_in_dim3A_140] masked %lt3A_842 : memref<588x8xf32, #tpu.memory_space<vmem>>[vector<16xi32>, vector<16xi32>], vector<16xf32>, vector<16xi1>
      tpu.vector_store_idx %arg5[%add3A_839, %broadcast_in_dim3A_512], %gather3A_848 masked %lt3A_842 : memref<588x8xf32, #tpu.memory_space<vmem>>[vector<16xi32>, vector<16xi32>], vector<16xf32>, vector<16xi1>
      %dma_wait3A_849 = arith.constant 1 : i32
      %dma_wait3A_850 = arith.constant 2 : i32
      %dma_wait3A_851 = arith.constant 2 : i32
      %dma_wait3A_852 = arith.constant 0 : i32
      %dma_wait3A_853 = arith.constant 0 : i32
      %dma_wait3A_854 = tpu.memref_slice %arg4[%dma_wait3A_851, %dma_wait3A_852, %dma_wait3A_853] : memref<8x588x8xf32, #tpu.memory_space<vmem>> -> memref<1x588x8xf32, #tpu.memory_space<vmem>>
      %dma_wait3A_855 = tpu.memref_squeeze %dma_wait3A_854 : memref<1x588x8xf32, #tpu.memory_space<vmem>> -> memref<588x8xf32, #tpu.memory_space<vmem>>
      %dma_wait3A_856 = arith.constant 40 : i32
      %dma_wait3A_857 = tpu.memref_slice %arg2[%mul3A_2, %dma_wait3A_849, %dma_wait3A_850, %dma_wait3A_856] : memref<18816x2x8x128xf32, #tpu.memory_space<hbm>> -> memref<588x1x1x8xf32, #tpu.memory_space<hbm>>
      %dma_wait3A_858 = tpu.memref_squeeze %dma_wait3A_857 : memref<588x1x1x8xf32, #tpu.memory_space<hbm>> -> memref<588x8xf32, #tpu.memory_space<hbm>>
      %dma_wait3A_859 = arith.constant 0 : i32
      %dma_wait3A_860 = arith.constant 0 : i32
      %dma_wait3A_861 = tpu.memref_slice %arg4[%dma_wait3A_851, %dma_wait3A_859, %dma_wait3A_860] : memref<8x588x8xf32, #tpu.memory_space<vmem>> -> memref<1x588x8xf32, #tpu.memory_space<vmem>>
      %dma_wait3A_862 = tpu.memref_squeeze %dma_wait3A_861 : memref<1x588x8xf32, #tpu.memory_space<vmem>> -> memref<588x8xf32, #tpu.memory_space<vmem>>
      %dma_wait3A_863 = arith.constant 40 : i32
      %dma_wait3A_864 = tpu.memref_slice %arg2[%mul3A_2, %dma_wait3A_849, %dma_wait3A_850, %dma_wait3A_863] : memref<18816x2x8x128xf32, #tpu.memory_space<hbm>> -> memref<588x1x1x8xf32, #tpu.memory_space<hbm>>
      %dma_wait3A_865 = tpu.memref_squeeze %dma_wait3A_864 : memref<588x1x1x8xf32, #tpu.memory_space<hbm>> -> memref<588x8xf32, #tpu.memory_space<hbm>>
      tpu.wait_dma2 semaphore(%arg6 : memref<!tpu.dma_semaphore, #tpu.memory_space<semaphore_mem>>) src(%dma_wait3A_865 : memref<588x8xf32, #tpu.memory_space<hbm>>) dst(%dma_wait3A_862 : memref<588x8xf32, #tpu.memory_space<vmem>>)
      %broadcast_in_dim3A_866 = arith.constant 2 : i32
      %broadcast_in_dim3A_867 = vector.broadcast %broadcast_in_dim3A_866 : i32 to vector<16xi32>
      %add3A_868 = arith.constant 0 : i32
      %add3A_869 = vector.broadcast %add3A_868 : i32 to vector<16xi32>
      %add3A_870 = arith.addi %add3A_869, %iota3A : vector<16xi32>
      %gather3A_871 = arith.constant 2 : i32
      %gather3A_872 = arith.constant 0 : i32
      %gather3A_873 = arith.constant 0 : i32
      %gather3A_874 = tpu.memref_slice %arg4[%gather3A_871, %gather3A_872, %gather3A_873] : memref<8x588x8xf32, #tpu.memory_space<vmem>> -> memref<1x588x8xf32, #tpu.memory_space<vmem>>
      %gather3A_875 = tpu.memref_squeeze %gather3A_874 : memref<1x588x8xf32, #tpu.memory_space<vmem>> -> memref<588x8xf32, #tpu.memory_space<vmem>>
      %gather3A_876 = tpu.vector_load_idx %gather3A_875[%add3A_870, %broadcast_in_dim3A_140] : memref<588x8xf32, #tpu.memory_space<vmem>>[vector<16xi32>, vector<16xi32>], vector<16xf32>,
      tpu.vector_store_idx %arg5[%add3A_870, %broadcast_in_dim3A_867], %gather3A_876 : memref<588x8xf32, #tpu.memory_space<vmem>>[vector<16xi32>, vector<16xi32>], vector<16xf32>,
      %add3A_877 = arith.constant 16 : i32
      %add3A_878 = vector.broadcast %add3A_877 : i32 to vector<16xi32>
      %add3A_879 = arith.addi %add3A_878, %iota3A : vector<16xi32>
      %gather3A_880 = arith.constant 2 : i32
      %gather3A_881 = arith.constant 0 : i32
      %gather3A_882 = arith.constant 0 : i32
      %gather3A_883 = tpu.memref_slice %arg4[%gather3A_880, %gather3A_881, %gather3A_882] : memref<8x588x8xf32, #tpu.memory_space<vmem>> -> memref<1x588x8xf32, #tpu.memory_space<vmem>>
      %gather3A_884 = tpu.memref_squeeze %gather3A_883 : memref<1x588x8xf32, #tpu.memory_space<vmem>> -> memref<588x8xf32, #tpu.memory_space<vmem>>
      %gather3A_885 = tpu.vector_load_idx %gather3A_884[%add3A_879, %broadcast_in_dim3A_140] : memref<588x8xf32, #tpu.memory_space<vmem>>[vector<16xi32>, vector<16xi32>], vector<16xf32>,
      tpu.vector_store_idx %arg5[%add3A_879, %broadcast_in_dim3A_867], %gather3A_885 : memref<588x8xf32, #tpu.memory_space<vmem>>[vector<16xi32>, vector<16xi32>], vector<16xf32>,
      %add3A_886 = arith.constant 32 : i32
      %add3A_887 = vector.broadcast %add3A_886 : i32 to vector<16xi32>
      %add3A_888 = arith.addi %add3A_887, %iota3A : vector<16xi32>
      %gather3A_889 = arith.constant 2 : i32
      %gather3A_890 = arith.constant 0 : i32
      %gather3A_891 = arith.constant 0 : i32
      %gather3A_892 = tpu.memref_slice %arg4[%gather3A_889, %gather3A_890, %gather3A_891] : memref<8x588x8xf32, #tpu.memory_space<vmem>> -> memref<1x588x8xf32, #tpu.memory_space<vmem>>
      %gather3A_893 = tpu.memref_squeeze %gather3A_892 : memref<1x588x8xf32, #tpu.memory_space<vmem>> -> memref<588x8xf32, #tpu.memory_space<vmem>>
      %gather3A_894 = tpu.vector_load_idx %gather3A_893[%add3A_888, %broadcast_in_dim3A_140] : memref<588x8xf32, #tpu.memory_space<vmem>>[vector<16xi32>, vector<16xi32>], vector<16xf32>,
      tpu.vector_store_idx %arg5[%add3A_888, %broadcast_in_dim3A_867], %gather3A_894 : memref<588x8xf32, #tpu.memory_space<vmem>>[vector<16xi32>, vector<16xi32>], vector<16xf32>,
      %add3A_895 = arith.constant 48 : i32
      %add3A_896 = vector.broadcast %add3A_895 : i32 to vector<16xi32>
      %add3A_897 = arith.addi %add3A_896, %iota3A : vector<16xi32>
      %gather3A_898 = arith.constant 2 : i32
      %gather3A_899 = arith.constant 0 : i32
      %gather3A_900 = arith.constant 0 : i32
      %gather3A_901 = tpu.memref_slice %arg4[%gather3A_898, %gather3A_899, %gather3A_900] : memref<8x588x8xf32, #tpu.memory_space<vmem>> -> memref<1x588x8xf32, #tpu.memory_space<vmem>>
      %gather3A_902 = tpu.memref_squeeze %gather3A_901 : memref<1x588x8xf32, #tpu.memory_space<vmem>> -> memref<588x8xf32, #tpu.memory_space<vmem>>
      %gather3A_903 = tpu.vector_load_idx %gather3A_902[%add3A_897, %broadcast_in_dim3A_140] : memref<588x8xf32, #tpu.memory_space<vmem>>[vector<16xi32>, vector<16xi32>], vector<16xf32>,
      tpu.vector_store_idx %arg5[%add3A_897, %broadcast_in_dim3A_867], %gather3A_903 : memref<588x8xf32, #tpu.memory_space<vmem>>[vector<16xi32>, vector<16xi32>], vector<16xf32>,
      %add3A_904 = arith.constant 64 : i32
      %add3A_905 = vector.broadcast %add3A_904 : i32 to vector<16xi32>
      %add3A_906 = arith.addi %add3A_905, %iota3A : vector<16xi32>
      %gather3A_907 = arith.constant 2 : i32
      %gather3A_908 = arith.constant 0 : i32
      %gather3A_909 = arith.constant 0 : i32
      %gather3A_910 = tpu.memref_slice %arg4[%gather3A_907, %gather3A_908, %gather3A_909] : memref<8x588x8xf32, #tpu.memory_space<vmem>> -> memref<1x588x8xf32, #tpu.memory_space<vmem>>
      %gather3A_911 = tpu.memref_squeeze %gather3A_910 : memref<1x588x8xf32, #tpu.memory_space<vmem>> -> memref<588x8xf32, #tpu.memory_space<vmem>>
      %gather3A_912 = tpu.vector_load_idx %gather3A_911[%add3A_906, %broadcast_in_dim3A_140] : memref<588x8xf32, #tpu.memory_space<vmem>>[vector<16xi32>, vector<16xi32>], vector<16xf32>,
      tpu.vector_store_idx %arg5[%add3A_906, %broadcast_in_dim3A_867], %gather3A_912 : memref<588x8xf32, #tpu.memory_space<vmem>>[vector<16xi32>, vector<16xi32>], vector<16xf32>,
      %add3A_913 = arith.constant 80 : i32
      %add3A_914 = vector.broadcast %add3A_913 : i32 to vector<16xi32>
      %add3A_915 = arith.addi %add3A_914, %iota3A : vector<16xi32>
      %gather3A_916 = arith.constant 2 : i32
      %gather3A_917 = arith.constant 0 : i32
      %gather3A_918 = arith.constant 0 : i32
      %gather3A_919 = tpu.memref_slice %arg4[%gather3A_916, %gather3A_917, %gather3A_918] : memref<8x588x8xf32, #tpu.memory_space<vmem>> -> memref<1x588x8xf32, #tpu.memory_space<vmem>>
      %gather3A_920 = tpu.memref_squeeze %gather3A_919 : memref<1x588x8xf32, #tpu.memory_space<vmem>> -> memref<588x8xf32, #tpu.memory_space<vmem>>
      %gather3A_921 = tpu.vector_load_idx %gather3A_920[%add3A_915, %broadcast_in_dim3A_140] : memref<588x8xf32, #tpu.memory_space<vmem>>[vector<16xi32>, vector<16xi32>], vector<16xf32>,
      tpu.vector_store_idx %arg5[%add3A_915, %broadcast_in_dim3A_867], %gather3A_921 : memref<588x8xf32, #tpu.memory_space<vmem>>[vector<16xi32>, vector<16xi32>], vector<16xf32>,
      %add3A_922 = arith.constant 96 : i32
      %add3A_923 = vector.broadcast %add3A_922 : i32 to vector<16xi32>
      %add3A_924 = arith.addi %add3A_923, %iota3A : vector<16xi32>
      %gather3A_925 = arith.constant 2 : i32
      %gather3A_926 = arith.constant 0 : i32
      %gather3A_927 = arith.constant 0 : i32
      %gather3A_928 = tpu.memref_slice %arg4[%gather3A_925, %gather3A_926, %gather3A_927] : memref<8x588x8xf32, #tpu.memory_space<vmem>> -> memref<1x588x8xf32, #tpu.memory_space<vmem>>
      %gather3A_929 = tpu.memref_squeeze %gather3A_928 : memref<1x588x8xf32, #tpu.memory_space<vmem>> -> memref<588x8xf32, #tpu.memory_space<vmem>>
      %gather3A_930 = tpu.vector_load_idx %gather3A_929[%add3A_924, %broadcast_in_dim3A_140] : memref<588x8xf32, #tpu.memory_space<vmem>>[vector<16xi32>, vector<16xi32>], vector<16xf32>,
      tpu.vector_store_idx %arg5[%add3A_924, %broadcast_in_dim3A_867], %gather3A_930 : memref<588x8xf32, #tpu.memory_space<vmem>>[vector<16xi32>, vector<16xi32>], vector<16xf32>,
      %add3A_931 = arith.constant 112 : i32
      %add3A_932 = vector.broadcast %add3A_931 : i32 to vector<16xi32>
      %add3A_933 = arith.addi %add3A_932, %iota3A : vector<16xi32>
      %gather3A_934 = arith.constant 2 : i32
      %gather3A_935 = arith.constant 0 : i32
      %gather3A_936 = arith.constant 0 : i32
      %gather3A_937 = tpu.memref_slice %arg4[%gather3A_934, %gather3A_935, %gather3A_936] : memref<8x588x8xf32, #tpu.memory_space<vmem>> -> memref<1x588x8xf32, #tpu.memory_space<vmem>>
      %gather3A_938 = tpu.memref_squeeze %gather3A_937 : memref<1x588x8xf32, #tpu.memory_space<vmem>> -> memref<588x8xf32, #tpu.memory_space<vmem>>
      %gather3A_939 = tpu.vector_load_idx %gather3A_938[%add3A_933, %broadcast_in_dim3A_140] : memref<588x8xf32, #tpu.memory_space<vmem>>[vector<16xi32>, vector<16xi32>], vector<16xf32>,
      tpu.vector_store_idx %arg5[%add3A_933, %broadcast_in_dim3A_867], %gather3A_939 : memref<588x8xf32, #tpu.memory_space<vmem>>[vector<16xi32>, vector<16xi32>], vector<16xf32>,
      %add3A_940 = arith.constant 128 : i32
      %add3A_941 = vector.broadcast %add3A_940 : i32 to vector<16xi32>
      %add3A_942 = arith.addi %add3A_941, %iota3A : vector<16xi32>
      %gather3A_943 = arith.constant 2 : i32
      %gather3A_944 = arith.constant 0 : i32
      %gather3A_945 = arith.constant 0 : i32
      %gather3A_946 = tpu.memref_slice %arg4[%gather3A_943, %gather3A_944, %gather3A_945] : memref<8x588x8xf32, #tpu.memory_space<vmem>> -> memref<1x588x8xf32, #tpu.memory_space<vmem>>
      %gather3A_947 = tpu.memref_squeeze %gather3A_946 : memref<1x588x8xf32, #tpu.memory_space<vmem>> -> memref<588x8xf32, #tpu.memory_space<vmem>>
      %gather3A_948 = tpu.vector_load_idx %gather3A_947[%add3A_942, %broadcast_in_dim3A_140] : memref<588x8xf32, #tpu.memory_space<vmem>>[vector<16xi32>, vector<16xi32>], vector<16xf32>,
      tpu.vector_store_idx %arg5[%add3A_942, %broadcast_in_dim3A_867], %gather3A_948 : memref<588x8xf32, #tpu.memory_space<vmem>>[vector<16xi32>, vector<16xi32>], vector<16xf32>,
      %add3A_949 = arith.constant 144 : i32
      %add3A_950 = vector.broadcast %add3A_949 : i32 to vector<16xi32>
      %add3A_951 = arith.addi %add3A_950, %iota3A : vector<16xi32>
      %gather3A_952 = arith.constant 2 : i32
      %gather3A_953 = arith.constant 0 : i32
      %gather3A_954 = arith.constant 0 : i32
      %gather3A_955 = tpu.memref_slice %arg4[%gather3A_952, %gather3A_953, %gather3A_954] : memref<8x588x8xf32, #tpu.memory_space<vmem>> -> memref<1x588x8xf32, #tpu.memory_space<vmem>>
      %gather3A_956 = tpu.memref_squeeze %gather3A_955 : memref<1x588x8xf32, #tpu.memory_space<vmem>> -> memref<588x8xf32, #tpu.memory_space<vmem>>
      %gather3A_957 = tpu.vector_load_idx %gather3A_956[%add3A_951, %broadcast_in_dim3A_140] : memref<588x8xf32, #tpu.memory_space<vmem>>[vector<16xi32>, vector<16xi32>], vector<16xf32>,
      tpu.vector_store_idx %arg5[%add3A_951, %broadcast_in_dim3A_867], %gather3A_957 : memref<588x8xf32, #tpu.memory_space<vmem>>[vector<16xi32>, vector<16xi32>], vector<16xf32>,
      %add3A_958 = arith.constant 160 : i32
      %add3A_959 = vector.broadcast %add3A_958 : i32 to vector<16xi32>
      %add3A_960 = arith.addi %add3A_959, %iota3A : vector<16xi32>
      %gather3A_961 = arith.constant 2 : i32
      %gather3A_962 = arith.constant 0 : i32
      %gather3A_963 = arith.constant 0 : i32
      %gather3A_964 = tpu.memref_slice %arg4[%gather3A_961, %gather3A_962, %gather3A_963] : memref<8x588x8xf32, #tpu.memory_space<vmem>> -> memref<1x588x8xf32, #tpu.memory_space<vmem>>
      %gather3A_965 = tpu.memref_squeeze %gather3A_964 : memref<1x588x8xf32, #tpu.memory_space<vmem>> -> memref<588x8xf32, #tpu.memory_space<vmem>>
      %gather3A_966 = tpu.vector_load_idx %gather3A_965[%add3A_960, %broadcast_in_dim3A_140] : memref<588x8xf32, #tpu.memory_space<vmem>>[vector<16xi32>, vector<16xi32>], vector<16xf32>,
      tpu.vector_store_idx %arg5[%add3A_960, %broadcast_in_dim3A_867], %gather3A_966 : memref<588x8xf32, #tpu.memory_space<vmem>>[vector<16xi32>, vector<16xi32>], vector<16xf32>,
      %add3A_967 = arith.constant 176 : i32
      %add3A_968 = vector.broadcast %add3A_967 : i32 to vector<16xi32>
      %add3A_969 = arith.addi %add3A_968, %iota3A : vector<16xi32>
      %gather3A_970 = arith.constant 2 : i32
      %gather3A_971 = arith.constant 0 : i32
      %gather3A_972 = arith.constant 0 : i32
      %gather3A_973 = tpu.memref_slice %arg4[%gather3A_970, %gather3A_971, %gather3A_972] : memref<8x588x8xf32, #tpu.memory_space<vmem>> -> memref<1x588x8xf32, #tpu.memory_space<vmem>>
      %gather3A_974 = tpu.memref_squeeze %gather3A_973 : memref<1x588x8xf32, #tpu.memory_space<vmem>> -> memref<588x8xf32, #tpu.memory_space<vmem>>
      %gather3A_975 = tpu.vector_load_idx %gather3A_974[%add3A_969, %broadcast_in_dim3A_140] : memref<588x8xf32, #tpu.memory_space<vmem>>[vector<16xi32>, vector<16xi32>], vector<16xf32>,
      tpu.vector_store_idx %arg5[%add3A_969, %broadcast_in_dim3A_867], %gather3A_975 : memref<588x8xf32, #tpu.memory_space<vmem>>[vector<16xi32>, vector<16xi32>], vector<16xf32>,
      %add3A_976 = arith.constant 192 : i32
      %add3A_977 = vector.broadcast %add3A_976 : i32 to vector<16xi32>
      %add3A_978 = arith.addi %add3A_977, %iota3A : vector<16xi32>
      %gather3A_979 = arith.constant 2 : i32
      %gather3A_980 = arith.constant 0 : i32
      %gather3A_981 = arith.constant 0 : i32
      %gather3A_982 = tpu.memref_slice %arg4[%gather3A_979, %gather3A_980, %gather3A_981] : memref<8x588x8xf32, #tpu.memory_space<vmem>> -> memref<1x588x8xf32, #tpu.memory_space<vmem>>
      %gather3A_983 = tpu.memref_squeeze %gather3A_982 : memref<1x588x8xf32, #tpu.memory_space<vmem>> -> memref<588x8xf32, #tpu.memory_space<vmem>>
      %gather3A_984 = tpu.vector_load_idx %gather3A_983[%add3A_978, %broadcast_in_dim3A_140] : memref<588x8xf32, #tpu.memory_space<vmem>>[vector<16xi32>, vector<16xi32>], vector<16xf32>,
      tpu.vector_store_idx %arg5[%add3A_978, %broadcast_in_dim3A_867], %gather3A_984 : memref<588x8xf32, #tpu.memory_space<vmem>>[vector<16xi32>, vector<16xi32>], vector<16xf32>,
      %add3A_985 = arith.constant 208 : i32
      %add3A_986 = vector.broadcast %add3A_985 : i32 to vector<16xi32>
      %add3A_987 = arith.addi %add3A_986, %iota3A : vector<16xi32>
      %gather3A_988 = arith.constant 2 : i32
      %gather3A_989 = arith.constant 0 : i32
      %gather3A_990 = arith.constant 0 : i32
      %gather3A_991 = tpu.memref_slice %arg4[%gather3A_988, %gather3A_989, %gather3A_990] : memref<8x588x8xf32, #tpu.memory_space<vmem>> -> memref<1x588x8xf32, #tpu.memory_space<vmem>>
      %gather3A_992 = tpu.memref_squeeze %gather3A_991 : memref<1x588x8xf32, #tpu.memory_space<vmem>> -> memref<588x8xf32, #tpu.memory_space<vmem>>
      %gather3A_993 = tpu.vector_load_idx %gather3A_992[%add3A_987, %broadcast_in_dim3A_140] : memref<588x8xf32, #tpu.memory_space<vmem>>[vector<16xi32>, vector<16xi32>], vector<16xf32>,
      tpu.vector_store_idx %arg5[%add3A_987, %broadcast_in_dim3A_867], %gather3A_993 : memref<588x8xf32, #tpu.memory_space<vmem>>[vector<16xi32>, vector<16xi32>], vector<16xf32>,
      %add3A_994 = arith.constant 224 : i32
      %add3A_995 = vector.broadcast %add3A_994 : i32 to vector<16xi32>
      %add3A_996 = arith.addi %add3A_995, %iota3A : vector<16xi32>
      %gather3A_997 = arith.constant 2 : i32
      %gather3A_998 = arith.constant 0 : i32
      %gather3A_999 = arith.constant 0 : i32
      %gather3A_1000 = tpu.memref_slice %arg4[%gather3A_997, %gather3A_998, %gather3A_999] : memref<8x588x8xf32, #tpu.memory_space<vmem>> -> memref<1x588x8xf32, #tpu.memory_space<vmem>>
      %gather3A_1001 = tpu.memref_squeeze %gather3A_1000 : memref<1x588x8xf32, #tpu.memory_space<vmem>> -> memref<588x8xf32, #tpu.memory_space<vmem>>
      %gather3A_1002 = tpu.vector_load_idx %gather3A_1001[%add3A_996, %broadcast_in_dim3A_140] : memref<588x8xf32, #tpu.memory_space<vmem>>[vector<16xi32>, vector<16xi32>], vector<16xf32>,
      tpu.vector_store_idx %arg5[%add3A_996, %broadcast_in_dim3A_867], %gather3A_1002 : memref<588x8xf32, #tpu.memory_space<vmem>>[vector<16xi32>, vector<16xi32>], vector<16xf32>,
      %add3A_1003 = arith.constant 240 : i32
      %add3A_1004 = vector.broadcast %add3A_1003 : i32 to vector<16xi32>
      %add3A_1005 = arith.addi %add3A_1004, %iota3A : vector<16xi32>
      %gather3A_1006 = arith.constant 2 : i32
      %gather3A_1007 = arith.constant 0 : i32
      %gather3A_1008 = arith.constant 0 : i32
      %gather3A_1009 = tpu.memref_slice %arg4[%gather3A_1006, %gather3A_1007, %gather3A_1008] : memref<8x588x8xf32, #tpu.memory_space<vmem>> -> memref<1x588x8xf32, #tpu.memory_space<vmem>>
      %gather3A_1010 = tpu.memref_squeeze %gather3A_1009 : memref<1x588x8xf32, #tpu.memory_space<vmem>> -> memref<588x8xf32, #tpu.memory_space<vmem>>
      %gather3A_1011 = tpu.vector_load_idx %gather3A_1010[%add3A_1005, %broadcast_in_dim3A_140] : memref<588x8xf32, #tpu.memory_space<vmem>>[vector<16xi32>, vector<16xi32>], vector<16xf32>,
      tpu.vector_store_idx %arg5[%add3A_1005, %broadcast_in_dim3A_867], %gather3A_1011 : memref<588x8xf32, #tpu.memory_space<vmem>>[vector<16xi32>, vector<16xi32>], vector<16xf32>,
      %add3A_1012 = arith.constant 256 : i32
      %add3A_1013 = vector.broadcast %add3A_1012 : i32 to vector<16xi32>
      %add3A_1014 = arith.addi %add3A_1013, %iota3A : vector<16xi32>
      %gather3A_1015 = arith.constant 2 : i32
      %gather3A_1016 = arith.constant 0 : i32
      %gather3A_1017 = arith.constant 0 : i32
      %gather3A_1018 = tpu.memref_slice %arg4[%gather3A_1015, %gather3A_1016, %gather3A_1017] : memref<8x588x8xf32, #tpu.memory_space<vmem>> -> memref<1x588x8xf32, #tpu.memory_space<vmem>>
      %gather3A_1019 = tpu.memref_squeeze %gather3A_1018 : memref<1x588x8xf32, #tpu.memory_space<vmem>> -> memref<588x8xf32, #tpu.memory_space<vmem>>
      %gather3A_1020 = tpu.vector_load_idx %gather3A_1019[%add3A_1014, %broadcast_in_dim3A_140] : memref<588x8xf32, #tpu.memory_space<vmem>>[vector<16xi32>, vector<16xi32>], vector<16xf32>,
      tpu.vector_store_idx %arg5[%add3A_1014, %broadcast_in_dim3A_867], %gather3A_1020 : memref<588x8xf32, #tpu.memory_space<vmem>>[vector<16xi32>, vector<16xi32>], vector<16xf32>,
      %add3A_1021 = arith.constant 272 : i32
      %add3A_1022 = vector.broadcast %add3A_1021 : i32 to vector<16xi32>
      %add3A_1023 = arith.addi %add3A_1022, %iota3A : vector<16xi32>
      %gather3A_1024 = arith.constant 2 : i32
      %gather3A_1025 = arith.constant 0 : i32
      %gather3A_1026 = arith.constant 0 : i32
      %gather3A_1027 = tpu.memref_slice %arg4[%gather3A_1024, %gather3A_1025, %gather3A_1026] : memref<8x588x8xf32, #tpu.memory_space<vmem>> -> memref<1x588x8xf32, #tpu.memory_space<vmem>>
      %gather3A_1028 = tpu.memref_squeeze %gather3A_1027 : memref<1x588x8xf32, #tpu.memory_space<vmem>> -> memref<588x8xf32, #tpu.memory_space<vmem>>
      %gather3A_1029 = tpu.vector_load_idx %gather3A_1028[%add3A_1023, %broadcast_in_dim3A_140] : memref<588x8xf32, #tpu.memory_space<vmem>>[vector<16xi32>, vector<16xi32>], vector<16xf32>,
      tpu.vector_store_idx %arg5[%add3A_1023, %broadcast_in_dim3A_867], %gather3A_1029 : memref<588x8xf32, #tpu.memory_space<vmem>>[vector<16xi32>, vector<16xi32>], vector<16xf32>,
      %add3A_1030 = arith.constant 288 : i32
      %add3A_1031 = vector.broadcast %add3A_1030 : i32 to vector<16xi32>
      %add3A_1032 = arith.addi %add3A_1031, %iota3A : vector<16xi32>
      %gather3A_1033 = arith.constant 2 : i32
      %gather3A_1034 = arith.constant 0 : i32
      %gather3A_1035 = arith.constant 0 : i32
      %gather3A_1036 = tpu.memref_slice %arg4[%gather3A_1033, %gather3A_1034, %gather3A_1035] : memref<8x588x8xf32, #tpu.memory_space<vmem>> -> memref<1x588x8xf32, #tpu.memory_space<vmem>>
      %gather3A_1037 = tpu.memref_squeeze %gather3A_1036 : memref<1x588x8xf32, #tpu.memory_space<vmem>> -> memref<588x8xf32, #tpu.memory_space<vmem>>
      %gather3A_1038 = tpu.vector_load_idx %gather3A_1037[%add3A_1032, %broadcast_in_dim3A_140] : memref<588x8xf32, #tpu.memory_space<vmem>>[vector<16xi32>, vector<16xi32>], vector<16xf32>,
      tpu.vector_store_idx %arg5[%add3A_1032, %broadcast_in_dim3A_867], %gather3A_1038 : memref<588x8xf32, #tpu.memory_space<vmem>>[vector<16xi32>, vector<16xi32>], vector<16xf32>,
      %add3A_1039 = arith.constant 304 : i32
      %add3A_1040 = vector.broadcast %add3A_1039 : i32 to vector<16xi32>
      %add3A_1041 = arith.addi %add3A_1040, %iota3A : vector<16xi32>
      %gather3A_1042 = arith.constant 2 : i32
      %gather3A_1043 = arith.constant 0 : i32
      %gather3A_1044 = arith.constant 0 : i32
      %gather3A_1045 = tpu.memref_slice %arg4[%gather3A_1042, %gather3A_1043, %gather3A_1044] : memref<8x588x8xf32, #tpu.memory_space<vmem>> -> memref<1x588x8xf32, #tpu.memory_space<vmem>>
      %gather3A_1046 = tpu.memref_squeeze %gather3A_1045 : memref<1x588x8xf32, #tpu.memory_space<vmem>> -> memref<588x8xf32, #tpu.memory_space<vmem>>
      %gather3A_1047 = tpu.vector_load_idx %gather3A_1046[%add3A_1041, %broadcast_in_dim3A_140] : memref<588x8xf32, #tpu.memory_space<vmem>>[vector<16xi32>, vector<16xi32>], vector<16xf32>,
      tpu.vector_store_idx %arg5[%add3A_1041, %broadcast_in_dim3A_867], %gather3A_1047 : memref<588x8xf32, #tpu.memory_space<vmem>>[vector<16xi32>, vector<16xi32>], vector<16xf32>,
      %add3A_1048 = arith.constant 320 : i32
      %add3A_1049 = vector.broadcast %add3A_1048 : i32 to vector<16xi32>
      %add3A_1050 = arith.addi %add3A_1049, %iota3A : vector<16xi32>
      %gather3A_1051 = arith.constant 2 : i32
      %gather3A_1052 = arith.constant 0 : i32
      %gather3A_1053 = arith.constant 0 : i32
      %gather3A_1054 = tpu.memref_slice %arg4[%gather3A_1051, %gather3A_1052, %gather3A_1053] : memref<8x588x8xf32, #tpu.memory_space<vmem>> -> memref<1x588x8xf32, #tpu.memory_space<vmem>>
      %gather3A_1055 = tpu.memref_squeeze %gather3A_1054 : memref<1x588x8xf32, #tpu.memory_space<vmem>> -> memref<588x8xf32, #tpu.memory_space<vmem>>
      %gather3A_1056 = tpu.vector_load_idx %gather3A_1055[%add3A_1050, %broadcast_in_dim3A_140] : memref<588x8xf32, #tpu.memory_space<vmem>>[vector<16xi32>, vector<16xi32>], vector<16xf32>,
      tpu.vector_store_idx %arg5[%add3A_1050, %broadcast_in_dim3A_867], %gather3A_1056 : memref<588x8xf32, #tpu.memory_space<vmem>>[vector<16xi32>, vector<16xi32>], vector<16xf32>,
      %add3A_1057 = arith.constant 336 : i32
      %add3A_1058 = vector.broadcast %add3A_1057 : i32 to vector<16xi32>
      %add3A_1059 = arith.addi %add3A_1058, %iota3A : vector<16xi32>
      %gather3A_1060 = arith.constant 2 : i32
      %gather3A_1061 = arith.constant 0 : i32
      %gather3A_1062 = arith.constant 0 : i32
      %gather3A_1063 = tpu.memref_slice %arg4[%gather3A_1060, %gather3A_1061, %gather3A_1062] : memref<8x588x8xf32, #tpu.memory_space<vmem>> -> memref<1x588x8xf32, #tpu.memory_space<vmem>>
      %gather3A_1064 = tpu.memref_squeeze %gather3A_1063 : memref<1x588x8xf32, #tpu.memory_space<vmem>> -> memref<588x8xf32, #tpu.memory_space<vmem>>
      %gather3A_1065 = tpu.vector_load_idx %gather3A_1064[%add3A_1059, %broadcast_in_dim3A_140] : memref<588x8xf32, #tpu.memory_space<vmem>>[vector<16xi32>, vector<16xi32>], vector<16xf32>,
      tpu.vector_store_idx %arg5[%add3A_1059, %broadcast_in_dim3A_867], %gather3A_1065 : memref<588x8xf32, #tpu.memory_space<vmem>>[vector<16xi32>, vector<16xi32>], vector<16xf32>,
      %add3A_1066 = arith.constant 352 : i32
      %add3A_1067 = vector.broadcast %add3A_1066 : i32 to vector<16xi32>
      %add3A_1068 = arith.addi %add3A_1067, %iota3A : vector<16xi32>
      %gather3A_1069 = arith.constant 2 : i32
      %gather3A_1070 = arith.constant 0 : i32
      %gather3A_1071 = arith.constant 0 : i32
      %gather3A_1072 = tpu.memref_slice %arg4[%gather3A_1069, %gather3A_1070, %gather3A_1071] : memref<8x588x8xf32, #tpu.memory_space<vmem>> -> memref<1x588x8xf32, #tpu.memory_space<vmem>>
      %gather3A_1073 = tpu.memref_squeeze %gather3A_1072 : memref<1x588x8xf32, #tpu.memory_space<vmem>> -> memref<588x8xf32, #tpu.memory_space<vmem>>
      %gather3A_1074 = tpu.vector_load_idx %gather3A_1073[%add3A_1068, %broadcast_in_dim3A_140] : memref<588x8xf32, #tpu.memory_space<vmem>>[vector<16xi32>, vector<16xi32>], vector<16xf32>,
      tpu.vector_store_idx %arg5[%add3A_1068, %broadcast_in_dim3A_867], %gather3A_1074 : memref<588x8xf32, #tpu.memory_space<vmem>>[vector<16xi32>, vector<16xi32>], vector<16xf32>,
      %add3A_1075 = arith.constant 368 : i32
      %add3A_1076 = vector.broadcast %add3A_1075 : i32 to vector<16xi32>
      %add3A_1077 = arith.addi %add3A_1076, %iota3A : vector<16xi32>
      %gather3A_1078 = arith.constant 2 : i32
      %gather3A_1079 = arith.constant 0 : i32
      %gather3A_1080 = arith.constant 0 : i32
      %gather3A_1081 = tpu.memref_slice %arg4[%gather3A_1078, %gather3A_1079, %gather3A_1080] : memref<8x588x8xf32, #tpu.memory_space<vmem>> -> memref<1x588x8xf32, #tpu.memory_space<vmem>>
      %gather3A_1082 = tpu.memref_squeeze %gather3A_1081 : memref<1x588x8xf32, #tpu.memory_space<vmem>> -> memref<588x8xf32, #tpu.memory_space<vmem>>
      %gather3A_1083 = tpu.vector_load_idx %gather3A_1082[%add3A_1077, %broadcast_in_dim3A_140] : memref<588x8xf32, #tpu.memory_space<vmem>>[vector<16xi32>, vector<16xi32>], vector<16xf32>,
      tpu.vector_store_idx %arg5[%add3A_1077, %broadcast_in_dim3A_867], %gather3A_1083 : memref<588x8xf32, #tpu.memory_space<vmem>>[vector<16xi32>, vector<16xi32>], vector<16xf32>,
      %add3A_1084 = arith.constant 384 : i32
      %add3A_1085 = vector.broadcast %add3A_1084 : i32 to vector<16xi32>
      %add3A_1086 = arith.addi %add3A_1085, %iota3A : vector<16xi32>
      %gather3A_1087 = arith.constant 2 : i32
      %gather3A_1088 = arith.constant 0 : i32
      %gather3A_1089 = arith.constant 0 : i32
      %gather3A_1090 = tpu.memref_slice %arg4[%gather3A_1087, %gather3A_1088, %gather3A_1089] : memref<8x588x8xf32, #tpu.memory_space<vmem>> -> memref<1x588x8xf32, #tpu.memory_space<vmem>>
      %gather3A_1091 = tpu.memref_squeeze %gather3A_1090 : memref<1x588x8xf32, #tpu.memory_space<vmem>> -> memref<588x8xf32, #tpu.memory_space<vmem>>
      %gather3A_1092 = tpu.vector_load_idx %gather3A_1091[%add3A_1086, %broadcast_in_dim3A_140] : memref<588x8xf32, #tpu.memory_space<vmem>>[vector<16xi32>, vector<16xi32>], vector<16xf32>,
      tpu.vector_store_idx %arg5[%add3A_1086, %broadcast_in_dim3A_867], %gather3A_1092 : memref<588x8xf32, #tpu.memory_space<vmem>>[vector<16xi32>, vector<16xi32>], vector<16xf32>,
      %add3A_1093 = arith.constant 400 : i32
      %add3A_1094 = vector.broadcast %add3A_1093 : i32 to vector<16xi32>
      %add3A_1095 = arith.addi %add3A_1094, %iota3A : vector<16xi32>
      %gather3A_1096 = arith.constant 2 : i32
      %gather3A_1097 = arith.constant 0 : i32
      %gather3A_1098 = arith.constant 0 : i32
      %gather3A_1099 = tpu.memref_slice %arg4[%gather3A_1096, %gather3A_1097, %gather3A_1098] : memref<8x588x8xf32, #tpu.memory_space<vmem>> -> memref<1x588x8xf32, #tpu.memory_space<vmem>>
      %gather3A_1100 = tpu.memref_squeeze %gather3A_1099 : memref<1x588x8xf32, #tpu.memory_space<vmem>> -> memref<588x8xf32, #tpu.memory_space<vmem>>
      %gather3A_1101 = tpu.vector_load_idx %gather3A_1100[%add3A_1095, %broadcast_in_dim3A_140] : memref<588x8xf32, #tpu.memory_space<vmem>>[vector<16xi32>, vector<16xi32>], vector<16xf32>,
      tpu.vector_store_idx %arg5[%add3A_1095, %broadcast_in_dim3A_867], %gather3A_1101 : memref<588x8xf32, #tpu.memory_space<vmem>>[vector<16xi32>, vector<16xi32>], vector<16xf32>,
      %add3A_1102 = arith.constant 416 : i32
      %add3A_1103 = vector.broadcast %add3A_1102 : i32 to vector<16xi32>
      %add3A_1104 = arith.addi %add3A_1103, %iota3A : vector<16xi32>
      %gather3A_1105 = arith.constant 2 : i32
      %gather3A_1106 = arith.constant 0 : i32
      %gather3A_1107 = arith.constant 0 : i32
      %gather3A_1108 = tpu.memref_slice %arg4[%gather3A_1105, %gather3A_1106, %gather3A_1107] : memref<8x588x8xf32, #tpu.memory_space<vmem>> -> memref<1x588x8xf32, #tpu.memory_space<vmem>>
      %gather3A_1109 = tpu.memref_squeeze %gather3A_1108 : memref<1x588x8xf32, #tpu.memory_space<vmem>> -> memref<588x8xf32, #tpu.memory_space<vmem>>
      %gather3A_1110 = tpu.vector_load_idx %gather3A_1109[%add3A_1104, %broadcast_in_dim3A_140] : memref<588x8xf32, #tpu.memory_space<vmem>>[vector<16xi32>, vector<16xi32>], vector<16xf32>,
      tpu.vector_store_idx %arg5[%add3A_1104, %broadcast_in_dim3A_867], %gather3A_1110 : memref<588x8xf32, #tpu.memory_space<vmem>>[vector<16xi32>, vector<16xi32>], vector<16xf32>,
      %add3A_1111 = arith.constant 432 : i32
      %add3A_1112 = vector.broadcast %add3A_1111 : i32 to vector<16xi32>
      %add3A_1113 = arith.addi %add3A_1112, %iota3A : vector<16xi32>
      %gather3A_1114 = arith.constant 2 : i32
      %gather3A_1115 = arith.constant 0 : i32
      %gather3A_1116 = arith.constant 0 : i32
      %gather3A_1117 = tpu.memref_slice %arg4[%gather3A_1114, %gather3A_1115, %gather3A_1116] : memref<8x588x8xf32, #tpu.memory_space<vmem>> -> memref<1x588x8xf32, #tpu.memory_space<vmem>>
      %gather3A_1118 = tpu.memref_squeeze %gather3A_1117 : memref<1x588x8xf32, #tpu.memory_space<vmem>> -> memref<588x8xf32, #tpu.memory_space<vmem>>
      %gather3A_1119 = tpu.vector_load_idx %gather3A_1118[%add3A_1113, %broadcast_in_dim3A_140] : memref<588x8xf32, #tpu.memory_space<vmem>>[vector<16xi32>, vector<16xi32>], vector<16xf32>,
      tpu.vector_store_idx %arg5[%add3A_1113, %broadcast_in_dim3A_867], %gather3A_1119 : memref<588x8xf32, #tpu.memory_space<vmem>>[vector<16xi32>, vector<16xi32>], vector<16xf32>,
      %add3A_1120 = arith.constant 448 : i32
      %add3A_1121 = vector.broadcast %add3A_1120 : i32 to vector<16xi32>
      %add3A_1122 = arith.addi %add3A_1121, %iota3A : vector<16xi32>
      %gather3A_1123 = arith.constant 2 : i32
      %gather3A_1124 = arith.constant 0 : i32
      %gather3A_1125 = arith.constant 0 : i32
      %gather3A_1126 = tpu.memref_slice %arg4[%gather3A_1123, %gather3A_1124, %gather3A_1125] : memref<8x588x8xf32, #tpu.memory_space<vmem>> -> memref<1x588x8xf32, #tpu.memory_space<vmem>>
      %gather3A_1127 = tpu.memref_squeeze %gather3A_1126 : memref<1x588x8xf32, #tpu.memory_space<vmem>> -> memref<588x8xf32, #tpu.memory_space<vmem>>
      %gather3A_1128 = tpu.vector_load_idx %gather3A_1127[%add3A_1122, %broadcast_in_dim3A_140] : memref<588x8xf32, #tpu.memory_space<vmem>>[vector<16xi32>, vector<16xi32>], vector<16xf32>,
      tpu.vector_store_idx %arg5[%add3A_1122, %broadcast_in_dim3A_867], %gather3A_1128 : memref<588x8xf32, #tpu.memory_space<vmem>>[vector<16xi32>, vector<16xi32>], vector<16xf32>,
      %add3A_1129 = arith.constant 464 : i32
      %add3A_1130 = vector.broadcast %add3A_1129 : i32 to vector<16xi32>
      %add3A_1131 = arith.addi %add3A_1130, %iota3A : vector<16xi32>
      %gather3A_1132 = arith.constant 2 : i32
      %gather3A_1133 = arith.constant 0 : i32
      %gather3A_1134 = arith.constant 0 : i32
      %gather3A_1135 = tpu.memref_slice %arg4[%gather3A_1132, %gather3A_1133, %gather3A_1134] : memref<8x588x8xf32, #tpu.memory_space<vmem>> -> memref<1x588x8xf32, #tpu.memory_space<vmem>>
      %gather3A_1136 = tpu.memref_squeeze %gather3A_1135 : memref<1x588x8xf32, #tpu.memory_space<vmem>> -> memref<588x8xf32, #tpu.memory_space<vmem>>
      %gather3A_1137 = tpu.vector_load_idx %gather3A_1136[%add3A_1131, %broadcast_in_dim3A_140] : memref<588x8xf32, #tpu.memory_space<vmem>>[vector<16xi32>, vector<16xi32>], vector<16xf32>,
      tpu.vector_store_idx %arg5[%add3A_1131, %broadcast_in_dim3A_867], %gather3A_1137 : memref<588x8xf32, #tpu.memory_space<vmem>>[vector<16xi32>, vector<16xi32>], vector<16xf32>,
      %add3A_1138 = arith.constant 480 : i32
      %add3A_1139 = vector.broadcast %add3A_1138 : i32 to vector<16xi32>
      %add3A_1140 = arith.addi %add3A_1139, %iota3A : vector<16xi32>
      %gather3A_1141 = arith.constant 2 : i32
      %gather3A_1142 = arith.constant 0 : i32
      %gather3A_1143 = arith.constant 0 : i32
      %gather3A_1144 = tpu.memref_slice %arg4[%gather3A_1141, %gather3A_1142, %gather3A_1143] : memref<8x588x8xf32, #tpu.memory_space<vmem>> -> memref<1x588x8xf32, #tpu.memory_space<vmem>>
      %gather3A_1145 = tpu.memref_squeeze %gather3A_1144 : memref<1x588x8xf32, #tpu.memory_space<vmem>> -> memref<588x8xf32, #tpu.memory_space<vmem>>
      %gather3A_1146 = tpu.vector_load_idx %gather3A_1145[%add3A_1140, %broadcast_in_dim3A_140] : memref<588x8xf32, #tpu.memory_space<vmem>>[vector<16xi32>, vector<16xi32>], vector<16xf32>,
      tpu.vector_store_idx %arg5[%add3A_1140, %broadcast_in_dim3A_867], %gather3A_1146 : memref<588x8xf32, #tpu.memory_space<vmem>>[vector<16xi32>, vector<16xi32>], vector<16xf32>,
      %add3A_1147 = arith.constant 496 : i32
      %add3A_1148 = vector.broadcast %add3A_1147 : i32 to vector<16xi32>
      %add3A_1149 = arith.addi %add3A_1148, %iota3A : vector<16xi32>
      %gather3A_1150 = arith.constant 2 : i32
      %gather3A_1151 = arith.constant 0 : i32
      %gather3A_1152 = arith.constant 0 : i32
      %gather3A_1153 = tpu.memref_slice %arg4[%gather3A_1150, %gather3A_1151, %gather3A_1152] : memref<8x588x8xf32, #tpu.memory_space<vmem>> -> memref<1x588x8xf32, #tpu.memory_space<vmem>>
      %gather3A_1154 = tpu.memref_squeeze %gather3A_1153 : memref<1x588x8xf32, #tpu.memory_space<vmem>> -> memref<588x8xf32, #tpu.memory_space<vmem>>
      %gather3A_1155 = tpu.vector_load_idx %gather3A_1154[%add3A_1149, %broadcast_in_dim3A_140] : memref<588x8xf32, #tpu.memory_space<vmem>>[vector<16xi32>, vector<16xi32>], vector<16xf32>,
      tpu.vector_store_idx %arg5[%add3A_1149, %broadcast_in_dim3A_867], %gather3A_1155 : memref<588x8xf32, #tpu.memory_space<vmem>>[vector<16xi32>, vector<16xi32>], vector<16xf32>,
      %add3A_1156 = arith.constant 512 : i32
      %add3A_1157 = vector.broadcast %add3A_1156 : i32 to vector<16xi32>
      %add3A_1158 = arith.addi %add3A_1157, %iota3A : vector<16xi32>
      %gather3A_1159 = arith.constant 2 : i32
      %gather3A_1160 = arith.constant 0 : i32
      %gather3A_1161 = arith.constant 0 : i32
      %gather3A_1162 = tpu.memref_slice %arg4[%gather3A_1159, %gather3A_1160, %gather3A_1161] : memref<8x588x8xf32, #tpu.memory_space<vmem>> -> memref<1x588x8xf32, #tpu.memory_space<vmem>>
      %gather3A_1163 = tpu.memref_squeeze %gather3A_1162 : memref<1x588x8xf32, #tpu.memory_space<vmem>> -> memref<588x8xf32, #tpu.memory_space<vmem>>
      %gather3A_1164 = tpu.vector_load_idx %gather3A_1163[%add3A_1158, %broadcast_in_dim3A_140] : memref<588x8xf32, #tpu.memory_space<vmem>>[vector<16xi32>, vector<16xi32>], vector<16xf32>,
      tpu.vector_store_idx %arg5[%add3A_1158, %broadcast_in_dim3A_867], %gather3A_1164 : memref<588x8xf32, #tpu.memory_space<vmem>>[vector<16xi32>, vector<16xi32>], vector<16xf32>,
      %add3A_1165 = arith.constant 528 : i32
      %add3A_1166 = vector.broadcast %add3A_1165 : i32 to vector<16xi32>
      %add3A_1167 = arith.addi %add3A_1166, %iota3A : vector<16xi32>
      %gather3A_1168 = arith.constant 2 : i32
      %gather3A_1169 = arith.constant 0 : i32
      %gather3A_1170 = arith.constant 0 : i32
      %gather3A_1171 = tpu.memref_slice %arg4[%gather3A_1168, %gather3A_1169, %gather3A_1170] : memref<8x588x8xf32, #tpu.memory_space<vmem>> -> memref<1x588x8xf32, #tpu.memory_space<vmem>>
      %gather3A_1172 = tpu.memref_squeeze %gather3A_1171 : memref<1x588x8xf32, #tpu.memory_space<vmem>> -> memref<588x8xf32, #tpu.memory_space<vmem>>
      %gather3A_1173 = tpu.vector_load_idx %gather3A_1172[%add3A_1167, %broadcast_in_dim3A_140] : memref<588x8xf32, #tpu.memory_space<vmem>>[vector<16xi32>, vector<16xi32>], vector<16xf32>,
      tpu.vector_store_idx %arg5[%add3A_1167, %broadcast_in_dim3A_867], %gather3A_1173 : memref<588x8xf32, #tpu.memory_space<vmem>>[vector<16xi32>, vector<16xi32>], vector<16xf32>,
      %add3A_1174 = arith.constant 544 : i32
      %add3A_1175 = vector.broadcast %add3A_1174 : i32 to vector<16xi32>
      %add3A_1176 = arith.addi %add3A_1175, %iota3A : vector<16xi32>
      %gather3A_1177 = arith.constant 2 : i32
      %gather3A_1178 = arith.constant 0 : i32
      %gather3A_1179 = arith.constant 0 : i32
      %gather3A_1180 = tpu.memref_slice %arg4[%gather3A_1177, %gather3A_1178, %gather3A_1179] : memref<8x588x8xf32, #tpu.memory_space<vmem>> -> memref<1x588x8xf32, #tpu.memory_space<vmem>>
      %gather3A_1181 = tpu.memref_squeeze %gather3A_1180 : memref<1x588x8xf32, #tpu.memory_space<vmem>> -> memref<588x8xf32, #tpu.memory_space<vmem>>
      %gather3A_1182 = tpu.vector_load_idx %gather3A_1181[%add3A_1176, %broadcast_in_dim3A_140] : memref<588x8xf32, #tpu.memory_space<vmem>>[vector<16xi32>, vector<16xi32>], vector<16xf32>,
      tpu.vector_store_idx %arg5[%add3A_1176, %broadcast_in_dim3A_867], %gather3A_1182 : memref<588x8xf32, #tpu.memory_space<vmem>>[vector<16xi32>, vector<16xi32>], vector<16xf32>,
      %add3A_1183 = arith.constant 560 : i32
      %add3A_1184 = vector.broadcast %add3A_1183 : i32 to vector<16xi32>
      %add3A_1185 = arith.addi %add3A_1184, %iota3A : vector<16xi32>
      %gather3A_1186 = arith.constant 2 : i32
      %gather3A_1187 = arith.constant 0 : i32
      %gather3A_1188 = arith.constant 0 : i32
      %gather3A_1189 = tpu.memref_slice %arg4[%gather3A_1186, %gather3A_1187, %gather3A_1188] : memref<8x588x8xf32, #tpu.memory_space<vmem>> -> memref<1x588x8xf32, #tpu.memory_space<vmem>>
      %gather3A_1190 = tpu.memref_squeeze %gather3A_1189 : memref<1x588x8xf32, #tpu.memory_space<vmem>> -> memref<588x8xf32, #tpu.memory_space<vmem>>
      %gather3A_1191 = tpu.vector_load_idx %gather3A_1190[%add3A_1185, %broadcast_in_dim3A_140] : memref<588x8xf32, #tpu.memory_space<vmem>>[vector<16xi32>, vector<16xi32>], vector<16xf32>,
      tpu.vector_store_idx %arg5[%add3A_1185, %broadcast_in_dim3A_867], %gather3A_1191 : memref<588x8xf32, #tpu.memory_space<vmem>>[vector<16xi32>, vector<16xi32>], vector<16xf32>,
      %add3A_1192 = arith.constant 576 : i32
      %add3A_1193 = vector.broadcast %add3A_1192 : i32 to vector<16xi32>
      %add3A_1194 = arith.addi %add3A_1193, %iota3A : vector<16xi32>
      %lt3A_1195 = arith.constant 12 : i32
      %lt3A_1196 = vector.broadcast %lt3A_1195 : i32 to vector<16xi32>
      %lt3A_1197 = arith.cmpi slt, %iota3A, %lt3A_1196 : vector<16xi32>
      %gather3A_1198 = arith.constant 2 : i32
      %gather3A_1199 = arith.constant 0 : i32
      %gather3A_1200 = arith.constant 0 : i32
      %gather3A_1201 = tpu.memref_slice %arg4[%gather3A_1198, %gather3A_1199, %gather3A_1200] : memref<8x588x8xf32, #tpu.memory_space<vmem>> -> memref<1x588x8xf32, #tpu.memory_space<vmem>>
      %gather3A_1202 = tpu.memref_squeeze %gather3A_1201 : memref<1x588x8xf32, #tpu.memory_space<vmem>> -> memref<588x8xf32, #tpu.memory_space<vmem>>
      %gather3A_1203 = tpu.vector_load_idx %gather3A_1202[%add3A_1194, %broadcast_in_dim3A_140] masked %lt3A_1197 : memref<588x8xf32, #tpu.memory_space<vmem>>[vector<16xi32>, vector<16xi32>], vector<16xf32>, vector<16xi1>
      tpu.vector_store_idx %arg5[%add3A_1194, %broadcast_in_dim3A_867], %gather3A_1203 masked %lt3A_1197 : memref<588x8xf32, #tpu.memory_space<vmem>>[vector<16xi32>, vector<16xi32>], vector<16xf32>, vector<16xi1>
      %dma_wait3A_1204 = arith.constant 1 : i32
      %dma_wait3A_1205 = arith.constant 3 : i32
      %dma_wait3A_1206 = arith.constant 3 : i32
      %dma_wait3A_1207 = arith.constant 0 : i32
      %dma_wait3A_1208 = arith.constant 0 : i32
      %dma_wait3A_1209 = tpu.memref_slice %arg4[%dma_wait3A_1206, %dma_wait3A_1207, %dma_wait3A_1208] : memref<8x588x8xf32, #tpu.memory_space<vmem>> -> memref<1x588x8xf32, #tpu.memory_space<vmem>>
      %dma_wait3A_1210 = tpu.memref_squeeze %dma_wait3A_1209 : memref<1x588x8xf32, #tpu.memory_space<vmem>> -> memref<588x8xf32, #tpu.memory_space<vmem>>
      %dma_wait3A_1211 = arith.constant 40 : i32
      %dma_wait3A_1212 = tpu.memref_slice %arg2[%mul3A_2, %dma_wait3A_1204, %dma_wait3A_1205, %dma_wait3A_1211] : memref<18816x2x8x128xf32, #tpu.memory_space<hbm>> -> memref<588x1x1x8xf32, #tpu.memory_space<hbm>>
      %dma_wait3A_1213 = tpu.memref_squeeze %dma_wait3A_1212 : memref<588x1x1x8xf32, #tpu.memory_space<hbm>> -> memref<588x8xf32, #tpu.memory_space<hbm>>
      %dma_wait3A_1214 = arith.constant 0 : i32
      %dma_wait3A_1215 = arith.constant 0 : i32
      %dma_wait3A_1216 = tpu.memref_slice %arg4[%dma_wait3A_1206, %dma_wait3A_1214, %dma_wait3A_1215] : memref<8x588x8xf32, #tpu.memory_space<vmem>> -> memref<1x588x8xf32, #tpu.memory_space<vmem>>
      %dma_wait3A_1217 = tpu.memref_squeeze %dma_wait3A_1216 : memref<1x588x8xf32, #tpu.memory_space<vmem>> -> memref<588x8xf32, #tpu.memory_space<vmem>>
      %dma_wait3A_1218 = arith.constant 40 : i32
      %dma_wait3A_1219 = tpu.memref_slice %arg2[%mul3A_2, %dma_wait3A_1204, %dma_wait3A_1205, %dma_wait3A_1218] : memref<18816x2x8x128xf32, #tpu.memory_space<hbm>> -> memref<588x1x1x8xf32, #tpu.memory_space<hbm>>
      %dma_wait3A_1220 = tpu.memref_squeeze %dma_wait3A_1219 : memref<588x1x1x8xf32, #tpu.memory_space<hbm>> -> memref<588x8xf32, #tpu.memory_space<hbm>>
      tpu.wait_dma2 semaphore(%arg6 : memref<!tpu.dma_semaphore, #tpu.memory_space<semaphore_mem>>) src(%dma_wait3A_1220 : memref<588x8xf32, #tpu.memory_space<hbm>>) dst(%dma_wait3A_1217 : memref<588x8xf32, #tpu.memory_space<vmem>>)
      %broadcast_in_dim3A_1221 = arith.constant 3 : i32
      %broadcast_in_dim3A_1222 = vector.broadcast %broadcast_in_dim3A_1221 : i32 to vector<16xi32>
      %add3A_1223 = arith.constant 0 : i32
      %add3A_1224 = vector.broadcast %add3A_1223 : i32 to vector<16xi32>
      %add3A_1225 = arith.addi %add3A_1224, %iota3A : vector<16xi32>
      %gather3A_1226 = arith.constant 3 : i32
      %gather3A_1227 = arith.constant 0 : i32
      %gather3A_1228 = arith.constant 0 : i32
      %gather3A_1229 = tpu.memref_slice %arg4[%gather3A_1226, %gather3A_1227, %gather3A_1228] : memref<8x588x8xf32, #tpu.memory_space<vmem>> -> memref<1x588x8xf32, #tpu.memory_space<vmem>>
      %gather3A_1230 = tpu.memref_squeeze %gather3A_1229 : memref<1x588x8xf32, #tpu.memory_space<vmem>> -> memref<588x8xf32, #tpu.memory_space<vmem>>
      %gather3A_1231 = tpu.vector_load_idx %gather3A_1230[%add3A_1225, %broadcast_in_dim3A_140] : memref<588x8xf32, #tpu.memory_space<vmem>>[vector<16xi32>, vector<16xi32>], vector<16xf32>,
      tpu.vector_store_idx %arg5[%add3A_1225, %broadcast_in_dim3A_1222], %gather3A_1231 : memref<588x8xf32, #tpu.memory_space<vmem>>[vector<16xi32>, vector<16xi32>], vector<16xf32>,
      %add3A_1232 = arith.constant 16 : i32
      %add3A_1233 = vector.broadcast %add3A_1232 : i32 to vector<16xi32>
      %add3A_1234 = arith.addi %add3A_1233, %iota3A : vector<16xi32>
      %gather3A_1235 = arith.constant 3 : i32
      %gather3A_1236 = arith.constant 0 : i32
      %gather3A_1237 = arith.constant 0 : i32
      %gather3A_1238 = tpu.memref_slice %arg4[%gather3A_1235, %gather3A_1236, %gather3A_1237] : memref<8x588x8xf32, #tpu.memory_space<vmem>> -> memref<1x588x8xf32, #tpu.memory_space<vmem>>
      %gather3A_1239 = tpu.memref_squeeze %gather3A_1238 : memref<1x588x8xf32, #tpu.memory_space<vmem>> -> memref<588x8xf32, #tpu.memory_space<vmem>>
      %gather3A_1240 = tpu.vector_load_idx %gather3A_1239[%add3A_1234, %broadcast_in_dim3A_140] : memref<588x8xf32, #tpu.memory_space<vmem>>[vector<16xi32>, vector<16xi32>], vector<16xf32>,
      tpu.vector_store_idx %arg5[%add3A_1234, %broadcast_in_dim3A_1222], %gather3A_1240 : memref<588x8xf32, #tpu.memory_space<vmem>>[vector<16xi32>, vector<16xi32>], vector<16xf32>,
      %add3A_1241 = arith.constant 32 : i32
      %add3A_1242 = vector.broadcast %add3A_1241 : i32 to vector<16xi32>
      %add3A_1243 = arith.addi %add3A_1242, %iota3A : vector<16xi32>
      %gather3A_1244 = arith.constant 3 : i32
      %gather3A_1245 = arith.constant 0 : i32
      %gather3A_1246 = arith.constant 0 : i32
      %gather3A_1247 = tpu.memref_slice %arg4[%gather3A_1244, %gather3A_1245, %gather3A_1246] : memref<8x588x8xf32, #tpu.memory_space<vmem>> -> memref<1x588x8xf32, #tpu.memory_space<vmem>>
      %gather3A_1248 = tpu.memref_squeeze %gather3A_1247 : memref<1x588x8xf32, #tpu.memory_space<vmem>> -> memref<588x8xf32, #tpu.memory_space<vmem>>
      %gather3A_1249 = tpu.vector_load_idx %gather3A_1248[%add3A_1243, %broadcast_in_dim3A_140] : memref<588x8xf32, #tpu.memory_space<vmem>>[vector<16xi32>, vector<16xi32>], vector<16xf32>,
      tpu.vector_store_idx %arg5[%add3A_1243, %broadcast_in_dim3A_1222], %gather3A_1249 : memref<588x8xf32, #tpu.memory_space<vmem>>[vector<16xi32>, vector<16xi32>], vector<16xf32>,
      %add3A_1250 = arith.constant 48 : i32
      %add3A_1251 = vector.broadcast %add3A_1250 : i32 to vector<16xi32>
      %add3A_1252 = arith.addi %add3A_1251, %iota3A : vector<16xi32>
      %gather3A_1253 = arith.constant 3 : i32
      %gather3A_1254 = arith.constant 0 : i32
      %gather3A_1255 = arith.constant 0 : i32
      %gather3A_1256 = tpu.memref_slice %arg4[%gather3A_1253, %gather3A_1254, %gather3A_1255] : memref<8x588x8xf32, #tpu.memory_space<vmem>> -> memref<1x588x8xf32, #tpu.memory_space<vmem>>
      %gather3A_1257 = tpu.memref_squeeze %gather3A_1256 : memref<1x588x8xf32, #tpu.memory_space<vmem>> -> memref<588x8xf32, #tpu.memory_space<vmem>>
      %gather3A_1258 = tpu.vector_load_idx %gather3A_1257[%add3A_1252, %broadcast_in_dim3A_140] : memref<588x8xf32, #tpu.memory_space<vmem>>[vector<16xi32>, vector<16xi32>], vector<16xf32>,
      tpu.vector_store_idx %arg5[%add3A_1252, %broadcast_in_dim3A_1222], %gather3A_1258 : memref<588x8xf32, #tpu.memory_space<vmem>>[vector<16xi32>, vector<16xi32>], vector<16xf32>,
      %add3A_1259 = arith.constant 64 : i32
      %add3A_1260 = vector.broadcast %add3A_1259 : i32 to vector<16xi32>
      %add3A_1261 = arith.addi %add3A_1260, %iota3A : vector<16xi32>
      %gather3A_1262 = arith.constant 3 : i32
      %gather3A_1263 = arith.constant 0 : i32
      %gather3A_1264 = arith.constant 0 : i32
      %gather3A_1265 = tpu.memref_slice %arg4[%gather3A_1262, %gather3A_1263, %gather3A_1264] : memref<8x588x8xf32, #tpu.memory_space<vmem>> -> memref<1x588x8xf32, #tpu.memory_space<vmem>>
      %gather3A_1266 = tpu.memref_squeeze %gather3A_1265 : memref<1x588x8xf32, #tpu.memory_space<vmem>> -> memref<588x8xf32, #tpu.memory_space<vmem>>
      %gather3A_1267 = tpu.vector_load_idx %gather3A_1266[%add3A_1261, %broadcast_in_dim3A_140] : memref<588x8xf32, #tpu.memory_space<vmem>>[vector<16xi32>, vector<16xi32>], vector<16xf32>,
      tpu.vector_store_idx %arg5[%add3A_1261, %broadcast_in_dim3A_1222], %gather3A_1267 : memref<588x8xf32, #tpu.memory_space<vmem>>[vector<16xi32>, vector<16xi32>], vector<16xf32>,
      %add3A_1268 = arith.constant 80 : i32
      %add3A_1269 = vector.broadcast %add3A_1268 : i32 to vector<16xi32>
      %add3A_1270 = arith.addi %add3A_1269, %iota3A : vector<16xi32>
      %gather3A_1271 = arith.constant 3 : i32
      %gather3A_1272 = arith.constant 0 : i32
      %gather3A_1273 = arith.constant 0 : i32
      %gather3A_1274 = tpu.memref_slice %arg4[%gather3A_1271, %gather3A_1272, %gather3A_1273] : memref<8x588x8xf32, #tpu.memory_space<vmem>> -> memref<1x588x8xf32, #tpu.memory_space<vmem>>
      %gather3A_1275 = tpu.memref_squeeze %gather3A_1274 : memref<1x588x8xf32, #tpu.memory_space<vmem>> -> memref<588x8xf32, #tpu.memory_space<vmem>>
      %gather3A_1276 = tpu.vector_load_idx %gather3A_1275[%add3A_1270, %broadcast_in_dim3A_140] : memref<588x8xf32, #tpu.memory_space<vmem>>[vector<16xi32>, vector<16xi32>], vector<16xf32>,
      tpu.vector_store_idx %arg5[%add3A_1270, %broadcast_in_dim3A_1222], %gather3A_1276 : memref<588x8xf32, #tpu.memory_space<vmem>>[vector<16xi32>, vector<16xi32>], vector<16xf32>,
      %add3A_1277 = arith.constant 96 : i32
      %add3A_1278 = vector.broadcast %add3A_1277 : i32 to vector<16xi32>
      %add3A_1279 = arith.addi %add3A_1278, %iota3A : vector<16xi32>
      %gather3A_1280 = arith.constant 3 : i32
      %gather3A_1281 = arith.constant 0 : i32
      %gather3A_1282 = arith.constant 0 : i32
      %gather3A_1283 = tpu.memref_slice %arg4[%gather3A_1280, %gather3A_1281, %gather3A_1282] : memref<8x588x8xf32, #tpu.memory_space<vmem>> -> memref<1x588x8xf32, #tpu.memory_space<vmem>>
      %gather3A_1284 = tpu.memref_squeeze %gather3A_1283 : memref<1x588x8xf32, #tpu.memory_space<vmem>> -> memref<588x8xf32, #tpu.memory_space<vmem>>
      %gather3A_1285 = tpu.vector_load_idx %gather3A_1284[%add3A_1279, %broadcast_in_dim3A_140] : memref<588x8xf32, #tpu.memory_space<vmem>>[vector<16xi32>, vector<16xi32>], vector<16xf32>,
      tpu.vector_store_idx %arg5[%add3A_1279, %broadcast_in_dim3A_1222], %gather3A_1285 : memref<588x8xf32, #tpu.memory_space<vmem>>[vector<16xi32>, vector<16xi32>], vector<16xf32>,
      %add3A_1286 = arith.constant 112 : i32
      %add3A_1287 = vector.broadcast %add3A_1286 : i32 to vector<16xi32>
      %add3A_1288 = arith.addi %add3A_1287, %iota3A : vector<16xi32>
      %gather3A_1289 = arith.constant 3 : i32
      %gather3A_1290 = arith.constant 0 : i32
      %gather3A_1291 = arith.constant 0 : i32
      %gather3A_1292 = tpu.memref_slice %arg4[%gather3A_1289, %gather3A_1290, %gather3A_1291] : memref<8x588x8xf32, #tpu.memory_space<vmem>> -> memref<1x588x8xf32, #tpu.memory_space<vmem>>
      %gather3A_1293 = tpu.memref_squeeze %gather3A_1292 : memref<1x588x8xf32, #tpu.memory_space<vmem>> -> memref<588x8xf32, #tpu.memory_space<vmem>>
      %gather3A_1294 = tpu.vector_load_idx %gather3A_1293[%add3A_1288, %broadcast_in_dim3A_140] : memref<588x8xf32, #tpu.memory_space<vmem>>[vector<16xi32>, vector<16xi32>], vector<16xf32>,
      tpu.vector_store_idx %arg5[%add3A_1288, %broadcast_in_dim3A_1222], %gather3A_1294 : memref<588x8xf32, #tpu.memory_space<vmem>>[vector<16xi32>, vector<16xi32>], vector<16xf32>,
      %add3A_1295 = arith.constant 128 : i32
      %add3A_1296 = vector.broadcast %add3A_1295 : i32 to vector<16xi32>
      %add3A_1297 = arith.addi %add3A_1296, %iota3A : vector<16xi32>
      %gather3A_1298 = arith.constant 3 : i32
      %gather3A_1299 = arith.constant 0 : i32
      %gather3A_1300 = arith.constant 0 : i32
      %gather3A_1301 = tpu.memref_slice %arg4[%gather3A_1298, %gather3A_1299, %gather3A_1300] : memref<8x588x8xf32, #tpu.memory_space<vmem>> -> memref<1x588x8xf32, #tpu.memory_space<vmem>>
      %gather3A_1302 = tpu.memref_squeeze %gather3A_1301 : memref<1x588x8xf32, #tpu.memory_space<vmem>> -> memref<588x8xf32, #tpu.memory_space<vmem>>
      %gather3A_1303 = tpu.vector_load_idx %gather3A_1302[%add3A_1297, %broadcast_in_dim3A_140] : memref<588x8xf32, #tpu.memory_space<vmem>>[vector<16xi32>, vector<16xi32>], vector<16xf32>,
      tpu.vector_store_idx %arg5[%add3A_1297, %broadcast_in_dim3A_1222], %gather3A_1303 : memref<588x8xf32, #tpu.memory_space<vmem>>[vector<16xi32>, vector<16xi32>], vector<16xf32>,
      %add3A_1304 = arith.constant 144 : i32
      %add3A_1305 = vector.broadcast %add3A_1304 : i32 to vector<16xi32>
      %add3A_1306 = arith.addi %add3A_1305, %iota3A : vector<16xi32>
      %gather3A_1307 = arith.constant 3 : i32
      %gather3A_1308 = arith.constant 0 : i32
      %gather3A_1309 = arith.constant 0 : i32
      %gather3A_1310 = tpu.memref_slice %arg4[%gather3A_1307, %gather3A_1308, %gather3A_1309] : memref<8x588x8xf32, #tpu.memory_space<vmem>> -> memref<1x588x8xf32, #tpu.memory_space<vmem>>
      %gather3A_1311 = tpu.memref_squeeze %gather3A_1310 : memref<1x588x8xf32, #tpu.memory_space<vmem>> -> memref<588x8xf32, #tpu.memory_space<vmem>>
      %gather3A_1312 = tpu.vector_load_idx %gather3A_1311[%add3A_1306, %broadcast_in_dim3A_140] : memref<588x8xf32, #tpu.memory_space<vmem>>[vector<16xi32>, vector<16xi32>], vector<16xf32>,
      tpu.vector_store_idx %arg5[%add3A_1306, %broadcast_in_dim3A_1222], %gather3A_1312 : memref<588x8xf32, #tpu.memory_space<vmem>>[vector<16xi32>, vector<16xi32>], vector<16xf32>,
      %add3A_1313 = arith.constant 160 : i32
      %add3A_1314 = vector.broadcast %add3A_1313 : i32 to vector<16xi32>
      %add3A_1315 = arith.addi %add3A_1314, %iota3A : vector<16xi32>
      %gather3A_1316 = arith.constant 3 : i32
      %gather3A_1317 = arith.constant 0 : i32
      %gather3A_1318 = arith.constant 0 : i32
      %gather3A_1319 = tpu.memref_slice %arg4[%gather3A_1316, %gather3A_1317, %gather3A_1318] : memref<8x588x8xf32, #tpu.memory_space<vmem>> -> memref<1x588x8xf32, #tpu.memory_space<vmem>>
      %gather3A_1320 = tpu.memref_squeeze %gather3A_1319 : memref<1x588x8xf32, #tpu.memory_space<vmem>> -> memref<588x8xf32, #tpu.memory_space<vmem>>
      %gather3A_1321 = tpu.vector_load_idx %gather3A_1320[%add3A_1315, %broadcast_in_dim3A_140] : memref<588x8xf32, #tpu.memory_space<vmem>>[vector<16xi32>, vector<16xi32>], vector<16xf32>,
      tpu.vector_store_idx %arg5[%add3A_1315, %broadcast_in_dim3A_1222], %gather3A_1321 : memref<588x8xf32, #tpu.memory_space<vmem>>[vector<16xi32>, vector<16xi32>], vector<16xf32>,
      %add3A_1322 = arith.constant 176 : i32
      %add3A_1323 = vector.broadcast %add3A_1322 : i32 to vector<16xi32>
      %add3A_1324 = arith.addi %add3A_1323, %iota3A : vector<16xi32>
      %gather3A_1325 = arith.constant 3 : i32
      %gather3A_1326 = arith.constant 0 : i32
      %gather3A_1327 = arith.constant 0 : i32
      %gather3A_1328 = tpu.memref_slice %arg4[%gather3A_1325, %gather3A_1326, %gather3A_1327] : memref<8x588x8xf32, #tpu.memory_space<vmem>> -> memref<1x588x8xf32, #tpu.memory_space<vmem>>
      %gather3A_1329 = tpu.memref_squeeze %gather3A_1328 : memref<1x588x8xf32, #tpu.memory_space<vmem>> -> memref<588x8xf32, #tpu.memory_space<vmem>>
      %gather3A_1330 = tpu.vector_load_idx %gather3A_1329[%add3A_1324, %broadcast_in_dim3A_140] : memref<588x8xf32, #tpu.memory_space<vmem>>[vector<16xi32>, vector<16xi32>], vector<16xf32>,
      tpu.vector_store_idx %arg5[%add3A_1324, %broadcast_in_dim3A_1222], %gather3A_1330 : memref<588x8xf32, #tpu.memory_space<vmem>>[vector<16xi32>, vector<16xi32>], vector<16xf32>,
      %add3A_1331 = arith.constant 192 : i32
      %add3A_1332 = vector.broadcast %add3A_1331 : i32 to vector<16xi32>
      %add3A_1333 = arith.addi %add3A_1332, %iota3A : vector<16xi32>
      %gather3A_1334 = arith.constant 3 : i32
      %gather3A_1335 = arith.constant 0 : i32
      %gather3A_1336 = arith.constant 0 : i32
      %gather3A_1337 = tpu.memref_slice %arg4[%gather3A_1334, %gather3A_1335, %gather3A_1336] : memref<8x588x8xf32, #tpu.memory_space<vmem>> -> memref<1x588x8xf32, #tpu.memory_space<vmem>>
      %gather3A_1338 = tpu.memref_squeeze %gather3A_1337 : memref<1x588x8xf32, #tpu.memory_space<vmem>> -> memref<588x8xf32, #tpu.memory_space<vmem>>
      %gather3A_1339 = tpu.vector_load_idx %gather3A_1338[%add3A_1333, %broadcast_in_dim3A_140] : memref<588x8xf32, #tpu.memory_space<vmem>>[vector<16xi32>, vector<16xi32>], vector<16xf32>,
      tpu.vector_store_idx %arg5[%add3A_1333, %broadcast_in_dim3A_1222], %gather3A_1339 : memref<588x8xf32, #tpu.memory_space<vmem>>[vector<16xi32>, vector<16xi32>], vector<16xf32>,
      %add3A_1340 = arith.constant 208 : i32
      %add3A_1341 = vector.broadcast %add3A_1340 : i32 to vector<16xi32>
      %add3A_1342 = arith.addi %add3A_1341, %iota3A : vector<16xi32>
      %gather3A_1343 = arith.constant 3 : i32
      %gather3A_1344 = arith.constant 0 : i32
      %gather3A_1345 = arith.constant 0 : i32
      %gather3A_1346 = tpu.memref_slice %arg4[%gather3A_1343, %gather3A_1344, %gather3A_1345] : memref<8x588x8xf32, #tpu.memory_space<vmem>> -> memref<1x588x8xf32, #tpu.memory_space<vmem>>
      %gather3A_1347 = tpu.memref_squeeze %gather3A_1346 : memref<1x588x8xf32, #tpu.memory_space<vmem>> -> memref<588x8xf32, #tpu.memory_space<vmem>>
      %gather3A_1348 = tpu.vector_load_idx %gather3A_1347[%add3A_1342, %broadcast_in_dim3A_140] : memref<588x8xf32, #tpu.memory_space<vmem>>[vector<16xi32>, vector<16xi32>], vector<16xf32>,
      tpu.vector_store_idx %arg5[%add3A_1342, %broadcast_in_dim3A_1222], %gather3A_1348 : memref<588x8xf32, #tpu.memory_space<vmem>>[vector<16xi32>, vector<16xi32>], vector<16xf32>,
      %add3A_1349 = arith.constant 224 : i32
      %add3A_1350 = vector.broadcast %add3A_1349 : i32 to vector<16xi32>
      %add3A_1351 = arith.addi %add3A_1350, %iota3A : vector<16xi32>
      %gather3A_1352 = arith.constant 3 : i32
      %gather3A_1353 = arith.constant 0 : i32
      %gather3A_1354 = arith.constant 0 : i32
      %gather3A_1355 = tpu.memref_slice %arg4[%gather3A_1352, %gather3A_1353, %gather3A_1354] : memref<8x588x8xf32, #tpu.memory_space<vmem>> -> memref<1x588x8xf32, #tpu.memory_space<vmem>>
      %gather3A_1356 = tpu.memref_squeeze %gather3A_1355 : memref<1x588x8xf32, #tpu.memory_space<vmem>> -> memref<588x8xf32, #tpu.memory_space<vmem>>
      %gather3A_1357 = tpu.vector_load_idx %gather3A_1356[%add3A_1351, %broadcast_in_dim3A_140] : memref<588x8xf32, #tpu.memory_space<vmem>>[vector<16xi32>, vector<16xi32>], vector<16xf32>,
      tpu.vector_store_idx %arg5[%add3A_1351, %broadcast_in_dim3A_1222], %gather3A_1357 : memref<588x8xf32, #tpu.memory_space<vmem>>[vector<16xi32>, vector<16xi32>], vector<16xf32>,
      %add3A_1358 = arith.constant 240 : i32
      %add3A_1359 = vector.broadcast %add3A_1358 : i32 to vector<16xi32>
      %add3A_1360 = arith.addi %add3A_1359, %iota3A : vector<16xi32>
      %gather3A_1361 = arith.constant 3 : i32
      %gather3A_1362 = arith.constant 0 : i32
      %gather3A_1363 = arith.constant 0 : i32
      %gather3A_1364 = tpu.memref_slice %arg4[%gather3A_1361, %gather3A_1362, %gather3A_1363] : memref<8x588x8xf32, #tpu.memory_space<vmem>> -> memref<1x588x8xf32, #tpu.memory_space<vmem>>
      %gather3A_1365 = tpu.memref_squeeze %gather3A_1364 : memref<1x588x8xf32, #tpu.memory_space<vmem>> -> memref<588x8xf32, #tpu.memory_space<vmem>>
      %gather3A_1366 = tpu.vector_load_idx %gather3A_1365[%add3A_1360, %broadcast_in_dim3A_140] : memref<588x8xf32, #tpu.memory_space<vmem>>[vector<16xi32>, vector<16xi32>], vector<16xf32>,
      tpu.vector_store_idx %arg5[%add3A_1360, %broadcast_in_dim3A_1222], %gather3A_1366 : memref<588x8xf32, #tpu.memory_space<vmem>>[vector<16xi32>, vector<16xi32>], vector<16xf32>,
      %add3A_1367 = arith.constant 256 : i32
      %add3A_1368 = vector.broadcast %add3A_1367 : i32 to vector<16xi32>
      %add3A_1369 = arith.addi %add3A_1368, %iota3A : vector<16xi32>
      %gather3A_1370 = arith.constant 3 : i32
      %gather3A_1371 = arith.constant 0 : i32
      %gather3A_1372 = arith.constant 0 : i32
      %gather3A_1373 = tpu.memref_slice %arg4[%gather3A_1370, %gather3A_1371, %gather3A_1372] : memref<8x588x8xf32, #tpu.memory_space<vmem>> -> memref<1x588x8xf32, #tpu.memory_space<vmem>>
      %gather3A_1374 = tpu.memref_squeeze %gather3A_1373 : memref<1x588x8xf32, #tpu.memory_space<vmem>> -> memref<588x8xf32, #tpu.memory_space<vmem>>
      %gather3A_1375 = tpu.vector_load_idx %gather3A_1374[%add3A_1369, %broadcast_in_dim3A_140] : memref<588x8xf32, #tpu.memory_space<vmem>>[vector<16xi32>, vector<16xi32>], vector<16xf32>,
      tpu.vector_store_idx %arg5[%add3A_1369, %broadcast_in_dim3A_1222], %gather3A_1375 : memref<588x8xf32, #tpu.memory_space<vmem>>[vector<16xi32>, vector<16xi32>], vector<16xf32>,
      %add3A_1376 = arith.constant 272 : i32
      %add3A_1377 = vector.broadcast %add3A_1376 : i32 to vector<16xi32>
      %add3A_1378 = arith.addi %add3A_1377, %iota3A : vector<16xi32>
      %gather3A_1379 = arith.constant 3 : i32
      %gather3A_1380 = arith.constant 0 : i32
      %gather3A_1381 = arith.constant 0 : i32
      %gather3A_1382 = tpu.memref_slice %arg4[%gather3A_1379, %gather3A_1380, %gather3A_1381] : memref<8x588x8xf32, #tpu.memory_space<vmem>> -> memref<1x588x8xf32, #tpu.memory_space<vmem>>
      %gather3A_1383 = tpu.memref_squeeze %gather3A_1382 : memref<1x588x8xf32, #tpu.memory_space<vmem>> -> memref<588x8xf32, #tpu.memory_space<vmem>>
      %gather3A_1384 = tpu.vector_load_idx %gather3A_1383[%add3A_1378, %broadcast_in_dim3A_140] : memref<588x8xf32, #tpu.memory_space<vmem>>[vector<16xi32>, vector<16xi32>], vector<16xf32>,
      tpu.vector_store_idx %arg5[%add3A_1378, %broadcast_in_dim3A_1222], %gather3A_1384 : memref<588x8xf32, #tpu.memory_space<vmem>>[vector<16xi32>, vector<16xi32>], vector<16xf32>,
      %add3A_1385 = arith.constant 288 : i32
      %add3A_1386 = vector.broadcast %add3A_1385 : i32 to vector<16xi32>
      %add3A_1387 = arith.addi %add3A_1386, %iota3A : vector<16xi32>
      %gather3A_1388 = arith.constant 3 : i32
      %gather3A_1389 = arith.constant 0 : i32
      %gather3A_1390 = arith.constant 0 : i32
      %gather3A_1391 = tpu.memref_slice %arg4[%gather3A_1388, %gather3A_1389, %gather3A_1390] : memref<8x588x8xf32, #tpu.memory_space<vmem>> -> memref<1x588x8xf32, #tpu.memory_space<vmem>>
      %gather3A_1392 = tpu.memref_squeeze %gather3A_1391 : memref<1x588x8xf32, #tpu.memory_space<vmem>> -> memref<588x8xf32, #tpu.memory_space<vmem>>
      %gather3A_1393 = tpu.vector_load_idx %gather3A_1392[%add3A_1387, %broadcast_in_dim3A_140] : memref<588x8xf32, #tpu.memory_space<vmem>>[vector<16xi32>, vector<16xi32>], vector<16xf32>,
      tpu.vector_store_idx %arg5[%add3A_1387, %broadcast_in_dim3A_1222], %gather3A_1393 : memref<588x8xf32, #tpu.memory_space<vmem>>[vector<16xi32>, vector<16xi32>], vector<16xf32>,
      %add3A_1394 = arith.constant 304 : i32
      %add3A_1395 = vector.broadcast %add3A_1394 : i32 to vector<16xi32>
      %add3A_1396 = arith.addi %add3A_1395, %iota3A : vector<16xi32>
      %gather3A_1397 = arith.constant 3 : i32
      %gather3A_1398 = arith.constant 0 : i32
      %gather3A_1399 = arith.constant 0 : i32
      %gather3A_1400 = tpu.memref_slice %arg4[%gather3A_1397, %gather3A_1398, %gather3A_1399] : memref<8x588x8xf32, #tpu.memory_space<vmem>> -> memref<1x588x8xf32, #tpu.memory_space<vmem>>
      %gather3A_1401 = tpu.memref_squeeze %gather3A_1400 : memref<1x588x8xf32, #tpu.memory_space<vmem>> -> memref<588x8xf32, #tpu.memory_space<vmem>>
      %gather3A_1402 = tpu.vector_load_idx %gather3A_1401[%add3A_1396, %broadcast_in_dim3A_140] : memref<588x8xf32, #tpu.memory_space<vmem>>[vector<16xi32>, vector<16xi32>], vector<16xf32>,
      tpu.vector_store_idx %arg5[%add3A_1396, %broadcast_in_dim3A_1222], %gather3A_1402 : memref<588x8xf32, #tpu.memory_space<vmem>>[vector<16xi32>, vector<16xi32>], vector<16xf32>,
      %add3A_1403 = arith.constant 320 : i32
      %add3A_1404 = vector.broadcast %add3A_1403 : i32 to vector<16xi32>
      %add3A_1405 = arith.addi %add3A_1404, %iota3A : vector<16xi32>
      %gather3A_1406 = arith.constant 3 : i32
      %gather3A_1407 = arith.constant 0 : i32
      %gather3A_1408 = arith.constant 0 : i32
      %gather3A_1409 = tpu.memref_slice %arg4[%gather3A_1406, %gather3A_1407, %gather3A_1408] : memref<8x588x8xf32, #tpu.memory_space<vmem>> -> memref<1x588x8xf32, #tpu.memory_space<vmem>>
      %gather3A_1410 = tpu.memref_squeeze %gather3A_1409 : memref<1x588x8xf32, #tpu.memory_space<vmem>> -> memref<588x8xf32, #tpu.memory_space<vmem>>
      %gather3A_1411 = tpu.vector_load_idx %gather3A_1410[%add3A_1405, %broadcast_in_dim3A_140] : memref<588x8xf32, #tpu.memory_space<vmem>>[vector<16xi32>, vector<16xi32>], vector<16xf32>,
      tpu.vector_store_idx %arg5[%add3A_1405, %broadcast_in_dim3A_1222], %gather3A_1411 : memref<588x8xf32, #tpu.memory_space<vmem>>[vector<16xi32>, vector<16xi32>], vector<16xf32>,
      %add3A_1412 = arith.constant 336 : i32
      %add3A_1413 = vector.broadcast %add3A_1412 : i32 to vector<16xi32>
      %add3A_1414 = arith.addi %add3A_1413, %iota3A : vector<16xi32>
      %gather3A_1415 = arith.constant 3 : i32
      %gather3A_1416 = arith.constant 0 : i32
      %gather3A_1417 = arith.constant 0 : i32
      %gather3A_1418 = tpu.memref_slice %arg4[%gather3A_1415, %gather3A_1416, %gather3A_1417] : memref<8x588x8xf32, #tpu.memory_space<vmem>> -> memref<1x588x8xf32, #tpu.memory_space<vmem>>
      %gather3A_1419 = tpu.memref_squeeze %gather3A_1418 : memref<1x588x8xf32, #tpu.memory_space<vmem>> -> memref<588x8xf32, #tpu.memory_space<vmem>>
      %gather3A_1420 = tpu.vector_load_idx %gather3A_1419[%add3A_1414, %broadcast_in_dim3A_140] : memref<588x8xf32, #tpu.memory_space<vmem>>[vector<16xi32>, vector<16xi32>], vector<16xf32>,
      tpu.vector_store_idx %arg5[%add3A_1414, %broadcast_in_dim3A_1222], %gather3A_1420 : memref<588x8xf32, #tpu.memory_space<vmem>>[vector<16xi32>, vector<16xi32>], vector<16xf32>,
      %add3A_1421 = arith.constant 352 : i32
      %add3A_1422 = vector.broadcast %add3A_1421 : i32 to vector<16xi32>
      %add3A_1423 = arith.addi %add3A_1422, %iota3A : vector<16xi32>
      %gather3A_1424 = arith.constant 3 : i32
      %gather3A_1425 = arith.constant 0 : i32
      %gather3A_1426 = arith.constant 0 : i32
      %gather3A_1427 = tpu.memref_slice %arg4[%gather3A_1424, %gather3A_1425, %gather3A_1426] : memref<8x588x8xf32, #tpu.memory_space<vmem>> -> memref<1x588x8xf32, #tpu.memory_space<vmem>>
      %gather3A_1428 = tpu.memref_squeeze %gather3A_1427 : memref<1x588x8xf32, #tpu.memory_space<vmem>> -> memref<588x8xf32, #tpu.memory_space<vmem>>
      %gather3A_1429 = tpu.vector_load_idx %gather3A_1428[%add3A_1423, %broadcast_in_dim3A_140] : memref<588x8xf32, #tpu.memory_space<vmem>>[vector<16xi32>, vector<16xi32>], vector<16xf32>,
      tpu.vector_store_idx %arg5[%add3A_1423, %broadcast_in_dim3A_1222], %gather3A_1429 : memref<588x8xf32, #tpu.memory_space<vmem>>[vector<16xi32>, vector<16xi32>], vector<16xf32>,
      %add3A_1430 = arith.constant 368 : i32
      %add3A_1431 = vector.broadcast %add3A_1430 : i32 to vector<16xi32>
      %add3A_1432 = arith.addi %add3A_1431, %iota3A : vector<16xi32>
      %gather3A_1433 = arith.constant 3 : i32
      %gather3A_1434 = arith.constant 0 : i32
      %gather3A_1435 = arith.constant 0 : i32
      %gather3A_1436 = tpu.memref_slice %arg4[%gather3A_1433, %gather3A_1434, %gather3A_1435] : memref<8x588x8xf32, #tpu.memory_space<vmem>> -> memref<1x588x8xf32, #tpu.memory_space<vmem>>
      %gather3A_1437 = tpu.memref_squeeze %gather3A_1436 : memref<1x588x8xf32, #tpu.memory_space<vmem>> -> memref<588x8xf32, #tpu.memory_space<vmem>>
      %gather3A_1438 = tpu.vector_load_idx %gather3A_1437[%add3A_1432, %broadcast_in_dim3A_140] : memref<588x8xf32, #tpu.memory_space<vmem>>[vector<16xi32>, vector<16xi32>], vector<16xf32>,
      tpu.vector_store_idx %arg5[%add3A_1432, %broadcast_in_dim3A_1222], %gather3A_1438 : memref<588x8xf32, #tpu.memory_space<vmem>>[vector<16xi32>, vector<16xi32>], vector<16xf32>,
      %add3A_1439 = arith.constant 384 : i32
      %add3A_1440 = vector.broadcast %add3A_1439 : i32 to vector<16xi32>
      %add3A_1441 = arith.addi %add3A_1440, %iota3A : vector<16xi32>
      %gather3A_1442 = arith.constant 3 : i32
      %gather3A_1443 = arith.constant 0 : i32
      %gather3A_1444 = arith.constant 0 : i32
      %gather3A_1445 = tpu.memref_slice %arg4[%gather3A_1442, %gather3A_1443, %gather3A_1444] : memref<8x588x8xf32, #tpu.memory_space<vmem>> -> memref<1x588x8xf32, #tpu.memory_space<vmem>>
      %gather3A_1446 = tpu.memref_squeeze %gather3A_1445 : memref<1x588x8xf32, #tpu.memory_space<vmem>> -> memref<588x8xf32, #tpu.memory_space<vmem>>
      %gather3A_1447 = tpu.vector_load_idx %gather3A_1446[%add3A_1441, %broadcast_in_dim3A_140] : memref<588x8xf32, #tpu.memory_space<vmem>>[vector<16xi32>, vector<16xi32>], vector<16xf32>,
      tpu.vector_store_idx %arg5[%add3A_1441, %broadcast_in_dim3A_1222], %gather3A_1447 : memref<588x8xf32, #tpu.memory_space<vmem>>[vector<16xi32>, vector<16xi32>], vector<16xf32>,
      %add3A_1448 = arith.constant 400 : i32
      %add3A_1449 = vector.broadcast %add3A_1448 : i32 to vector<16xi32>
      %add3A_1450 = arith.addi %add3A_1449, %iota3A : vector<16xi32>
      %gather3A_1451 = arith.constant 3 : i32
      %gather3A_1452 = arith.constant 0 : i32
      %gather3A_1453 = arith.constant 0 : i32
      %gather3A_1454 = tpu.memref_slice %arg4[%gather3A_1451, %gather3A_1452, %gather3A_1453] : memref<8x588x8xf32, #tpu.memory_space<vmem>> -> memref<1x588x8xf32, #tpu.memory_space<vmem>>
      %gather3A_1455 = tpu.memref_squeeze %gather3A_1454 : memref<1x588x8xf32, #tpu.memory_space<vmem>> -> memref<588x8xf32, #tpu.memory_space<vmem>>
      %gather3A_1456 = tpu.vector_load_idx %gather3A_1455[%add3A_1450, %broadcast_in_dim3A_140] : memref<588x8xf32, #tpu.memory_space<vmem>>[vector<16xi32>, vector<16xi32>], vector<16xf32>,
      tpu.vector_store_idx %arg5[%add3A_1450, %broadcast_in_dim3A_1222], %gather3A_1456 : memref<588x8xf32, #tpu.memory_space<vmem>>[vector<16xi32>, vector<16xi32>], vector<16xf32>,
      %add3A_1457 = arith.constant 416 : i32
      %add3A_1458 = vector.broadcast %add3A_1457 : i32 to vector<16xi32>
      %add3A_1459 = arith.addi %add3A_1458, %iota3A : vector<16xi32>
      %gather3A_1460 = arith.constant 3 : i32
      %gather3A_1461 = arith.constant 0 : i32
      %gather3A_1462 = arith.constant 0 : i32
      %gather3A_1463 = tpu.memref_slice %arg4[%gather3A_1460, %gather3A_1461, %gather3A_1462] : memref<8x588x8xf32, #tpu.memory_space<vmem>> -> memref<1x588x8xf32, #tpu.memory_space<vmem>>
      %gather3A_1464 = tpu.memref_squeeze %gather3A_1463 : memref<1x588x8xf32, #tpu.memory_space<vmem>> -> memref<588x8xf32, #tpu.memory_space<vmem>>
      %gather3A_1465 = tpu.vector_load_idx %gather3A_1464[%add3A_1459, %broadcast_in_dim3A_140] : memref<588x8xf32, #tpu.memory_space<vmem>>[vector<16xi32>, vector<16xi32>], vector<16xf32>,
      tpu.vector_store_idx %arg5[%add3A_1459, %broadcast_in_dim3A_1222], %gather3A_1465 : memref<588x8xf32, #tpu.memory_space<vmem>>[vector<16xi32>, vector<16xi32>], vector<16xf32>,
      %add3A_1466 = arith.constant 432 : i32
      %add3A_1467 = vector.broadcast %add3A_1466 : i32 to vector<16xi32>
      %add3A_1468 = arith.addi %add3A_1467, %iota3A : vector<16xi32>
      %gather3A_1469 = arith.constant 3 : i32
      %gather3A_1470 = arith.constant 0 : i32
      %gather3A_1471 = arith.constant 0 : i32
      %gather3A_1472 = tpu.memref_slice %arg4[%gather3A_1469, %gather3A_1470, %gather3A_1471] : memref<8x588x8xf32, #tpu.memory_space<vmem>> -> memref<1x588x8xf32, #tpu.memory_space<vmem>>
      %gather3A_1473 = tpu.memref_squeeze %gather3A_1472 : memref<1x588x8xf32, #tpu.memory_space<vmem>> -> memref<588x8xf32, #tpu.memory_space<vmem>>
      %gather3A_1474 = tpu.vector_load_idx %gather3A_1473[%add3A_1468, %broadcast_in_dim3A_140] : memref<588x8xf32, #tpu.memory_space<vmem>>[vector<16xi32>, vector<16xi32>], vector<16xf32>,
      tpu.vector_store_idx %arg5[%add3A_1468, %broadcast_in_dim3A_1222], %gather3A_1474 : memref<588x8xf32, #tpu.memory_space<vmem>>[vector<16xi32>, vector<16xi32>], vector<16xf32>,
      %add3A_1475 = arith.constant 448 : i32
      %add3A_1476 = vector.broadcast %add3A_1475 : i32 to vector<16xi32>
      %add3A_1477 = arith.addi %add3A_1476, %iota3A : vector<16xi32>
      %gather3A_1478 = arith.constant 3 : i32
      %gather3A_1479 = arith.constant 0 : i32
      %gather3A_1480 = arith.constant 0 : i32
      %gather3A_1481 = tpu.memref_slice %arg4[%gather3A_1478, %gather3A_1479, %gather3A_1480] : memref<8x588x8xf32, #tpu.memory_space<vmem>> -> memref<1x588x8xf32, #tpu.memory_space<vmem>>
      %gather3A_1482 = tpu.memref_squeeze %gather3A_1481 : memref<1x588x8xf32, #tpu.memory_space<vmem>> -> memref<588x8xf32, #tpu.memory_space<vmem>>
      %gather3A_1483 = tpu.vector_load_idx %gather3A_1482[%add3A_1477, %broadcast_in_dim3A_140] : memref<588x8xf32, #tpu.memory_space<vmem>>[vector<16xi32>, vector<16xi32>], vector<16xf32>,
      tpu.vector_store_idx %arg5[%add3A_1477, %broadcast_in_dim3A_1222], %gather3A_1483 : memref<588x8xf32, #tpu.memory_space<vmem>>[vector<16xi32>, vector<16xi32>], vector<16xf32>,
      %add3A_1484 = arith.constant 464 : i32
      %add3A_1485 = vector.broadcast %add3A_1484 : i32 to vector<16xi32>
      %add3A_1486 = arith.addi %add3A_1485, %iota3A : vector<16xi32>
      %gather3A_1487 = arith.constant 3 : i32
      %gather3A_1488 = arith.constant 0 : i32
      %gather3A_1489 = arith.constant 0 : i32
      %gather3A_1490 = tpu.memref_slice %arg4[%gather3A_1487, %gather3A_1488, %gather3A_1489] : memref<8x588x8xf32, #tpu.memory_space<vmem>> -> memref<1x588x8xf32, #tpu.memory_space<vmem>>
      %gather3A_1491 = tpu.memref_squeeze %gather3A_1490 : memref<1x588x8xf32, #tpu.memory_space<vmem>> -> memref<588x8xf32, #tpu.memory_space<vmem>>
      %gather3A_1492 = tpu.vector_load_idx %gather3A_1491[%add3A_1486, %broadcast_in_dim3A_140] : memref<588x8xf32, #tpu.memory_space<vmem>>[vector<16xi32>, vector<16xi32>], vector<16xf32>,
      tpu.vector_store_idx %arg5[%add3A_1486, %broadcast_in_dim3A_1222], %gather3A_1492 : memref<588x8xf32, #tpu.memory_space<vmem>>[vector<16xi32>, vector<16xi32>], vector<16xf32>,
      %add3A_1493 = arith.constant 480 : i32
      %add3A_1494 = vector.broadcast %add3A_1493 : i32 to vector<16xi32>
      %add3A_1495 = arith.addi %add3A_1494, %iota3A : vector<16xi32>
      %gather3A_1496 = arith.constant 3 : i32
      %gather3A_1497 = arith.constant 0 : i32
      %gather3A_1498 = arith.constant 0 : i32
      %gather3A_1499 = tpu.memref_slice %arg4[%gather3A_1496, %gather3A_1497, %gather3A_1498] : memref<8x588x8xf32, #tpu.memory_space<vmem>> -> memref<1x588x8xf32, #tpu.memory_space<vmem>>
      %gather3A_1500 = tpu.memref_squeeze %gather3A_1499 : memref<1x588x8xf32, #tpu.memory_space<vmem>> -> memref<588x8xf32, #tpu.memory_space<vmem>>
      %gather3A_1501 = tpu.vector_load_idx %gather3A_1500[%add3A_1495, %broadcast_in_dim3A_140] : memref<588x8xf32, #tpu.memory_space<vmem>>[vector<16xi32>, vector<16xi32>], vector<16xf32>,
      tpu.vector_store_idx %arg5[%add3A_1495, %broadcast_in_dim3A_1222], %gather3A_1501 : memref<588x8xf32, #tpu.memory_space<vmem>>[vector<16xi32>, vector<16xi32>], vector<16xf32>,
      %add3A_1502 = arith.constant 496 : i32
      %add3A_1503 = vector.broadcast %add3A_1502 : i32 to vector<16xi32>
      %add3A_1504 = arith.addi %add3A_1503, %iota3A : vector<16xi32>
      %gather3A_1505 = arith.constant 3 : i32
      %gather3A_1506 = arith.constant 0 : i32
      %gather3A_1507 = arith.constant 0 : i32
      %gather3A_1508 = tpu.memref_slice %arg4[%gather3A_1505, %gather3A_1506, %gather3A_1507] : memref<8x588x8xf32, #tpu.memory_space<vmem>> -> memref<1x588x8xf32, #tpu.memory_space<vmem>>
      %gather3A_1509 = tpu.memref_squeeze %gather3A_1508 : memref<1x588x8xf32, #tpu.memory_space<vmem>> -> memref<588x8xf32, #tpu.memory_space<vmem>>
      %gather3A_1510 = tpu.vector_load_idx %gather3A_1509[%add3A_1504, %broadcast_in_dim3A_140] : memref<588x8xf32, #tpu.memory_space<vmem>>[vector<16xi32>, vector<16xi32>], vector<16xf32>,
      tpu.vector_store_idx %arg5[%add3A_1504, %broadcast_in_dim3A_1222], %gather3A_1510 : memref<588x8xf32, #tpu.memory_space<vmem>>[vector<16xi32>, vector<16xi32>], vector<16xf32>,
      %add3A_1511 = arith.constant 512 : i32
      %add3A_1512 = vector.broadcast %add3A_1511 : i32 to vector<16xi32>
      %add3A_1513 = arith.addi %add3A_1512, %iota3A : vector<16xi32>
      %gather3A_1514 = arith.constant 3 : i32
      %gather3A_1515 = arith.constant 0 : i32
      %gather3A_1516 = arith.constant 0 : i32
      %gather3A_1517 = tpu.memref_slice %arg4[%gather3A_1514, %gather3A_1515, %gather3A_1516] : memref<8x588x8xf32, #tpu.memory_space<vmem>> -> memref<1x588x8xf32, #tpu.memory_space<vmem>>
      %gather3A_1518 = tpu.memref_squeeze %gather3A_1517 : memref<1x588x8xf32, #tpu.memory_space<vmem>> -> memref<588x8xf32, #tpu.memory_space<vmem>>
      %gather3A_1519 = tpu.vector_load_idx %gather3A_1518[%add3A_1513, %broadcast_in_dim3A_140] : memref<588x8xf32, #tpu.memory_space<vmem>>[vector<16xi32>, vector<16xi32>], vector<16xf32>,
      tpu.vector_store_idx %arg5[%add3A_1513, %broadcast_in_dim3A_1222], %gather3A_1519 : memref<588x8xf32, #tpu.memory_space<vmem>>[vector<16xi32>, vector<16xi32>], vector<16xf32>,
      %add3A_1520 = arith.constant 528 : i32
      %add3A_1521 = vector.broadcast %add3A_1520 : i32 to vector<16xi32>
      %add3A_1522 = arith.addi %add3A_1521, %iota3A : vector<16xi32>
      %gather3A_1523 = arith.constant 3 : i32
      %gather3A_1524 = arith.constant 0 : i32
      %gather3A_1525 = arith.constant 0 : i32
      %gather3A_1526 = tpu.memref_slice %arg4[%gather3A_1523, %gather3A_1524, %gather3A_1525] : memref<8x588x8xf32, #tpu.memory_space<vmem>> -> memref<1x588x8xf32, #tpu.memory_space<vmem>>
      %gather3A_1527 = tpu.memref_squeeze %gather3A_1526 : memref<1x588x8xf32, #tpu.memory_space<vmem>> -> memref<588x8xf32, #tpu.memory_space<vmem>>
      %gather3A_1528 = tpu.vector_load_idx %gather3A_1527[%add3A_1522, %broadcast_in_dim3A_140] : memref<588x8xf32, #tpu.memory_space<vmem>>[vector<16xi32>, vector<16xi32>], vector<16xf32>,
      tpu.vector_store_idx %arg5[%add3A_1522, %broadcast_in_dim3A_1222], %gather3A_1528 : memref<588x8xf32, #tpu.memory_space<vmem>>[vector<16xi32>, vector<16xi32>], vector<16xf32>,
      %add3A_1529 = arith.constant 544 : i32
      %add3A_1530 = vector.broadcast %add3A_1529 : i32 to vector<16xi32>
      %add3A_1531 = arith.addi %add3A_1530, %iota3A : vector<16xi32>
      %gather3A_1532 = arith.constant 3 : i32
      %gather3A_1533 = arith.constant 0 : i32
      %gather3A_1534 = arith.constant 0 : i32
      %gather3A_1535 = tpu.memref_slice %arg4[%gather3A_1532, %gather3A_1533, %gather3A_1534] : memref<8x588x8xf32, #tpu.memory_space<vmem>> -> memref<1x588x8xf32, #tpu.memory_space<vmem>>
      %gather3A_1536 = tpu.memref_squeeze %gather3A_1535 : memref<1x588x8xf32, #tpu.memory_space<vmem>> -> memref<588x8xf32, #tpu.memory_space<vmem>>
      %gather3A_1537 = tpu.vector_load_idx %gather3A_1536[%add3A_1531, %broadcast_in_dim3A_140] : memref<588x8xf32, #tpu.memory_space<vmem>>[vector<16xi32>, vector<16xi32>], vector<16xf32>,
      tpu.vector_store_idx %arg5[%add3A_1531, %broadcast_in_dim3A_1222], %gather3A_1537 : memref<588x8xf32, #tpu.memory_space<vmem>>[vector<16xi32>, vector<16xi32>], vector<16xf32>,
      %add3A_1538 = arith.constant 560 : i32
      %add3A_1539 = vector.broadcast %add3A_1538 : i32 to vector<16xi32>
      %add3A_1540 = arith.addi %add3A_1539, %iota3A : vector<16xi32>
      %gather3A_1541 = arith.constant 3 : i32
      %gather3A_1542 = arith.constant 0 : i32
      %gather3A_1543 = arith.constant 0 : i32
      %gather3A_1544 = tpu.memref_slice %arg4[%gather3A_1541, %gather3A_1542, %gather3A_1543] : memref<8x588x8xf32, #tpu.memory_space<vmem>> -> memref<1x588x8xf32, #tpu.memory_space<vmem>>
      %gather3A_1545 = tpu.memref_squeeze %gather3A_1544 : memref<1x588x8xf32, #tpu.memory_space<vmem>> -> memref<588x8xf32, #tpu.memory_space<vmem>>
      %gather3A_1546 = tpu.vector_load_idx %gather3A_1545[%add3A_1540, %broadcast_in_dim3A_140] : memref<588x8xf32, #tpu.memory_space<vmem>>[vector<16xi32>, vector<16xi32>], vector<16xf32>,
      tpu.vector_store_idx %arg5[%add3A_1540, %broadcast_in_dim3A_1222], %gather3A_1546 : memref<588x8xf32, #tpu.memory_space<vmem>>[vector<16xi32>, vector<16xi32>], vector<16xf32>,
      %add3A_1547 = arith.constant 576 : i32
      %add3A_1548 = vector.broadcast %add3A_1547 : i32 to vector<16xi32>
      %add3A_1549 = arith.addi %add3A_1548, %iota3A : vector<16xi32>
      %lt3A_1550 = arith.constant 12 : i32
      %lt3A_1551 = vector.broadcast %lt3A_1550 : i32 to vector<16xi32>
      %lt3A_1552 = arith.cmpi slt, %iota3A, %lt3A_1551 : vector<16xi32>
      %gather3A_1553 = arith.constant 3 : i32
      %gather3A_1554 = arith.constant 0 : i32
      %gather3A_1555 = arith.constant 0 : i32
      %gather3A_1556 = tpu.memref_slice %arg4[%gather3A_1553, %gather3A_1554, %gather3A_1555] : memref<8x588x8xf32, #tpu.memory_space<vmem>> -> memref<1x588x8xf32, #tpu.memory_space<vmem>>
      %gather3A_1557 = tpu.memref_squeeze %gather3A_1556 : memref<1x588x8xf32, #tpu.memory_space<vmem>> -> memref<588x8xf32, #tpu.memory_space<vmem>>
      %gather3A_1558 = tpu.vector_load_idx %gather3A_1557[%add3A_1549, %broadcast_in_dim3A_140] masked %lt3A_1552 : memref<588x8xf32, #tpu.memory_space<vmem>>[vector<16xi32>, vector<16xi32>], vector<16xf32>, vector<16xi1>
      tpu.vector_store_idx %arg5[%add3A_1549, %broadcast_in_dim3A_1222], %gather3A_1558 masked %lt3A_1552 : memref<588x8xf32, #tpu.memory_space<vmem>>[vector<16xi32>, vector<16xi32>], vector<16xf32>, vector<16xi1>
      %dma_wait3A_1559 = arith.constant 1 : i32
      %dma_wait3A_1560 = arith.constant 4 : i32
      %dma_wait3A_1561 = arith.constant 4 : i32
      %dma_wait3A_1562 = arith.constant 0 : i32
      %dma_wait3A_1563 = arith.constant 0 : i32
      %dma_wait3A_1564 = tpu.memref_slice %arg4[%dma_wait3A_1561, %dma_wait3A_1562, %dma_wait3A_1563] : memref<8x588x8xf32, #tpu.memory_space<vmem>> -> memref<1x588x8xf32, #tpu.memory_space<vmem>>
      %dma_wait3A_1565 = tpu.memref_squeeze %dma_wait3A_1564 : memref<1x588x8xf32, #tpu.memory_space<vmem>> -> memref<588x8xf32, #tpu.memory_space<vmem>>
      %dma_wait3A_1566 = arith.constant 40 : i32
      %dma_wait3A_1567 = tpu.memref_slice %arg2[%mul3A_2, %dma_wait3A_1559, %dma_wait3A_1560, %dma_wait3A_1566] : memref<18816x2x8x128xf32, #tpu.memory_space<hbm>> -> memref<588x1x1x8xf32, #tpu.memory_space<hbm>>
      %dma_wait3A_1568 = tpu.memref_squeeze %dma_wait3A_1567 : memref<588x1x1x8xf32, #tpu.memory_space<hbm>> -> memref<588x8xf32, #tpu.memory_space<hbm>>
      %dma_wait3A_1569 = arith.constant 0 : i32
      %dma_wait3A_1570 = arith.constant 0 : i32
      %dma_wait3A_1571 = tpu.memref_slice %arg4[%dma_wait3A_1561, %dma_wait3A_1569, %dma_wait3A_1570] : memref<8x588x8xf32, #tpu.memory_space<vmem>> -> memref<1x588x8xf32, #tpu.memory_space<vmem>>
      %dma_wait3A_1572 = tpu.memref_squeeze %dma_wait3A_1571 : memref<1x588x8xf32, #tpu.memory_space<vmem>> -> memref<588x8xf32, #tpu.memory_space<vmem>>
      %dma_wait3A_1573 = arith.constant 40 : i32
      %dma_wait3A_1574 = tpu.memref_slice %arg2[%mul3A_2, %dma_wait3A_1559, %dma_wait3A_1560, %dma_wait3A_1573] : memref<18816x2x8x128xf32, #tpu.memory_space<hbm>> -> memref<588x1x1x8xf32, #tpu.memory_space<hbm>>
      %dma_wait3A_1575 = tpu.memref_squeeze %dma_wait3A_1574 : memref<588x1x1x8xf32, #tpu.memory_space<hbm>> -> memref<588x8xf32, #tpu.memory_space<hbm>>
      tpu.wait_dma2 semaphore(%arg6 : memref<!tpu.dma_semaphore, #tpu.memory_space<semaphore_mem>>) src(%dma_wait3A_1575 : memref<588x8xf32, #tpu.memory_space<hbm>>) dst(%dma_wait3A_1572 : memref<588x8xf32, #tpu.memory_space<vmem>>)
      %broadcast_in_dim3A_1576 = arith.constant 4 : i32
      %broadcast_in_dim3A_1577 = vector.broadcast %broadcast_in_dim3A_1576 : i32 to vector<16xi32>
      %add3A_1578 = arith.constant 0 : i32
      %add3A_1579 = vector.broadcast %add3A_1578 : i32 to vector<16xi32>
      %add3A_1580 = arith.addi %add3A_1579, %iota3A : vector<16xi32>
      %gather3A_1581 = arith.constant 4 : i32
      %gather3A_1582 = arith.constant 0 : i32
      %gather3A_1583 = arith.constant 0 : i32
      %gather3A_1584 = tpu.memref_slice %arg4[%gather3A_1581, %gather3A_1582, %gather3A_1583] : memref<8x588x8xf32, #tpu.memory_space<vmem>> -> memref<1x588x8xf32, #tpu.memory_space<vmem>>
      %gather3A_1585 = tpu.memref_squeeze %gather3A_1584 : memref<1x588x8xf32, #tpu.memory_space<vmem>> -> memref<588x8xf32, #tpu.memory_space<vmem>>
      %gather3A_1586 = tpu.vector_load_idx %gather3A_1585[%add3A_1580, %broadcast_in_dim3A_140] : memref<588x8xf32, #tpu.memory_space<vmem>>[vector<16xi32>, vector<16xi32>], vector<16xf32>,
      tpu.vector_store_idx %arg5[%add3A_1580, %broadcast_in_dim3A_1577], %gather3A_1586 : memref<588x8xf32, #tpu.memory_space<vmem>>[vector<16xi32>, vector<16xi32>], vector<16xf32>,
      %add3A_1587 = arith.constant 16 : i32
      %add3A_1588 = vector.broadcast %add3A_1587 : i32 to vector<16xi32>
      %add3A_1589 = arith.addi %add3A_1588, %iota3A : vector<16xi32>
      %gather3A_1590 = arith.constant 4 : i32
      %gather3A_1591 = arith.constant 0 : i32
      %gather3A_1592 = arith.constant 0 : i32
      %gather3A_1593 = tpu.memref_slice %arg4[%gather3A_1590, %gather3A_1591, %gather3A_1592] : memref<8x588x8xf32, #tpu.memory_space<vmem>> -> memref<1x588x8xf32, #tpu.memory_space<vmem>>
      %gather3A_1594 = tpu.memref_squeeze %gather3A_1593 : memref<1x588x8xf32, #tpu.memory_space<vmem>> -> memref<588x8xf32, #tpu.memory_space<vmem>>
      %gather3A_1595 = tpu.vector_load_idx %gather3A_1594[%add3A_1589, %broadcast_in_dim3A_140] : memref<588x8xf32, #tpu.memory_space<vmem>>[vector<16xi32>, vector<16xi32>], vector<16xf32>,
      tpu.vector_store_idx %arg5[%add3A_1589, %broadcast_in_dim3A_1577], %gather3A_1595 : memref<588x8xf32, #tpu.memory_space<vmem>>[vector<16xi32>, vector<16xi32>], vector<16xf32>,
      %add3A_1596 = arith.constant 32 : i32
      %add3A_1597 = vector.broadcast %add3A_1596 : i32 to vector<16xi32>
      %add3A_1598 = arith.addi %add3A_1597, %iota3A : vector<16xi32>
      %gather3A_1599 = arith.constant 4 : i32
      %gather3A_1600 = arith.constant 0 : i32
      %gather3A_1601 = arith.constant 0 : i32
      %gather3A_1602 = tpu.memref_slice %arg4[%gather3A_1599, %gather3A_1600, %gather3A_1601] : memref<8x588x8xf32, #tpu.memory_space<vmem>> -> memref<1x588x8xf32, #tpu.memory_space<vmem>>
      %gather3A_1603 = tpu.memref_squeeze %gather3A_1602 : memref<1x588x8xf32, #tpu.memory_space<vmem>> -> memref<588x8xf32, #tpu.memory_space<vmem>>
      %gather3A_1604 = tpu.vector_load_idx %gather3A_1603[%add3A_1598, %broadcast_in_dim3A_140] : memref<588x8xf32, #tpu.memory_space<vmem>>[vector<16xi32>, vector<16xi32>], vector<16xf32>,
      tpu.vector_store_idx %arg5[%add3A_1598, %broadcast_in_dim3A_1577], %gather3A_1604 : memref<588x8xf32, #tpu.memory_space<vmem>>[vector<16xi32>, vector<16xi32>], vector<16xf32>,
      %add3A_1605 = arith.constant 48 : i32
      %add3A_1606 = vector.broadcast %add3A_1605 : i32 to vector<16xi32>
      %add3A_1607 = arith.addi %add3A_1606, %iota3A : vector<16xi32>
      %gather3A_1608 = arith.constant 4 : i32
      %gather3A_1609 = arith.constant 0 : i32
      %gather3A_1610 = arith.constant 0 : i32
      %gather3A_1611 = tpu.memref_slice %arg4[%gather3A_1608, %gather3A_1609, %gather3A_1610] : memref<8x588x8xf32, #tpu.memory_space<vmem>> -> memref<1x588x8xf32, #tpu.memory_space<vmem>>
      %gather3A_1612 = tpu.memref_squeeze %gather3A_1611 : memref<1x588x8xf32, #tpu.memory_space<vmem>> -> memref<588x8xf32, #tpu.memory_space<vmem>>
      %gather3A_1613 = tpu.vector_load_idx %gather3A_1612[%add3A_1607, %broadcast_in_dim3A_140] : memref<588x8xf32, #tpu.memory_space<vmem>>[vector<16xi32>, vector<16xi32>], vector<16xf32>,
      tpu.vector_store_idx %arg5[%add3A_1607, %broadcast_in_dim3A_1577], %gather3A_1613 : memref<588x8xf32, #tpu.memory_space<vmem>>[vector<16xi32>, vector<16xi32>], vector<16xf32>,
      %add3A_1614 = arith.constant 64 : i32
      %add3A_1615 = vector.broadcast %add3A_1614 : i32 to vector<16xi32>
      %add3A_1616 = arith.addi %add3A_1615, %iota3A : vector<16xi32>
      %gather3A_1617 = arith.constant 4 : i32
      %gather3A_1618 = arith.constant 0 : i32
      %gather3A_1619 = arith.constant 0 : i32
      %gather3A_1620 = tpu.memref_slice %arg4[%gather3A_1617, %gather3A_1618, %gather3A_1619] : memref<8x588x8xf32, #tpu.memory_space<vmem>> -> memref<1x588x8xf32, #tpu.memory_space<vmem>>
      %gather3A_1621 = tpu.memref_squeeze %gather3A_1620 : memref<1x588x8xf32, #tpu.memory_space<vmem>> -> memref<588x8xf32, #tpu.memory_space<vmem>>
      %gather3A_1622 = tpu.vector_load_idx %gather3A_1621[%add3A_1616, %broadcast_in_dim3A_140] : memref<588x8xf32, #tpu.memory_space<vmem>>[vector<16xi32>, vector<16xi32>], vector<16xf32>,
      tpu.vector_store_idx %arg5[%add3A_1616, %broadcast_in_dim3A_1577], %gather3A_1622 : memref<588x8xf32, #tpu.memory_space<vmem>>[vector<16xi32>, vector<16xi32>], vector<16xf32>,
      %add3A_1623 = arith.constant 80 : i32
      %add3A_1624 = vector.broadcast %add3A_1623 : i32 to vector<16xi32>
      %add3A_1625 = arith.addi %add3A_1624, %iota3A : vector<16xi32>
      %gather3A_1626 = arith.constant 4 : i32
      %gather3A_1627 = arith.constant 0 : i32
      %gather3A_1628 = arith.constant 0 : i32
      %gather3A_1629 = tpu.memref_slice %arg4[%gather3A_1626, %gather3A_1627, %gather3A_1628] : memref<8x588x8xf32, #tpu.memory_space<vmem>> -> memref<1x588x8xf32, #tpu.memory_space<vmem>>
      %gather3A_1630 = tpu.memref_squeeze %gather3A_1629 : memref<1x588x8xf32, #tpu.memory_space<vmem>> -> memref<588x8xf32, #tpu.memory_space<vmem>>
      %gather3A_1631 = tpu.vector_load_idx %gather3A_1630[%add3A_1625, %broadcast_in_dim3A_140] : memref<588x8xf32, #tpu.memory_space<vmem>>[vector<16xi32>, vector<16xi32>], vector<16xf32>,
      tpu.vector_store_idx %arg5[%add3A_1625, %broadcast_in_dim3A_1577], %gather3A_1631 : memref<588x8xf32, #tpu.memory_space<vmem>>[vector<16xi32>, vector<16xi32>], vector<16xf32>,
      %add3A_1632 = arith.constant 96 : i32
      %add3A_1633 = vector.broadcast %add3A_1632 : i32 to vector<16xi32>
      %add3A_1634 = arith.addi %add3A_1633, %iota3A : vector<16xi32>
      %gather3A_1635 = arith.constant 4 : i32
      %gather3A_1636 = arith.constant 0 : i32
      %gather3A_1637 = arith.constant 0 : i32
      %gather3A_1638 = tpu.memref_slice %arg4[%gather3A_1635, %gather3A_1636, %gather3A_1637] : memref<8x588x8xf32, #tpu.memory_space<vmem>> -> memref<1x588x8xf32, #tpu.memory_space<vmem>>
      %gather3A_1639 = tpu.memref_squeeze %gather3A_1638 : memref<1x588x8xf32, #tpu.memory_space<vmem>> -> memref<588x8xf32, #tpu.memory_space<vmem>>
      %gather3A_1640 = tpu.vector_load_idx %gather3A_1639[%add3A_1634, %broadcast_in_dim3A_140] : memref<588x8xf32, #tpu.memory_space<vmem>>[vector<16xi32>, vector<16xi32>], vector<16xf32>,
      tpu.vector_store_idx %arg5[%add3A_1634, %broadcast_in_dim3A_1577], %gather3A_1640 : memref<588x8xf32, #tpu.memory_space<vmem>>[vector<16xi32>, vector<16xi32>], vector<16xf32>,
      %add3A_1641 = arith.constant 112 : i32
      %add3A_1642 = vector.broadcast %add3A_1641 : i32 to vector<16xi32>
      %add3A_1643 = arith.addi %add3A_1642, %iota3A : vector<16xi32>
      %gather3A_1644 = arith.constant 4 : i32
      %gather3A_1645 = arith.constant 0 : i32
      %gather3A_1646 = arith.constant 0 : i32
      %gather3A_1647 = tpu.memref_slice %arg4[%gather3A_1644, %gather3A_1645, %gather3A_1646] : memref<8x588x8xf32, #tpu.memory_space<vmem>> -> memref<1x588x8xf32, #tpu.memory_space<vmem>>
      %gather3A_1648 = tpu.memref_squeeze %gather3A_1647 : memref<1x588x8xf32, #tpu.memory_space<vmem>> -> memref<588x8xf32, #tpu.memory_space<vmem>>
      %gather3A_1649 = tpu.vector_load_idx %gather3A_1648[%add3A_1643, %broadcast_in_dim3A_140] : memref<588x8xf32, #tpu.memory_space<vmem>>[vector<16xi32>, vector<16xi32>], vector<16xf32>,
      tpu.vector_store_idx %arg5[%add3A_1643, %broadcast_in_dim3A_1577], %gather3A_1649 : memref<588x8xf32, #tpu.memory_space<vmem>>[vector<16xi32>, vector<16xi32>], vector<16xf32>,
      %add3A_1650 = arith.constant 128 : i32
      %add3A_1651 = vector.broadcast %add3A_1650 : i32 to vector<16xi32>
      %add3A_1652 = arith.addi %add3A_1651, %iota3A : vector<16xi32>
      %gather3A_1653 = arith.constant 4 : i32
      %gather3A_1654 = arith.constant 0 : i32
      %gather3A_1655 = arith.constant 0 : i32
      %gather3A_1656 = tpu.memref_slice %arg4[%gather3A_1653, %gather3A_1654, %gather3A_1655] : memref<8x588x8xf32, #tpu.memory_space<vmem>> -> memref<1x588x8xf32, #tpu.memory_space<vmem>>
      %gather3A_1657 = tpu.memref_squeeze %gather3A_1656 : memref<1x588x8xf32, #tpu.memory_space<vmem>> -> memref<588x8xf32, #tpu.memory_space<vmem>>
      %gather3A_1658 = tpu.vector_load_idx %gather3A_1657[%add3A_1652, %broadcast_in_dim3A_140] : memref<588x8xf32, #tpu.memory_space<vmem>>[vector<16xi32>, vector<16xi32>], vector<16xf32>,
      tpu.vector_store_idx %arg5[%add3A_1652, %broadcast_in_dim3A_1577], %gather3A_1658 : memref<588x8xf32, #tpu.memory_space<vmem>>[vector<16xi32>, vector<16xi32>], vector<16xf32>,
      %add3A_1659 = arith.constant 144 : i32
      %add3A_1660 = vector.broadcast %add3A_1659 : i32 to vector<16xi32>
      %add3A_1661 = arith.addi %add3A_1660, %iota3A : vector<16xi32>
      %gather3A_1662 = arith.constant 4 : i32
      %gather3A_1663 = arith.constant 0 : i32
      %gather3A_1664 = arith.constant 0 : i32
      %gather3A_1665 = tpu.memref_slice %arg4[%gather3A_1662, %gather3A_1663, %gather3A_1664] : memref<8x588x8xf32, #tpu.memory_space<vmem>> -> memref<1x588x8xf32, #tpu.memory_space<vmem>>
      %gather3A_1666 = tpu.memref_squeeze %gather3A_1665 : memref<1x588x8xf32, #tpu.memory_space<vmem>> -> memref<588x8xf32, #tpu.memory_space<vmem>>
      %gather3A_1667 = tpu.vector_load_idx %gather3A_1666[%add3A_1661, %broadcast_in_dim3A_140] : memref<588x8xf32, #tpu.memory_space<vmem>>[vector<16xi32>, vector<16xi32>], vector<16xf32>,
      tpu.vector_store_idx %arg5[%add3A_1661, %broadcast_in_dim3A_1577], %gather3A_1667 : memref<588x8xf32, #tpu.memory_space<vmem>>[vector<16xi32>, vector<16xi32>], vector<16xf32>,
      %add3A_1668 = arith.constant 160 : i32
      %add3A_1669 = vector.broadcast %add3A_1668 : i32 to vector<16xi32>
      %add3A_1670 = arith.addi %add3A_1669, %iota3A : vector<16xi32>
      %gather3A_1671 = arith.constant 4 : i32
      %gather3A_1672 = arith.constant 0 : i32
      %gather3A_1673 = arith.constant 0 : i32
      %gather3A_1674 = tpu.memref_slice %arg4[%gather3A_1671, %gather3A_1672, %gather3A_1673] : memref<8x588x8xf32, #tpu.memory_space<vmem>> -> memref<1x588x8xf32, #tpu.memory_space<vmem>>
      %gather3A_1675 = tpu.memref_squeeze %gather3A_1674 : memref<1x588x8xf32, #tpu.memory_space<vmem>> -> memref<588x8xf32, #tpu.memory_space<vmem>>
      %gather3A_1676 = tpu.vector_load_idx %gather3A_1675[%add3A_1670, %broadcast_in_dim3A_140] : memref<588x8xf32, #tpu.memory_space<vmem>>[vector<16xi32>, vector<16xi32>], vector<16xf32>,
      tpu.vector_store_idx %arg5[%add3A_1670, %broadcast_in_dim3A_1577], %gather3A_1676 : memref<588x8xf32, #tpu.memory_space<vmem>>[vector<16xi32>, vector<16xi32>], vector<16xf32>,
      %add3A_1677 = arith.constant 176 : i32
      %add3A_1678 = vector.broadcast %add3A_1677 : i32 to vector<16xi32>
      %add3A_1679 = arith.addi %add3A_1678, %iota3A : vector<16xi32>
      %gather3A_1680 = arith.constant 4 : i32
      %gather3A_1681 = arith.constant 0 : i32
      %gather3A_1682 = arith.constant 0 : i32
      %gather3A_1683 = tpu.memref_slice %arg4[%gather3A_1680, %gather3A_1681, %gather3A_1682] : memref<8x588x8xf32, #tpu.memory_space<vmem>> -> memref<1x588x8xf32, #tpu.memory_space<vmem>>
      %gather3A_1684 = tpu.memref_squeeze %gather3A_1683 : memref<1x588x8xf32, #tpu.memory_space<vmem>> -> memref<588x8xf32, #tpu.memory_space<vmem>>
      %gather3A_1685 = tpu.vector_load_idx %gather3A_1684[%add3A_1679, %broadcast_in_dim3A_140] : memref<588x8xf32, #tpu.memory_space<vmem>>[vector<16xi32>, vector<16xi32>], vector<16xf32>,
      tpu.vector_store_idx %arg5[%add3A_1679, %broadcast_in_dim3A_1577], %gather3A_1685 : memref<588x8xf32, #tpu.memory_space<vmem>>[vector<16xi32>, vector<16xi32>], vector<16xf32>,
      %add3A_1686 = arith.constant 192 : i32
      %add3A_1687 = vector.broadcast %add3A_1686 : i32 to vector<16xi32>
      %add3A_1688 = arith.addi %add3A_1687, %iota3A : vector<16xi32>
      %gather3A_1689 = arith.constant 4 : i32
      %gather3A_1690 = arith.constant 0 : i32
      %gather3A_1691 = arith.constant 0 : i32
      %gather3A_1692 = tpu.memref_slice %arg4[%gather3A_1689, %gather3A_1690, %gather3A_1691] : memref<8x588x8xf32, #tpu.memory_space<vmem>> -> memref<1x588x8xf32, #tpu.memory_space<vmem>>
      %gather3A_1693 = tpu.memref_squeeze %gather3A_1692 : memref<1x588x8xf32, #tpu.memory_space<vmem>> -> memref<588x8xf32, #tpu.memory_space<vmem>>
      %gather3A_1694 = tpu.vector_load_idx %gather3A_1693[%add3A_1688, %broadcast_in_dim3A_140] : memref<588x8xf32, #tpu.memory_space<vmem>>[vector<16xi32>, vector<16xi32>], vector<16xf32>,
      tpu.vector_store_idx %arg5[%add3A_1688, %broadcast_in_dim3A_1577], %gather3A_1694 : memref<588x8xf32, #tpu.memory_space<vmem>>[vector<16xi32>, vector<16xi32>], vector<16xf32>,
      %add3A_1695 = arith.constant 208 : i32
      %add3A_1696 = vector.broadcast %add3A_1695 : i32 to vector<16xi32>
      %add3A_1697 = arith.addi %add3A_1696, %iota3A : vector<16xi32>
      %gather3A_1698 = arith.constant 4 : i32
      %gather3A_1699 = arith.constant 0 : i32
      %gather3A_1700 = arith.constant 0 : i32
      %gather3A_1701 = tpu.memref_slice %arg4[%gather3A_1698, %gather3A_1699, %gather3A_1700] : memref<8x588x8xf32, #tpu.memory_space<vmem>> -> memref<1x588x8xf32, #tpu.memory_space<vmem>>
      %gather3A_1702 = tpu.memref_squeeze %gather3A_1701 : memref<1x588x8xf32, #tpu.memory_space<vmem>> -> memref<588x8xf32, #tpu.memory_space<vmem>>
      %gather3A_1703 = tpu.vector_load_idx %gather3A_1702[%add3A_1697, %broadcast_in_dim3A_140] : memref<588x8xf32, #tpu.memory_space<vmem>>[vector<16xi32>, vector<16xi32>], vector<16xf32>,
      tpu.vector_store_idx %arg5[%add3A_1697, %broadcast_in_dim3A_1577], %gather3A_1703 : memref<588x8xf32, #tpu.memory_space<vmem>>[vector<16xi32>, vector<16xi32>], vector<16xf32>,
      %add3A_1704 = arith.constant 224 : i32
      %add3A_1705 = vector.broadcast %add3A_1704 : i32 to vector<16xi32>
      %add3A_1706 = arith.addi %add3A_1705, %iota3A : vector<16xi32>
      %gather3A_1707 = arith.constant 4 : i32
      %gather3A_1708 = arith.constant 0 : i32
      %gather3A_1709 = arith.constant 0 : i32
      %gather3A_1710 = tpu.memref_slice %arg4[%gather3A_1707, %gather3A_1708, %gather3A_1709] : memref<8x588x8xf32, #tpu.memory_space<vmem>> -> memref<1x588x8xf32, #tpu.memory_space<vmem>>
      %gather3A_1711 = tpu.memref_squeeze %gather3A_1710 : memref<1x588x8xf32, #tpu.memory_space<vmem>> -> memref<588x8xf32, #tpu.memory_space<vmem>>
      %gather3A_1712 = tpu.vector_load_idx %gather3A_1711[%add3A_1706, %broadcast_in_dim3A_140] : memref<588x8xf32, #tpu.memory_space<vmem>>[vector<16xi32>, vector<16xi32>], vector<16xf32>,
      tpu.vector_store_idx %arg5[%add3A_1706, %broadcast_in_dim3A_1577], %gather3A_1712 : memref<588x8xf32, #tpu.memory_space<vmem>>[vector<16xi32>, vector<16xi32>], vector<16xf32>,
      %add3A_1713 = arith.constant 240 : i32
      %add3A_1714 = vector.broadcast %add3A_1713 : i32 to vector<16xi32>
      %add3A_1715 = arith.addi %add3A_1714, %iota3A : vector<16xi32>
      %gather3A_1716 = arith.constant 4 : i32
      %gather3A_1717 = arith.constant 0 : i32
      %gather3A_1718 = arith.constant 0 : i32
      %gather3A_1719 = tpu.memref_slice %arg4[%gather3A_1716, %gather3A_1717, %gather3A_1718] : memref<8x588x8xf32, #tpu.memory_space<vmem>> -> memref<1x588x8xf32, #tpu.memory_space<vmem>>
      %gather3A_1720 = tpu.memref_squeeze %gather3A_1719 : memref<1x588x8xf32, #tpu.memory_space<vmem>> -> memref<588x8xf32, #tpu.memory_space<vmem>>
      %gather3A_1721 = tpu.vector_load_idx %gather3A_1720[%add3A_1715, %broadcast_in_dim3A_140] : memref<588x8xf32, #tpu.memory_space<vmem>>[vector<16xi32>, vector<16xi32>], vector<16xf32>,
      tpu.vector_store_idx %arg5[%add3A_1715, %broadcast_in_dim3A_1577], %gather3A_1721 : memref<588x8xf32, #tpu.memory_space<vmem>>[vector<16xi32>, vector<16xi32>], vector<16xf32>,
      %add3A_1722 = arith.constant 256 : i32
      %add3A_1723 = vector.broadcast %add3A_1722 : i32 to vector<16xi32>
      %add3A_1724 = arith.addi %add3A_1723, %iota3A : vector<16xi32>
      %gather3A_1725 = arith.constant 4 : i32
      %gather3A_1726 = arith.constant 0 : i32
      %gather3A_1727 = arith.constant 0 : i32
      %gather3A_1728 = tpu.memref_slice %arg4[%gather3A_1725, %gather3A_1726, %gather3A_1727] : memref<8x588x8xf32, #tpu.memory_space<vmem>> -> memref<1x588x8xf32, #tpu.memory_space<vmem>>
      %gather3A_1729 = tpu.memref_squeeze %gather3A_1728 : memref<1x588x8xf32, #tpu.memory_space<vmem>> -> memref<588x8xf32, #tpu.memory_space<vmem>>
      %gather3A_1730 = tpu.vector_load_idx %gather3A_1729[%add3A_1724, %broadcast_in_dim3A_140] : memref<588x8xf32, #tpu.memory_space<vmem>>[vector<16xi32>, vector<16xi32>], vector<16xf32>,
      tpu.vector_store_idx %arg5[%add3A_1724, %broadcast_in_dim3A_1577], %gather3A_1730 : memref<588x8xf32, #tpu.memory_space<vmem>>[vector<16xi32>, vector<16xi32>], vector<16xf32>,
      %add3A_1731 = arith.constant 272 : i32
      %add3A_1732 = vector.broadcast %add3A_1731 : i32 to vector<16xi32>
      %add3A_1733 = arith.addi %add3A_1732, %iota3A : vector<16xi32>
      %gather3A_1734 = arith.constant 4 : i32
      %gather3A_1735 = arith.constant 0 : i32
      %gather3A_1736 = arith.constant 0 : i32
      %gather3A_1737 = tpu.memref_slice %arg4[%gather3A_1734, %gather3A_1735, %gather3A_1736] : memref<8x588x8xf32, #tpu.memory_space<vmem>> -> memref<1x588x8xf32, #tpu.memory_space<vmem>>
      %gather3A_1738 = tpu.memref_squeeze %gather3A_1737 : memref<1x588x8xf32, #tpu.memory_space<vmem>> -> memref<588x8xf32, #tpu.memory_space<vmem>>
      %gather3A_1739 = tpu.vector_load_idx %gather3A_1738[%add3A_1733, %broadcast_in_dim3A_140] : memref<588x8xf32, #tpu.memory_space<vmem>>[vector<16xi32>, vector<16xi32>], vector<16xf32>,
      tpu.vector_store_idx %arg5[%add3A_1733, %broadcast_in_dim3A_1577], %gather3A_1739 : memref<588x8xf32, #tpu.memory_space<vmem>>[vector<16xi32>, vector<16xi32>], vector<16xf32>,
      %add3A_1740 = arith.constant 288 : i32
      %add3A_1741 = vector.broadcast %add3A_1740 : i32 to vector<16xi32>
      %add3A_1742 = arith.addi %add3A_1741, %iota3A : vector<16xi32>
      %gather3A_1743 = arith.constant 4 : i32
      %gather3A_1744 = arith.constant 0 : i32
      %gather3A_1745 = arith.constant 0 : i32
      %gather3A_1746 = tpu.memref_slice %arg4[%gather3A_1743, %gather3A_1744, %gather3A_1745] : memref<8x588x8xf32, #tpu.memory_space<vmem>> -> memref<1x588x8xf32, #tpu.memory_space<vmem>>
      %gather3A_1747 = tpu.memref_squeeze %gather3A_1746 : memref<1x588x8xf32, #tpu.memory_space<vmem>> -> memref<588x8xf32, #tpu.memory_space<vmem>>
      %gather3A_1748 = tpu.vector_load_idx %gather3A_1747[%add3A_1742, %broadcast_in_dim3A_140] : memref<588x8xf32, #tpu.memory_space<vmem>>[vector<16xi32>, vector<16xi32>], vector<16xf32>,
      tpu.vector_store_idx %arg5[%add3A_1742, %broadcast_in_dim3A_1577], %gather3A_1748 : memref<588x8xf32, #tpu.memory_space<vmem>>[vector<16xi32>, vector<16xi32>], vector<16xf32>,
      %add3A_1749 = arith.constant 304 : i32
      %add3A_1750 = vector.broadcast %add3A_1749 : i32 to vector<16xi32>
      %add3A_1751 = arith.addi %add3A_1750, %iota3A : vector<16xi32>
      %gather3A_1752 = arith.constant 4 : i32
      %gather3A_1753 = arith.constant 0 : i32
      %gather3A_1754 = arith.constant 0 : i32
      %gather3A_1755 = tpu.memref_slice %arg4[%gather3A_1752, %gather3A_1753, %gather3A_1754] : memref<8x588x8xf32, #tpu.memory_space<vmem>> -> memref<1x588x8xf32, #tpu.memory_space<vmem>>
      %gather3A_1756 = tpu.memref_squeeze %gather3A_1755 : memref<1x588x8xf32, #tpu.memory_space<vmem>> -> memref<588x8xf32, #tpu.memory_space<vmem>>
      %gather3A_1757 = tpu.vector_load_idx %gather3A_1756[%add3A_1751, %broadcast_in_dim3A_140] : memref<588x8xf32, #tpu.memory_space<vmem>>[vector<16xi32>, vector<16xi32>], vector<16xf32>,
      tpu.vector_store_idx %arg5[%add3A_1751, %broadcast_in_dim3A_1577], %gather3A_1757 : memref<588x8xf32, #tpu.memory_space<vmem>>[vector<16xi32>, vector<16xi32>], vector<16xf32>,
      %add3A_1758 = arith.constant 320 : i32
      %add3A_1759 = vector.broadcast %add3A_1758 : i32 to vector<16xi32>
      %add3A_1760 = arith.addi %add3A_1759, %iota3A : vector<16xi32>
      %gather3A_1761 = arith.constant 4 : i32
      %gather3A_1762 = arith.constant 0 : i32
      %gather3A_1763 = arith.constant 0 : i32
      %gather3A_1764 = tpu.memref_slice %arg4[%gather3A_1761, %gather3A_1762, %gather3A_1763] : memref<8x588x8xf32, #tpu.memory_space<vmem>> -> memref<1x588x8xf32, #tpu.memory_space<vmem>>
      %gather3A_1765 = tpu.memref_squeeze %gather3A_1764 : memref<1x588x8xf32, #tpu.memory_space<vmem>> -> memref<588x8xf32, #tpu.memory_space<vmem>>
      %gather3A_1766 = tpu.vector_load_idx %gather3A_1765[%add3A_1760, %broadcast_in_dim3A_140] : memref<588x8xf32, #tpu.memory_space<vmem>>[vector<16xi32>, vector<16xi32>], vector<16xf32>,
      tpu.vector_store_idx %arg5[%add3A_1760, %broadcast_in_dim3A_1577], %gather3A_1766 : memref<588x8xf32, #tpu.memory_space<vmem>>[vector<16xi32>, vector<16xi32>], vector<16xf32>,
      %add3A_1767 = arith.constant 336 : i32
      %add3A_1768 = vector.broadcast %add3A_1767 : i32 to vector<16xi32>
      %add3A_1769 = arith.addi %add3A_1768, %iota3A : vector<16xi32>
      %gather3A_1770 = arith.constant 4 : i32
      %gather3A_1771 = arith.constant 0 : i32
      %gather3A_1772 = arith.constant 0 : i32
      %gather3A_1773 = tpu.memref_slice %arg4[%gather3A_1770, %gather3A_1771, %gather3A_1772] : memref<8x588x8xf32, #tpu.memory_space<vmem>> -> memref<1x588x8xf32, #tpu.memory_space<vmem>>
      %gather3A_1774 = tpu.memref_squeeze %gather3A_1773 : memref<1x588x8xf32, #tpu.memory_space<vmem>> -> memref<588x8xf32, #tpu.memory_space<vmem>>
      %gather3A_1775 = tpu.vector_load_idx %gather3A_1774[%add3A_1769, %broadcast_in_dim3A_140] : memref<588x8xf32, #tpu.memory_space<vmem>>[vector<16xi32>, vector<16xi32>], vector<16xf32>,
      tpu.vector_store_idx %arg5[%add3A_1769, %broadcast_in_dim3A_1577], %gather3A_1775 : memref<588x8xf32, #tpu.memory_space<vmem>>[vector<16xi32>, vector<16xi32>], vector<16xf32>,
      %add3A_1776 = arith.constant 352 : i32
      %add3A_1777 = vector.broadcast %add3A_1776 : i32 to vector<16xi32>
      %add3A_1778 = arith.addi %add3A_1777, %iota3A : vector<16xi32>
      %gather3A_1779 = arith.constant 4 : i32
      %gather3A_1780 = arith.constant 0 : i32
      %gather3A_1781 = arith.constant 0 : i32
      %gather3A_1782 = tpu.memref_slice %arg4[%gather3A_1779, %gather3A_1780, %gather3A_1781] : memref<8x588x8xf32, #tpu.memory_space<vmem>> -> memref<1x588x8xf32, #tpu.memory_space<vmem>>
      %gather3A_1783 = tpu.memref_squeeze %gather3A_1782 : memref<1x588x8xf32, #tpu.memory_space<vmem>> -> memref<588x8xf32, #tpu.memory_space<vmem>>
      %gather3A_1784 = tpu.vector_load_idx %gather3A_1783[%add3A_1778, %broadcast_in_dim3A_140] : memref<588x8xf32, #tpu.memory_space<vmem>>[vector<16xi32>, vector<16xi32>], vector<16xf32>,
      tpu.vector_store_idx %arg5[%add3A_1778, %broadcast_in_dim3A_1577], %gather3A_1784 : memref<588x8xf32, #tpu.memory_space<vmem>>[vector<16xi32>, vector<16xi32>], vector<16xf32>,
      %add3A_1785 = arith.constant 368 : i32
      %add3A_1786 = vector.broadcast %add3A_1785 : i32 to vector<16xi32>
      %add3A_1787 = arith.addi %add3A_1786, %iota3A : vector<16xi32>
      %gather3A_1788 = arith.constant 4 : i32
      %gather3A_1789 = arith.constant 0 : i32
      %gather3A_1790 = arith.constant 0 : i32
      %gather3A_1791 = tpu.memref_slice %arg4[%gather3A_1788, %gather3A_1789, %gather3A_1790] : memref<8x588x8xf32, #tpu.memory_space<vmem>> -> memref<1x588x8xf32, #tpu.memory_space<vmem>>
      %gather3A_1792 = tpu.memref_squeeze %gather3A_1791 : memref<1x588x8xf32, #tpu.memory_space<vmem>> -> memref<588x8xf32, #tpu.memory_space<vmem>>
      %gather3A_1793 = tpu.vector_load_idx %gather3A_1792[%add3A_1787, %broadcast_in_dim3A_140] : memref<588x8xf32, #tpu.memory_space<vmem>>[vector<16xi32>, vector<16xi32>], vector<16xf32>,
      tpu.vector_store_idx %arg5[%add3A_1787, %broadcast_in_dim3A_1577], %gather3A_1793 : memref<588x8xf32, #tpu.memory_space<vmem>>[vector<16xi32>, vector<16xi32>], vector<16xf32>,
      %add3A_1794 = arith.constant 384 : i32
      %add3A_1795 = vector.broadcast %add3A_1794 : i32 to vector<16xi32>
      %add3A_1796 = arith.addi %add3A_1795, %iota3A : vector<16xi32>
      %gather3A_1797 = arith.constant 4 : i32
      %gather3A_1798 = arith.constant 0 : i32
      %gather3A_1799 = arith.constant 0 : i32
      %gather3A_1800 = tpu.memref_slice %arg4[%gather3A_1797, %gather3A_1798, %gather3A_1799] : memref<8x588x8xf32, #tpu.memory_space<vmem>> -> memref<1x588x8xf32, #tpu.memory_space<vmem>>
      %gather3A_1801 = tpu.memref_squeeze %gather3A_1800 : memref<1x588x8xf32, #tpu.memory_space<vmem>> -> memref<588x8xf32, #tpu.memory_space<vmem>>
      %gather3A_1802 = tpu.vector_load_idx %gather3A_1801[%add3A_1796, %broadcast_in_dim3A_140] : memref<588x8xf32, #tpu.memory_space<vmem>>[vector<16xi32>, vector<16xi32>], vector<16xf32>,
      tpu.vector_store_idx %arg5[%add3A_1796, %broadcast_in_dim3A_1577], %gather3A_1802 : memref<588x8xf32, #tpu.memory_space<vmem>>[vector<16xi32>, vector<16xi32>], vector<16xf32>,
      %add3A_1803 = arith.constant 400 : i32
      %add3A_1804 = vector.broadcast %add3A_1803 : i32 to vector<16xi32>
      %add3A_1805 = arith.addi %add3A_1804, %iota3A : vector<16xi32>
      %gather3A_1806 = arith.constant 4 : i32
      %gather3A_1807 = arith.constant 0 : i32
      %gather3A_1808 = arith.constant 0 : i32
      %gather3A_1809 = tpu.memref_slice %arg4[%gather3A_1806, %gather3A_1807, %gather3A_1808] : memref<8x588x8xf32, #tpu.memory_space<vmem>> -> memref<1x588x8xf32, #tpu.memory_space<vmem>>
      %gather3A_1810 = tpu.memref_squeeze %gather3A_1809 : memref<1x588x8xf32, #tpu.memory_space<vmem>> -> memref<588x8xf32, #tpu.memory_space<vmem>>
      %gather3A_1811 = tpu.vector_load_idx %gather3A_1810[%add3A_1805, %broadcast_in_dim3A_140] : memref<588x8xf32, #tpu.memory_space<vmem>>[vector<16xi32>, vector<16xi32>], vector<16xf32>,
      tpu.vector_store_idx %arg5[%add3A_1805, %broadcast_in_dim3A_1577], %gather3A_1811 : memref<588x8xf32, #tpu.memory_space<vmem>>[vector<16xi32>, vector<16xi32>], vector<16xf32>,
      %add3A_1812 = arith.constant 416 : i32
      %add3A_1813 = vector.broadcast %add3A_1812 : i32 to vector<16xi32>
      %add3A_1814 = arith.addi %add3A_1813, %iota3A : vector<16xi32>
      %gather3A_1815 = arith.constant 4 : i32
      %gather3A_1816 = arith.constant 0 : i32
      %gather3A_1817 = arith.constant 0 : i32
      %gather3A_1818 = tpu.memref_slice %arg4[%gather3A_1815, %gather3A_1816, %gather3A_1817] : memref<8x588x8xf32, #tpu.memory_space<vmem>> -> memref<1x588x8xf32, #tpu.memory_space<vmem>>
      %gather3A_1819 = tpu.memref_squeeze %gather3A_1818 : memref<1x588x8xf32, #tpu.memory_space<vmem>> -> memref<588x8xf32, #tpu.memory_space<vmem>>
      %gather3A_1820 = tpu.vector_load_idx %gather3A_1819[%add3A_1814, %broadcast_in_dim3A_140] : memref<588x8xf32, #tpu.memory_space<vmem>>[vector<16xi32>, vector<16xi32>], vector<16xf32>,
      tpu.vector_store_idx %arg5[%add3A_1814, %broadcast_in_dim3A_1577], %gather3A_1820 : memref<588x8xf32, #tpu.memory_space<vmem>>[vector<16xi32>, vector<16xi32>], vector<16xf32>,
      %add3A_1821 = arith.constant 432 : i32
      %add3A_1822 = vector.broadcast %add3A_1821 : i32 to vector<16xi32>
      %add3A_1823 = arith.addi %add3A_1822, %iota3A : vector<16xi32>
      %gather3A_1824 = arith.constant 4 : i32
      %gather3A_1825 = arith.constant 0 : i32
      %gather3A_1826 = arith.constant 0 : i32
      %gather3A_1827 = tpu.memref_slice %arg4[%gather3A_1824, %gather3A_1825, %gather3A_1826] : memref<8x588x8xf32, #tpu.memory_space<vmem>> -> memref<1x588x8xf32, #tpu.memory_space<vmem>>
      %gather3A_1828 = tpu.memref_squeeze %gather3A_1827 : memref<1x588x8xf32, #tpu.memory_space<vmem>> -> memref<588x8xf32, #tpu.memory_space<vmem>>
      %gather3A_1829 = tpu.vector_load_idx %gather3A_1828[%add3A_1823, %broadcast_in_dim3A_140] : memref<588x8xf32, #tpu.memory_space<vmem>>[vector<16xi32>, vector<16xi32>], vector<16xf32>,
      tpu.vector_store_idx %arg5[%add3A_1823, %broadcast_in_dim3A_1577], %gather3A_1829 : memref<588x8xf32, #tpu.memory_space<vmem>>[vector<16xi32>, vector<16xi32>], vector<16xf32>,
      %add3A_1830 = arith.constant 448 : i32
      %add3A_1831 = vector.broadcast %add3A_1830 : i32 to vector<16xi32>
      %add3A_1832 = arith.addi %add3A_1831, %iota3A : vector<16xi32>
      %gather3A_1833 = arith.constant 4 : i32
      %gather3A_1834 = arith.constant 0 : i32
      %gather3A_1835 = arith.constant 0 : i32
      %gather3A_1836 = tpu.memref_slice %arg4[%gather3A_1833, %gather3A_1834, %gather3A_1835] : memref<8x588x8xf32, #tpu.memory_space<vmem>> -> memref<1x588x8xf32, #tpu.memory_space<vmem>>
      %gather3A_1837 = tpu.memref_squeeze %gather3A_1836 : memref<1x588x8xf32, #tpu.memory_space<vmem>> -> memref<588x8xf32, #tpu.memory_space<vmem>>
      %gather3A_1838 = tpu.vector_load_idx %gather3A_1837[%add3A_1832, %broadcast_in_dim3A_140] : memref<588x8xf32, #tpu.memory_space<vmem>>[vector<16xi32>, vector<16xi32>], vector<16xf32>,
      tpu.vector_store_idx %arg5[%add3A_1832, %broadcast_in_dim3A_1577], %gather3A_1838 : memref<588x8xf32, #tpu.memory_space<vmem>>[vector<16xi32>, vector<16xi32>], vector<16xf32>,
      %add3A_1839 = arith.constant 464 : i32
      %add3A_1840 = vector.broadcast %add3A_1839 : i32 to vector<16xi32>
      %add3A_1841 = arith.addi %add3A_1840, %iota3A : vector<16xi32>
      %gather3A_1842 = arith.constant 4 : i32
      %gather3A_1843 = arith.constant 0 : i32
      %gather3A_1844 = arith.constant 0 : i32
      %gather3A_1845 = tpu.memref_slice %arg4[%gather3A_1842, %gather3A_1843, %gather3A_1844] : memref<8x588x8xf32, #tpu.memory_space<vmem>> -> memref<1x588x8xf32, #tpu.memory_space<vmem>>
      %gather3A_1846 = tpu.memref_squeeze %gather3A_1845 : memref<1x588x8xf32, #tpu.memory_space<vmem>> -> memref<588x8xf32, #tpu.memory_space<vmem>>
      %gather3A_1847 = tpu.vector_load_idx %gather3A_1846[%add3A_1841, %broadcast_in_dim3A_140] : memref<588x8xf32, #tpu.memory_space<vmem>>[vector<16xi32>, vector<16xi32>], vector<16xf32>,
      tpu.vector_store_idx %arg5[%add3A_1841, %broadcast_in_dim3A_1577], %gather3A_1847 : memref<588x8xf32, #tpu.memory_space<vmem>>[vector<16xi32>, vector<16xi32>], vector<16xf32>,
      %add3A_1848 = arith.constant 480 : i32
      %add3A_1849 = vector.broadcast %add3A_1848 : i32 to vector<16xi32>
      %add3A_1850 = arith.addi %add3A_1849, %iota3A : vector<16xi32>
      %gather3A_1851 = arith.constant 4 : i32
      %gather3A_1852 = arith.constant 0 : i32
      %gather3A_1853 = arith.constant 0 : i32
      %gather3A_1854 = tpu.memref_slice %arg4[%gather3A_1851, %gather3A_1852, %gather3A_1853] : memref<8x588x8xf32, #tpu.memory_space<vmem>> -> memref<1x588x8xf32, #tpu.memory_space<vmem>>
      %gather3A_1855 = tpu.memref_squeeze %gather3A_1854 : memref<1x588x8xf32, #tpu.memory_space<vmem>> -> memref<588x8xf32, #tpu.memory_space<vmem>>
      %gather3A_1856 = tpu.vector_load_idx %gather3A_1855[%add3A_1850, %broadcast_in_dim3A_140] : memref<588x8xf32, #tpu.memory_space<vmem>>[vector<16xi32>, vector<16xi32>], vector<16xf32>,
      tpu.vector_store_idx %arg5[%add3A_1850, %broadcast_in_dim3A_1577], %gather3A_1856 : memref<588x8xf32, #tpu.memory_space<vmem>>[vector<16xi32>, vector<16xi32>], vector<16xf32>,
      %add3A_1857 = arith.constant 496 : i32
      %add3A_1858 = vector.broadcast %add3A_1857 : i32 to vector<16xi32>
      %add3A_1859 = arith.addi %add3A_1858, %iota3A : vector<16xi32>
      %gather3A_1860 = arith.constant 4 : i32
      %gather3A_1861 = arith.constant 0 : i32
      %gather3A_1862 = arith.constant 0 : i32
      %gather3A_1863 = tpu.memref_slice %arg4[%gather3A_1860, %gather3A_1861, %gather3A_1862] : memref<8x588x8xf32, #tpu.memory_space<vmem>> -> memref<1x588x8xf32, #tpu.memory_space<vmem>>
      %gather3A_1864 = tpu.memref_squeeze %gather3A_1863 : memref<1x588x8xf32, #tpu.memory_space<vmem>> -> memref<588x8xf32, #tpu.memory_space<vmem>>
      %gather3A_1865 = tpu.vector_load_idx %gather3A_1864[%add3A_1859, %broadcast_in_dim3A_140] : memref<588x8xf32, #tpu.memory_space<vmem>>[vector<16xi32>, vector<16xi32>], vector<16xf32>,
      tpu.vector_store_idx %arg5[%add3A_1859, %broadcast_in_dim3A_1577], %gather3A_1865 : memref<588x8xf32, #tpu.memory_space<vmem>>[vector<16xi32>, vector<16xi32>], vector<16xf32>,
      %add3A_1866 = arith.constant 512 : i32
      %add3A_1867 = vector.broadcast %add3A_1866 : i32 to vector<16xi32>
      %add3A_1868 = arith.addi %add3A_1867, %iota3A : vector<16xi32>
      %gather3A_1869 = arith.constant 4 : i32
      %gather3A_1870 = arith.constant 0 : i32
      %gather3A_1871 = arith.constant 0 : i32
      %gather3A_1872 = tpu.memref_slice %arg4[%gather3A_1869, %gather3A_1870, %gather3A_1871] : memref<8x588x8xf32, #tpu.memory_space<vmem>> -> memref<1x588x8xf32, #tpu.memory_space<vmem>>
      %gather3A_1873 = tpu.memref_squeeze %gather3A_1872 : memref<1x588x8xf32, #tpu.memory_space<vmem>> -> memref<588x8xf32, #tpu.memory_space<vmem>>
      %gather3A_1874 = tpu.vector_load_idx %gather3A_1873[%add3A_1868, %broadcast_in_dim3A_140] : memref<588x8xf32, #tpu.memory_space<vmem>>[vector<16xi32>, vector<16xi32>], vector<16xf32>,
      tpu.vector_store_idx %arg5[%add3A_1868, %broadcast_in_dim3A_1577], %gather3A_1874 : memref<588x8xf32, #tpu.memory_space<vmem>>[vector<16xi32>, vector<16xi32>], vector<16xf32>,
      %add3A_1875 = arith.constant 528 : i32
      %add3A_1876 = vector.broadcast %add3A_1875 : i32 to vector<16xi32>
      %add3A_1877 = arith.addi %add3A_1876, %iota3A : vector<16xi32>
      %gather3A_1878 = arith.constant 4 : i32
      %gather3A_1879 = arith.constant 0 : i32
      %gather3A_1880 = arith.constant 0 : i32
      %gather3A_1881 = tpu.memref_slice %arg4[%gather3A_1878, %gather3A_1879, %gather3A_1880] : memref<8x588x8xf32, #tpu.memory_space<vmem>> -> memref<1x588x8xf32, #tpu.memory_space<vmem>>
      %gather3A_1882 = tpu.memref_squeeze %gather3A_1881 : memref<1x588x8xf32, #tpu.memory_space<vmem>> -> memref<588x8xf32, #tpu.memory_space<vmem>>
      %gather3A_1883 = tpu.vector_load_idx %gather3A_1882[%add3A_1877, %broadcast_in_dim3A_140] : memref<588x8xf32, #tpu.memory_space<vmem>>[vector<16xi32>, vector<16xi32>], vector<16xf32>,
      tpu.vector_store_idx %arg5[%add3A_1877, %broadcast_in_dim3A_1577], %gather3A_1883 : memref<588x8xf32, #tpu.memory_space<vmem>>[vector<16xi32>, vector<16xi32>], vector<16xf32>,
      %add3A_1884 = arith.constant 544 : i32
      %add3A_1885 = vector.broadcast %add3A_1884 : i32 to vector<16xi32>
      %add3A_1886 = arith.addi %add3A_1885, %iota3A : vector<16xi32>
      %gather3A_1887 = arith.constant 4 : i32
      %gather3A_1888 = arith.constant 0 : i32
      %gather3A_1889 = arith.constant 0 : i32
      %gather3A_1890 = tpu.memref_slice %arg4[%gather3A_1887, %gather3A_1888, %gather3A_1889] : memref<8x588x8xf32, #tpu.memory_space<vmem>> -> memref<1x588x8xf32, #tpu.memory_space<vmem>>
      %gather3A_1891 = tpu.memref_squeeze %gather3A_1890 : memref<1x588x8xf32, #tpu.memory_space<vmem>> -> memref<588x8xf32, #tpu.memory_space<vmem>>
      %gather3A_1892 = tpu.vector_load_idx %gather3A_1891[%add3A_1886, %broadcast_in_dim3A_140] : memref<588x8xf32, #tpu.memory_space<vmem>>[vector<16xi32>, vector<16xi32>], vector<16xf32>,
      tpu.vector_store_idx %arg5[%add3A_1886, %broadcast_in_dim3A_1577], %gather3A_1892 : memref<588x8xf32, #tpu.memory_space<vmem>>[vector<16xi32>, vector<16xi32>], vector<16xf32>,
      %add3A_1893 = arith.constant 560 : i32
      %add3A_1894 = vector.broadcast %add3A_1893 : i32 to vector<16xi32>
      %add3A_1895 = arith.addi %add3A_1894, %iota3A : vector<16xi32>
      %gather3A_1896 = arith.constant 4 : i32
      %gather3A_1897 = arith.constant 0 : i32
      %gather3A_1898 = arith.constant 0 : i32
      %gather3A_1899 = tpu.memref_slice %arg4[%gather3A_1896, %gather3A_1897, %gather3A_1898] : memref<8x588x8xf32, #tpu.memory_space<vmem>> -> memref<1x588x8xf32, #tpu.memory_space<vmem>>
      %gather3A_1900 = tpu.memref_squeeze %gather3A_1899 : memref<1x588x8xf32, #tpu.memory_space<vmem>> -> memref<588x8xf32, #tpu.memory_space<vmem>>
      %gather3A_1901 = tpu.vector_load_idx %gather3A_1900[%add3A_1895, %broadcast_in_dim3A_140] : memref<588x8xf32, #tpu.memory_space<vmem>>[vector<16xi32>, vector<16xi32>], vector<16xf32>,
      tpu.vector_store_idx %arg5[%add3A_1895, %broadcast_in_dim3A_1577], %gather3A_1901 : memref<588x8xf32, #tpu.memory_space<vmem>>[vector<16xi32>, vector<16xi32>], vector<16xf32>,
      %add3A_1902 = arith.constant 576 : i32
      %add3A_1903 = vector.broadcast %add3A_1902 : i32 to vector<16xi32>
      %add3A_1904 = arith.addi %add3A_1903, %iota3A : vector<16xi32>
      %lt3A_1905 = arith.constant 12 : i32
      %lt3A_1906 = vector.broadcast %lt3A_1905 : i32 to vector<16xi32>
      %lt3A_1907 = arith.cmpi slt, %iota3A, %lt3A_1906 : vector<16xi32>
      %gather3A_1908 = arith.constant 4 : i32
      %gather3A_1909 = arith.constant 0 : i32
      %gather3A_1910 = arith.constant 0 : i32
      %gather3A_1911 = tpu.memref_slice %arg4[%gather3A_1908, %gather3A_1909, %gather3A_1910] : memref<8x588x8xf32, #tpu.memory_space<vmem>> -> memref<1x588x8xf32, #tpu.memory_space<vmem>>
      %gather3A_1912 = tpu.memref_squeeze %gather3A_1911 : memref<1x588x8xf32, #tpu.memory_space<vmem>> -> memref<588x8xf32, #tpu.memory_space<vmem>>
      %gather3A_1913 = tpu.vector_load_idx %gather3A_1912[%add3A_1904, %broadcast_in_dim3A_140] masked %lt3A_1907 : memref<588x8xf32, #tpu.memory_space<vmem>>[vector<16xi32>, vector<16xi32>], vector<16xf32>, vector<16xi1>
      tpu.vector_store_idx %arg5[%add3A_1904, %broadcast_in_dim3A_1577], %gather3A_1913 masked %lt3A_1907 : memref<588x8xf32, #tpu.memory_space<vmem>>[vector<16xi32>, vector<16xi32>], vector<16xf32>, vector<16xi1>
      %dma_wait3A_1914 = arith.constant 1 : i32
      %dma_wait3A_1915 = arith.constant 5 : i32
      %dma_wait3A_1916 = arith.constant 5 : i32
      %dma_wait3A_1917 = arith.constant 0 : i32
      %dma_wait3A_1918 = arith.constant 0 : i32
      %dma_wait3A_1919 = tpu.memref_slice %arg4[%dma_wait3A_1916, %dma_wait3A_1917, %dma_wait3A_1918] : memref<8x588x8xf32, #tpu.memory_space<vmem>> -> memref<1x588x8xf32, #tpu.memory_space<vmem>>
      %dma_wait3A_1920 = tpu.memref_squeeze %dma_wait3A_1919 : memref<1x588x8xf32, #tpu.memory_space<vmem>> -> memref<588x8xf32, #tpu.memory_space<vmem>>
      %dma_wait3A_1921 = arith.constant 40 : i32
      %dma_wait3A_1922 = tpu.memref_slice %arg2[%mul3A_2, %dma_wait3A_1914, %dma_wait3A_1915, %dma_wait3A_1921] : memref<18816x2x8x128xf32, #tpu.memory_space<hbm>> -> memref<588x1x1x8xf32, #tpu.memory_space<hbm>>
      %dma_wait3A_1923 = tpu.memref_squeeze %dma_wait3A_1922 : memref<588x1x1x8xf32, #tpu.memory_space<hbm>> -> memref<588x8xf32, #tpu.memory_space<hbm>>
      %dma_wait3A_1924 = arith.constant 0 : i32
      %dma_wait3A_1925 = arith.constant 0 : i32
      %dma_wait3A_1926 = tpu.memref_slice %arg4[%dma_wait3A_1916, %dma_wait3A_1924, %dma_wait3A_1925] : memref<8x588x8xf32, #tpu.memory_space<vmem>> -> memref<1x588x8xf32, #tpu.memory_space<vmem>>
      %dma_wait3A_1927 = tpu.memref_squeeze %dma_wait3A_1926 : memref<1x588x8xf32, #tpu.memory_space<vmem>> -> memref<588x8xf32, #tpu.memory_space<vmem>>
      %dma_wait3A_1928 = arith.constant 40 : i32
      %dma_wait3A_1929 = tpu.memref_slice %arg2[%mul3A_2, %dma_wait3A_1914, %dma_wait3A_1915, %dma_wait3A_1928] : memref<18816x2x8x128xf32, #tpu.memory_space<hbm>> -> memref<588x1x1x8xf32, #tpu.memory_space<hbm>>
      %dma_wait3A_1930 = tpu.memref_squeeze %dma_wait3A_1929 : memref<588x1x1x8xf32, #tpu.memory_space<hbm>> -> memref<588x8xf32, #tpu.memory_space<hbm>>
      tpu.wait_dma2 semaphore(%arg6 : memref<!tpu.dma_semaphore, #tpu.memory_space<semaphore_mem>>) src(%dma_wait3A_1930 : memref<588x8xf32, #tpu.memory_space<hbm>>) dst(%dma_wait3A_1927 : memref<588x8xf32, #tpu.memory_space<vmem>>)
      %broadcast_in_dim3A_1931 = arith.constant 5 : i32
      %broadcast_in_dim3A_1932 = vector.broadcast %broadcast_in_dim3A_1931 : i32 to vector<16xi32>
      %add3A_1933 = arith.constant 0 : i32
      %add3A_1934 = vector.broadcast %add3A_1933 : i32 to vector<16xi32>
      %add3A_1935 = arith.addi %add3A_1934, %iota3A : vector<16xi32>
      %gather3A_1936 = arith.constant 5 : i32
      %gather3A_1937 = arith.constant 0 : i32
      %gather3A_1938 = arith.constant 0 : i32
      %gather3A_1939 = tpu.memref_slice %arg4[%gather3A_1936, %gather3A_1937, %gather3A_1938] : memref<8x588x8xf32, #tpu.memory_space<vmem>> -> memref<1x588x8xf32, #tpu.memory_space<vmem>>
      %gather3A_1940 = tpu.memref_squeeze %gather3A_1939 : memref<1x588x8xf32, #tpu.memory_space<vmem>> -> memref<588x8xf32, #tpu.memory_space<vmem>>
      %gather3A_1941 = tpu.vector_load_idx %gather3A_1940[%add3A_1935, %broadcast_in_dim3A_140] : memref<588x8xf32, #tpu.memory_space<vmem>>[vector<16xi32>, vector<16xi32>], vector<16xf32>,
      tpu.vector_store_idx %arg5[%add3A_1935, %broadcast_in_dim3A_1932], %gather3A_1941 : memref<588x8xf32, #tpu.memory_space<vmem>>[vector<16xi32>, vector<16xi32>], vector<16xf32>,
      %add3A_1942 = arith.constant 16 : i32
      %add3A_1943 = vector.broadcast %add3A_1942 : i32 to vector<16xi32>
      %add3A_1944 = arith.addi %add3A_1943, %iota3A : vector<16xi32>
      %gather3A_1945 = arith.constant 5 : i32
      %gather3A_1946 = arith.constant 0 : i32
      %gather3A_1947 = arith.constant 0 : i32
      %gather3A_1948 = tpu.memref_slice %arg4[%gather3A_1945, %gather3A_1946, %gather3A_1947] : memref<8x588x8xf32, #tpu.memory_space<vmem>> -> memref<1x588x8xf32, #tpu.memory_space<vmem>>
      %gather3A_1949 = tpu.memref_squeeze %gather3A_1948 : memref<1x588x8xf32, #tpu.memory_space<vmem>> -> memref<588x8xf32, #tpu.memory_space<vmem>>
      %gather3A_1950 = tpu.vector_load_idx %gather3A_1949[%add3A_1944, %broadcast_in_dim3A_140] : memref<588x8xf32, #tpu.memory_space<vmem>>[vector<16xi32>, vector<16xi32>], vector<16xf32>,
      tpu.vector_store_idx %arg5[%add3A_1944, %broadcast_in_dim3A_1932], %gather3A_1950 : memref<588x8xf32, #tpu.memory_space<vmem>>[vector<16xi32>, vector<16xi32>], vector<16xf32>,
      %add3A_1951 = arith.constant 32 : i32
      %add3A_1952 = vector.broadcast %add3A_1951 : i32 to vector<16xi32>
      %add3A_1953 = arith.addi %add3A_1952, %iota3A : vector<16xi32>
      %gather3A_1954 = arith.constant 5 : i32
      %gather3A_1955 = arith.constant 0 : i32
      %gather3A_1956 = arith.constant 0 : i32
      %gather3A_1957 = tpu.memref_slice %arg4[%gather3A_1954, %gather3A_1955, %gather3A_1956] : memref<8x588x8xf32, #tpu.memory_space<vmem>> -> memref<1x588x8xf32, #tpu.memory_space<vmem>>
      %gather3A_1958 = tpu.memref_squeeze %gather3A_1957 : memref<1x588x8xf32, #tpu.memory_space<vmem>> -> memref<588x8xf32, #tpu.memory_space<vmem>>
      %gather3A_1959 = tpu.vector_load_idx %gather3A_1958[%add3A_1953, %broadcast_in_dim3A_140] : memref<588x8xf32, #tpu.memory_space<vmem>>[vector<16xi32>, vector<16xi32>], vector<16xf32>,
      tpu.vector_store_idx %arg5[%add3A_1953, %broadcast_in_dim3A_1932], %gather3A_1959 : memref<588x8xf32, #tpu.memory_space<vmem>>[vector<16xi32>, vector<16xi32>], vector<16xf32>,
      %add3A_1960 = arith.constant 48 : i32
      %add3A_1961 = vector.broadcast %add3A_1960 : i32 to vector<16xi32>
      %add3A_1962 = arith.addi %add3A_1961, %iota3A : vector<16xi32>
      %gather3A_1963 = arith.constant 5 : i32
      %gather3A_1964 = arith.constant 0 : i32
      %gather3A_1965 = arith.constant 0 : i32
      %gather3A_1966 = tpu.memref_slice %arg4[%gather3A_1963, %gather3A_1964, %gather3A_1965] : memref<8x588x8xf32, #tpu.memory_space<vmem>> -> memref<1x588x8xf32, #tpu.memory_space<vmem>>
      %gather3A_1967 = tpu.memref_squeeze %gather3A_1966 : memref<1x588x8xf32, #tpu.memory_space<vmem>> -> memref<588x8xf32, #tpu.memory_space<vmem>>
      %gather3A_1968 = tpu.vector_load_idx %gather3A_1967[%add3A_1962, %broadcast_in_dim3A_140] : memref<588x8xf32, #tpu.memory_space<vmem>>[vector<16xi32>, vector<16xi32>], vector<16xf32>,
      tpu.vector_store_idx %arg5[%add3A_1962, %broadcast_in_dim3A_1932], %gather3A_1968 : memref<588x8xf32, #tpu.memory_space<vmem>>[vector<16xi32>, vector<16xi32>], vector<16xf32>,
      %add3A_1969 = arith.constant 64 : i32
      %add3A_1970 = vector.broadcast %add3A_1969 : i32 to vector<16xi32>
      %add3A_1971 = arith.addi %add3A_1970, %iota3A : vector<16xi32>
      %gather3A_1972 = arith.constant 5 : i32
      %gather3A_1973 = arith.constant 0 : i32
      %gather3A_1974 = arith.constant 0 : i32
      %gather3A_1975 = tpu.memref_slice %arg4[%gather3A_1972, %gather3A_1973, %gather3A_1974] : memref<8x588x8xf32, #tpu.memory_space<vmem>> -> memref<1x588x8xf32, #tpu.memory_space<vmem>>
      %gather3A_1976 = tpu.memref_squeeze %gather3A_1975 : memref<1x588x8xf32, #tpu.memory_space<vmem>> -> memref<588x8xf32, #tpu.memory_space<vmem>>
      %gather3A_1977 = tpu.vector_load_idx %gather3A_1976[%add3A_1971, %broadcast_in_dim3A_140] : memref<588x8xf32, #tpu.memory_space<vmem>>[vector<16xi32>, vector<16xi32>], vector<16xf32>,
      tpu.vector_store_idx %arg5[%add3A_1971, %broadcast_in_dim3A_1932], %gather3A_1977 : memref<588x8xf32, #tpu.memory_space<vmem>>[vector<16xi32>, vector<16xi32>], vector<16xf32>,
      %add3A_1978 = arith.constant 80 : i32
      %add3A_1979 = vector.broadcast %add3A_1978 : i32 to vector<16xi32>
      %add3A_1980 = arith.addi %add3A_1979, %iota3A : vector<16xi32>
      %gather3A_1981 = arith.constant 5 : i32
      %gather3A_1982 = arith.constant 0 : i32
      %gather3A_1983 = arith.constant 0 : i32
      %gather3A_1984 = tpu.memref_slice %arg4[%gather3A_1981, %gather3A_1982, %gather3A_1983] : memref<8x588x8xf32, #tpu.memory_space<vmem>> -> memref<1x588x8xf32, #tpu.memory_space<vmem>>
      %gather3A_1985 = tpu.memref_squeeze %gather3A_1984 : memref<1x588x8xf32, #tpu.memory_space<vmem>> -> memref<588x8xf32, #tpu.memory_space<vmem>>
      %gather3A_1986 = tpu.vector_load_idx %gather3A_1985[%add3A_1980, %broadcast_in_dim3A_140] : memref<588x8xf32, #tpu.memory_space<vmem>>[vector<16xi32>, vector<16xi32>], vector<16xf32>,
      tpu.vector_store_idx %arg5[%add3A_1980, %broadcast_in_dim3A_1932], %gather3A_1986 : memref<588x8xf32, #tpu.memory_space<vmem>>[vector<16xi32>, vector<16xi32>], vector<16xf32>,
      %add3A_1987 = arith.constant 96 : i32
      %add3A_1988 = vector.broadcast %add3A_1987 : i32 to vector<16xi32>
      %add3A_1989 = arith.addi %add3A_1988, %iota3A : vector<16xi32>
      %gather3A_1990 = arith.constant 5 : i32
      %gather3A_1991 = arith.constant 0 : i32
      %gather3A_1992 = arith.constant 0 : i32
      %gather3A_1993 = tpu.memref_slice %arg4[%gather3A_1990, %gather3A_1991, %gather3A_1992] : memref<8x588x8xf32, #tpu.memory_space<vmem>> -> memref<1x588x8xf32, #tpu.memory_space<vmem>>
      %gather3A_1994 = tpu.memref_squeeze %gather3A_1993 : memref<1x588x8xf32, #tpu.memory_space<vmem>> -> memref<588x8xf32, #tpu.memory_space<vmem>>
      %gather3A_1995 = tpu.vector_load_idx %gather3A_1994[%add3A_1989, %broadcast_in_dim3A_140] : memref<588x8xf32, #tpu.memory_space<vmem>>[vector<16xi32>, vector<16xi32>], vector<16xf32>,
      tpu.vector_store_idx %arg5[%add3A_1989, %broadcast_in_dim3A_1932], %gather3A_1995 : memref<588x8xf32, #tpu.memory_space<vmem>>[vector<16xi32>, vector<16xi32>], vector<16xf32>,
      %add3A_1996 = arith.constant 112 : i32
      %add3A_1997 = vector.broadcast %add3A_1996 : i32 to vector<16xi32>
      %add3A_1998 = arith.addi %add3A_1997, %iota3A : vector<16xi32>
      %gather3A_1999 = arith.constant 5 : i32
      %gather3A_2000 = arith.constant 0 : i32
      %gather3A_2001 = arith.constant 0 : i32
      %gather3A_2002 = tpu.memref_slice %arg4[%gather3A_1999, %gather3A_2000, %gather3A_2001] : memref<8x588x8xf32, #tpu.memory_space<vmem>> -> memref<1x588x8xf32, #tpu.memory_space<vmem>>
      %gather3A_2003 = tpu.memref_squeeze %gather3A_2002 : memref<1x588x8xf32, #tpu.memory_space<vmem>> -> memref<588x8xf32, #tpu.memory_space<vmem>>
      %gather3A_2004 = tpu.vector_load_idx %gather3A_2003[%add3A_1998, %broadcast_in_dim3A_140] : memref<588x8xf32, #tpu.memory_space<vmem>>[vector<16xi32>, vector<16xi32>], vector<16xf32>,
      tpu.vector_store_idx %arg5[%add3A_1998, %broadcast_in_dim3A_1932], %gather3A_2004 : memref<588x8xf32, #tpu.memory_space<vmem>>[vector<16xi32>, vector<16xi32>], vector<16xf32>,
      %add3A_2005 = arith.constant 128 : i32
      %add3A_2006 = vector.broadcast %add3A_2005 : i32 to vector<16xi32>
      %add3A_2007 = arith.addi %add3A_2006, %iota3A : vector<16xi32>
      %gather3A_2008 = arith.constant 5 : i32
      %gather3A_2009 = arith.constant 0 : i32
      %gather3A_2010 = arith.constant 0 : i32
      %gather3A_2011 = tpu.memref_slice %arg4[%gather3A_2008, %gather3A_2009, %gather3A_2010] : memref<8x588x8xf32, #tpu.memory_space<vmem>> -> memref<1x588x8xf32, #tpu.memory_space<vmem>>
      %gather3A_2012 = tpu.memref_squeeze %gather3A_2011 : memref<1x588x8xf32, #tpu.memory_space<vmem>> -> memref<588x8xf32, #tpu.memory_space<vmem>>
      %gather3A_2013 = tpu.vector_load_idx %gather3A_2012[%add3A_2007, %broadcast_in_dim3A_140] : memref<588x8xf32, #tpu.memory_space<vmem>>[vector<16xi32>, vector<16xi32>], vector<16xf32>,
      tpu.vector_store_idx %arg5[%add3A_2007, %broadcast_in_dim3A_1932], %gather3A_2013 : memref<588x8xf32, #tpu.memory_space<vmem>>[vector<16xi32>, vector<16xi32>], vector<16xf32>,
      %add3A_2014 = arith.constant 144 : i32
      %add3A_2015 = vector.broadcast %add3A_2014 : i32 to vector<16xi32>
      %add3A_2016 = arith.addi %add3A_2015, %iota3A : vector<16xi32>
      %gather3A_2017 = arith.constant 5 : i32
      %gather3A_2018 = arith.constant 0 : i32
      %gather3A_2019 = arith.constant 0 : i32
      %gather3A_2020 = tpu.memref_slice %arg4[%gather3A_2017, %gather3A_2018, %gather3A_2019] : memref<8x588x8xf32, #tpu.memory_space<vmem>> -> memref<1x588x8xf32, #tpu.memory_space<vmem>>
      %gather3A_2021 = tpu.memref_squeeze %gather3A_2020 : memref<1x588x8xf32, #tpu.memory_space<vmem>> -> memref<588x8xf32, #tpu.memory_space<vmem>>
      %gather3A_2022 = tpu.vector_load_idx %gather3A_2021[%add3A_2016, %broadcast_in_dim3A_140] : memref<588x8xf32, #tpu.memory_space<vmem>>[vector<16xi32>, vector<16xi32>], vector<16xf32>,
      tpu.vector_store_idx %arg5[%add3A_2016, %broadcast_in_dim3A_1932], %gather3A_2022 : memref<588x8xf32, #tpu.memory_space<vmem>>[vector<16xi32>, vector<16xi32>], vector<16xf32>,
      %add3A_2023 = arith.constant 160 : i32
      %add3A_2024 = vector.broadcast %add3A_2023 : i32 to vector<16xi32>
      %add3A_2025 = arith.addi %add3A_2024, %iota3A : vector<16xi32>
      %gather3A_2026 = arith.constant 5 : i32
      %gather3A_2027 = arith.constant 0 : i32
      %gather3A_2028 = arith.constant 0 : i32
      %gather3A_2029 = tpu.memref_slice %arg4[%gather3A_2026, %gather3A_2027, %gather3A_2028] : memref<8x588x8xf32, #tpu.memory_space<vmem>> -> memref<1x588x8xf32, #tpu.memory_space<vmem>>
      %gather3A_2030 = tpu.memref_squeeze %gather3A_2029 : memref<1x588x8xf32, #tpu.memory_space<vmem>> -> memref<588x8xf32, #tpu.memory_space<vmem>>
      %gather3A_2031 = tpu.vector_load_idx %gather3A_2030[%add3A_2025, %broadcast_in_dim3A_140] : memref<588x8xf32, #tpu.memory_space<vmem>>[vector<16xi32>, vector<16xi32>], vector<16xf32>,
      tpu.vector_store_idx %arg5[%add3A_2025, %broadcast_in_dim3A_1932], %gather3A_2031 : memref<588x8xf32, #tpu.memory_space<vmem>>[vector<16xi32>, vector<16xi32>], vector<16xf32>,
      %add3A_2032 = arith.constant 176 : i32
      %add3A_2033 = vector.broadcast %add3A_2032 : i32 to vector<16xi32>
      %add3A_2034 = arith.addi %add3A_2033, %iota3A : vector<16xi32>
      %gather3A_2035 = arith.constant 5 : i32
      %gather3A_2036 = arith.constant 0 : i32
      %gather3A_2037 = arith.constant 0 : i32
      %gather3A_2038 = tpu.memref_slice %arg4[%gather3A_2035, %gather3A_2036, %gather3A_2037] : memref<8x588x8xf32, #tpu.memory_space<vmem>> -> memref<1x588x8xf32, #tpu.memory_space<vmem>>
      %gather3A_2039 = tpu.memref_squeeze %gather3A_2038 : memref<1x588x8xf32, #tpu.memory_space<vmem>> -> memref<588x8xf32, #tpu.memory_space<vmem>>
      %gather3A_2040 = tpu.vector_load_idx %gather3A_2039[%add3A_2034, %broadcast_in_dim3A_140] : memref<588x8xf32, #tpu.memory_space<vmem>>[vector<16xi32>, vector<16xi32>], vector<16xf32>,
      tpu.vector_store_idx %arg5[%add3A_2034, %broadcast_in_dim3A_1932], %gather3A_2040 : memref<588x8xf32, #tpu.memory_space<vmem>>[vector<16xi32>, vector<16xi32>], vector<16xf32>,
      %add3A_2041 = arith.constant 192 : i32
      %add3A_2042 = vector.broadcast %add3A_2041 : i32 to vector<16xi32>
      %add3A_2043 = arith.addi %add3A_2042, %iota3A : vector<16xi32>
      %gather3A_2044 = arith.constant 5 : i32
      %gather3A_2045 = arith.constant 0 : i32
      %gather3A_2046 = arith.constant 0 : i32
      %gather3A_2047 = tpu.memref_slice %arg4[%gather3A_2044, %gather3A_2045, %gather3A_2046] : memref<8x588x8xf32, #tpu.memory_space<vmem>> -> memref<1x588x8xf32, #tpu.memory_space<vmem>>
      %gather3A_2048 = tpu.memref_squeeze %gather3A_2047 : memref<1x588x8xf32, #tpu.memory_space<vmem>> -> memref<588x8xf32, #tpu.memory_space<vmem>>
      %gather3A_2049 = tpu.vector_load_idx %gather3A_2048[%add3A_2043, %broadcast_in_dim3A_140] : memref<588x8xf32, #tpu.memory_space<vmem>>[vector<16xi32>, vector<16xi32>], vector<16xf32>,
      tpu.vector_store_idx %arg5[%add3A_2043, %broadcast_in_dim3A_1932], %gather3A_2049 : memref<588x8xf32, #tpu.memory_space<vmem>>[vector<16xi32>, vector<16xi32>], vector<16xf32>,
      %add3A_2050 = arith.constant 208 : i32
      %add3A_2051 = vector.broadcast %add3A_2050 : i32 to vector<16xi32>
      %add3A_2052 = arith.addi %add3A_2051, %iota3A : vector<16xi32>
      %gather3A_2053 = arith.constant 5 : i32
      %gather3A_2054 = arith.constant 0 : i32
      %gather3A_2055 = arith.constant 0 : i32
      %gather3A_2056 = tpu.memref_slice %arg4[%gather3A_2053, %gather3A_2054, %gather3A_2055] : memref<8x588x8xf32, #tpu.memory_space<vmem>> -> memref<1x588x8xf32, #tpu.memory_space<vmem>>
      %gather3A_2057 = tpu.memref_squeeze %gather3A_2056 : memref<1x588x8xf32, #tpu.memory_space<vmem>> -> memref<588x8xf32, #tpu.memory_space<vmem>>
      %gather3A_2058 = tpu.vector_load_idx %gather3A_2057[%add3A_2052, %broadcast_in_dim3A_140] : memref<588x8xf32, #tpu.memory_space<vmem>>[vector<16xi32>, vector<16xi32>], vector<16xf32>,
      tpu.vector_store_idx %arg5[%add3A_2052, %broadcast_in_dim3A_1932], %gather3A_2058 : memref<588x8xf32, #tpu.memory_space<vmem>>[vector<16xi32>, vector<16xi32>], vector<16xf32>,
      %add3A_2059 = arith.constant 224 : i32
      %add3A_2060 = vector.broadcast %add3A_2059 : i32 to vector<16xi32>
      %add3A_2061 = arith.addi %add3A_2060, %iota3A : vector<16xi32>
      %gather3A_2062 = arith.constant 5 : i32
      %gather3A_2063 = arith.constant 0 : i32
      %gather3A_2064 = arith.constant 0 : i32
      %gather3A_2065 = tpu.memref_slice %arg4[%gather3A_2062, %gather3A_2063, %gather3A_2064] : memref<8x588x8xf32, #tpu.memory_space<vmem>> -> memref<1x588x8xf32, #tpu.memory_space<vmem>>
      %gather3A_2066 = tpu.memref_squeeze %gather3A_2065 : memref<1x588x8xf32, #tpu.memory_space<vmem>> -> memref<588x8xf32, #tpu.memory_space<vmem>>
      %gather3A_2067 = tpu.vector_load_idx %gather3A_2066[%add3A_2061, %broadcast_in_dim3A_140] : memref<588x8xf32, #tpu.memory_space<vmem>>[vector<16xi32>, vector<16xi32>], vector<16xf32>,
      tpu.vector_store_idx %arg5[%add3A_2061, %broadcast_in_dim3A_1932], %gather3A_2067 : memref<588x8xf32, #tpu.memory_space<vmem>>[vector<16xi32>, vector<16xi32>], vector<16xf32>,
      %add3A_2068 = arith.constant 240 : i32
      %add3A_2069 = vector.broadcast %add3A_2068 : i32 to vector<16xi32>
      %add3A_2070 = arith.addi %add3A_2069, %iota3A : vector<16xi32>
      %gather3A_2071 = arith.constant 5 : i32
      %gather3A_2072 = arith.constant 0 : i32
      %gather3A_2073 = arith.constant 0 : i32
      %gather3A_2074 = tpu.memref_slice %arg4[%gather3A_2071, %gather3A_2072, %gather3A_2073] : memref<8x588x8xf32, #tpu.memory_space<vmem>> -> memref<1x588x8xf32, #tpu.memory_space<vmem>>
      %gather3A_2075 = tpu.memref_squeeze %gather3A_2074 : memref<1x588x8xf32, #tpu.memory_space<vmem>> -> memref<588x8xf32, #tpu.memory_space<vmem>>
      %gather3A_2076 = tpu.vector_load_idx %gather3A_2075[%add3A_2070, %broadcast_in_dim3A_140] : memref<588x8xf32, #tpu.memory_space<vmem>>[vector<16xi32>, vector<16xi32>], vector<16xf32>,
      tpu.vector_store_idx %arg5[%add3A_2070, %broadcast_in_dim3A_1932], %gather3A_2076 : memref<588x8xf32, #tpu.memory_space<vmem>>[vector<16xi32>, vector<16xi32>], vector<16xf32>,
      %add3A_2077 = arith.constant 256 : i32
      %add3A_2078 = vector.broadcast %add3A_2077 : i32 to vector<16xi32>
      %add3A_2079 = arith.addi %add3A_2078, %iota3A : vector<16xi32>
      %gather3A_2080 = arith.constant 5 : i32
      %gather3A_2081 = arith.constant 0 : i32
      %gather3A_2082 = arith.constant 0 : i32
      %gather3A_2083 = tpu.memref_slice %arg4[%gather3A_2080, %gather3A_2081, %gather3A_2082] : memref<8x588x8xf32, #tpu.memory_space<vmem>> -> memref<1x588x8xf32, #tpu.memory_space<vmem>>
      %gather3A_2084 = tpu.memref_squeeze %gather3A_2083 : memref<1x588x8xf32, #tpu.memory_space<vmem>> -> memref<588x8xf32, #tpu.memory_space<vmem>>
      %gather3A_2085 = tpu.vector_load_idx %gather3A_2084[%add3A_2079, %broadcast_in_dim3A_140] : memref<588x8xf32, #tpu.memory_space<vmem>>[vector<16xi32>, vector<16xi32>], vector<16xf32>,
      tpu.vector_store_idx %arg5[%add3A_2079, %broadcast_in_dim3A_1932], %gather3A_2085 : memref<588x8xf32, #tpu.memory_space<vmem>>[vector<16xi32>, vector<16xi32>], vector<16xf32>,
      %add3A_2086 = arith.constant 272 : i32
      %add3A_2087 = vector.broadcast %add3A_2086 : i32 to vector<16xi32>
      %add3A_2088 = arith.addi %add3A_2087, %iota3A : vector<16xi32>
      %gather3A_2089 = arith.constant 5 : i32
      %gather3A_2090 = arith.constant 0 : i32
      %gather3A_2091 = arith.constant 0 : i32
      %gather3A_2092 = tpu.memref_slice %arg4[%gather3A_2089, %gather3A_2090, %gather3A_2091] : memref<8x588x8xf32, #tpu.memory_space<vmem>> -> memref<1x588x8xf32, #tpu.memory_space<vmem>>
      %gather3A_2093 = tpu.memref_squeeze %gather3A_2092 : memref<1x588x8xf32, #tpu.memory_space<vmem>> -> memref<588x8xf32, #tpu.memory_space<vmem>>
      %gather3A_2094 = tpu.vector_load_idx %gather3A_2093[%add3A_2088, %broadcast_in_dim3A_140] : memref<588x8xf32, #tpu.memory_space<vmem>>[vector<16xi32>, vector<16xi32>], vector<16xf32>,
      tpu.vector_store_idx %arg5[%add3A_2088, %broadcast_in_dim3A_1932], %gather3A_2094 : memref<588x8xf32, #tpu.memory_space<vmem>>[vector<16xi32>, vector<16xi32>], vector<16xf32>,
      %add3A_2095 = arith.constant 288 : i32
      %add3A_2096 = vector.broadcast %add3A_2095 : i32 to vector<16xi32>
      %add3A_2097 = arith.addi %add3A_2096, %iota3A : vector<16xi32>
      %gather3A_2098 = arith.constant 5 : i32
      %gather3A_2099 = arith.constant 0 : i32
      %gather3A_2100 = arith.constant 0 : i32
      %gather3A_2101 = tpu.memref_slice %arg4[%gather3A_2098, %gather3A_2099, %gather3A_2100] : memref<8x588x8xf32, #tpu.memory_space<vmem>> -> memref<1x588x8xf32, #tpu.memory_space<vmem>>
      %gather3A_2102 = tpu.memref_squeeze %gather3A_2101 : memref<1x588x8xf32, #tpu.memory_space<vmem>> -> memref<588x8xf32, #tpu.memory_space<vmem>>
      %gather3A_2103 = tpu.vector_load_idx %gather3A_2102[%add3A_2097, %broadcast_in_dim3A_140] : memref<588x8xf32, #tpu.memory_space<vmem>>[vector<16xi32>, vector<16xi32>], vector<16xf32>,
      tpu.vector_store_idx %arg5[%add3A_2097, %broadcast_in_dim3A_1932], %gather3A_2103 : memref<588x8xf32, #tpu.memory_space<vmem>>[vector<16xi32>, vector<16xi32>], vector<16xf32>,
      %add3A_2104 = arith.constant 304 : i32
      %add3A_2105 = vector.broadcast %add3A_2104 : i32 to vector<16xi32>
      %add3A_2106 = arith.addi %add3A_2105, %iota3A : vector<16xi32>
      %gather3A_2107 = arith.constant 5 : i32
      %gather3A_2108 = arith.constant 0 : i32
      %gather3A_2109 = arith.constant 0 : i32
      %gather3A_2110 = tpu.memref_slice %arg4[%gather3A_2107, %gather3A_2108, %gather3A_2109] : memref<8x588x8xf32, #tpu.memory_space<vmem>> -> memref<1x588x8xf32, #tpu.memory_space<vmem>>
      %gather3A_2111 = tpu.memref_squeeze %gather3A_2110 : memref<1x588x8xf32, #tpu.memory_space<vmem>> -> memref<588x8xf32, #tpu.memory_space<vmem>>
      %gather3A_2112 = tpu.vector_load_idx %gather3A_2111[%add3A_2106, %broadcast_in_dim3A_140] : memref<588x8xf32, #tpu.memory_space<vmem>>[vector<16xi32>, vector<16xi32>], vector<16xf32>,
      tpu.vector_store_idx %arg5[%add3A_2106, %broadcast_in_dim3A_1932], %gather3A_2112 : memref<588x8xf32, #tpu.memory_space<vmem>>[vector<16xi32>, vector<16xi32>], vector<16xf32>,
      %add3A_2113 = arith.constant 320 : i32
      %add3A_2114 = vector.broadcast %add3A_2113 : i32 to vector<16xi32>
      %add3A_2115 = arith.addi %add3A_2114, %iota3A : vector<16xi32>
      %gather3A_2116 = arith.constant 5 : i32
      %gather3A_2117 = arith.constant 0 : i32
      %gather3A_2118 = arith.constant 0 : i32
      %gather3A_2119 = tpu.memref_slice %arg4[%gather3A_2116, %gather3A_2117, %gather3A_2118] : memref<8x588x8xf32, #tpu.memory_space<vmem>> -> memref<1x588x8xf32, #tpu.memory_space<vmem>>
      %gather3A_2120 = tpu.memref_squeeze %gather3A_2119 : memref<1x588x8xf32, #tpu.memory_space<vmem>> -> memref<588x8xf32, #tpu.memory_space<vmem>>
      %gather3A_2121 = tpu.vector_load_idx %gather3A_2120[%add3A_2115, %broadcast_in_dim3A_140] : memref<588x8xf32, #tpu.memory_space<vmem>>[vector<16xi32>, vector<16xi32>], vector<16xf32>,
      tpu.vector_store_idx %arg5[%add3A_2115, %broadcast_in_dim3A_1932], %gather3A_2121 : memref<588x8xf32, #tpu.memory_space<vmem>>[vector<16xi32>, vector<16xi32>], vector<16xf32>,
      %add3A_2122 = arith.constant 336 : i32
      %add3A_2123 = vector.broadcast %add3A_2122 : i32 to vector<16xi32>
      %add3A_2124 = arith.addi %add3A_2123, %iota3A : vector<16xi32>
      %gather3A_2125 = arith.constant 5 : i32
      %gather3A_2126 = arith.constant 0 : i32
      %gather3A_2127 = arith.constant 0 : i32
      %gather3A_2128 = tpu.memref_slice %arg4[%gather3A_2125, %gather3A_2126, %gather3A_2127] : memref<8x588x8xf32, #tpu.memory_space<vmem>> -> memref<1x588x8xf32, #tpu.memory_space<vmem>>
      %gather3A_2129 = tpu.memref_squeeze %gather3A_2128 : memref<1x588x8xf32, #tpu.memory_space<vmem>> -> memref<588x8xf32, #tpu.memory_space<vmem>>
      %gather3A_2130 = tpu.vector_load_idx %gather3A_2129[%add3A_2124, %broadcast_in_dim3A_140] : memref<588x8xf32, #tpu.memory_space<vmem>>[vector<16xi32>, vector<16xi32>], vector<16xf32>,
      tpu.vector_store_idx %arg5[%add3A_2124, %broadcast_in_dim3A_1932], %gather3A_2130 : memref<588x8xf32, #tpu.memory_space<vmem>>[vector<16xi32>, vector<16xi32>], vector<16xf32>,
      %add3A_2131 = arith.constant 352 : i32
      %add3A_2132 = vector.broadcast %add3A_2131 : i32 to vector<16xi32>
      %add3A_2133 = arith.addi %add3A_2132, %iota3A : vector<16xi32>
      %gather3A_2134 = arith.constant 5 : i32
      %gather3A_2135 = arith.constant 0 : i32
      %gather3A_2136 = arith.constant 0 : i32
      %gather3A_2137 = tpu.memref_slice %arg4[%gather3A_2134, %gather3A_2135, %gather3A_2136] : memref<8x588x8xf32, #tpu.memory_space<vmem>> -> memref<1x588x8xf32, #tpu.memory_space<vmem>>
      %gather3A_2138 = tpu.memref_squeeze %gather3A_2137 : memref<1x588x8xf32, #tpu.memory_space<vmem>> -> memref<588x8xf32, #tpu.memory_space<vmem>>
      %gather3A_2139 = tpu.vector_load_idx %gather3A_2138[%add3A_2133, %broadcast_in_dim3A_140] : memref<588x8xf32, #tpu.memory_space<vmem>>[vector<16xi32>, vector<16xi32>], vector<16xf32>,
      tpu.vector_store_idx %arg5[%add3A_2133, %broadcast_in_dim3A_1932], %gather3A_2139 : memref<588x8xf32, #tpu.memory_space<vmem>>[vector<16xi32>, vector<16xi32>], vector<16xf32>,
      %add3A_2140 = arith.constant 368 : i32
      %add3A_2141 = vector.broadcast %add3A_2140 : i32 to vector<16xi32>
      %add3A_2142 = arith.addi %add3A_2141, %iota3A : vector<16xi32>
      %gather3A_2143 = arith.constant 5 : i32
      %gather3A_2144 = arith.constant 0 : i32
      %gather3A_2145 = arith.constant 0 : i32
      %gather3A_2146 = tpu.memref_slice %arg4[%gather3A_2143, %gather3A_2144, %gather3A_2145] : memref<8x588x8xf32, #tpu.memory_space<vmem>> -> memref<1x588x8xf32, #tpu.memory_space<vmem>>
      %gather3A_2147 = tpu.memref_squeeze %gather3A_2146 : memref<1x588x8xf32, #tpu.memory_space<vmem>> -> memref<588x8xf32, #tpu.memory_space<vmem>>
      %gather3A_2148 = tpu.vector_load_idx %gather3A_2147[%add3A_2142, %broadcast_in_dim3A_140] : memref<588x8xf32, #tpu.memory_space<vmem>>[vector<16xi32>, vector<16xi32>], vector<16xf32>,
      tpu.vector_store_idx %arg5[%add3A_2142, %broadcast_in_dim3A_1932], %gather3A_2148 : memref<588x8xf32, #tpu.memory_space<vmem>>[vector<16xi32>, vector<16xi32>], vector<16xf32>,
      %add3A_2149 = arith.constant 384 : i32
      %add3A_2150 = vector.broadcast %add3A_2149 : i32 to vector<16xi32>
      %add3A_2151 = arith.addi %add3A_2150, %iota3A : vector<16xi32>
      %gather3A_2152 = arith.constant 5 : i32
      %gather3A_2153 = arith.constant 0 : i32
      %gather3A_2154 = arith.constant 0 : i32
      %gather3A_2155 = tpu.memref_slice %arg4[%gather3A_2152, %gather3A_2153, %gather3A_2154] : memref<8x588x8xf32, #tpu.memory_space<vmem>> -> memref<1x588x8xf32, #tpu.memory_space<vmem>>
      %gather3A_2156 = tpu.memref_squeeze %gather3A_2155 : memref<1x588x8xf32, #tpu.memory_space<vmem>> -> memref<588x8xf32, #tpu.memory_space<vmem>>
      %gather3A_2157 = tpu.vector_load_idx %gather3A_2156[%add3A_2151, %broadcast_in_dim3A_140] : memref<588x8xf32, #tpu.memory_space<vmem>>[vector<16xi32>, vector<16xi32>], vector<16xf32>,
      tpu.vector_store_idx %arg5[%add3A_2151, %broadcast_in_dim3A_1932], %gather3A_2157 : memref<588x8xf32, #tpu.memory_space<vmem>>[vector<16xi32>, vector<16xi32>], vector<16xf32>,
      %add3A_2158 = arith.constant 400 : i32
      %add3A_2159 = vector.broadcast %add3A_2158 : i32 to vector<16xi32>
      %add3A_2160 = arith.addi %add3A_2159, %iota3A : vector<16xi32>
      %gather3A_2161 = arith.constant 5 : i32
      %gather3A_2162 = arith.constant 0 : i32
      %gather3A_2163 = arith.constant 0 : i32
      %gather3A_2164 = tpu.memref_slice %arg4[%gather3A_2161, %gather3A_2162, %gather3A_2163] : memref<8x588x8xf32, #tpu.memory_space<vmem>> -> memref<1x588x8xf32, #tpu.memory_space<vmem>>
      %gather3A_2165 = tpu.memref_squeeze %gather3A_2164 : memref<1x588x8xf32, #tpu.memory_space<vmem>> -> memref<588x8xf32, #tpu.memory_space<vmem>>
      %gather3A_2166 = tpu.vector_load_idx %gather3A_2165[%add3A_2160, %broadcast_in_dim3A_140] : memref<588x8xf32, #tpu.memory_space<vmem>>[vector<16xi32>, vector<16xi32>], vector<16xf32>,
      tpu.vector_store_idx %arg5[%add3A_2160, %broadcast_in_dim3A_1932], %gather3A_2166 : memref<588x8xf32, #tpu.memory_space<vmem>>[vector<16xi32>, vector<16xi32>], vector<16xf32>,
      %add3A_2167 = arith.constant 416 : i32
      %add3A_2168 = vector.broadcast %add3A_2167 : i32 to vector<16xi32>
      %add3A_2169 = arith.addi %add3A_2168, %iota3A : vector<16xi32>
      %gather3A_2170 = arith.constant 5 : i32
      %gather3A_2171 = arith.constant 0 : i32
      %gather3A_2172 = arith.constant 0 : i32
      %gather3A_2173 = tpu.memref_slice %arg4[%gather3A_2170, %gather3A_2171, %gather3A_2172] : memref<8x588x8xf32, #tpu.memory_space<vmem>> -> memref<1x588x8xf32, #tpu.memory_space<vmem>>
      %gather3A_2174 = tpu.memref_squeeze %gather3A_2173 : memref<1x588x8xf32, #tpu.memory_space<vmem>> -> memref<588x8xf32, #tpu.memory_space<vmem>>
      %gather3A_2175 = tpu.vector_load_idx %gather3A_2174[%add3A_2169, %broadcast_in_dim3A_140] : memref<588x8xf32, #tpu.memory_space<vmem>>[vector<16xi32>, vector<16xi32>], vector<16xf32>,
      tpu.vector_store_idx %arg5[%add3A_2169, %broadcast_in_dim3A_1932], %gather3A_2175 : memref<588x8xf32, #tpu.memory_space<vmem>>[vector<16xi32>, vector<16xi32>], vector<16xf32>,
      %add3A_2176 = arith.constant 432 : i32
      %add3A_2177 = vector.broadcast %add3A_2176 : i32 to vector<16xi32>
      %add3A_2178 = arith.addi %add3A_2177, %iota3A : vector<16xi32>
      %gather3A_2179 = arith.constant 5 : i32
      %gather3A_2180 = arith.constant 0 : i32
      %gather3A_2181 = arith.constant 0 : i32
      %gather3A_2182 = tpu.memref_slice %arg4[%gather3A_2179, %gather3A_2180, %gather3A_2181] : memref<8x588x8xf32, #tpu.memory_space<vmem>> -> memref<1x588x8xf32, #tpu.memory_space<vmem>>
      %gather3A_2183 = tpu.memref_squeeze %gather3A_2182 : memref<1x588x8xf32, #tpu.memory_space<vmem>> -> memref<588x8xf32, #tpu.memory_space<vmem>>
      %gather3A_2184 = tpu.vector_load_idx %gather3A_2183[%add3A_2178, %broadcast_in_dim3A_140] : memref<588x8xf32, #tpu.memory_space<vmem>>[vector<16xi32>, vector<16xi32>], vector<16xf32>,
      tpu.vector_store_idx %arg5[%add3A_2178, %broadcast_in_dim3A_1932], %gather3A_2184 : memref<588x8xf32, #tpu.memory_space<vmem>>[vector<16xi32>, vector<16xi32>], vector<16xf32>,
      %add3A_2185 = arith.constant 448 : i32
      %add3A_2186 = vector.broadcast %add3A_2185 : i32 to vector<16xi32>
      %add3A_2187 = arith.addi %add3A_2186, %iota3A : vector<16xi32>
      %gather3A_2188 = arith.constant 5 : i32
      %gather3A_2189 = arith.constant 0 : i32
      %gather3A_2190 = arith.constant 0 : i32
      %gather3A_2191 = tpu.memref_slice %arg4[%gather3A_2188, %gather3A_2189, %gather3A_2190] : memref<8x588x8xf32, #tpu.memory_space<vmem>> -> memref<1x588x8xf32, #tpu.memory_space<vmem>>
      %gather3A_2192 = tpu.memref_squeeze %gather3A_2191 : memref<1x588x8xf32, #tpu.memory_space<vmem>> -> memref<588x8xf32, #tpu.memory_space<vmem>>
      %gather3A_2193 = tpu.vector_load_idx %gather3A_2192[%add3A_2187, %broadcast_in_dim3A_140] : memref<588x8xf32, #tpu.memory_space<vmem>>[vector<16xi32>, vector<16xi32>], vector<16xf32>,
      tpu.vector_store_idx %arg5[%add3A_2187, %broadcast_in_dim3A_1932], %gather3A_2193 : memref<588x8xf32, #tpu.memory_space<vmem>>[vector<16xi32>, vector<16xi32>], vector<16xf32>,
      %add3A_2194 = arith.constant 464 : i32
      %add3A_2195 = vector.broadcast %add3A_2194 : i32 to vector<16xi32>
      %add3A_2196 = arith.addi %add3A_2195, %iota3A : vector<16xi32>
      %gather3A_2197 = arith.constant 5 : i32
      %gather3A_2198 = arith.constant 0 : i32
      %gather3A_2199 = arith.constant 0 : i32
      %gather3A_2200 = tpu.memref_slice %arg4[%gather3A_2197, %gather3A_2198, %gather3A_2199] : memref<8x588x8xf32, #tpu.memory_space<vmem>> -> memref<1x588x8xf32, #tpu.memory_space<vmem>>
      %gather3A_2201 = tpu.memref_squeeze %gather3A_2200 : memref<1x588x8xf32, #tpu.memory_space<vmem>> -> memref<588x8xf32, #tpu.memory_space<vmem>>
      %gather3A_2202 = tpu.vector_load_idx %gather3A_2201[%add3A_2196, %broadcast_in_dim3A_140] : memref<588x8xf32, #tpu.memory_space<vmem>>[vector<16xi32>, vector<16xi32>], vector<16xf32>,
      tpu.vector_store_idx %arg5[%add3A_2196, %broadcast_in_dim3A_1932], %gather3A_2202 : memref<588x8xf32, #tpu.memory_space<vmem>>[vector<16xi32>, vector<16xi32>], vector<16xf32>,
      %add3A_2203 = arith.constant 480 : i32
      %add3A_2204 = vector.broadcast %add3A_2203 : i32 to vector<16xi32>
      %add3A_2205 = arith.addi %add3A_2204, %iota3A : vector<16xi32>
      %gather3A_2206 = arith.constant 5 : i32
      %gather3A_2207 = arith.constant 0 : i32
      %gather3A_2208 = arith.constant 0 : i32
      %gather3A_2209 = tpu.memref_slice %arg4[%gather3A_2206, %gather3A_2207, %gather3A_2208] : memref<8x588x8xf32, #tpu.memory_space<vmem>> -> memref<1x588x8xf32, #tpu.memory_space<vmem>>
      %gather3A_2210 = tpu.memref_squeeze %gather3A_2209 : memref<1x588x8xf32, #tpu.memory_space<vmem>> -> memref<588x8xf32, #tpu.memory_space<vmem>>
      %gather3A_2211 = tpu.vector_load_idx %gather3A_2210[%add3A_2205, %broadcast_in_dim3A_140] : memref<588x8xf32, #tpu.memory_space<vmem>>[vector<16xi32>, vector<16xi32>], vector<16xf32>,
      tpu.vector_store_idx %arg5[%add3A_2205, %broadcast_in_dim3A_1932], %gather3A_2211 : memref<588x8xf32, #tpu.memory_space<vmem>>[vector<16xi32>, vector<16xi32>], vector<16xf32>,
      %add3A_2212 = arith.constant 496 : i32
      %add3A_2213 = vector.broadcast %add3A_2212 : i32 to vector<16xi32>
      %add3A_2214 = arith.addi %add3A_2213, %iota3A : vector<16xi32>
      %gather3A_2215 = arith.constant 5 : i32
      %gather3A_2216 = arith.constant 0 : i32
      %gather3A_2217 = arith.constant 0 : i32
      %gather3A_2218 = tpu.memref_slice %arg4[%gather3A_2215, %gather3A_2216, %gather3A_2217] : memref<8x588x8xf32, #tpu.memory_space<vmem>> -> memref<1x588x8xf32, #tpu.memory_space<vmem>>
      %gather3A_2219 = tpu.memref_squeeze %gather3A_2218 : memref<1x588x8xf32, #tpu.memory_space<vmem>> -> memref<588x8xf32, #tpu.memory_space<vmem>>
      %gather3A_2220 = tpu.vector_load_idx %gather3A_2219[%add3A_2214, %broadcast_in_dim3A_140] : memref<588x8xf32, #tpu.memory_space<vmem>>[vector<16xi32>, vector<16xi32>], vector<16xf32>,
      tpu.vector_store_idx %arg5[%add3A_2214, %broadcast_in_dim3A_1932], %gather3A_2220 : memref<588x8xf32, #tpu.memory_space<vmem>>[vector<16xi32>, vector<16xi32>], vector<16xf32>,
      %add3A_2221 = arith.constant 512 : i32
      %add3A_2222 = vector.broadcast %add3A_2221 : i32 to vector<16xi32>
      %add3A_2223 = arith.addi %add3A_2222, %iota3A : vector<16xi32>
      %gather3A_2224 = arith.constant 5 : i32
      %gather3A_2225 = arith.constant 0 : i32
      %gather3A_2226 = arith.constant 0 : i32
      %gather3A_2227 = tpu.memref_slice %arg4[%gather3A_2224, %gather3A_2225, %gather3A_2226] : memref<8x588x8xf32, #tpu.memory_space<vmem>> -> memref<1x588x8xf32, #tpu.memory_space<vmem>>
      %gather3A_2228 = tpu.memref_squeeze %gather3A_2227 : memref<1x588x8xf32, #tpu.memory_space<vmem>> -> memref<588x8xf32, #tpu.memory_space<vmem>>
      %gather3A_2229 = tpu.vector_load_idx %gather3A_2228[%add3A_2223, %broadcast_in_dim3A_140] : memref<588x8xf32, #tpu.memory_space<vmem>>[vector<16xi32>, vector<16xi32>], vector<16xf32>,
      tpu.vector_store_idx %arg5[%add3A_2223, %broadcast_in_dim3A_1932], %gather3A_2229 : memref<588x8xf32, #tpu.memory_space<vmem>>[vector<16xi32>, vector<16xi32>], vector<16xf32>,
      %add3A_2230 = arith.constant 528 : i32
      %add3A_2231 = vector.broadcast %add3A_2230 : i32 to vector<16xi32>
      %add3A_2232 = arith.addi %add3A_2231, %iota3A : vector<16xi32>
      %gather3A_2233 = arith.constant 5 : i32
      %gather3A_2234 = arith.constant 0 : i32
      %gather3A_2235 = arith.constant 0 : i32
      %gather3A_2236 = tpu.memref_slice %arg4[%gather3A_2233, %gather3A_2234, %gather3A_2235] : memref<8x588x8xf32, #tpu.memory_space<vmem>> -> memref<1x588x8xf32, #tpu.memory_space<vmem>>
      %gather3A_2237 = tpu.memref_squeeze %gather3A_2236 : memref<1x588x8xf32, #tpu.memory_space<vmem>> -> memref<588x8xf32, #tpu.memory_space<vmem>>
      %gather3A_2238 = tpu.vector_load_idx %gather3A_2237[%add3A_2232, %broadcast_in_dim3A_140] : memref<588x8xf32, #tpu.memory_space<vmem>>[vector<16xi32>, vector<16xi32>], vector<16xf32>,
      tpu.vector_store_idx %arg5[%add3A_2232, %broadcast_in_dim3A_1932], %gather3A_2238 : memref<588x8xf32, #tpu.memory_space<vmem>>[vector<16xi32>, vector<16xi32>], vector<16xf32>,
      %add3A_2239 = arith.constant 544 : i32
      %add3A_2240 = vector.broadcast %add3A_2239 : i32 to vector<16xi32>
      %add3A_2241 = arith.addi %add3A_2240, %iota3A : vector<16xi32>
      %gather3A_2242 = arith.constant 5 : i32
      %gather3A_2243 = arith.constant 0 : i32
      %gather3A_2244 = arith.constant 0 : i32
      %gather3A_2245 = tpu.memref_slice %arg4[%gather3A_2242, %gather3A_2243, %gather3A_2244] : memref<8x588x8xf32, #tpu.memory_space<vmem>> -> memref<1x588x8xf32, #tpu.memory_space<vmem>>
      %gather3A_2246 = tpu.memref_squeeze %gather3A_2245 : memref<1x588x8xf32, #tpu.memory_space<vmem>> -> memref<588x8xf32, #tpu.memory_space<vmem>>
      %gather3A_2247 = tpu.vector_load_idx %gather3A_2246[%add3A_2241, %broadcast_in_dim3A_140] : memref<588x8xf32, #tpu.memory_space<vmem>>[vector<16xi32>, vector<16xi32>], vector<16xf32>,
      tpu.vector_store_idx %arg5[%add3A_2241, %broadcast_in_dim3A_1932], %gather3A_2247 : memref<588x8xf32, #tpu.memory_space<vmem>>[vector<16xi32>, vector<16xi32>], vector<16xf32>,
      %add3A_2248 = arith.constant 560 : i32
      %add3A_2249 = vector.broadcast %add3A_2248 : i32 to vector<16xi32>
      %add3A_2250 = arith.addi %add3A_2249, %iota3A : vector<16xi32>
      %gather3A_2251 = arith.constant 5 : i32
      %gather3A_2252 = arith.constant 0 : i32
      %gather3A_2253 = arith.constant 0 : i32
      %gather3A_2254 = tpu.memref_slice %arg4[%gather3A_2251, %gather3A_2252, %gather3A_2253] : memref<8x588x8xf32, #tpu.memory_space<vmem>> -> memref<1x588x8xf32, #tpu.memory_space<vmem>>
      %gather3A_2255 = tpu.memref_squeeze %gather3A_2254 : memref<1x588x8xf32, #tpu.memory_space<vmem>> -> memref<588x8xf32, #tpu.memory_space<vmem>>
      %gather3A_2256 = tpu.vector_load_idx %gather3A_2255[%add3A_2250, %broadcast_in_dim3A_140] : memref<588x8xf32, #tpu.memory_space<vmem>>[vector<16xi32>, vector<16xi32>], vector<16xf32>,
      tpu.vector_store_idx %arg5[%add3A_2250, %broadcast_in_dim3A_1932], %gather3A_2256 : memref<588x8xf32, #tpu.memory_space<vmem>>[vector<16xi32>, vector<16xi32>], vector<16xf32>,
      %add3A_2257 = arith.constant 576 : i32
      %add3A_2258 = vector.broadcast %add3A_2257 : i32 to vector<16xi32>
      %add3A_2259 = arith.addi %add3A_2258, %iota3A : vector<16xi32>
      %lt3A_2260 = arith.constant 12 : i32
      %lt3A_2261 = vector.broadcast %lt3A_2260 : i32 to vector<16xi32>
      %lt3A_2262 = arith.cmpi slt, %iota3A, %lt3A_2261 : vector<16xi32>
      %gather3A_2263 = arith.constant 5 : i32
      %gather3A_2264 = arith.constant 0 : i32
      %gather3A_2265 = arith.constant 0 : i32
      %gather3A_2266 = tpu.memref_slice %arg4[%gather3A_2263, %gather3A_2264, %gather3A_2265] : memref<8x588x8xf32, #tpu.memory_space<vmem>> -> memref<1x588x8xf32, #tpu.memory_space<vmem>>
      %gather3A_2267 = tpu.memref_squeeze %gather3A_2266 : memref<1x588x8xf32, #tpu.memory_space<vmem>> -> memref<588x8xf32, #tpu.memory_space<vmem>>
      %gather3A_2268 = tpu.vector_load_idx %gather3A_2267[%add3A_2259, %broadcast_in_dim3A_140] masked %lt3A_2262 : memref<588x8xf32, #tpu.memory_space<vmem>>[vector<16xi32>, vector<16xi32>], vector<16xf32>, vector<16xi1>
      tpu.vector_store_idx %arg5[%add3A_2259, %broadcast_in_dim3A_1932], %gather3A_2268 masked %lt3A_2262 : memref<588x8xf32, #tpu.memory_space<vmem>>[vector<16xi32>, vector<16xi32>], vector<16xf32>, vector<16xi1>
      %dma_wait3A_2269 = arith.constant 1 : i32
      %dma_wait3A_2270 = arith.constant 6 : i32
      %dma_wait3A_2271 = arith.constant 6 : i32
      %dma_wait3A_2272 = arith.constant 0 : i32
      %dma_wait3A_2273 = arith.constant 0 : i32
      %dma_wait3A_2274 = tpu.memref_slice %arg4[%dma_wait3A_2271, %dma_wait3A_2272, %dma_wait3A_2273] : memref<8x588x8xf32, #tpu.memory_space<vmem>> -> memref<1x588x8xf32, #tpu.memory_space<vmem>>
      %dma_wait3A_2275 = tpu.memref_squeeze %dma_wait3A_2274 : memref<1x588x8xf32, #tpu.memory_space<vmem>> -> memref<588x8xf32, #tpu.memory_space<vmem>>
      %dma_wait3A_2276 = arith.constant 40 : i32
      %dma_wait3A_2277 = tpu.memref_slice %arg2[%mul3A_2, %dma_wait3A_2269, %dma_wait3A_2270, %dma_wait3A_2276] : memref<18816x2x8x128xf32, #tpu.memory_space<hbm>> -> memref<588x1x1x8xf32, #tpu.memory_space<hbm>>
      %dma_wait3A_2278 = tpu.memref_squeeze %dma_wait3A_2277 : memref<588x1x1x8xf32, #tpu.memory_space<hbm>> -> memref<588x8xf32, #tpu.memory_space<hbm>>
      %dma_wait3A_2279 = arith.constant 0 : i32
      %dma_wait3A_2280 = arith.constant 0 : i32
      %dma_wait3A_2281 = tpu.memref_slice %arg4[%dma_wait3A_2271, %dma_wait3A_2279, %dma_wait3A_2280] : memref<8x588x8xf32, #tpu.memory_space<vmem>> -> memref<1x588x8xf32, #tpu.memory_space<vmem>>
      %dma_wait3A_2282 = tpu.memref_squeeze %dma_wait3A_2281 : memref<1x588x8xf32, #tpu.memory_space<vmem>> -> memref<588x8xf32, #tpu.memory_space<vmem>>
      %dma_wait3A_2283 = arith.constant 40 : i32
      %dma_wait3A_2284 = tpu.memref_slice %arg2[%mul3A_2, %dma_wait3A_2269, %dma_wait3A_2270, %dma_wait3A_2283] : memref<18816x2x8x128xf32, #tpu.memory_space<hbm>> -> memref<588x1x1x8xf32, #tpu.memory_space<hbm>>
      %dma_wait3A_2285 = tpu.memref_squeeze %dma_wait3A_2284 : memref<588x1x1x8xf32, #tpu.memory_space<hbm>> -> memref<588x8xf32, #tpu.memory_space<hbm>>
      tpu.wait_dma2 semaphore(%arg6 : memref<!tpu.dma_semaphore, #tpu.memory_space<semaphore_mem>>) src(%dma_wait3A_2285 : memref<588x8xf32, #tpu.memory_space<hbm>>) dst(%dma_wait3A_2282 : memref<588x8xf32, #tpu.memory_space<vmem>>)
      %broadcast_in_dim3A_2286 = arith.constant 6 : i32
      %broadcast_in_dim3A_2287 = vector.broadcast %broadcast_in_dim3A_2286 : i32 to vector<16xi32>
      %add3A_2288 = arith.constant 0 : i32
      %add3A_2289 = vector.broadcast %add3A_2288 : i32 to vector<16xi32>
      %add3A_2290 = arith.addi %add3A_2289, %iota3A : vector<16xi32>
      %gather3A_2291 = arith.constant 6 : i32
      %gather3A_2292 = arith.constant 0 : i32
      %gather3A_2293 = arith.constant 0 : i32
      %gather3A_2294 = tpu.memref_slice %arg4[%gather3A_2291, %gather3A_2292, %gather3A_2293] : memref<8x588x8xf32, #tpu.memory_space<vmem>> -> memref<1x588x8xf32, #tpu.memory_space<vmem>>
      %gather3A_2295 = tpu.memref_squeeze %gather3A_2294 : memref<1x588x8xf32, #tpu.memory_space<vmem>> -> memref<588x8xf32, #tpu.memory_space<vmem>>
      %gather3A_2296 = tpu.vector_load_idx %gather3A_2295[%add3A_2290, %broadcast_in_dim3A_140] : memref<588x8xf32, #tpu.memory_space<vmem>>[vector<16xi32>, vector<16xi32>], vector<16xf32>,
      tpu.vector_store_idx %arg5[%add3A_2290, %broadcast_in_dim3A_2287], %gather3A_2296 : memref<588x8xf32, #tpu.memory_space<vmem>>[vector<16xi32>, vector<16xi32>], vector<16xf32>,
      %add3A_2297 = arith.constant 16 : i32
      %add3A_2298 = vector.broadcast %add3A_2297 : i32 to vector<16xi32>
      %add3A_2299 = arith.addi %add3A_2298, %iota3A : vector<16xi32>
      %gather3A_2300 = arith.constant 6 : i32
      %gather3A_2301 = arith.constant 0 : i32
      %gather3A_2302 = arith.constant 0 : i32
      %gather3A_2303 = tpu.memref_slice %arg4[%gather3A_2300, %gather3A_2301, %gather3A_2302] : memref<8x588x8xf32, #tpu.memory_space<vmem>> -> memref<1x588x8xf32, #tpu.memory_space<vmem>>
      %gather3A_2304 = tpu.memref_squeeze %gather3A_2303 : memref<1x588x8xf32, #tpu.memory_space<vmem>> -> memref<588x8xf32, #tpu.memory_space<vmem>>
      %gather3A_2305 = tpu.vector_load_idx %gather3A_2304[%add3A_2299, %broadcast_in_dim3A_140] : memref<588x8xf32, #tpu.memory_space<vmem>>[vector<16xi32>, vector<16xi32>], vector<16xf32>,
      tpu.vector_store_idx %arg5[%add3A_2299, %broadcast_in_dim3A_2287], %gather3A_2305 : memref<588x8xf32, #tpu.memory_space<vmem>>[vector<16xi32>, vector<16xi32>], vector<16xf32>,
      %add3A_2306 = arith.constant 32 : i32
      %add3A_2307 = vector.broadcast %add3A_2306 : i32 to vector<16xi32>
      %add3A_2308 = arith.addi %add3A_2307, %iota3A : vector<16xi32>
      %gather3A_2309 = arith.constant 6 : i32
      %gather3A_2310 = arith.constant 0 : i32
      %gather3A_2311 = arith.constant 0 : i32
      %gather3A_2312 = tpu.memref_slice %arg4[%gather3A_2309, %gather3A_2310, %gather3A_2311] : memref<8x588x8xf32, #tpu.memory_space<vmem>> -> memref<1x588x8xf32, #tpu.memory_space<vmem>>
      %gather3A_2313 = tpu.memref_squeeze %gather3A_2312 : memref<1x588x8xf32, #tpu.memory_space<vmem>> -> memref<588x8xf32, #tpu.memory_space<vmem>>
      %gather3A_2314 = tpu.vector_load_idx %gather3A_2313[%add3A_2308, %broadcast_in_dim3A_140] : memref<588x8xf32, #tpu.memory_space<vmem>>[vector<16xi32>, vector<16xi32>], vector<16xf32>,
      tpu.vector_store_idx %arg5[%add3A_2308, %broadcast_in_dim3A_2287], %gather3A_2314 : memref<588x8xf32, #tpu.memory_space<vmem>>[vector<16xi32>, vector<16xi32>], vector<16xf32>,
      %add3A_2315 = arith.constant 48 : i32
      %add3A_2316 = vector.broadcast %add3A_2315 : i32 to vector<16xi32>
      %add3A_2317 = arith.addi %add3A_2316, %iota3A : vector<16xi32>
      %gather3A_2318 = arith.constant 6 : i32
      %gather3A_2319 = arith.constant 0 : i32
      %gather3A_2320 = arith.constant 0 : i32
      %gather3A_2321 = tpu.memref_slice %arg4[%gather3A_2318, %gather3A_2319, %gather3A_2320] : memref<8x588x8xf32, #tpu.memory_space<vmem>> -> memref<1x588x8xf32, #tpu.memory_space<vmem>>
      %gather3A_2322 = tpu.memref_squeeze %gather3A_2321 : memref<1x588x8xf32, #tpu.memory_space<vmem>> -> memref<588x8xf32, #tpu.memory_space<vmem>>
      %gather3A_2323 = tpu.vector_load_idx %gather3A_2322[%add3A_2317, %broadcast_in_dim3A_140] : memref<588x8xf32, #tpu.memory_space<vmem>>[vector<16xi32>, vector<16xi32>], vector<16xf32>,
      tpu.vector_store_idx %arg5[%add3A_2317, %broadcast_in_dim3A_2287], %gather3A_2323 : memref<588x8xf32, #tpu.memory_space<vmem>>[vector<16xi32>, vector<16xi32>], vector<16xf32>,
      %add3A_2324 = arith.constant 64 : i32
      %add3A_2325 = vector.broadcast %add3A_2324 : i32 to vector<16xi32>
      %add3A_2326 = arith.addi %add3A_2325, %iota3A : vector<16xi32>
      %gather3A_2327 = arith.constant 6 : i32
      %gather3A_2328 = arith.constant 0 : i32
      %gather3A_2329 = arith.constant 0 : i32
      %gather3A_2330 = tpu.memref_slice %arg4[%gather3A_2327, %gather3A_2328, %gather3A_2329] : memref<8x588x8xf32, #tpu.memory_space<vmem>> -> memref<1x588x8xf32, #tpu.memory_space<vmem>>
      %gather3A_2331 = tpu.memref_squeeze %gather3A_2330 : memref<1x588x8xf32, #tpu.memory_space<vmem>> -> memref<588x8xf32, #tpu.memory_space<vmem>>
      %gather3A_2332 = tpu.vector_load_idx %gather3A_2331[%add3A_2326, %broadcast_in_dim3A_140] : memref<588x8xf32, #tpu.memory_space<vmem>>[vector<16xi32>, vector<16xi32>], vector<16xf32>,
      tpu.vector_store_idx %arg5[%add3A_2326, %broadcast_in_dim3A_2287], %gather3A_2332 : memref<588x8xf32, #tpu.memory_space<vmem>>[vector<16xi32>, vector<16xi32>], vector<16xf32>,
      %add3A_2333 = arith.constant 80 : i32
      %add3A_2334 = vector.broadcast %add3A_2333 : i32 to vector<16xi32>
      %add3A_2335 = arith.addi %add3A_2334, %iota3A : vector<16xi32>
      %gather3A_2336 = arith.constant 6 : i32
      %gather3A_2337 = arith.constant 0 : i32
      %gather3A_2338 = arith.constant 0 : i32
      %gather3A_2339 = tpu.memref_slice %arg4[%gather3A_2336, %gather3A_2337, %gather3A_2338] : memref<8x588x8xf32, #tpu.memory_space<vmem>> -> memref<1x588x8xf32, #tpu.memory_space<vmem>>
      %gather3A_2340 = tpu.memref_squeeze %gather3A_2339 : memref<1x588x8xf32, #tpu.memory_space<vmem>> -> memref<588x8xf32, #tpu.memory_space<vmem>>
      %gather3A_2341 = tpu.vector_load_idx %gather3A_2340[%add3A_2335, %broadcast_in_dim3A_140] : memref<588x8xf32, #tpu.memory_space<vmem>>[vector<16xi32>, vector<16xi32>], vector<16xf32>,
      tpu.vector_store_idx %arg5[%add3A_2335, %broadcast_in_dim3A_2287], %gather3A_2341 : memref<588x8xf32, #tpu.memory_space<vmem>>[vector<16xi32>, vector<16xi32>], vector<16xf32>,
      %add3A_2342 = arith.constant 96 : i32
      %add3A_2343 = vector.broadcast %add3A_2342 : i32 to vector<16xi32>
      %add3A_2344 = arith.addi %add3A_2343, %iota3A : vector<16xi32>
      %gather3A_2345 = arith.constant 6 : i32
      %gather3A_2346 = arith.constant 0 : i32
      %gather3A_2347 = arith.constant 0 : i32
      %gather3A_2348 = tpu.memref_slice %arg4[%gather3A_2345, %gather3A_2346, %gather3A_2347] : memref<8x588x8xf32, #tpu.memory_space<vmem>> -> memref<1x588x8xf32, #tpu.memory_space<vmem>>
      %gather3A_2349 = tpu.memref_squeeze %gather3A_2348 : memref<1x588x8xf32, #tpu.memory_space<vmem>> -> memref<588x8xf32, #tpu.memory_space<vmem>>
      %gather3A_2350 = tpu.vector_load_idx %gather3A_2349[%add3A_2344, %broadcast_in_dim3A_140] : memref<588x8xf32, #tpu.memory_space<vmem>>[vector<16xi32>, vector<16xi32>], vector<16xf32>,
      tpu.vector_store_idx %arg5[%add3A_2344, %broadcast_in_dim3A_2287], %gather3A_2350 : memref<588x8xf32, #tpu.memory_space<vmem>>[vector<16xi32>, vector<16xi32>], vector<16xf32>,
      %add3A_2351 = arith.constant 112 : i32
      %add3A_2352 = vector.broadcast %add3A_2351 : i32 to vector<16xi32>
      %add3A_2353 = arith.addi %add3A_2352, %iota3A : vector<16xi32>
      %gather3A_2354 = arith.constant 6 : i32
      %gather3A_2355 = arith.constant 0 : i32
      %gather3A_2356 = arith.constant 0 : i32
      %gather3A_2357 = tpu.memref_slice %arg4[%gather3A_2354, %gather3A_2355, %gather3A_2356] : memref<8x588x8xf32, #tpu.memory_space<vmem>> -> memref<1x588x8xf32, #tpu.memory_space<vmem>>
      %gather3A_2358 = tpu.memref_squeeze %gather3A_2357 : memref<1x588x8xf32, #tpu.memory_space<vmem>> -> memref<588x8xf32, #tpu.memory_space<vmem>>
      %gather3A_2359 = tpu.vector_load_idx %gather3A_2358[%add3A_2353, %broadcast_in_dim3A_140] : memref<588x8xf32, #tpu.memory_space<vmem>>[vector<16xi32>, vector<16xi32>], vector<16xf32>,
      tpu.vector_store_idx %arg5[%add3A_2353, %broadcast_in_dim3A_2287], %gather3A_2359 : memref<588x8xf32, #tpu.memory_space<vmem>>[vector<16xi32>, vector<16xi32>], vector<16xf32>,
      %add3A_2360 = arith.constant 128 : i32
      %add3A_2361 = vector.broadcast %add3A_2360 : i32 to vector<16xi32>
      %add3A_2362 = arith.addi %add3A_2361, %iota3A : vector<16xi32>
      %gather3A_2363 = arith.constant 6 : i32
      %gather3A_2364 = arith.constant 0 : i32
      %gather3A_2365 = arith.constant 0 : i32
      %gather3A_2366 = tpu.memref_slice %arg4[%gather3A_2363, %gather3A_2364, %gather3A_2365] : memref<8x588x8xf32, #tpu.memory_space<vmem>> -> memref<1x588x8xf32, #tpu.memory_space<vmem>>
      %gather3A_2367 = tpu.memref_squeeze %gather3A_2366 : memref<1x588x8xf32, #tpu.memory_space<vmem>> -> memref<588x8xf32, #tpu.memory_space<vmem>>
      %gather3A_2368 = tpu.vector_load_idx %gather3A_2367[%add3A_2362, %broadcast_in_dim3A_140] : memref<588x8xf32, #tpu.memory_space<vmem>>[vector<16xi32>, vector<16xi32>], vector<16xf32>,
      tpu.vector_store_idx %arg5[%add3A_2362, %broadcast_in_dim3A_2287], %gather3A_2368 : memref<588x8xf32, #tpu.memory_space<vmem>>[vector<16xi32>, vector<16xi32>], vector<16xf32>,
      %add3A_2369 = arith.constant 144 : i32
      %add3A_2370 = vector.broadcast %add3A_2369 : i32 to vector<16xi32>
      %add3A_2371 = arith.addi %add3A_2370, %iota3A : vector<16xi32>
      %gather3A_2372 = arith.constant 6 : i32
      %gather3A_2373 = arith.constant 0 : i32
      %gather3A_2374 = arith.constant 0 : i32
      %gather3A_2375 = tpu.memref_slice %arg4[%gather3A_2372, %gather3A_2373, %gather3A_2374] : memref<8x588x8xf32, #tpu.memory_space<vmem>> -> memref<1x588x8xf32, #tpu.memory_space<vmem>>
      %gather3A_2376 = tpu.memref_squeeze %gather3A_2375 : memref<1x588x8xf32, #tpu.memory_space<vmem>> -> memref<588x8xf32, #tpu.memory_space<vmem>>
      %gather3A_2377 = tpu.vector_load_idx %gather3A_2376[%add3A_2371, %broadcast_in_dim3A_140] : memref<588x8xf32, #tpu.memory_space<vmem>>[vector<16xi32>, vector<16xi32>], vector<16xf32>,
      tpu.vector_store_idx %arg5[%add3A_2371, %broadcast_in_dim3A_2287], %gather3A_2377 : memref<588x8xf32, #tpu.memory_space<vmem>>[vector<16xi32>, vector<16xi32>], vector<16xf32>,
      %add3A_2378 = arith.constant 160 : i32
      %add3A_2379 = vector.broadcast %add3A_2378 : i32 to vector<16xi32>
      %add3A_2380 = arith.addi %add3A_2379, %iota3A : vector<16xi32>
      %gather3A_2381 = arith.constant 6 : i32
      %gather3A_2382 = arith.constant 0 : i32
      %gather3A_2383 = arith.constant 0 : i32
      %gather3A_2384 = tpu.memref_slice %arg4[%gather3A_2381, %gather3A_2382, %gather3A_2383] : memref<8x588x8xf32, #tpu.memory_space<vmem>> -> memref<1x588x8xf32, #tpu.memory_space<vmem>>
      %gather3A_2385 = tpu.memref_squeeze %gather3A_2384 : memref<1x588x8xf32, #tpu.memory_space<vmem>> -> memref<588x8xf32, #tpu.memory_space<vmem>>
      %gather3A_2386 = tpu.vector_load_idx %gather3A_2385[%add3A_2380, %broadcast_in_dim3A_140] : memref<588x8xf32, #tpu.memory_space<vmem>>[vector<16xi32>, vector<16xi32>], vector<16xf32>,
      tpu.vector_store_idx %arg5[%add3A_2380, %broadcast_in_dim3A_2287], %gather3A_2386 : memref<588x8xf32, #tpu.memory_space<vmem>>[vector<16xi32>, vector<16xi32>], vector<16xf32>,
      %add3A_2387 = arith.constant 176 : i32
      %add3A_2388 = vector.broadcast %add3A_2387 : i32 to vector<16xi32>
      %add3A_2389 = arith.addi %add3A_2388, %iota3A : vector<16xi32>
      %gather3A_2390 = arith.constant 6 : i32
      %gather3A_2391 = arith.constant 0 : i32
      %gather3A_2392 = arith.constant 0 : i32
      %gather3A_2393 = tpu.memref_slice %arg4[%gather3A_2390, %gather3A_2391, %gather3A_2392] : memref<8x588x8xf32, #tpu.memory_space<vmem>> -> memref<1x588x8xf32, #tpu.memory_space<vmem>>
      %gather3A_2394 = tpu.memref_squeeze %gather3A_2393 : memref<1x588x8xf32, #tpu.memory_space<vmem>> -> memref<588x8xf32, #tpu.memory_space<vmem>>
      %gather3A_2395 = tpu.vector_load_idx %gather3A_2394[%add3A_2389, %broadcast_in_dim3A_140] : memref<588x8xf32, #tpu.memory_space<vmem>>[vector<16xi32>, vector<16xi32>], vector<16xf32>,
      tpu.vector_store_idx %arg5[%add3A_2389, %broadcast_in_dim3A_2287], %gather3A_2395 : memref<588x8xf32, #tpu.memory_space<vmem>>[vector<16xi32>, vector<16xi32>], vector<16xf32>,
      %add3A_2396 = arith.constant 192 : i32
      %add3A_2397 = vector.broadcast %add3A_2396 : i32 to vector<16xi32>
      %add3A_2398 = arith.addi %add3A_2397, %iota3A : vector<16xi32>
      %gather3A_2399 = arith.constant 6 : i32
      %gather3A_2400 = arith.constant 0 : i32
      %gather3A_2401 = arith.constant 0 : i32
      %gather3A_2402 = tpu.memref_slice %arg4[%gather3A_2399, %gather3A_2400, %gather3A_2401] : memref<8x588x8xf32, #tpu.memory_space<vmem>> -> memref<1x588x8xf32, #tpu.memory_space<vmem>>
      %gather3A_2403 = tpu.memref_squeeze %gather3A_2402 : memref<1x588x8xf32, #tpu.memory_space<vmem>> -> memref<588x8xf32, #tpu.memory_space<vmem>>
      %gather3A_2404 = tpu.vector_load_idx %gather3A_2403[%add3A_2398, %broadcast_in_dim3A_140] : memref<588x8xf32, #tpu.memory_space<vmem>>[vector<16xi32>, vector<16xi32>], vector<16xf32>,
      tpu.vector_store_idx %arg5[%add3A_2398, %broadcast_in_dim3A_2287], %gather3A_2404 : memref<588x8xf32, #tpu.memory_space<vmem>>[vector<16xi32>, vector<16xi32>], vector<16xf32>,
      %add3A_2405 = arith.constant 208 : i32
      %add3A_2406 = vector.broadcast %add3A_2405 : i32 to vector<16xi32>
      %add3A_2407 = arith.addi %add3A_2406, %iota3A : vector<16xi32>
      %gather3A_2408 = arith.constant 6 : i32
      %gather3A_2409 = arith.constant 0 : i32
      %gather3A_2410 = arith.constant 0 : i32
      %gather3A_2411 = tpu.memref_slice %arg4[%gather3A_2408, %gather3A_2409, %gather3A_2410] : memref<8x588x8xf32, #tpu.memory_space<vmem>> -> memref<1x588x8xf32, #tpu.memory_space<vmem>>
      %gather3A_2412 = tpu.memref_squeeze %gather3A_2411 : memref<1x588x8xf32, #tpu.memory_space<vmem>> -> memref<588x8xf32, #tpu.memory_space<vmem>>
      %gather3A_2413 = tpu.vector_load_idx %gather3A_2412[%add3A_2407, %broadcast_in_dim3A_140] : memref<588x8xf32, #tpu.memory_space<vmem>>[vector<16xi32>, vector<16xi32>], vector<16xf32>,
      tpu.vector_store_idx %arg5[%add3A_2407, %broadcast_in_dim3A_2287], %gather3A_2413 : memref<588x8xf32, #tpu.memory_space<vmem>>[vector<16xi32>, vector<16xi32>], vector<16xf32>,
      %add3A_2414 = arith.constant 224 : i32
      %add3A_2415 = vector.broadcast %add3A_2414 : i32 to vector<16xi32>
      %add3A_2416 = arith.addi %add3A_2415, %iota3A : vector<16xi32>
      %gather3A_2417 = arith.constant 6 : i32
      %gather3A_2418 = arith.constant 0 : i32
      %gather3A_2419 = arith.constant 0 : i32
      %gather3A_2420 = tpu.memref_slice %arg4[%gather3A_2417, %gather3A_2418, %gather3A_2419] : memref<8x588x8xf32, #tpu.memory_space<vmem>> -> memref<1x588x8xf32, #tpu.memory_space<vmem>>
      %gather3A_2421 = tpu.memref_squeeze %gather3A_2420 : memref<1x588x8xf32, #tpu.memory_space<vmem>> -> memref<588x8xf32, #tpu.memory_space<vmem>>
      %gather3A_2422 = tpu.vector_load_idx %gather3A_2421[%add3A_2416, %broadcast_in_dim3A_140] : memref<588x8xf32, #tpu.memory_space<vmem>>[vector<16xi32>, vector<16xi32>], vector<16xf32>,
      tpu.vector_store_idx %arg5[%add3A_2416, %broadcast_in_dim3A_2287], %gather3A_2422 : memref<588x8xf32, #tpu.memory_space<vmem>>[vector<16xi32>, vector<16xi32>], vector<16xf32>,
      %add3A_2423 = arith.constant 240 : i32
      %add3A_2424 = vector.broadcast %add3A_2423 : i32 to vector<16xi32>
      %add3A_2425 = arith.addi %add3A_2424, %iota3A : vector<16xi32>
      %gather3A_2426 = arith.constant 6 : i32
      %gather3A_2427 = arith.constant 0 : i32
      %gather3A_2428 = arith.constant 0 : i32
      %gather3A_2429 = tpu.memref_slice %arg4[%gather3A_2426, %gather3A_2427, %gather3A_2428] : memref<8x588x8xf32, #tpu.memory_space<vmem>> -> memref<1x588x8xf32, #tpu.memory_space<vmem>>
      %gather3A_2430 = tpu.memref_squeeze %gather3A_2429 : memref<1x588x8xf32, #tpu.memory_space<vmem>> -> memref<588x8xf32, #tpu.memory_space<vmem>>
      %gather3A_2431 = tpu.vector_load_idx %gather3A_2430[%add3A_2425, %broadcast_in_dim3A_140] : memref<588x8xf32, #tpu.memory_space<vmem>>[vector<16xi32>, vector<16xi32>], vector<16xf32>,
      tpu.vector_store_idx %arg5[%add3A_2425, %broadcast_in_dim3A_2287], %gather3A_2431 : memref<588x8xf32, #tpu.memory_space<vmem>>[vector<16xi32>, vector<16xi32>], vector<16xf32>,
      %add3A_2432 = arith.constant 256 : i32
      %add3A_2433 = vector.broadcast %add3A_2432 : i32 to vector<16xi32>
      %add3A_2434 = arith.addi %add3A_2433, %iota3A : vector<16xi32>
      %gather3A_2435 = arith.constant 6 : i32
      %gather3A_2436 = arith.constant 0 : i32
      %gather3A_2437 = arith.constant 0 : i32
      %gather3A_2438 = tpu.memref_slice %arg4[%gather3A_2435, %gather3A_2436, %gather3A_2437] : memref<8x588x8xf32, #tpu.memory_space<vmem>> -> memref<1x588x8xf32, #tpu.memory_space<vmem>>
      %gather3A_2439 = tpu.memref_squeeze %gather3A_2438 : memref<1x588x8xf32, #tpu.memory_space<vmem>> -> memref<588x8xf32, #tpu.memory_space<vmem>>
      %gather3A_2440 = tpu.vector_load_idx %gather3A_2439[%add3A_2434, %broadcast_in_dim3A_140] : memref<588x8xf32, #tpu.memory_space<vmem>>[vector<16xi32>, vector<16xi32>], vector<16xf32>,
      tpu.vector_store_idx %arg5[%add3A_2434, %broadcast_in_dim3A_2287], %gather3A_2440 : memref<588x8xf32, #tpu.memory_space<vmem>>[vector<16xi32>, vector<16xi32>], vector<16xf32>,
      %add3A_2441 = arith.constant 272 : i32
      %add3A_2442 = vector.broadcast %add3A_2441 : i32 to vector<16xi32>
      %add3A_2443 = arith.addi %add3A_2442, %iota3A : vector<16xi32>
      %gather3A_2444 = arith.constant 6 : i32
      %gather3A_2445 = arith.constant 0 : i32
      %gather3A_2446 = arith.constant 0 : i32
      %gather3A_2447 = tpu.memref_slice %arg4[%gather3A_2444, %gather3A_2445, %gather3A_2446] : memref<8x588x8xf32, #tpu.memory_space<vmem>> -> memref<1x588x8xf32, #tpu.memory_space<vmem>>
      %gather3A_2448 = tpu.memref_squeeze %gather3A_2447 : memref<1x588x8xf32, #tpu.memory_space<vmem>> -> memref<588x8xf32, #tpu.memory_space<vmem>>
      %gather3A_2449 = tpu.vector_load_idx %gather3A_2448[%add3A_2443, %broadcast_in_dim3A_140] : memref<588x8xf32, #tpu.memory_space<vmem>>[vector<16xi32>, vector<16xi32>], vector<16xf32>,
      tpu.vector_store_idx %arg5[%add3A_2443, %broadcast_in_dim3A_2287], %gather3A_2449 : memref<588x8xf32, #tpu.memory_space<vmem>>[vector<16xi32>, vector<16xi32>], vector<16xf32>,
      %add3A_2450 = arith.constant 288 : i32
      %add3A_2451 = vector.broadcast %add3A_2450 : i32 to vector<16xi32>
      %add3A_2452 = arith.addi %add3A_2451, %iota3A : vector<16xi32>
      %gather3A_2453 = arith.constant 6 : i32
      %gather3A_2454 = arith.constant 0 : i32
      %gather3A_2455 = arith.constant 0 : i32
      %gather3A_2456 = tpu.memref_slice %arg4[%gather3A_2453, %gather3A_2454, %gather3A_2455] : memref<8x588x8xf32, #tpu.memory_space<vmem>> -> memref<1x588x8xf32, #tpu.memory_space<vmem>>
      %gather3A_2457 = tpu.memref_squeeze %gather3A_2456 : memref<1x588x8xf32, #tpu.memory_space<vmem>> -> memref<588x8xf32, #tpu.memory_space<vmem>>
      %gather3A_2458 = tpu.vector_load_idx %gather3A_2457[%add3A_2452, %broadcast_in_dim3A_140] : memref<588x8xf32, #tpu.memory_space<vmem>>[vector<16xi32>, vector<16xi32>], vector<16xf32>,
      tpu.vector_store_idx %arg5[%add3A_2452, %broadcast_in_dim3A_2287], %gather3A_2458 : memref<588x8xf32, #tpu.memory_space<vmem>>[vector<16xi32>, vector<16xi32>], vector<16xf32>,
      %add3A_2459 = arith.constant 304 : i32
      %add3A_2460 = vector.broadcast %add3A_2459 : i32 to vector<16xi32>
      %add3A_2461 = arith.addi %add3A_2460, %iota3A : vector<16xi32>
      %gather3A_2462 = arith.constant 6 : i32
      %gather3A_2463 = arith.constant 0 : i32
      %gather3A_2464 = arith.constant 0 : i32
      %gather3A_2465 = tpu.memref_slice %arg4[%gather3A_2462, %gather3A_2463, %gather3A_2464] : memref<8x588x8xf32, #tpu.memory_space<vmem>> -> memref<1x588x8xf32, #tpu.memory_space<vmem>>
      %gather3A_2466 = tpu.memref_squeeze %gather3A_2465 : memref<1x588x8xf32, #tpu.memory_space<vmem>> -> memref<588x8xf32, #tpu.memory_space<vmem>>
      %gather3A_2467 = tpu.vector_load_idx %gather3A_2466[%add3A_2461, %broadcast_in_dim3A_140] : memref<588x8xf32, #tpu.memory_space<vmem>>[vector<16xi32>, vector<16xi32>], vector<16xf32>,
      tpu.vector_store_idx %arg5[%add3A_2461, %broadcast_in_dim3A_2287], %gather3A_2467 : memref<588x8xf32, #tpu.memory_space<vmem>>[vector<16xi32>, vector<16xi32>], vector<16xf32>,
      %add3A_2468 = arith.constant 320 : i32
      %add3A_2469 = vector.broadcast %add3A_2468 : i32 to vector<16xi32>
      %add3A_2470 = arith.addi %add3A_2469, %iota3A : vector<16xi32>
      %gather3A_2471 = arith.constant 6 : i32
      %gather3A_2472 = arith.constant 0 : i32
      %gather3A_2473 = arith.constant 0 : i32
      %gather3A_2474 = tpu.memref_slice %arg4[%gather3A_2471, %gather3A_2472, %gather3A_2473] : memref<8x588x8xf32, #tpu.memory_space<vmem>> -> memref<1x588x8xf32, #tpu.memory_space<vmem>>
      %gather3A_2475 = tpu.memref_squeeze %gather3A_2474 : memref<1x588x8xf32, #tpu.memory_space<vmem>> -> memref<588x8xf32, #tpu.memory_space<vmem>>
      %gather3A_2476 = tpu.vector_load_idx %gather3A_2475[%add3A_2470, %broadcast_in_dim3A_140] : memref<588x8xf32, #tpu.memory_space<vmem>>[vector<16xi32>, vector<16xi32>], vector<16xf32>,
      tpu.vector_store_idx %arg5[%add3A_2470, %broadcast_in_dim3A_2287], %gather3A_2476 : memref<588x8xf32, #tpu.memory_space<vmem>>[vector<16xi32>, vector<16xi32>], vector<16xf32>,
      %add3A_2477 = arith.constant 336 : i32
      %add3A_2478 = vector.broadcast %add3A_2477 : i32 to vector<16xi32>
      %add3A_2479 = arith.addi %add3A_2478, %iota3A : vector<16xi32>
      %gather3A_2480 = arith.constant 6 : i32
      %gather3A_2481 = arith.constant 0 : i32
      %gather3A_2482 = arith.constant 0 : i32
      %gather3A_2483 = tpu.memref_slice %arg4[%gather3A_2480, %gather3A_2481, %gather3A_2482] : memref<8x588x8xf32, #tpu.memory_space<vmem>> -> memref<1x588x8xf32, #tpu.memory_space<vmem>>
      %gather3A_2484 = tpu.memref_squeeze %gather3A_2483 : memref<1x588x8xf32, #tpu.memory_space<vmem>> -> memref<588x8xf32, #tpu.memory_space<vmem>>
      %gather3A_2485 = tpu.vector_load_idx %gather3A_2484[%add3A_2479, %broadcast_in_dim3A_140] : memref<588x8xf32, #tpu.memory_space<vmem>>[vector<16xi32>, vector<16xi32>], vector<16xf32>,
      tpu.vector_store_idx %arg5[%add3A_2479, %broadcast_in_dim3A_2287], %gather3A_2485 : memref<588x8xf32, #tpu.memory_space<vmem>>[vector<16xi32>, vector<16xi32>], vector<16xf32>,
      %add3A_2486 = arith.constant 352 : i32
      %add3A_2487 = vector.broadcast %add3A_2486 : i32 to vector<16xi32>
      %add3A_2488 = arith.addi %add3A_2487, %iota3A : vector<16xi32>
      %gather3A_2489 = arith.constant 6 : i32
      %gather3A_2490 = arith.constant 0 : i32
      %gather3A_2491 = arith.constant 0 : i32
      %gather3A_2492 = tpu.memref_slice %arg4[%gather3A_2489, %gather3A_2490, %gather3A_2491] : memref<8x588x8xf32, #tpu.memory_space<vmem>> -> memref<1x588x8xf32, #tpu.memory_space<vmem>>
      %gather3A_2493 = tpu.memref_squeeze %gather3A_2492 : memref<1x588x8xf32, #tpu.memory_space<vmem>> -> memref<588x8xf32, #tpu.memory_space<vmem>>
      %gather3A_2494 = tpu.vector_load_idx %gather3A_2493[%add3A_2488, %broadcast_in_dim3A_140] : memref<588x8xf32, #tpu.memory_space<vmem>>[vector<16xi32>, vector<16xi32>], vector<16xf32>,
      tpu.vector_store_idx %arg5[%add3A_2488, %broadcast_in_dim3A_2287], %gather3A_2494 : memref<588x8xf32, #tpu.memory_space<vmem>>[vector<16xi32>, vector<16xi32>], vector<16xf32>,
      %add3A_2495 = arith.constant 368 : i32
      %add3A_2496 = vector.broadcast %add3A_2495 : i32 to vector<16xi32>
      %add3A_2497 = arith.addi %add3A_2496, %iota3A : vector<16xi32>
      %gather3A_2498 = arith.constant 6 : i32
      %gather3A_2499 = arith.constant 0 : i32
      %gather3A_2500 = arith.constant 0 : i32
      %gather3A_2501 = tpu.memref_slice %arg4[%gather3A_2498, %gather3A_2499, %gather3A_2500] : memref<8x588x8xf32, #tpu.memory_space<vmem>> -> memref<1x588x8xf32, #tpu.memory_space<vmem>>
      %gather3A_2502 = tpu.memref_squeeze %gather3A_2501 : memref<1x588x8xf32, #tpu.memory_space<vmem>> -> memref<588x8xf32, #tpu.memory_space<vmem>>
      %gather3A_2503 = tpu.vector_load_idx %gather3A_2502[%add3A_2497, %broadcast_in_dim3A_140] : memref<588x8xf32, #tpu.memory_space<vmem>>[vector<16xi32>, vector<16xi32>], vector<16xf32>,
      tpu.vector_store_idx %arg5[%add3A_2497, %broadcast_in_dim3A_2287], %gather3A_2503 : memref<588x8xf32, #tpu.memory_space<vmem>>[vector<16xi32>, vector<16xi32>], vector<16xf32>,
      %add3A_2504 = arith.constant 384 : i32
      %add3A_2505 = vector.broadcast %add3A_2504 : i32 to vector<16xi32>
      %add3A_2506 = arith.addi %add3A_2505, %iota3A : vector<16xi32>
      %gather3A_2507 = arith.constant 6 : i32
      %gather3A_2508 = arith.constant 0 : i32
      %gather3A_2509 = arith.constant 0 : i32
      %gather3A_2510 = tpu.memref_slice %arg4[%gather3A_2507, %gather3A_2508, %gather3A_2509] : memref<8x588x8xf32, #tpu.memory_space<vmem>> -> memref<1x588x8xf32, #tpu.memory_space<vmem>>
      %gather3A_2511 = tpu.memref_squeeze %gather3A_2510 : memref<1x588x8xf32, #tpu.memory_space<vmem>> -> memref<588x8xf32, #tpu.memory_space<vmem>>
      %gather3A_2512 = tpu.vector_load_idx %gather3A_2511[%add3A_2506, %broadcast_in_dim3A_140] : memref<588x8xf32, #tpu.memory_space<vmem>>[vector<16xi32>, vector<16xi32>], vector<16xf32>,
      tpu.vector_store_idx %arg5[%add3A_2506, %broadcast_in_dim3A_2287], %gather3A_2512 : memref<588x8xf32, #tpu.memory_space<vmem>>[vector<16xi32>, vector<16xi32>], vector<16xf32>,
      %add3A_2513 = arith.constant 400 : i32
      %add3A_2514 = vector.broadcast %add3A_2513 : i32 to vector<16xi32>
      %add3A_2515 = arith.addi %add3A_2514, %iota3A : vector<16xi32>
      %gather3A_2516 = arith.constant 6 : i32
      %gather3A_2517 = arith.constant 0 : i32
      %gather3A_2518 = arith.constant 0 : i32
      %gather3A_2519 = tpu.memref_slice %arg4[%gather3A_2516, %gather3A_2517, %gather3A_2518] : memref<8x588x8xf32, #tpu.memory_space<vmem>> -> memref<1x588x8xf32, #tpu.memory_space<vmem>>
      %gather3A_2520 = tpu.memref_squeeze %gather3A_2519 : memref<1x588x8xf32, #tpu.memory_space<vmem>> -> memref<588x8xf32, #tpu.memory_space<vmem>>
      %gather3A_2521 = tpu.vector_load_idx %gather3A_2520[%add3A_2515, %broadcast_in_dim3A_140] : memref<588x8xf32, #tpu.memory_space<vmem>>[vector<16xi32>, vector<16xi32>], vector<16xf32>,
      tpu.vector_store_idx %arg5[%add3A_2515, %broadcast_in_dim3A_2287], %gather3A_2521 : memref<588x8xf32, #tpu.memory_space<vmem>>[vector<16xi32>, vector<16xi32>], vector<16xf32>,
      %add3A_2522 = arith.constant 416 : i32
      %add3A_2523 = vector.broadcast %add3A_2522 : i32 to vector<16xi32>
      %add3A_2524 = arith.addi %add3A_2523, %iota3A : vector<16xi32>
      %gather3A_2525 = arith.constant 6 : i32
      %gather3A_2526 = arith.constant 0 : i32
      %gather3A_2527 = arith.constant 0 : i32
      %gather3A_2528 = tpu.memref_slice %arg4[%gather3A_2525, %gather3A_2526, %gather3A_2527] : memref<8x588x8xf32, #tpu.memory_space<vmem>> -> memref<1x588x8xf32, #tpu.memory_space<vmem>>
      %gather3A_2529 = tpu.memref_squeeze %gather3A_2528 : memref<1x588x8xf32, #tpu.memory_space<vmem>> -> memref<588x8xf32, #tpu.memory_space<vmem>>
      %gather3A_2530 = tpu.vector_load_idx %gather3A_2529[%add3A_2524, %broadcast_in_dim3A_140] : memref<588x8xf32, #tpu.memory_space<vmem>>[vector<16xi32>, vector<16xi32>], vector<16xf32>,
      tpu.vector_store_idx %arg5[%add3A_2524, %broadcast_in_dim3A_2287], %gather3A_2530 : memref<588x8xf32, #tpu.memory_space<vmem>>[vector<16xi32>, vector<16xi32>], vector<16xf32>,
      %add3A_2531 = arith.constant 432 : i32
      %add3A_2532 = vector.broadcast %add3A_2531 : i32 to vector<16xi32>
      %add3A_2533 = arith.addi %add3A_2532, %iota3A : vector<16xi32>
      %gather3A_2534 = arith.constant 6 : i32
      %gather3A_2535 = arith.constant 0 : i32
      %gather3A_2536 = arith.constant 0 : i32
      %gather3A_2537 = tpu.memref_slice %arg4[%gather3A_2534, %gather3A_2535, %gather3A_2536] : memref<8x588x8xf32, #tpu.memory_space<vmem>> -> memref<1x588x8xf32, #tpu.memory_space<vmem>>
      %gather3A_2538 = tpu.memref_squeeze %gather3A_2537 : memref<1x588x8xf32, #tpu.memory_space<vmem>> -> memref<588x8xf32, #tpu.memory_space<vmem>>
      %gather3A_2539 = tpu.vector_load_idx %gather3A_2538[%add3A_2533, %broadcast_in_dim3A_140] : memref<588x8xf32, #tpu.memory_space<vmem>>[vector<16xi32>, vector<16xi32>], vector<16xf32>,
      tpu.vector_store_idx %arg5[%add3A_2533, %broadcast_in_dim3A_2287], %gather3A_2539 : memref<588x8xf32, #tpu.memory_space<vmem>>[vector<16xi32>, vector<16xi32>], vector<16xf32>,
      %add3A_2540 = arith.constant 448 : i32
      %add3A_2541 = vector.broadcast %add3A_2540 : i32 to vector<16xi32>
      %add3A_2542 = arith.addi %add3A_2541, %iota3A : vector<16xi32>
      %gather3A_2543 = arith.constant 6 : i32
      %gather3A_2544 = arith.constant 0 : i32
      %gather3A_2545 = arith.constant 0 : i32
      %gather3A_2546 = tpu.memref_slice %arg4[%gather3A_2543, %gather3A_2544, %gather3A_2545] : memref<8x588x8xf32, #tpu.memory_space<vmem>> -> memref<1x588x8xf32, #tpu.memory_space<vmem>>
      %gather3A_2547 = tpu.memref_squeeze %gather3A_2546 : memref<1x588x8xf32, #tpu.memory_space<vmem>> -> memref<588x8xf32, #tpu.memory_space<vmem>>
      %gather3A_2548 = tpu.vector_load_idx %gather3A_2547[%add3A_2542, %broadcast_in_dim3A_140] : memref<588x8xf32, #tpu.memory_space<vmem>>[vector<16xi32>, vector<16xi32>], vector<16xf32>,
      tpu.vector_store_idx %arg5[%add3A_2542, %broadcast_in_dim3A_2287], %gather3A_2548 : memref<588x8xf32, #tpu.memory_space<vmem>>[vector<16xi32>, vector<16xi32>], vector<16xf32>,
      %add3A_2549 = arith.constant 464 : i32
      %add3A_2550 = vector.broadcast %add3A_2549 : i32 to vector<16xi32>
      %add3A_2551 = arith.addi %add3A_2550, %iota3A : vector<16xi32>
      %gather3A_2552 = arith.constant 6 : i32
      %gather3A_2553 = arith.constant 0 : i32
      %gather3A_2554 = arith.constant 0 : i32
      %gather3A_2555 = tpu.memref_slice %arg4[%gather3A_2552, %gather3A_2553, %gather3A_2554] : memref<8x588x8xf32, #tpu.memory_space<vmem>> -> memref<1x588x8xf32, #tpu.memory_space<vmem>>
      %gather3A_2556 = tpu.memref_squeeze %gather3A_2555 : memref<1x588x8xf32, #tpu.memory_space<vmem>> -> memref<588x8xf32, #tpu.memory_space<vmem>>
      %gather3A_2557 = tpu.vector_load_idx %gather3A_2556[%add3A_2551, %broadcast_in_dim3A_140] : memref<588x8xf32, #tpu.memory_space<vmem>>[vector<16xi32>, vector<16xi32>], vector<16xf32>,
      tpu.vector_store_idx %arg5[%add3A_2551, %broadcast_in_dim3A_2287], %gather3A_2557 : memref<588x8xf32, #tpu.memory_space<vmem>>[vector<16xi32>, vector<16xi32>], vector<16xf32>,
      %add3A_2558 = arith.constant 480 : i32
      %add3A_2559 = vector.broadcast %add3A_2558 : i32 to vector<16xi32>
      %add3A_2560 = arith.addi %add3A_2559, %iota3A : vector<16xi32>
      %gather3A_2561 = arith.constant 6 : i32
      %gather3A_2562 = arith.constant 0 : i32
      %gather3A_2563 = arith.constant 0 : i32
      %gather3A_2564 = tpu.memref_slice %arg4[%gather3A_2561, %gather3A_2562, %gather3A_2563] : memref<8x588x8xf32, #tpu.memory_space<vmem>> -> memref<1x588x8xf32, #tpu.memory_space<vmem>>
      %gather3A_2565 = tpu.memref_squeeze %gather3A_2564 : memref<1x588x8xf32, #tpu.memory_space<vmem>> -> memref<588x8xf32, #tpu.memory_space<vmem>>
      %gather3A_2566 = tpu.vector_load_idx %gather3A_2565[%add3A_2560, %broadcast_in_dim3A_140] : memref<588x8xf32, #tpu.memory_space<vmem>>[vector<16xi32>, vector<16xi32>], vector<16xf32>,
      tpu.vector_store_idx %arg5[%add3A_2560, %broadcast_in_dim3A_2287], %gather3A_2566 : memref<588x8xf32, #tpu.memory_space<vmem>>[vector<16xi32>, vector<16xi32>], vector<16xf32>,
      %add3A_2567 = arith.constant 496 : i32
      %add3A_2568 = vector.broadcast %add3A_2567 : i32 to vector<16xi32>
      %add3A_2569 = arith.addi %add3A_2568, %iota3A : vector<16xi32>
      %gather3A_2570 = arith.constant 6 : i32
      %gather3A_2571 = arith.constant 0 : i32
      %gather3A_2572 = arith.constant 0 : i32
      %gather3A_2573 = tpu.memref_slice %arg4[%gather3A_2570, %gather3A_2571, %gather3A_2572] : memref<8x588x8xf32, #tpu.memory_space<vmem>> -> memref<1x588x8xf32, #tpu.memory_space<vmem>>
      %gather3A_2574 = tpu.memref_squeeze %gather3A_2573 : memref<1x588x8xf32, #tpu.memory_space<vmem>> -> memref<588x8xf32, #tpu.memory_space<vmem>>
      %gather3A_2575 = tpu.vector_load_idx %gather3A_2574[%add3A_2569, %broadcast_in_dim3A_140] : memref<588x8xf32, #tpu.memory_space<vmem>>[vector<16xi32>, vector<16xi32>], vector<16xf32>,
      tpu.vector_store_idx %arg5[%add3A_2569, %broadcast_in_dim3A_2287], %gather3A_2575 : memref<588x8xf32, #tpu.memory_space<vmem>>[vector<16xi32>, vector<16xi32>], vector<16xf32>,
      %add3A_2576 = arith.constant 512 : i32
      %add3A_2577 = vector.broadcast %add3A_2576 : i32 to vector<16xi32>
      %add3A_2578 = arith.addi %add3A_2577, %iota3A : vector<16xi32>
      %gather3A_2579 = arith.constant 6 : i32
      %gather3A_2580 = arith.constant 0 : i32
      %gather3A_2581 = arith.constant 0 : i32
      %gather3A_2582 = tpu.memref_slice %arg4[%gather3A_2579, %gather3A_2580, %gather3A_2581] : memref<8x588x8xf32, #tpu.memory_space<vmem>> -> memref<1x588x8xf32, #tpu.memory_space<vmem>>
      %gather3A_2583 = tpu.memref_squeeze %gather3A_2582 : memref<1x588x8xf32, #tpu.memory_space<vmem>> -> memref<588x8xf32, #tpu.memory_space<vmem>>
      %gather3A_2584 = tpu.vector_load_idx %gather3A_2583[%add3A_2578, %broadcast_in_dim3A_140] : memref<588x8xf32, #tpu.memory_space<vmem>>[vector<16xi32>, vector<16xi32>], vector<16xf32>,
      tpu.vector_store_idx %arg5[%add3A_2578, %broadcast_in_dim3A_2287], %gather3A_2584 : memref<588x8xf32, #tpu.memory_space<vmem>>[vector<16xi32>, vector<16xi32>], vector<16xf32>,
      %add3A_2585 = arith.constant 528 : i32
      %add3A_2586 = vector.broadcast %add3A_2585 : i32 to vector<16xi32>
      %add3A_2587 = arith.addi %add3A_2586, %iota3A : vector<16xi32>
      %gather3A_2588 = arith.constant 6 : i32
      %gather3A_2589 = arith.constant 0 : i32
      %gather3A_2590 = arith.constant 0 : i32
      %gather3A_2591 = tpu.memref_slice %arg4[%gather3A_2588, %gather3A_2589, %gather3A_2590] : memref<8x588x8xf32, #tpu.memory_space<vmem>> -> memref<1x588x8xf32, #tpu.memory_space<vmem>>
      %gather3A_2592 = tpu.memref_squeeze %gather3A_2591 : memref<1x588x8xf32, #tpu.memory_space<vmem>> -> memref<588x8xf32, #tpu.memory_space<vmem>>
      %gather3A_2593 = tpu.vector_load_idx %gather3A_2592[%add3A_2587, %broadcast_in_dim3A_140] : memref<588x8xf32, #tpu.memory_space<vmem>>[vector<16xi32>, vector<16xi32>], vector<16xf32>,
      tpu.vector_store_idx %arg5[%add3A_2587, %broadcast_in_dim3A_2287], %gather3A_2593 : memref<588x8xf32, #tpu.memory_space<vmem>>[vector<16xi32>, vector<16xi32>], vector<16xf32>,
      %add3A_2594 = arith.constant 544 : i32
      %add3A_2595 = vector.broadcast %add3A_2594 : i32 to vector<16xi32>
      %add3A_2596 = arith.addi %add3A_2595, %iota3A : vector<16xi32>
      %gather3A_2597 = arith.constant 6 : i32
      %gather3A_2598 = arith.constant 0 : i32
      %gather3A_2599 = arith.constant 0 : i32
      %gather3A_2600 = tpu.memref_slice %arg4[%gather3A_2597, %gather3A_2598, %gather3A_2599] : memref<8x588x8xf32, #tpu.memory_space<vmem>> -> memref<1x588x8xf32, #tpu.memory_space<vmem>>
      %gather3A_2601 = tpu.memref_squeeze %gather3A_2600 : memref<1x588x8xf32, #tpu.memory_space<vmem>> -> memref<588x8xf32, #tpu.memory_space<vmem>>
      %gather3A_2602 = tpu.vector_load_idx %gather3A_2601[%add3A_2596, %broadcast_in_dim3A_140] : memref<588x8xf32, #tpu.memory_space<vmem>>[vector<16xi32>, vector<16xi32>], vector<16xf32>,
      tpu.vector_store_idx %arg5[%add3A_2596, %broadcast_in_dim3A_2287], %gather3A_2602 : memref<588x8xf32, #tpu.memory_space<vmem>>[vector<16xi32>, vector<16xi32>], vector<16xf32>,
      %add3A_2603 = arith.constant 560 : i32
      %add3A_2604 = vector.broadcast %add3A_2603 : i32 to vector<16xi32>
      %add3A_2605 = arith.addi %add3A_2604, %iota3A : vector<16xi32>
      %gather3A_2606 = arith.constant 6 : i32
      %gather3A_2607 = arith.constant 0 : i32
      %gather3A_2608 = arith.constant 0 : i32
      %gather3A_2609 = tpu.memref_slice %arg4[%gather3A_2606, %gather3A_2607, %gather3A_2608] : memref<8x588x8xf32, #tpu.memory_space<vmem>> -> memref<1x588x8xf32, #tpu.memory_space<vmem>>
      %gather3A_2610 = tpu.memref_squeeze %gather3A_2609 : memref<1x588x8xf32, #tpu.memory_space<vmem>> -> memref<588x8xf32, #tpu.memory_space<vmem>>
      %gather3A_2611 = tpu.vector_load_idx %gather3A_2610[%add3A_2605, %broadcast_in_dim3A_140] : memref<588x8xf32, #tpu.memory_space<vmem>>[vector<16xi32>, vector<16xi32>], vector<16xf32>,
      tpu.vector_store_idx %arg5[%add3A_2605, %broadcast_in_dim3A_2287], %gather3A_2611 : memref<588x8xf32, #tpu.memory_space<vmem>>[vector<16xi32>, vector<16xi32>], vector<16xf32>,
      %add3A_2612 = arith.constant 576 : i32
      %add3A_2613 = vector.broadcast %add3A_2612 : i32 to vector<16xi32>
      %add3A_2614 = arith.addi %add3A_2613, %iota3A : vector<16xi32>
      %lt3A_2615 = arith.constant 12 : i32
      %lt3A_2616 = vector.broadcast %lt3A_2615 : i32 to vector<16xi32>
      %lt3A_2617 = arith.cmpi slt, %iota3A, %lt3A_2616 : vector<16xi32>
      %gather3A_2618 = arith.constant 6 : i32
      %gather3A_2619 = arith.constant 0 : i32
      %gather3A_2620 = arith.constant 0 : i32
      %gather3A_2621 = tpu.memref_slice %arg4[%gather3A_2618, %gather3A_2619, %gather3A_2620] : memref<8x588x8xf32, #tpu.memory_space<vmem>> -> memref<1x588x8xf32, #tpu.memory_space<vmem>>
      %gather3A_2622 = tpu.memref_squeeze %gather3A_2621 : memref<1x588x8xf32, #tpu.memory_space<vmem>> -> memref<588x8xf32, #tpu.memory_space<vmem>>
      %gather3A_2623 = tpu.vector_load_idx %gather3A_2622[%add3A_2614, %broadcast_in_dim3A_140] masked %lt3A_2617 : memref<588x8xf32, #tpu.memory_space<vmem>>[vector<16xi32>, vector<16xi32>], vector<16xf32>, vector<16xi1>
      tpu.vector_store_idx %arg5[%add3A_2614, %broadcast_in_dim3A_2287], %gather3A_2623 masked %lt3A_2617 : memref<588x8xf32, #tpu.memory_space<vmem>>[vector<16xi32>, vector<16xi32>], vector<16xf32>, vector<16xi1>
      %dma_wait3A_2624 = arith.constant 1 : i32
      %dma_wait3A_2625 = arith.constant 7 : i32
      %dma_wait3A_2626 = arith.constant 7 : i32
      %dma_wait3A_2627 = arith.constant 0 : i32
      %dma_wait3A_2628 = arith.constant 0 : i32
      %dma_wait3A_2629 = tpu.memref_slice %arg4[%dma_wait3A_2626, %dma_wait3A_2627, %dma_wait3A_2628] : memref<8x588x8xf32, #tpu.memory_space<vmem>> -> memref<1x588x8xf32, #tpu.memory_space<vmem>>
      %dma_wait3A_2630 = tpu.memref_squeeze %dma_wait3A_2629 : memref<1x588x8xf32, #tpu.memory_space<vmem>> -> memref<588x8xf32, #tpu.memory_space<vmem>>
      %dma_wait3A_2631 = arith.constant 40 : i32
      %dma_wait3A_2632 = tpu.memref_slice %arg2[%mul3A_2, %dma_wait3A_2624, %dma_wait3A_2625, %dma_wait3A_2631] : memref<18816x2x8x128xf32, #tpu.memory_space<hbm>> -> memref<588x1x1x8xf32, #tpu.memory_space<hbm>>
      %dma_wait3A_2633 = tpu.memref_squeeze %dma_wait3A_2632 : memref<588x1x1x8xf32, #tpu.memory_space<hbm>> -> memref<588x8xf32, #tpu.memory_space<hbm>>
      %dma_wait3A_2634 = arith.constant 0 : i32
      %dma_wait3A_2635 = arith.constant 0 : i32
      %dma_wait3A_2636 = tpu.memref_slice %arg4[%dma_wait3A_2626, %dma_wait3A_2634, %dma_wait3A_2635] : memref<8x588x8xf32, #tpu.memory_space<vmem>> -> memref<1x588x8xf32, #tpu.memory_space<vmem>>
      %dma_wait3A_2637 = tpu.memref_squeeze %dma_wait3A_2636 : memref<1x588x8xf32, #tpu.memory_space<vmem>> -> memref<588x8xf32, #tpu.memory_space<vmem>>
      %dma_wait3A_2638 = arith.constant 40 : i32
      %dma_wait3A_2639 = tpu.memref_slice %arg2[%mul3A_2, %dma_wait3A_2624, %dma_wait3A_2625, %dma_wait3A_2638] : memref<18816x2x8x128xf32, #tpu.memory_space<hbm>> -> memref<588x1x1x8xf32, #tpu.memory_space<hbm>>
      %dma_wait3A_2640 = tpu.memref_squeeze %dma_wait3A_2639 : memref<588x1x1x8xf32, #tpu.memory_space<hbm>> -> memref<588x8xf32, #tpu.memory_space<hbm>>
      tpu.wait_dma2 semaphore(%arg6 : memref<!tpu.dma_semaphore, #tpu.memory_space<semaphore_mem>>) src(%dma_wait3A_2640 : memref<588x8xf32, #tpu.memory_space<hbm>>) dst(%dma_wait3A_2637 : memref<588x8xf32, #tpu.memory_space<vmem>>)
      %broadcast_in_dim3A_2641 = arith.constant 7 : i32
      %broadcast_in_dim3A_2642 = vector.broadcast %broadcast_in_dim3A_2641 : i32 to vector<16xi32>
      %add3A_2643 = arith.constant 0 : i32
      %add3A_2644 = vector.broadcast %add3A_2643 : i32 to vector<16xi32>
      %add3A_2645 = arith.addi %add3A_2644, %iota3A : vector<16xi32>
      %gather3A_2646 = arith.constant 7 : i32
      %gather3A_2647 = arith.constant 0 : i32
      %gather3A_2648 = arith.constant 0 : i32
      %gather3A_2649 = tpu.memref_slice %arg4[%gather3A_2646, %gather3A_2647, %gather3A_2648] : memref<8x588x8xf32, #tpu.memory_space<vmem>> -> memref<1x588x8xf32, #tpu.memory_space<vmem>>
      %gather3A_2650 = tpu.memref_squeeze %gather3A_2649 : memref<1x588x8xf32, #tpu.memory_space<vmem>> -> memref<588x8xf32, #tpu.memory_space<vmem>>
      %gather3A_2651 = tpu.vector_load_idx %gather3A_2650[%add3A_2645, %broadcast_in_dim3A_140] : memref<588x8xf32, #tpu.memory_space<vmem>>[vector<16xi32>, vector<16xi32>], vector<16xf32>,
      tpu.vector_store_idx %arg5[%add3A_2645, %broadcast_in_dim3A_2642], %gather3A_2651 : memref<588x8xf32, #tpu.memory_space<vmem>>[vector<16xi32>, vector<16xi32>], vector<16xf32>,
      %add3A_2652 = arith.constant 16 : i32
      %add3A_2653 = vector.broadcast %add3A_2652 : i32 to vector<16xi32>
      %add3A_2654 = arith.addi %add3A_2653, %iota3A : vector<16xi32>
      %gather3A_2655 = arith.constant 7 : i32
      %gather3A_2656 = arith.constant 0 : i32
      %gather3A_2657 = arith.constant 0 : i32
      %gather3A_2658 = tpu.memref_slice %arg4[%gather3A_2655, %gather3A_2656, %gather3A_2657] : memref<8x588x8xf32, #tpu.memory_space<vmem>> -> memref<1x588x8xf32, #tpu.memory_space<vmem>>
      %gather3A_2659 = tpu.memref_squeeze %gather3A_2658 : memref<1x588x8xf32, #tpu.memory_space<vmem>> -> memref<588x8xf32, #tpu.memory_space<vmem>>
      %gather3A_2660 = tpu.vector_load_idx %gather3A_2659[%add3A_2654, %broadcast_in_dim3A_140] : memref<588x8xf32, #tpu.memory_space<vmem>>[vector<16xi32>, vector<16xi32>], vector<16xf32>,
      tpu.vector_store_idx %arg5[%add3A_2654, %broadcast_in_dim3A_2642], %gather3A_2660 : memref<588x8xf32, #tpu.memory_space<vmem>>[vector<16xi32>, vector<16xi32>], vector<16xf32>,
      %add3A_2661 = arith.constant 32 : i32
      %add3A_2662 = vector.broadcast %add3A_2661 : i32 to vector<16xi32>
      %add3A_2663 = arith.addi %add3A_2662, %iota3A : vector<16xi32>
      %gather3A_2664 = arith.constant 7 : i32
      %gather3A_2665 = arith.constant 0 : i32
      %gather3A_2666 = arith.constant 0 : i32
      %gather3A_2667 = tpu.memref_slice %arg4[%gather3A_2664, %gather3A_2665, %gather3A_2666] : memref<8x588x8xf32, #tpu.memory_space<vmem>> -> memref<1x588x8xf32, #tpu.memory_space<vmem>>
      %gather3A_2668 = tpu.memref_squeeze %gather3A_2667 : memref<1x588x8xf32, #tpu.memory_space<vmem>> -> memref<588x8xf32, #tpu.memory_space<vmem>>
      %gather3A_2669 = tpu.vector_load_idx %gather3A_2668[%add3A_2663, %broadcast_in_dim3A_140] : memref<588x8xf32, #tpu.memory_space<vmem>>[vector<16xi32>, vector<16xi32>], vector<16xf32>,
      tpu.vector_store_idx %arg5[%add3A_2663, %broadcast_in_dim3A_2642], %gather3A_2669 : memref<588x8xf32, #tpu.memory_space<vmem>>[vector<16xi32>, vector<16xi32>], vector<16xf32>,
      %add3A_2670 = arith.constant 48 : i32
      %add3A_2671 = vector.broadcast %add3A_2670 : i32 to vector<16xi32>
      %add3A_2672 = arith.addi %add3A_2671, %iota3A : vector<16xi32>
      %gather3A_2673 = arith.constant 7 : i32
      %gather3A_2674 = arith.constant 0 : i32
      %gather3A_2675 = arith.constant 0 : i32
      %gather3A_2676 = tpu.memref_slice %arg4[%gather3A_2673, %gather3A_2674, %gather3A_2675] : memref<8x588x8xf32, #tpu.memory_space<vmem>> -> memref<1x588x8xf32, #tpu.memory_space<vmem>>
      %gather3A_2677 = tpu.memref_squeeze %gather3A_2676 : memref<1x588x8xf32, #tpu.memory_space<vmem>> -> memref<588x8xf32, #tpu.memory_space<vmem>>
      %gather3A_2678 = tpu.vector_load_idx %gather3A_2677[%add3A_2672, %broadcast_in_dim3A_140] : memref<588x8xf32, #tpu.memory_space<vmem>>[vector<16xi32>, vector<16xi32>], vector<16xf32>,
      tpu.vector_store_idx %arg5[%add3A_2672, %broadcast_in_dim3A_2642], %gather3A_2678 : memref<588x8xf32, #tpu.memory_space<vmem>>[vector<16xi32>, vector<16xi32>], vector<16xf32>,
      %add3A_2679 = arith.constant 64 : i32
      %add3A_2680 = vector.broadcast %add3A_2679 : i32 to vector<16xi32>
      %add3A_2681 = arith.addi %add3A_2680, %iota3A : vector<16xi32>
      %gather3A_2682 = arith.constant 7 : i32
      %gather3A_2683 = arith.constant 0 : i32
      %gather3A_2684 = arith.constant 0 : i32
      %gather3A_2685 = tpu.memref_slice %arg4[%gather3A_2682, %gather3A_2683, %gather3A_2684] : memref<8x588x8xf32, #tpu.memory_space<vmem>> -> memref<1x588x8xf32, #tpu.memory_space<vmem>>
      %gather3A_2686 = tpu.memref_squeeze %gather3A_2685 : memref<1x588x8xf32, #tpu.memory_space<vmem>> -> memref<588x8xf32, #tpu.memory_space<vmem>>
      %gather3A_2687 = tpu.vector_load_idx %gather3A_2686[%add3A_2681, %broadcast_in_dim3A_140] : memref<588x8xf32, #tpu.memory_space<vmem>>[vector<16xi32>, vector<16xi32>], vector<16xf32>,
      tpu.vector_store_idx %arg5[%add3A_2681, %broadcast_in_dim3A_2642], %gather3A_2687 : memref<588x8xf32, #tpu.memory_space<vmem>>[vector<16xi32>, vector<16xi32>], vector<16xf32>,
      %add3A_2688 = arith.constant 80 : i32
      %add3A_2689 = vector.broadcast %add3A_2688 : i32 to vector<16xi32>
      %add3A_2690 = arith.addi %add3A_2689, %iota3A : vector<16xi32>
      %gather3A_2691 = arith.constant 7 : i32
      %gather3A_2692 = arith.constant 0 : i32
      %gather3A_2693 = arith.constant 0 : i32
      %gather3A_2694 = tpu.memref_slice %arg4[%gather3A_2691, %gather3A_2692, %gather3A_2693] : memref<8x588x8xf32, #tpu.memory_space<vmem>> -> memref<1x588x8xf32, #tpu.memory_space<vmem>>
      %gather3A_2695 = tpu.memref_squeeze %gather3A_2694 : memref<1x588x8xf32, #tpu.memory_space<vmem>> -> memref<588x8xf32, #tpu.memory_space<vmem>>
      %gather3A_2696 = tpu.vector_load_idx %gather3A_2695[%add3A_2690, %broadcast_in_dim3A_140] : memref<588x8xf32, #tpu.memory_space<vmem>>[vector<16xi32>, vector<16xi32>], vector<16xf32>,
      tpu.vector_store_idx %arg5[%add3A_2690, %broadcast_in_dim3A_2642], %gather3A_2696 : memref<588x8xf32, #tpu.memory_space<vmem>>[vector<16xi32>, vector<16xi32>], vector<16xf32>,
      %add3A_2697 = arith.constant 96 : i32
      %add3A_2698 = vector.broadcast %add3A_2697 : i32 to vector<16xi32>
      %add3A_2699 = arith.addi %add3A_2698, %iota3A : vector<16xi32>
      %gather3A_2700 = arith.constant 7 : i32
      %gather3A_2701 = arith.constant 0 : i32
      %gather3A_2702 = arith.constant 0 : i32
      %gather3A_2703 = tpu.memref_slice %arg4[%gather3A_2700, %gather3A_2701, %gather3A_2702] : memref<8x588x8xf32, #tpu.memory_space<vmem>> -> memref<1x588x8xf32, #tpu.memory_space<vmem>>
      %gather3A_2704 = tpu.memref_squeeze %gather3A_2703 : memref<1x588x8xf32, #tpu.memory_space<vmem>> -> memref<588x8xf32, #tpu.memory_space<vmem>>
      %gather3A_2705 = tpu.vector_load_idx %gather3A_2704[%add3A_2699, %broadcast_in_dim3A_140] : memref<588x8xf32, #tpu.memory_space<vmem>>[vector<16xi32>, vector<16xi32>], vector<16xf32>,
      tpu.vector_store_idx %arg5[%add3A_2699, %broadcast_in_dim3A_2642], %gather3A_2705 : memref<588x8xf32, #tpu.memory_space<vmem>>[vector<16xi32>, vector<16xi32>], vector<16xf32>,
      %add3A_2706 = arith.constant 112 : i32
      %add3A_2707 = vector.broadcast %add3A_2706 : i32 to vector<16xi32>
      %add3A_2708 = arith.addi %add3A_2707, %iota3A : vector<16xi32>
      %gather3A_2709 = arith.constant 7 : i32
      %gather3A_2710 = arith.constant 0 : i32
      %gather3A_2711 = arith.constant 0 : i32
      %gather3A_2712 = tpu.memref_slice %arg4[%gather3A_2709, %gather3A_2710, %gather3A_2711] : memref<8x588x8xf32, #tpu.memory_space<vmem>> -> memref<1x588x8xf32, #tpu.memory_space<vmem>>
      %gather3A_2713 = tpu.memref_squeeze %gather3A_2712 : memref<1x588x8xf32, #tpu.memory_space<vmem>> -> memref<588x8xf32, #tpu.memory_space<vmem>>
      %gather3A_2714 = tpu.vector_load_idx %gather3A_2713[%add3A_2708, %broadcast_in_dim3A_140] : memref<588x8xf32, #tpu.memory_space<vmem>>[vector<16xi32>, vector<16xi32>], vector<16xf32>,
      tpu.vector_store_idx %arg5[%add3A_2708, %broadcast_in_dim3A_2642], %gather3A_2714 : memref<588x8xf32, #tpu.memory_space<vmem>>[vector<16xi32>, vector<16xi32>], vector<16xf32>,
      %add3A_2715 = arith.constant 128 : i32
      %add3A_2716 = vector.broadcast %add3A_2715 : i32 to vector<16xi32>
      %add3A_2717 = arith.addi %add3A_2716, %iota3A : vector<16xi32>
      %gather3A_2718 = arith.constant 7 : i32
      %gather3A_2719 = arith.constant 0 : i32
      %gather3A_2720 = arith.constant 0 : i32
      %gather3A_2721 = tpu.memref_slice %arg4[%gather3A_2718, %gather3A_2719, %gather3A_2720] : memref<8x588x8xf32, #tpu.memory_space<vmem>> -> memref<1x588x8xf32, #tpu.memory_space<vmem>>
      %gather3A_2722 = tpu.memref_squeeze %gather3A_2721 : memref<1x588x8xf32, #tpu.memory_space<vmem>> -> memref<588x8xf32, #tpu.memory_space<vmem>>
      %gather3A_2723 = tpu.vector_load_idx %gather3A_2722[%add3A_2717, %broadcast_in_dim3A_140] : memref<588x8xf32, #tpu.memory_space<vmem>>[vector<16xi32>, vector<16xi32>], vector<16xf32>,
      tpu.vector_store_idx %arg5[%add3A_2717, %broadcast_in_dim3A_2642], %gather3A_2723 : memref<588x8xf32, #tpu.memory_space<vmem>>[vector<16xi32>, vector<16xi32>], vector<16xf32>,
      %add3A_2724 = arith.constant 144 : i32
      %add3A_2725 = vector.broadcast %add3A_2724 : i32 to vector<16xi32>
      %add3A_2726 = arith.addi %add3A_2725, %iota3A : vector<16xi32>
      %gather3A_2727 = arith.constant 7 : i32
      %gather3A_2728 = arith.constant 0 : i32
      %gather3A_2729 = arith.constant 0 : i32
      %gather3A_2730 = tpu.memref_slice %arg4[%gather3A_2727, %gather3A_2728, %gather3A_2729] : memref<8x588x8xf32, #tpu.memory_space<vmem>> -> memref<1x588x8xf32, #tpu.memory_space<vmem>>
      %gather3A_2731 = tpu.memref_squeeze %gather3A_2730 : memref<1x588x8xf32, #tpu.memory_space<vmem>> -> memref<588x8xf32, #tpu.memory_space<vmem>>
      %gather3A_2732 = tpu.vector_load_idx %gather3A_2731[%add3A_2726, %broadcast_in_dim3A_140] : memref<588x8xf32, #tpu.memory_space<vmem>>[vector<16xi32>, vector<16xi32>], vector<16xf32>,
      tpu.vector_store_idx %arg5[%add3A_2726, %broadcast_in_dim3A_2642], %gather3A_2732 : memref<588x8xf32, #tpu.memory_space<vmem>>[vector<16xi32>, vector<16xi32>], vector<16xf32>,
      %add3A_2733 = arith.constant 160 : i32
      %add3A_2734 = vector.broadcast %add3A_2733 : i32 to vector<16xi32>
      %add3A_2735 = arith.addi %add3A_2734, %iota3A : vector<16xi32>
      %gather3A_2736 = arith.constant 7 : i32
      %gather3A_2737 = arith.constant 0 : i32
      %gather3A_2738 = arith.constant 0 : i32
      %gather3A_2739 = tpu.memref_slice %arg4[%gather3A_2736, %gather3A_2737, %gather3A_2738] : memref<8x588x8xf32, #tpu.memory_space<vmem>> -> memref<1x588x8xf32, #tpu.memory_space<vmem>>
      %gather3A_2740 = tpu.memref_squeeze %gather3A_2739 : memref<1x588x8xf32, #tpu.memory_space<vmem>> -> memref<588x8xf32, #tpu.memory_space<vmem>>
      %gather3A_2741 = tpu.vector_load_idx %gather3A_2740[%add3A_2735, %broadcast_in_dim3A_140] : memref<588x8xf32, #tpu.memory_space<vmem>>[vector<16xi32>, vector<16xi32>], vector<16xf32>,
      tpu.vector_store_idx %arg5[%add3A_2735, %broadcast_in_dim3A_2642], %gather3A_2741 : memref<588x8xf32, #tpu.memory_space<vmem>>[vector<16xi32>, vector<16xi32>], vector<16xf32>,
      %add3A_2742 = arith.constant 176 : i32
      %add3A_2743 = vector.broadcast %add3A_2742 : i32 to vector<16xi32>
      %add3A_2744 = arith.addi %add3A_2743, %iota3A : vector<16xi32>
      %gather3A_2745 = arith.constant 7 : i32
      %gather3A_2746 = arith.constant 0 : i32
      %gather3A_2747 = arith.constant 0 : i32
      %gather3A_2748 = tpu.memref_slice %arg4[%gather3A_2745, %gather3A_2746, %gather3A_2747] : memref<8x588x8xf32, #tpu.memory_space<vmem>> -> memref<1x588x8xf32, #tpu.memory_space<vmem>>
      %gather3A_2749 = tpu.memref_squeeze %gather3A_2748 : memref<1x588x8xf32, #tpu.memory_space<vmem>> -> memref<588x8xf32, #tpu.memory_space<vmem>>
      %gather3A_2750 = tpu.vector_load_idx %gather3A_2749[%add3A_2744, %broadcast_in_dim3A_140] : memref<588x8xf32, #tpu.memory_space<vmem>>[vector<16xi32>, vector<16xi32>], vector<16xf32>,
      tpu.vector_store_idx %arg5[%add3A_2744, %broadcast_in_dim3A_2642], %gather3A_2750 : memref<588x8xf32, #tpu.memory_space<vmem>>[vector<16xi32>, vector<16xi32>], vector<16xf32>,
      %add3A_2751 = arith.constant 192 : i32
      %add3A_2752 = vector.broadcast %add3A_2751 : i32 to vector<16xi32>
      %add3A_2753 = arith.addi %add3A_2752, %iota3A : vector<16xi32>
      %gather3A_2754 = arith.constant 7 : i32
      %gather3A_2755 = arith.constant 0 : i32
      %gather3A_2756 = arith.constant 0 : i32
      %gather3A_2757 = tpu.memref_slice %arg4[%gather3A_2754, %gather3A_2755, %gather3A_2756] : memref<8x588x8xf32, #tpu.memory_space<vmem>> -> memref<1x588x8xf32, #tpu.memory_space<vmem>>
      %gather3A_2758 = tpu.memref_squeeze %gather3A_2757 : memref<1x588x8xf32, #tpu.memory_space<vmem>> -> memref<588x8xf32, #tpu.memory_space<vmem>>
      %gather3A_2759 = tpu.vector_load_idx %gather3A_2758[%add3A_2753, %broadcast_in_dim3A_140] : memref<588x8xf32, #tpu.memory_space<vmem>>[vector<16xi32>, vector<16xi32>], vector<16xf32>,
      tpu.vector_store_idx %arg5[%add3A_2753, %broadcast_in_dim3A_2642], %gather3A_2759 : memref<588x8xf32, #tpu.memory_space<vmem>>[vector<16xi32>, vector<16xi32>], vector<16xf32>,
      %add3A_2760 = arith.constant 208 : i32
      %add3A_2761 = vector.broadcast %add3A_2760 : i32 to vector<16xi32>
      %add3A_2762 = arith.addi %add3A_2761, %iota3A : vector<16xi32>
      %gather3A_2763 = arith.constant 7 : i32
      %gather3A_2764 = arith.constant 0 : i32
      %gather3A_2765 = arith.constant 0 : i32
      %gather3A_2766 = tpu.memref_slice %arg4[%gather3A_2763, %gather3A_2764, %gather3A_2765] : memref<8x588x8xf32, #tpu.memory_space<vmem>> -> memref<1x588x8xf32, #tpu.memory_space<vmem>>
      %gather3A_2767 = tpu.memref_squeeze %gather3A_2766 : memref<1x588x8xf32, #tpu.memory_space<vmem>> -> memref<588x8xf32, #tpu.memory_space<vmem>>
      %gather3A_2768 = tpu.vector_load_idx %gather3A_2767[%add3A_2762, %broadcast_in_dim3A_140] : memref<588x8xf32, #tpu.memory_space<vmem>>[vector<16xi32>, vector<16xi32>], vector<16xf32>,
      tpu.vector_store_idx %arg5[%add3A_2762, %broadcast_in_dim3A_2642], %gather3A_2768 : memref<588x8xf32, #tpu.memory_space<vmem>>[vector<16xi32>, vector<16xi32>], vector<16xf32>,
      %add3A_2769 = arith.constant 224 : i32
      %add3A_2770 = vector.broadcast %add3A_2769 : i32 to vector<16xi32>
      %add3A_2771 = arith.addi %add3A_2770, %iota3A : vector<16xi32>
      %gather3A_2772 = arith.constant 7 : i32
      %gather3A_2773 = arith.constant 0 : i32
      %gather3A_2774 = arith.constant 0 : i32
      %gather3A_2775 = tpu.memref_slice %arg4[%gather3A_2772, %gather3A_2773, %gather3A_2774] : memref<8x588x8xf32, #tpu.memory_space<vmem>> -> memref<1x588x8xf32, #tpu.memory_space<vmem>>
      %gather3A_2776 = tpu.memref_squeeze %gather3A_2775 : memref<1x588x8xf32, #tpu.memory_space<vmem>> -> memref<588x8xf32, #tpu.memory_space<vmem>>
      %gather3A_2777 = tpu.vector_load_idx %gather3A_2776[%add3A_2771, %broadcast_in_dim3A_140] : memref<588x8xf32, #tpu.memory_space<vmem>>[vector<16xi32>, vector<16xi32>], vector<16xf32>,
      tpu.vector_store_idx %arg5[%add3A_2771, %broadcast_in_dim3A_2642], %gather3A_2777 : memref<588x8xf32, #tpu.memory_space<vmem>>[vector<16xi32>, vector<16xi32>], vector<16xf32>,
      %add3A_2778 = arith.constant 240 : i32
      %add3A_2779 = vector.broadcast %add3A_2778 : i32 to vector<16xi32>
      %add3A_2780 = arith.addi %add3A_2779, %iota3A : vector<16xi32>
      %gather3A_2781 = arith.constant 7 : i32
      %gather3A_2782 = arith.constant 0 : i32
      %gather3A_2783 = arith.constant 0 : i32
      %gather3A_2784 = tpu.memref_slice %arg4[%gather3A_2781, %gather3A_2782, %gather3A_2783] : memref<8x588x8xf32, #tpu.memory_space<vmem>> -> memref<1x588x8xf32, #tpu.memory_space<vmem>>
      %gather3A_2785 = tpu.memref_squeeze %gather3A_2784 : memref<1x588x8xf32, #tpu.memory_space<vmem>> -> memref<588x8xf32, #tpu.memory_space<vmem>>
      %gather3A_2786 = tpu.vector_load_idx %gather3A_2785[%add3A_2780, %broadcast_in_dim3A_140] : memref<588x8xf32, #tpu.memory_space<vmem>>[vector<16xi32>, vector<16xi32>], vector<16xf32>,
      tpu.vector_store_idx %arg5[%add3A_2780, %broadcast_in_dim3A_2642], %gather3A_2786 : memref<588x8xf32, #tpu.memory_space<vmem>>[vector<16xi32>, vector<16xi32>], vector<16xf32>,
      %add3A_2787 = arith.constant 256 : i32
      %add3A_2788 = vector.broadcast %add3A_2787 : i32 to vector<16xi32>
      %add3A_2789 = arith.addi %add3A_2788, %iota3A : vector<16xi32>
      %gather3A_2790 = arith.constant 7 : i32
      %gather3A_2791 = arith.constant 0 : i32
      %gather3A_2792 = arith.constant 0 : i32
      %gather3A_2793 = tpu.memref_slice %arg4[%gather3A_2790, %gather3A_2791, %gather3A_2792] : memref<8x588x8xf32, #tpu.memory_space<vmem>> -> memref<1x588x8xf32, #tpu.memory_space<vmem>>
      %gather3A_2794 = tpu.memref_squeeze %gather3A_2793 : memref<1x588x8xf32, #tpu.memory_space<vmem>> -> memref<588x8xf32, #tpu.memory_space<vmem>>
      %gather3A_2795 = tpu.vector_load_idx %gather3A_2794[%add3A_2789, %broadcast_in_dim3A_140] : memref<588x8xf32, #tpu.memory_space<vmem>>[vector<16xi32>, vector<16xi32>], vector<16xf32>,
      tpu.vector_store_idx %arg5[%add3A_2789, %broadcast_in_dim3A_2642], %gather3A_2795 : memref<588x8xf32, #tpu.memory_space<vmem>>[vector<16xi32>, vector<16xi32>], vector<16xf32>,
      %add3A_2796 = arith.constant 272 : i32
      %add3A_2797 = vector.broadcast %add3A_2796 : i32 to vector<16xi32>
      %add3A_2798 = arith.addi %add3A_2797, %iota3A : vector<16xi32>
      %gather3A_2799 = arith.constant 7 : i32
      %gather3A_2800 = arith.constant 0 : i32
      %gather3A_2801 = arith.constant 0 : i32
      %gather3A_2802 = tpu.memref_slice %arg4[%gather3A_2799, %gather3A_2800, %gather3A_2801] : memref<8x588x8xf32, #tpu.memory_space<vmem>> -> memref<1x588x8xf32, #tpu.memory_space<vmem>>
      %gather3A_2803 = tpu.memref_squeeze %gather3A_2802 : memref<1x588x8xf32, #tpu.memory_space<vmem>> -> memref<588x8xf32, #tpu.memory_space<vmem>>
      %gather3A_2804 = tpu.vector_load_idx %gather3A_2803[%add3A_2798, %broadcast_in_dim3A_140] : memref<588x8xf32, #tpu.memory_space<vmem>>[vector<16xi32>, vector<16xi32>], vector<16xf32>,
      tpu.vector_store_idx %arg5[%add3A_2798, %broadcast_in_dim3A_2642], %gather3A_2804 : memref<588x8xf32, #tpu.memory_space<vmem>>[vector<16xi32>, vector<16xi32>], vector<16xf32>,
      %add3A_2805 = arith.constant 288 : i32
      %add3A_2806 = vector.broadcast %add3A_2805 : i32 to vector<16xi32>
      %add3A_2807 = arith.addi %add3A_2806, %iota3A : vector<16xi32>
      %gather3A_2808 = arith.constant 7 : i32
      %gather3A_2809 = arith.constant 0 : i32
      %gather3A_2810 = arith.constant 0 : i32
      %gather3A_2811 = tpu.memref_slice %arg4[%gather3A_2808, %gather3A_2809, %gather3A_2810] : memref<8x588x8xf32, #tpu.memory_space<vmem>> -> memref<1x588x8xf32, #tpu.memory_space<vmem>>
      %gather3A_2812 = tpu.memref_squeeze %gather3A_2811 : memref<1x588x8xf32, #tpu.memory_space<vmem>> -> memref<588x8xf32, #tpu.memory_space<vmem>>
      %gather3A_2813 = tpu.vector_load_idx %gather3A_2812[%add3A_2807, %broadcast_in_dim3A_140] : memref<588x8xf32, #tpu.memory_space<vmem>>[vector<16xi32>, vector<16xi32>], vector<16xf32>,
      tpu.vector_store_idx %arg5[%add3A_2807, %broadcast_in_dim3A_2642], %gather3A_2813 : memref<588x8xf32, #tpu.memory_space<vmem>>[vector<16xi32>, vector<16xi32>], vector<16xf32>,
      %add3A_2814 = arith.constant 304 : i32
      %add3A_2815 = vector.broadcast %add3A_2814 : i32 to vector<16xi32>
      %add3A_2816 = arith.addi %add3A_2815, %iota3A : vector<16xi32>
      %gather3A_2817 = arith.constant 7 : i32
      %gather3A_2818 = arith.constant 0 : i32
      %gather3A_2819 = arith.constant 0 : i32
      %gather3A_2820 = tpu.memref_slice %arg4[%gather3A_2817, %gather3A_2818, %gather3A_2819] : memref<8x588x8xf32, #tpu.memory_space<vmem>> -> memref<1x588x8xf32, #tpu.memory_space<vmem>>
      %gather3A_2821 = tpu.memref_squeeze %gather3A_2820 : memref<1x588x8xf32, #tpu.memory_space<vmem>> -> memref<588x8xf32, #tpu.memory_space<vmem>>
      %gather3A_2822 = tpu.vector_load_idx %gather3A_2821[%add3A_2816, %broadcast_in_dim3A_140] : memref<588x8xf32, #tpu.memory_space<vmem>>[vector<16xi32>, vector<16xi32>], vector<16xf32>,
      tpu.vector_store_idx %arg5[%add3A_2816, %broadcast_in_dim3A_2642], %gather3A_2822 : memref<588x8xf32, #tpu.memory_space<vmem>>[vector<16xi32>, vector<16xi32>], vector<16xf32>,
      %add3A_2823 = arith.constant 320 : i32
      %add3A_2824 = vector.broadcast %add3A_2823 : i32 to vector<16xi32>
      %add3A_2825 = arith.addi %add3A_2824, %iota3A : vector<16xi32>
      %gather3A_2826 = arith.constant 7 : i32
      %gather3A_2827 = arith.constant 0 : i32
      %gather3A_2828 = arith.constant 0 : i32
      %gather3A_2829 = tpu.memref_slice %arg4[%gather3A_2826, %gather3A_2827, %gather3A_2828] : memref<8x588x8xf32, #tpu.memory_space<vmem>> -> memref<1x588x8xf32, #tpu.memory_space<vmem>>
      %gather3A_2830 = tpu.memref_squeeze %gather3A_2829 : memref<1x588x8xf32, #tpu.memory_space<vmem>> -> memref<588x8xf32, #tpu.memory_space<vmem>>
      %gather3A_2831 = tpu.vector_load_idx %gather3A_2830[%add3A_2825, %broadcast_in_dim3A_140] : memref<588x8xf32, #tpu.memory_space<vmem>>[vector<16xi32>, vector<16xi32>], vector<16xf32>,
      tpu.vector_store_idx %arg5[%add3A_2825, %broadcast_in_dim3A_2642], %gather3A_2831 : memref<588x8xf32, #tpu.memory_space<vmem>>[vector<16xi32>, vector<16xi32>], vector<16xf32>,
      %add3A_2832 = arith.constant 336 : i32
      %add3A_2833 = vector.broadcast %add3A_2832 : i32 to vector<16xi32>
      %add3A_2834 = arith.addi %add3A_2833, %iota3A : vector<16xi32>
      %gather3A_2835 = arith.constant 7 : i32
      %gather3A_2836 = arith.constant 0 : i32
      %gather3A_2837 = arith.constant 0 : i32
      %gather3A_2838 = tpu.memref_slice %arg4[%gather3A_2835, %gather3A_2836, %gather3A_2837] : memref<8x588x8xf32, #tpu.memory_space<vmem>> -> memref<1x588x8xf32, #tpu.memory_space<vmem>>
      %gather3A_2839 = tpu.memref_squeeze %gather3A_2838 : memref<1x588x8xf32, #tpu.memory_space<vmem>> -> memref<588x8xf32, #tpu.memory_space<vmem>>
      %gather3A_2840 = tpu.vector_load_idx %gather3A_2839[%add3A_2834, %broadcast_in_dim3A_140] : memref<588x8xf32, #tpu.memory_space<vmem>>[vector<16xi32>, vector<16xi32>], vector<16xf32>,
      tpu.vector_store_idx %arg5[%add3A_2834, %broadcast_in_dim3A_2642], %gather3A_2840 : memref<588x8xf32, #tpu.memory_space<vmem>>[vector<16xi32>, vector<16xi32>], vector<16xf32>,
      %add3A_2841 = arith.constant 352 : i32
      %add3A_2842 = vector.broadcast %add3A_2841 : i32 to vector<16xi32>
      %add3A_2843 = arith.addi %add3A_2842, %iota3A : vector<16xi32>
      %gather3A_2844 = arith.constant 7 : i32
      %gather3A_2845 = arith.constant 0 : i32
      %gather3A_2846 = arith.constant 0 : i32
      %gather3A_2847 = tpu.memref_slice %arg4[%gather3A_2844, %gather3A_2845, %gather3A_2846] : memref<8x588x8xf32, #tpu.memory_space<vmem>> -> memref<1x588x8xf32, #tpu.memory_space<vmem>>
      %gather3A_2848 = tpu.memref_squeeze %gather3A_2847 : memref<1x588x8xf32, #tpu.memory_space<vmem>> -> memref<588x8xf32, #tpu.memory_space<vmem>>
      %gather3A_2849 = tpu.vector_load_idx %gather3A_2848[%add3A_2843, %broadcast_in_dim3A_140] : memref<588x8xf32, #tpu.memory_space<vmem>>[vector<16xi32>, vector<16xi32>], vector<16xf32>,
      tpu.vector_store_idx %arg5[%add3A_2843, %broadcast_in_dim3A_2642], %gather3A_2849 : memref<588x8xf32, #tpu.memory_space<vmem>>[vector<16xi32>, vector<16xi32>], vector<16xf32>,
      %add3A_2850 = arith.constant 368 : i32
      %add3A_2851 = vector.broadcast %add3A_2850 : i32 to vector<16xi32>
      %add3A_2852 = arith.addi %add3A_2851, %iota3A : vector<16xi32>
      %gather3A_2853 = arith.constant 7 : i32
      %gather3A_2854 = arith.constant 0 : i32
      %gather3A_2855 = arith.constant 0 : i32
      %gather3A_2856 = tpu.memref_slice %arg4[%gather3A_2853, %gather3A_2854, %gather3A_2855] : memref<8x588x8xf32, #tpu.memory_space<vmem>> -> memref<1x588x8xf32, #tpu.memory_space<vmem>>
      %gather3A_2857 = tpu.memref_squeeze %gather3A_2856 : memref<1x588x8xf32, #tpu.memory_space<vmem>> -> memref<588x8xf32, #tpu.memory_space<vmem>>
      %gather3A_2858 = tpu.vector_load_idx %gather3A_2857[%add3A_2852, %broadcast_in_dim3A_140] : memref<588x8xf32, #tpu.memory_space<vmem>>[vector<16xi32>, vector<16xi32>], vector<16xf32>,
      tpu.vector_store_idx %arg5[%add3A_2852, %broadcast_in_dim3A_2642], %gather3A_2858 : memref<588x8xf32, #tpu.memory_space<vmem>>[vector<16xi32>, vector<16xi32>], vector<16xf32>,
      %add3A_2859 = arith.constant 384 : i32
      %add3A_2860 = vector.broadcast %add3A_2859 : i32 to vector<16xi32>
      %add3A_2861 = arith.addi %add3A_2860, %iota3A : vector<16xi32>
      %gather3A_2862 = arith.constant 7 : i32
      %gather3A_2863 = arith.constant 0 : i32
      %gather3A_2864 = arith.constant 0 : i32
      %gather3A_2865 = tpu.memref_slice %arg4[%gather3A_2862, %gather3A_2863, %gather3A_2864] : memref<8x588x8xf32, #tpu.memory_space<vmem>> -> memref<1x588x8xf32, #tpu.memory_space<vmem>>
      %gather3A_2866 = tpu.memref_squeeze %gather3A_2865 : memref<1x588x8xf32, #tpu.memory_space<vmem>> -> memref<588x8xf32, #tpu.memory_space<vmem>>
      %gather3A_2867 = tpu.vector_load_idx %gather3A_2866[%add3A_2861, %broadcast_in_dim3A_140] : memref<588x8xf32, #tpu.memory_space<vmem>>[vector<16xi32>, vector<16xi32>], vector<16xf32>,
      tpu.vector_store_idx %arg5[%add3A_2861, %broadcast_in_dim3A_2642], %gather3A_2867 : memref<588x8xf32, #tpu.memory_space<vmem>>[vector<16xi32>, vector<16xi32>], vector<16xf32>,
      %add3A_2868 = arith.constant 400 : i32
      %add3A_2869 = vector.broadcast %add3A_2868 : i32 to vector<16xi32>
      %add3A_2870 = arith.addi %add3A_2869, %iota3A : vector<16xi32>
      %gather3A_2871 = arith.constant 7 : i32
      %gather3A_2872 = arith.constant 0 : i32
      %gather3A_2873 = arith.constant 0 : i32
      %gather3A_2874 = tpu.memref_slice %arg4[%gather3A_2871, %gather3A_2872, %gather3A_2873] : memref<8x588x8xf32, #tpu.memory_space<vmem>> -> memref<1x588x8xf32, #tpu.memory_space<vmem>>
      %gather3A_2875 = tpu.memref_squeeze %gather3A_2874 : memref<1x588x8xf32, #tpu.memory_space<vmem>> -> memref<588x8xf32, #tpu.memory_space<vmem>>
      %gather3A_2876 = tpu.vector_load_idx %gather3A_2875[%add3A_2870, %broadcast_in_dim3A_140] : memref<588x8xf32, #tpu.memory_space<vmem>>[vector<16xi32>, vector<16xi32>], vector<16xf32>,
      tpu.vector_store_idx %arg5[%add3A_2870, %broadcast_in_dim3A_2642], %gather3A_2876 : memref<588x8xf32, #tpu.memory_space<vmem>>[vector<16xi32>, vector<16xi32>], vector<16xf32>,
      %add3A_2877 = arith.constant 416 : i32
      %add3A_2878 = vector.broadcast %add3A_2877 : i32 to vector<16xi32>
      %add3A_2879 = arith.addi %add3A_2878, %iota3A : vector<16xi32>
      %gather3A_2880 = arith.constant 7 : i32
      %gather3A_2881 = arith.constant 0 : i32
      %gather3A_2882 = arith.constant 0 : i32
      %gather3A_2883 = tpu.memref_slice %arg4[%gather3A_2880, %gather3A_2881, %gather3A_2882] : memref<8x588x8xf32, #tpu.memory_space<vmem>> -> memref<1x588x8xf32, #tpu.memory_space<vmem>>
      %gather3A_2884 = tpu.memref_squeeze %gather3A_2883 : memref<1x588x8xf32, #tpu.memory_space<vmem>> -> memref<588x8xf32, #tpu.memory_space<vmem>>
      %gather3A_2885 = tpu.vector_load_idx %gather3A_2884[%add3A_2879, %broadcast_in_dim3A_140] : memref<588x8xf32, #tpu.memory_space<vmem>>[vector<16xi32>, vector<16xi32>], vector<16xf32>,
      tpu.vector_store_idx %arg5[%add3A_2879, %broadcast_in_dim3A_2642], %gather3A_2885 : memref<588x8xf32, #tpu.memory_space<vmem>>[vector<16xi32>, vector<16xi32>], vector<16xf32>,
      %add3A_2886 = arith.constant 432 : i32
      %add3A_2887 = vector.broadcast %add3A_2886 : i32 to vector<16xi32>
      %add3A_2888 = arith.addi %add3A_2887, %iota3A : vector<16xi32>
      %gather3A_2889 = arith.constant 7 : i32
      %gather3A_2890 = arith.constant 0 : i32
      %gather3A_2891 = arith.constant 0 : i32
      %gather3A_2892 = tpu.memref_slice %arg4[%gather3A_2889, %gather3A_2890, %gather3A_2891] : memref<8x588x8xf32, #tpu.memory_space<vmem>> -> memref<1x588x8xf32, #tpu.memory_space<vmem>>
      %gather3A_2893 = tpu.memref_squeeze %gather3A_2892 : memref<1x588x8xf32, #tpu.memory_space<vmem>> -> memref<588x8xf32, #tpu.memory_space<vmem>>
      %gather3A_2894 = tpu.vector_load_idx %gather3A_2893[%add3A_2888, %broadcast_in_dim3A_140] : memref<588x8xf32, #tpu.memory_space<vmem>>[vector<16xi32>, vector<16xi32>], vector<16xf32>,
      tpu.vector_store_idx %arg5[%add3A_2888, %broadcast_in_dim3A_2642], %gather3A_2894 : memref<588x8xf32, #tpu.memory_space<vmem>>[vector<16xi32>, vector<16xi32>], vector<16xf32>,
      %add3A_2895 = arith.constant 448 : i32
      %add3A_2896 = vector.broadcast %add3A_2895 : i32 to vector<16xi32>
      %add3A_2897 = arith.addi %add3A_2896, %iota3A : vector<16xi32>
      %gather3A_2898 = arith.constant 7 : i32
      %gather3A_2899 = arith.constant 0 : i32
      %gather3A_2900 = arith.constant 0 : i32
      %gather3A_2901 = tpu.memref_slice %arg4[%gather3A_2898, %gather3A_2899, %gather3A_2900] : memref<8x588x8xf32, #tpu.memory_space<vmem>> -> memref<1x588x8xf32, #tpu.memory_space<vmem>>
      %gather3A_2902 = tpu.memref_squeeze %gather3A_2901 : memref<1x588x8xf32, #tpu.memory_space<vmem>> -> memref<588x8xf32, #tpu.memory_space<vmem>>
      %gather3A_2903 = tpu.vector_load_idx %gather3A_2902[%add3A_2897, %broadcast_in_dim3A_140] : memref<588x8xf32, #tpu.memory_space<vmem>>[vector<16xi32>, vector<16xi32>], vector<16xf32>,
      tpu.vector_store_idx %arg5[%add3A_2897, %broadcast_in_dim3A_2642], %gather3A_2903 : memref<588x8xf32, #tpu.memory_space<vmem>>[vector<16xi32>, vector<16xi32>], vector<16xf32>,
      %add3A_2904 = arith.constant 464 : i32
      %add3A_2905 = vector.broadcast %add3A_2904 : i32 to vector<16xi32>
      %add3A_2906 = arith.addi %add3A_2905, %iota3A : vector<16xi32>
      %gather3A_2907 = arith.constant 7 : i32
      %gather3A_2908 = arith.constant 0 : i32
      %gather3A_2909 = arith.constant 0 : i32
      %gather3A_2910 = tpu.memref_slice %arg4[%gather3A_2907, %gather3A_2908, %gather3A_2909] : memref<8x588x8xf32, #tpu.memory_space<vmem>> -> memref<1x588x8xf32, #tpu.memory_space<vmem>>
      %gather3A_2911 = tpu.memref_squeeze %gather3A_2910 : memref<1x588x8xf32, #tpu.memory_space<vmem>> -> memref<588x8xf32, #tpu.memory_space<vmem>>
      %gather3A_2912 = tpu.vector_load_idx %gather3A_2911[%add3A_2906, %broadcast_in_dim3A_140] : memref<588x8xf32, #tpu.memory_space<vmem>>[vector<16xi32>, vector<16xi32>], vector<16xf32>,
      tpu.vector_store_idx %arg5[%add3A_2906, %broadcast_in_dim3A_2642], %gather3A_2912 : memref<588x8xf32, #tpu.memory_space<vmem>>[vector<16xi32>, vector<16xi32>], vector<16xf32>,
      %add3A_2913 = arith.constant 480 : i32
      %add3A_2914 = vector.broadcast %add3A_2913 : i32 to vector<16xi32>
      %add3A_2915 = arith.addi %add3A_2914, %iota3A : vector<16xi32>
      %gather3A_2916 = arith.constant 7 : i32
      %gather3A_2917 = arith.constant 0 : i32
      %gather3A_2918 = arith.constant 0 : i32
      %gather3A_2919 = tpu.memref_slice %arg4[%gather3A_2916, %gather3A_2917, %gather3A_2918] : memref<8x588x8xf32, #tpu.memory_space<vmem>> -> memref<1x588x8xf32, #tpu.memory_space<vmem>>
      %gather3A_2920 = tpu.memref_squeeze %gather3A_2919 : memref<1x588x8xf32, #tpu.memory_space<vmem>> -> memref<588x8xf32, #tpu.memory_space<vmem>>
      %gather3A_2921 = tpu.vector_load_idx %gather3A_2920[%add3A_2915, %broadcast_in_dim3A_140] : memref<588x8xf32, #tpu.memory_space<vmem>>[vector<16xi32>, vector<16xi32>], vector<16xf32>,
      tpu.vector_store_idx %arg5[%add3A_2915, %broadcast_in_dim3A_2642], %gather3A_2921 : memref<588x8xf32, #tpu.memory_space<vmem>>[vector<16xi32>, vector<16xi32>], vector<16xf32>,
      %add3A_2922 = arith.constant 496 : i32
      %add3A_2923 = vector.broadcast %add3A_2922 : i32 to vector<16xi32>
      %add3A_2924 = arith.addi %add3A_2923, %iota3A : vector<16xi32>
      %gather3A_2925 = arith.constant 7 : i32
      %gather3A_2926 = arith.constant 0 : i32
      %gather3A_2927 = arith.constant 0 : i32
      %gather3A_2928 = tpu.memref_slice %arg4[%gather3A_2925, %gather3A_2926, %gather3A_2927] : memref<8x588x8xf32, #tpu.memory_space<vmem>> -> memref<1x588x8xf32, #tpu.memory_space<vmem>>
      %gather3A_2929 = tpu.memref_squeeze %gather3A_2928 : memref<1x588x8xf32, #tpu.memory_space<vmem>> -> memref<588x8xf32, #tpu.memory_space<vmem>>
      %gather3A_2930 = tpu.vector_load_idx %gather3A_2929[%add3A_2924, %broadcast_in_dim3A_140] : memref<588x8xf32, #tpu.memory_space<vmem>>[vector<16xi32>, vector<16xi32>], vector<16xf32>,
      tpu.vector_store_idx %arg5[%add3A_2924, %broadcast_in_dim3A_2642], %gather3A_2930 : memref<588x8xf32, #tpu.memory_space<vmem>>[vector<16xi32>, vector<16xi32>], vector<16xf32>,
      %add3A_2931 = arith.constant 512 : i32
      %add3A_2932 = vector.broadcast %add3A_2931 : i32 to vector<16xi32>
      %add3A_2933 = arith.addi %add3A_2932, %iota3A : vector<16xi32>
      %gather3A_2934 = arith.constant 7 : i32
      %gather3A_2935 = arith.constant 0 : i32
      %gather3A_2936 = arith.constant 0 : i32
      %gather3A_2937 = tpu.memref_slice %arg4[%gather3A_2934, %gather3A_2935, %gather3A_2936] : memref<8x588x8xf32, #tpu.memory_space<vmem>> -> memref<1x588x8xf32, #tpu.memory_space<vmem>>
      %gather3A_2938 = tpu.memref_squeeze %gather3A_2937 : memref<1x588x8xf32, #tpu.memory_space<vmem>> -> memref<588x8xf32, #tpu.memory_space<vmem>>
      %gather3A_2939 = tpu.vector_load_idx %gather3A_2938[%add3A_2933, %broadcast_in_dim3A_140] : memref<588x8xf32, #tpu.memory_space<vmem>>[vector<16xi32>, vector<16xi32>], vector<16xf32>,
      tpu.vector_store_idx %arg5[%add3A_2933, %broadcast_in_dim3A_2642], %gather3A_2939 : memref<588x8xf32, #tpu.memory_space<vmem>>[vector<16xi32>, vector<16xi32>], vector<16xf32>,
      %add3A_2940 = arith.constant 528 : i32
      %add3A_2941 = vector.broadcast %add3A_2940 : i32 to vector<16xi32>
      %add3A_2942 = arith.addi %add3A_2941, %iota3A : vector<16xi32>
      %gather3A_2943 = arith.constant 7 : i32
      %gather3A_2944 = arith.constant 0 : i32
      %gather3A_2945 = arith.constant 0 : i32
      %gather3A_2946 = tpu.memref_slice %arg4[%gather3A_2943, %gather3A_2944, %gather3A_2945] : memref<8x588x8xf32, #tpu.memory_space<vmem>> -> memref<1x588x8xf32, #tpu.memory_space<vmem>>
      %gather3A_2947 = tpu.memref_squeeze %gather3A_2946 : memref<1x588x8xf32, #tpu.memory_space<vmem>> -> memref<588x8xf32, #tpu.memory_space<vmem>>
      %gather3A_2948 = tpu.vector_load_idx %gather3A_2947[%add3A_2942, %broadcast_in_dim3A_140] : memref<588x8xf32, #tpu.memory_space<vmem>>[vector<16xi32>, vector<16xi32>], vector<16xf32>,
      tpu.vector_store_idx %arg5[%add3A_2942, %broadcast_in_dim3A_2642], %gather3A_2948 : memref<588x8xf32, #tpu.memory_space<vmem>>[vector<16xi32>, vector<16xi32>], vector<16xf32>,
      %add3A_2949 = arith.constant 544 : i32
      %add3A_2950 = vector.broadcast %add3A_2949 : i32 to vector<16xi32>
      %add3A_2951 = arith.addi %add3A_2950, %iota3A : vector<16xi32>
      %gather3A_2952 = arith.constant 7 : i32
      %gather3A_2953 = arith.constant 0 : i32
      %gather3A_2954 = arith.constant 0 : i32
      %gather3A_2955 = tpu.memref_slice %arg4[%gather3A_2952, %gather3A_2953, %gather3A_2954] : memref<8x588x8xf32, #tpu.memory_space<vmem>> -> memref<1x588x8xf32, #tpu.memory_space<vmem>>
      %gather3A_2956 = tpu.memref_squeeze %gather3A_2955 : memref<1x588x8xf32, #tpu.memory_space<vmem>> -> memref<588x8xf32, #tpu.memory_space<vmem>>
      %gather3A_2957 = tpu.vector_load_idx %gather3A_2956[%add3A_2951, %broadcast_in_dim3A_140] : memref<588x8xf32, #tpu.memory_space<vmem>>[vector<16xi32>, vector<16xi32>], vector<16xf32>,
      tpu.vector_store_idx %arg5[%add3A_2951, %broadcast_in_dim3A_2642], %gather3A_2957 : memref<588x8xf32, #tpu.memory_space<vmem>>[vector<16xi32>, vector<16xi32>], vector<16xf32>,
      %add3A_2958 = arith.constant 560 : i32
      %add3A_2959 = vector.broadcast %add3A_2958 : i32 to vector<16xi32>
      %add3A_2960 = arith.addi %add3A_2959, %iota3A : vector<16xi32>
      %gather3A_2961 = arith.constant 7 : i32
      %gather3A_2962 = arith.constant 0 : i32
      %gather3A_2963 = arith.constant 0 : i32
      %gather3A_2964 = tpu.memref_slice %arg4[%gather3A_2961, %gather3A_2962, %gather3A_2963] : memref<8x588x8xf32, #tpu.memory_space<vmem>> -> memref<1x588x8xf32, #tpu.memory_space<vmem>>
      %gather3A_2965 = tpu.memref_squeeze %gather3A_2964 : memref<1x588x8xf32, #tpu.memory_space<vmem>> -> memref<588x8xf32, #tpu.memory_space<vmem>>
      %gather3A_2966 = tpu.vector_load_idx %gather3A_2965[%add3A_2960, %broadcast_in_dim3A_140] : memref<588x8xf32, #tpu.memory_space<vmem>>[vector<16xi32>, vector<16xi32>], vector<16xf32>,
      tpu.vector_store_idx %arg5[%add3A_2960, %broadcast_in_dim3A_2642], %gather3A_2966 : memref<588x8xf32, #tpu.memory_space<vmem>>[vector<16xi32>, vector<16xi32>], vector<16xf32>,
      %add3A_2967 = arith.constant 576 : i32
      %add3A_2968 = vector.broadcast %add3A_2967 : i32 to vector<16xi32>
      %add3A_2969 = arith.addi %add3A_2968, %iota3A : vector<16xi32>
      %lt3A_2970 = arith.constant 12 : i32
      %lt3A_2971 = vector.broadcast %lt3A_2970 : i32 to vector<16xi32>
      %lt3A_2972 = arith.cmpi slt, %iota3A, %lt3A_2971 : vector<16xi32>
      %gather3A_2973 = arith.constant 7 : i32
      %gather3A_2974 = arith.constant 0 : i32
      %gather3A_2975 = arith.constant 0 : i32
      %gather3A_2976 = tpu.memref_slice %arg4[%gather3A_2973, %gather3A_2974, %gather3A_2975] : memref<8x588x8xf32, #tpu.memory_space<vmem>> -> memref<1x588x8xf32, #tpu.memory_space<vmem>>
      %gather3A_2977 = tpu.memref_squeeze %gather3A_2976 : memref<1x588x8xf32, #tpu.memory_space<vmem>> -> memref<588x8xf32, #tpu.memory_space<vmem>>
      %gather3A_2978 = tpu.vector_load_idx %gather3A_2977[%add3A_2969, %broadcast_in_dim3A_140] masked %lt3A_2972 : memref<588x8xf32, #tpu.memory_space<vmem>>[vector<16xi32>, vector<16xi32>], vector<16xf32>, vector<16xi1>
      tpu.vector_store_idx %arg5[%add3A_2969, %broadcast_in_dim3A_2642], %gather3A_2978 masked %lt3A_2972 : memref<588x8xf32, #tpu.memory_space<vmem>>[vector<16xi32>, vector<16xi32>], vector<16xf32>, vector<16xi1>
      "tpu.region"() ({
        %run_scoped3A = tpu.sem_alloc : memref<!tpu.dma_semaphore, #tpu.memory_space<semaphore_mem>>
        %dma_start3A_2979 = arith.constant 0 : i32
        %dma_start3A_2980 = tpu.memref_slice %arg3[%mul3A_2, %dma_start3A_2979] : memref<18816x8xf32, #tpu.memory_space<hbm>> -> memref<588x8xf32, #tpu.memory_space<hbm>>
        %dma_start3A_2981 = arith.constant 0 : i32
        %dma_start3A_2982 = tpu.memref_slice %arg3[%mul3A_2, %dma_start3A_2981] : memref<18816x8xf32, #tpu.memory_space<hbm>> -> memref<588x8xf32, #tpu.memory_space<hbm>>
        tpu.enqueue_dma source(%arg5 : memref<588x8xf32, #tpu.memory_space<vmem>>) target(%dma_start3A_2982 : memref<588x8xf32, #tpu.memory_space<hbm>>) target_semaphore(%run_scoped3A : memref<!tpu.dma_semaphore, #tpu.memory_space<semaphore_mem>>)
        %dma_wait3A_2983 = arith.constant 0 : i32
        %dma_wait3A_2984 = tpu.memref_slice %arg3[%mul3A_2, %dma_wait3A_2983] : memref<18816x8xf32, #tpu.memory_space<hbm>> -> memref<588x8xf32, #tpu.memory_space<hbm>>
        %dma_wait3A_2985 = arith.constant 0 : i32
        %dma_wait3A_2986 = tpu.memref_slice %arg3[%mul3A_2, %dma_wait3A_2985] : memref<18816x8xf32, #tpu.memory_space<hbm>> -> memref<588x8xf32, #tpu.memory_space<hbm>>
        tpu.wait_dma2 semaphore(%run_scoped3A : memref<!tpu.dma_semaphore, #tpu.memory_space<semaphore_mem>>) src(%arg5 : memref<588x8xf32, #tpu.memory_space<vmem>>) dst(%dma_wait3A_2986 : memref<588x8xf32, #tpu.memory_space<hbm>>)
        tpu.yield
      }) : () -> ()
    } else {
    }
    return
  }
}

</mosaic_0001>

<sc_bundles>
// kernel: kernel.3.cloned.1.call-start
scs
__scs_entry_jumppad:
0x0: {  	(pc) =	sbr.rel $0x88, $3  }
0x1: {  	(tag) =	ssettag $0x0;
	lr =	simm.s32 $0x1  }
0x2: {  	[smem:$0x3FA0] =	sst lr;
	_ =	strace $0xD0000000  }
0x3: {  	_ = 	snop  }
0x4: {  	_ = 	snop  }
0x5: {  	_ = 	snop  }
0x6: {  	_ = 	snop  }
0x7: {  	_ = 	snop  }
__scs_overlays_trampoline_lowered:
0x8: {  	[smem:$0x3FAF] =	sst s0  }
0x9: {  	[smem:$0x3FB0] =	sst s1  }
0xa: {  	[smem:$0x3FB1] =	sst s2  }
0xb: {  	[smem:$0x3FB2] =	sst s3  }
0xc: {  	[smem:$0x3FB3] =	sst s4  }
0xd: {  	[smem:$0x3FB4] =	sst s5  }
0xe: {  	[smem:$0x3FB5] =	sst s6  }
0xf: {  	[smem:$0x3FB6] =	sst s7  }
0x10: {  	[smem:$0x3FB7] =	sst s8  }
0x11: {  	[smem:$0x3FB8] =	sst s9;
	s0 =	simm.s32 @!p0 $0x0  }
0x12: {  	s1 =	sld [smem:$0x3F9E];
	s0 =	simm.s32 @p0 $0x1  }
0x13: {  	[smem:$0x3FB9] =	sst s0;
	s0 =	simm.s32 @!p1 $0x0  }
0x14: {  	s2 =	sld [smem:$0x3F9D];
	s0 =	simm.s32 @p1 $0x1  }
0x15: {  	[smem:$0x3FBA] =	sst s0;
	s0 =	simm.s32 @!p2 $0x0  }
0x16: {  	s3 =	sld [smem:$0x3FDB];
	s0 =	simm.s32 @p2 $0x1  }
0x17: {  	s4 =	simm.s32 $0x1BF5;
	[smem:$0x3FBC] =	sst s0  }
0x18: {  	s0 =	sld [smem:$0x3F9F];
	_ =	swait.ge [sflag:s4], $0x0  }
0x19: {  	s7 =	sld [smem:$0x3FA0]  }
0x1a: {  	s8 =	sadd.s32 $0xFFFFE003, lr  }
0x1b: {  	s9 =	sadd.s32 $0xFFFFFEF7, lr;
	s5 =	simm.s32 $0xFFFFFFFF;
	p2 =	slt.u32 s8, $0xFFFFF086  }
0x1c: {  	p1 =	slt.u32 s9, $0xF7A;
	s5 =	simm.s32 @!p2 $0x0  }
0x1d: {  	s5 =	simm.s32 @p1 $0x1;
	p0 =	seq.s32 s7, s2  }
0x1e: {  	s7 =	smul.u32 @!p0 $0xF7A, s2;
	p2 =	seq.s32 @!p0 s5, $0x0  }
0x1f: {  	s9 =	smul.u32 $0xF7A, s1;
	s8 =	simm.s32 @!p0 $0x1BF5;
	p2 =	por !p2, p0  }
0x20: {  	[sflag:s8] =	ssyncset.s32 @!p0 $0xFFFFF086;
	s6 =	sadd.s32 @!p0 s3, s7;
	s7 =	simm.s32 @!p0 $0x108  }
0x21: {  	s3 =	sadd.s32 s3, s9;
	s6 =	sadd.s32 @!p0 $0x88, s6;
	s7 =	simm.s32 @p2 $0x1082  }
0x22: {  	[simem:s7], [sflag:s8] =	dma.local @!p0 [hbm:s6], $0xF7A  }
0x23: {  	s9 =	sor.u32 $0xD0000000, s2;
	s6 =	simm.s32 $0x108;
	_ =	swait.ge @!p0 [sflag:s8], $0x0  }
0x24: {  	s3 =	sadd.s32 $0x88, s3;
	s6 =	simm.s32 @!p1 $0x1082;
	[sflag:s4] =	ssyncset.s32 $0xFFFFF086  }
0x25: {  	[simem:s6], [sflag:s4] =	dma.local [hbm:s3], $0xF7A  }
0x26: {  	[smem:$0x3FA0] =	sst s1;
	(tag) =	ssettag s2;
	_ =	strace s9  }
0x27: {  	s1 =	sld [smem:$0x3FB0]  }
0x28: {  	s2 =	sld [smem:$0x3FB1]  }
0x29: {  	s4 =	sld [smem:$0x3FB3]  }
0x2a: {  	p0 =	seq.s32 s5, $0x0;
	s5 =	sld [smem:$0x3FB4]  }
0x2b: {  	s6 =	sld [smem:$0x3FB5]  }
0x2c: {  	s7 =	sld [smem:$0x3FB6]  }
0x2d: {  	s3 =	simm.s32 $0x108;
	s8 =	sld [smem:$0x3FB7]  }
0x2e: {  	s3 =	simm.s32 @!p0 $0x1082;
	s9 =	sld [smem:$0x3FB8]  }
0x2f: {  	lr =	sadd.s32 s0, s3;
	s0 =	sld [smem:$0x3FAF]  }
0x30: {  	s3 =	sld [smem:$0x3FB2]  }
0x31: {  	[smem:$0x3FBB] =	sst s10  }
0x32: {  	s10 =	sld [smem:$0x3FB9];
	_ =	sdelay $0x3  }
0x33: {  	p0 =	seq.s32 s10, $0x1;
	s10 =	sld [smem:$0x3FBB];
	_ =	sdelay $0x3  }
0x34: {  	[smem:$0x3FBB] =	sst s10  }
0x35: {  	s10 =	sld [smem:$0x3FBA];
	_ =	sdelay $0x3  }
0x36: {  	p1 =	seq.s32 s10, $0x1;
	s10 =	sld [smem:$0x3FBB];
	_ =	sdelay $0x3  }
0x37: {  	[smem:$0x3FBB] =	sst s10  }
0x38: {  	s10 =	sld [smem:$0x3FBC]  }
0x39: {  	_ = 	snop;
	(pc) =	sbr.ind lr, $3  }
0x3a: {  	_ = 	snop  }
0x3b: {  	_ = 	snop  }
0x3c: {  	p2 =	seq.s32 s10, $0x1;
	s10 =	sld [smem:$0x3FBB]  }
0x3d: {  	_ =	shalt  }
0x3e: {  	_ =	shalt  }
0x3f: {  	_ =	shalt  }
0x40: {  	_ =	shalt  }
0x41: {  	_ =	shalt  }
0x42: {  	_ =	shalt  }
0x43: {  	_ =	shalt  }
0x44: {  	_ =	shalt  }
0x45: {  	_ =	shalt  }
0x46: {  	_ =	shalt  }
0x47: {  	_ =	shalt  }
0x48: {  	_ =	shalt  }
0x49: {  	_ =	shalt  }
0x4a: {  	_ =	shalt  }
0x4b: {  	_ =	shalt  }
0x4c: {  	_ =	shalt  }
0x4d: {  	_ =	shalt  }
0x4e: {  	_ =	shalt  }
0x4f: {  	_ =	shalt  }
0x50: {  	_ =	shalt  }
0x51: {  	_ =	shalt  }
0x52: {  	_ =	shalt  }
0x53: {  	_ =	shalt  }
0x54: {  	_ =	shalt  }
0x55: {  	_ =	shalt  }
0x56: {  	_ =	shalt  }
0x57: {  	_ =	shalt  }
0x58: {  	_ =	shalt  }
0x59: {  	_ =	shalt  }
0x5a: {  	_ =	shalt  }
0x5b: {  	_ =	shalt  }
0x5c: {  	_ =	shalt  }
0x5d: {  	_ =	shalt  }
0x5e: {  	_ =	shalt  }
0x5f: {  	_ =	shalt  }
0x60: {  	_ =	shalt  }
0x61: {  	_ =	shalt  }
0x62: {  	_ =	shalt  }
0x63: {  	_ =	shalt  }
0x64: {  	_ =	shalt  }
0x65: {  	_ =	shalt  }
0x66: {  	_ =	shalt  }
0x67: {  	_ =	shalt  }
0x68: {  	_ =	shalt  }
0x69: {  	_ =	shalt  }
0x6a: {  	_ =	shalt  }
0x6b: {  	_ =	shalt  }
0x6c: {  	_ =	shalt  }
0x6d: {  	_ =	shalt  }
0x6e: {  	_ =	shalt  }
0x6f: {  	_ =	shalt  }
0x70: {  	_ =	shalt  }
0x71: {  	_ =	shalt  }
0x72: {  	_ =	shalt  }
0x73: {  	_ =	shalt  }
0x74: {  	_ =	shalt  }
0x75: {  	_ =	shalt  }
0x76: {  	_ =	shalt  }
0x77: {  	_ =	shalt  }
0x78: {  	_ =	shalt  }
0x79: {  	_ =	shalt  }
0x7a: {  	_ =	shalt  }
0x7b: {  	_ =	shalt  }
0x7c: {  	_ =	shalt  }
0x7d: {  	_ =	shalt  }
0x7e: {  	_ =	shalt  }
0x7f: {  	_ =	shalt  }
0x80: {  	_ =	shalt  }
0x81: {  	_ =	shalt  }
0x82: {  	_ =	shalt  }
0x83: {  	_ =	shalt  }
0x84: {  	_ =	shalt  }
0x85: {  	_ =	shalt  }
0x86: {  	_ =	shalt  }
0x87: {  	_ =	shalt  }
.Lfunc_end0:
.L_simem_size_0:
called_computation_lowered:
.L_overlay_start_0:
0x88: {  	s2 =	sld [smem:$0x3FD9]  }
0x89: {  	s3 =	sld [smem:$0x3FFE];
	_ =	sdelay $0x1  }
0x8a: {  	s1 =	srdreg.scid  }
0x8b: {  	s0 =	sand.u32 $0x1, s1  }
0x8c: {  	s17 =	sshll.u32 s0, $0xA;
	s2 =	sadd.s32 s3, s2  }
0x8d: {  	s2 =	sadd.s32 s2, s17  }
0x8e: {  	[smem:$0x3FC7] =	sst s2  }
0x8f: {  	_ = 	snop  }
0x90: {  	s2 =	sld [smem:$0x3FC9];
	(tm) =	ssettm $0x1  }
0x91: {  	s18 =	sld [smem:$0x3FFB];
	_ =	sdelay $0x3  }
0x92: {  	_ =	strace s18  }
0x93: {  	s3 =	sld [smem:$0x3FFC];
	_ =	sdelay $0x3  }
0x94: {  	_ =	strace s3  }
0x95: {  	s3 =	sld [smem:$0x3FFD];
	_ =	sdelay $0x3  }
0x96: {  	_ =	strace s3  }
0x97: {  	_ =	strace $0x8FFFFFFF  }
0x98: {  	s19 =	sld [smem:$0x3FDB];
	_ =	sdelay $0x1  }
0x99: {  	s4 =	simm.s32 $_scs_section_size  }
0x9a: {  	s5 =	simm.s32 $_size__tile_overlayer_lowered;
	s6 =	simm.s32 $_tile_overlayer_lowered  }
0x9b: {  	s22 =	simm.s32 $0x1BFF;
	s21 =	sshll.u32 s6, $0x1;
	s3 =	sadd.s32 s4, s19  }
0x9c: {  	s7 =	simm.s32 $0x0;
	s20 =	sshll.u32 s5, $0x1;
	s5 =	sadd.s32 s21, s3  }
0x9d: {  	[timem:s7], [sflag:s22] =	dma.local [hbm:s5], s20  }
0x9e: {  	_ =	swait.ge [sflag:s22], s20  }
0x9f: {  	s4 =	ssub.s32 $0x0, s20;
	[sflag:s22] =	ssyncset.done $0x0  }
0xa0: {  	[sflag:s22] =	ssyncadd.s32 s4;
	_ =	sdelay $0x1  }
0xa1: {  	s23 =	simm.s32 $0x1B8B  }
0xa2: {  	_ =	swait.ge [sflag:s23], $0x1  }
0xa3: {  	[sflag:s23] =	ssyncset.done $0x0  }
0xa4: {  	s25 =	simm.s32 $0x1B8E;
	s24 =	sld [smem:$0x3FFE];
	[sflag:s23] =	ssyncadd.s32 $0xFFFFFFFF  }
0xa5: {  	s26 =	simm.s32 $execute0_lowered;
	[smem:$0x3FD2] =	sst s25  }
0xa6: {  	s5 =	sshll.u32 s26, $0x1;
	_ =	strace $0x80000046;
	[dreg:$0x1] =	wrdreg $0xFFFFFFFF  }
0xa7: {  	s28 =	simm.s32 $_size_execute0_lowered;
	s3 =	sadd.s32 s3, s5;
	[dreg:$0x0] =	wrdreg $0x0  }
0xa8: {  	s5 =	sshll.u32 s28, $0x1;
	[dreg:$0x2] =	wrdreg s3  }
0xa9: {  	[dreg:$0x3] =	wrdreg s5  }
0xaa: {  	[dreg:$0x4] =	wrdreg $0xC0  }
0xab: {  	_ =	task [dreg:s7], $0x5FFFF  }
0xac: {  	[dreg:$0x1] =	wrdreg $0xFFFFFFFF  }
0xad: {  	[dreg:$0x0] =	wrdreg $0x60  }
0xae: {  	[dreg:$0x2] =	wrdreg s2  }
0xaf: {  	[dreg:$0x3] =	wrdreg s24  }
0xb0: {  	[dreg:$0x4] =	wrdreg $0x9  }
0xb1: {  	_ =	task.clear_ibuf [dreg:s7], $0x5FFFF;
	_ =	strace $0x90000046  }
0xb2: {  	s29 =	simm.s32 $0x9;
	_ =	strace $0x80000048  }
0xb3: {  	_ =	swait.ge [sflag:s29], $0x1  }
0xb4: {  	[sflag:s29] =	ssyncadd.s32 $0xFFFFFFFF  }
0xb5: {  	_ =	strace $0x90000048  }
0xb6: {  	_ =	sfence  }
0xb7: {  	s30 =	sld [smem:$0x0];
	_ =	sdelay $0x2  }
0xb8: {  	s31 =	sshll.u32 s1, $0xD;
	s1 =	sshrl.u32 s1, $0x2  }
0xb9: {  	s3 =	sand.u32 $0x4000, s31;
	s1 =	sadd.s32 s1, s30  }
0xba: {  	s0 =	sor.u32 s3, s0;
	s1 =	sshll.u32 s1, $0x11  }
0xbb: {  	s0 =	sor.u32 s1, s0  }
0xbc: {  	s0 =	sadd.s32 $0x8F2B, s0  }
0xbd: {  	[sflag:s0] =	ssyncadd.remote.s32 $0x1  }
0xbe: {  	_ =	sfence.sel $0xFFFF  }
0xbf: {  	[dreg:$0x0] =	wrdreg $0xFFFFFFFF;
	(pc) =	sbr.abs _section_cstart, $3  }
0xc0: {  	[dreg:$0x1] =	wrdreg $0xFFFFFFFF  }
0xc1: {  	_ =	task.clear_ibuf [dreg:s7], $0x2FFFF;
	_ =	strace $0x9FFFFFFF  }
0xc2: {  	(tm) =	ssettm $0x7FFFFFFF  }
0xc3: {  	_ =	shalt  }
tec
execute0_lowered:
.L_overlay_start_1:
0x0: {  	(tag) =	ssettag $0x1  }
0x1: {  	v0 =	vlaneseq.u32  }
0x2: {  	v0 =	vmul.u32 $0x8, v0;
	_ =	sdelay $0x1  }
0x3: {  	v2 =	vor.u32 $0x84, v0  }
0x4: {  	v3 =	vor.u32 $0x80, v0;
	v4 =	vor.u32 $0x104, v0;
	v6 =	vor.u32 $0x184, v0  }
0x5: {  	v8 =	vor.u32 $0x204, v0;
	v10 =	vor.u32 $0x284, v0;
	v12 =	vor.u32 $0x304, v0  }
0x6: {  	v14 =	vor.u32 $0x384, v0;
	v16 =	vor.u32 $0x404, v0;
	v18 =	vor.u32 $0x484, v0  }
0x7: {  	v19 =	vor.u32 $0x480, v0;
	v20 =	vor.u32 $0x504, v0;
	v21 =	vor.u32 $0x500, v0  }
0x8: {  	v22 =	vor.u32 $0x584, v0;
	v23 =	vor.u32 $0x580, v0;
	v24 =	vor.u32 $0x604, v0  }
0x9: {  	v25 =	vor.u32 $0x600, v0;
	v26 =	vor.u32 $0x684, v0;
	v27 =	vor.u32 $0x680, v0  }
0xa: {  	v28 =	vor.u32 $0x704, v0;
	v29 =	vor.u32 $0x700, v0;
	v30 =	vor.u32 $0x784, v0  }
0xb: {  	s1 =	srdreg.scid;
	s3 =	rddreg [dreg:$0x0];
	v31 =	vor.u32 $0x780, v0;
	v32 =	vor.u32 $0x804, v0;
	v33 =	vor.u32 $0x800, v0  }
0xc: {  	s0 =	stileid.u32;
	s5 =	rddreg [dreg:$0x1];
	v34 =	vor.u32 $0x884, v0;
	v35 =	vor.u32 $0x880, v0;
	v36 =	vor.u32 $0x904, v0  }
0xd: {  	s2 =	simm.s32 $0x0;
	s13 =	simm.s32 $0x8;
	s14 =	simm.s32 $0x800;
	v37 =	vor.u32 $0x900, v0;
	v38 =	vor.u32 $0x984, v0;
	v39 =	vor.u32 $0x980, v0  }
0xe: {  	s15 =	simm.s32 $0x1260;
	s16 =	simm.s32 $0x24C0;
	s17 =	simm.s32 $0x3720;
	v40 =	vor.u32 $0xA04, v0;
	v41 =	vor.u32 $0xA00, v0;
	v42 =	vor.u32 $0xA84, v0  }
0xf: {  	s18 =	simm.s32 $0x4980;
	s19 =	simm.s32 $0x5BE0;
	s20 =	simm.s32 $0x6E40;
	v43 =	vor.u32 $0xA80, v0;
	v44 =	vor.u32 $0xB04, v0;
	v45 =	vor.u32 $0xB00, v0  }
0x10: {  	s21 =	simm.s32 $0x80A0;
	s4 =	sand.u32 $0x1, s1;
	s31 =	sshll.u32 s0, $0x1;
	v46 =	vor.u32 $0xB84, v0;
	v47 =	vor.u32 $0xB80, v0;
	v48 =	vor.u32 $0xC04, v0  }
0x11: {  	s22 =	simm.s32 $0x1;
	s23 =	simm.s32 $0x9300;
	s6 =	sor.u32 s4, s31;
	v49 =	vor.u32 $0xC00, v0;
	v50 =	vor.u32 $0xC84, v0;
	[tilespmem:$0x1FF90] =	vst v3;
	v3 =	vor.u32 $0x100, v0  }
0x12: {  	s24 =	simm.s32 $0x2;
	s4 =	ssub.s32 $0x2, s4;
	s7 =	smul.u32 $0x24C00, s6;
	v51 =	vor.u32 $0xC80, v0;
	v52 =	vor.u32 $0xD04, v0;
	[tilespmem:$0x1FFA0] =	vst v3;
	v3 =	vor.u32 $0x180, v0  }
0x13: {  	s1 =	rddreg [dreg:$0x2];
	s6 =	smul.u32 $0x24C, s6;
	s8 =	sshrl.u32 s4, $0x1;
	v53 =	vor.u32 $0xD00, v0;
	v54 =	vor.u32 $0xD84, v0;
	[tilespmem:$0x1FFB0] =	vst v3;
	v3 =	vor.u32 $0x200, v0  }
0x14: {  	[smem:$0x7FF] =	sst s2;
	v55 =	vor.u32 $0xD80, v0;
	v56 =	vor.u32 $0xE04, v0;
	s12 =	ssub.s32 s4, s8;
	s10 =	sadd.s32 s7, s3;
	[tilespmem:$0x1FFC0] =	vst v3;
	v3 =	vor.u32 $0x280, v0  }
0x15: {  	v57 =	vor.u32 $0xE00, v0;
	v58 =	vor.u32 $0xE84, v0;
	s11 =	sadd.s32 s6, s5;
	s12 =	smax.u32 s12, $0x1;
	s3 =	sadd.s32 $0x85, s10;
	[tilespmem:$0x1FFD0] =	vst v3;
	v3 =	vor.u32 $0x300, v0  }
0x16: {  	v59 =	vor.u32 $0xE80, v0;
	s4 =	sadd.s32 $0x95, s10;
	s5 =	sadd.s32 $0xA5, s10;
	s6 =	sadd.s32 $0xB5, s10;
	[tilespmem:$0x1FFE0] =	vst v3;
	v3 =	vor.u32 $0x380, v0  }
0x17: {  	v1 =	vor.u32 $0x4, v0;
	v60 =	vor.u32 $0xF04, v0;
	v61 =	vor.u32 $0xF00, v0;
	s7 =	sadd.s32 $0xC5, s10;
	s8 =	sadd.s32 $0xD5, s10;
	s9 =	sadd.s32 $0xE5, s10;
	[tilespmem:$0x1FFF0] =	vst v3  }
0x18: {  	v17 =	vor.u32 $0x400, v0;
	v62 =	vor.u32 $0xF84, v0;
	v63 =	vor.u32 $0xF80, v0;
	s10 =	sadd.s32 $0xF5, s10;
	s11 =	sadd.s32 $0x400, s11;
	_ =	strace $0x80000047  }
.LBB2_1:
0x19: {  	[tilespmem:s2], [sflag:$0x1] =	stream.strided.gather [hbm4b:s3+s13], $0x1260, s14, s13, $0x38;
	[tilespmem:$0xA560] =	vst v63  }
0x1a: {  	_ = 	snop  }
0x1b: {  	[tilespmem:s15], [sflag:$0x1] =	stream.strided.gather [hbm4b:s4+s13], $0x1260, s14, s13, $0x38;
	[tilespmem:$0xA560] =	vst v63  }
0x1c: {  	_ = 	snop  }
0x1d: {  	[tilespmem:s16], [sflag:$0x1] =	stream.strided.gather [hbm4b:s5+s13], $0x1260, s14, s13, $0x38;
	[tilespmem:$0xA560] =	vst v63  }
0x1e: {  	_ = 	snop  }
0x1f: {  	[tilespmem:s17], [sflag:$0x1] =	stream.strided.gather [hbm4b:s6+s13], $0x1260, s14, s13, $0x38;
	[tilespmem:$0xA560] =	vst v63  }
0x20: {  	_ = 	snop  }
0x21: {  	[tilespmem:s18], [sflag:$0x1] =	stream.strided.gather [hbm4b:s7+s13], $0x1260, s14, s13, $0x38;
	[tilespmem:$0xA560] =	vst v63  }
0x22: {  	_ = 	snop  }
0x23: {  	[tilespmem:s19], [sflag:$0x1] =	stream.strided.gather [hbm4b:s8+s13], $0x1260, s14, s13, $0x38;
	[tilespmem:$0xA560] =	vst v63  }
0x24: {  	_ = 	snop  }
0x25: {  	[tilespmem:s20], [sflag:$0x1] =	stream.strided.gather [hbm4b:s9+s13], $0x1260, s14, s13, $0x38;
	[tilespmem:$0xA560] =	vst v63  }
0x26: {  	_ = 	snop  }
0x27: {  	[tilespmem:s21], [sflag:$0x1] =	stream.strided.gather [hbm4b:s10+s13], $0x1260, s14, s13, $0x38;
	[tilespmem:$0xA560] =	vst v63  }
0x28: {  	_ =	swait.ge [sflag:s22], $0x1260  }
0x29: {  	[sflag:s22] =	ssyncset.done $0x0  }
0x2a: {  	[sflag:s22] =	ssyncadd.s32 $0xFFFFEDA0  }
0x2b: {  	v3 =	vld.idx.msk [tilespmem:v1+s2+$0x0], $0xffff;
	_ =	sdelay $0x2  }
0x2c: {  	v5 =	vld [tilespmem:$0x1FF90];
	_ =	sdelay $0x1  }
0x2d: {  	[tilespmem:v0+s23+$0x0] =	vst.idx.msk $0xffff, v3  }
0x2e: {  	v3 =	vld.idx.msk [tilespmem:v2+s2+$0x0], $0xffff;
	_ =	sdelay $0x4  }
0x2f: {  	[tilespmem:v5+s23+$0x0] =	vst.idx.msk $0xffff, v3;
	v5 =	vld [tilespmem:$0x1FFA0];
	_ =	sdelay $0x2  }
0x30: {  	v3 =	vld.idx.msk [tilespmem:v4+s2+$0x0], $0xffff;
	_ =	sdelay $0x4  }
0x31: {  	[tilespmem:v5+s23+$0x0] =	vst.idx.msk $0xffff, v3;
	v5 =	vld [tilespmem:$0x1FFB0];
	_ =	sdelay $0x2  }
0x32: {  	v3 =	vld.idx.msk [tilespmem:v6+s2+$0x0], $0xffff;
	_ =	sdelay $0x4  }
0x33: {  	[tilespmem:v5+s23+$0x0] =	vst.idx.msk $0xffff, v3;
	v5 =	vld [tilespmem:$0x1FFC0];
	_ =	sdelay $0x2  }
0x34: {  	v3 =	vld.idx.msk [tilespmem:v8+s2+$0x0], $0xffff;
	_ =	sdelay $0x4  }
0x35: {  	[tilespmem:v5+s23+$0x0] =	vst.idx.msk $0xffff, v3;
	v5 =	vld [tilespmem:$0x1FFD0];
	_ =	sdelay $0x2  }
0x36: {  	v3 =	vld.idx.msk [tilespmem:v10+s2+$0x0], $0xffff;
	_ =	sdelay $0x4  }
0x37: {  	[tilespmem:v5+s23+$0x0] =	vst.idx.msk $0xffff, v3;
	v5 =	vld [tilespmem:$0x1FFE0];
	_ =	sdelay $0x2  }
0x38: {  	v3 =	vld.idx.msk [tilespmem:v12+s2+$0x0], $0xffff;
	_ =	sdelay $0x4  }
0x39: {  	[tilespmem:v5+s23+$0x0] =	vst.idx.msk $0xffff, v3;
	v5 =	vld [tilespmem:$0x1FFF0];
	_ =	sdelay $0x2  }
0x3a: {  	v3 =	vld.idx.msk [tilespmem:v14+s2+$0x0], $0xffff;
	_ =	sdelay $0x4  }
0x3b: {  	[tilespmem:v5+s23+$0x0] =	vst.idx.msk $0xffff, v3  }
0x3c: {  	v3 =	vld.idx.msk [tilespmem:v16+s2+$0x0], $0xffff;
	_ =	sdelay $0x4  }
0x3d: {  	[tilespmem:v17+s23+$0x0] =	vst.idx.msk $0xffff, v3  }
0x3e: {  	v3 =	vld.idx.msk [tilespmem:v18+s2+$0x0], $0xffff;
	_ =	sdelay $0x4  }
0x3f: {  	[tilespmem:v19+s23+$0x0] =	vst.idx.msk $0xffff, v3  }
0x40: {  	v3 =	vld.idx.msk [tilespmem:v20+s2+$0x0], $0xffff;
	_ =	sdelay $0x4  }
0x41: {  	[tilespmem:v21+s23+$0x0] =	vst.idx.msk $0xffff, v3  }
0x42: {  	v3 =	vld.idx.msk [tilespmem:v22+s2+$0x0], $0xffff;
	_ =	sdelay $0x4  }
0x43: {  	[tilespmem:v23+s23+$0x0] =	vst.idx.msk $0xffff, v3  }
0x44: {  	v3 =	vld.idx.msk [tilespmem:v24+s2+$0x0], $0xffff;
	_ =	sdelay $0x4  }
0x45: {  	[tilespmem:v25+s23+$0x0] =	vst.idx.msk $0xffff, v3  }
0x46: {  	v3 =	vld.idx.msk [tilespmem:v26+s2+$0x0], $0xffff;
	_ =	sdelay $0x4  }
0x47: {  	[tilespmem:v27+s23+$0x0] =	vst.idx.msk $0xffff, v3  }
0x48: {  	v3 =	vld.idx.msk [tilespmem:v28+s2+$0x0], $0xffff;
	_ =	sdelay $0x4  }
0x49: {  	[tilespmem:v29+s23+$0x0] =	vst.idx.msk $0xffff, v3  }
0x4a: {  	v3 =	vld.idx.msk [tilespmem:v30+s2+$0x0], $0xffff;
	_ =	sdelay $0x4  }
0x4b: {  	[tilespmem:v31+s23+$0x0] =	vst.idx.msk $0xffff, v3  }
0x4c: {  	v3 =	vld.idx.msk [tilespmem:v32+s2+$0x0], $0xffff;
	_ =	sdelay $0x4  }
0x4d: {  	[tilespmem:v33+s23+$0x0] =	vst.idx.msk $0xffff, v3  }
0x4e: {  	v3 =	vld.idx.msk [tilespmem:v34+s2+$0x0], $0xffff;
	_ =	sdelay $0x4  }
0x4f: {  	[tilespmem:v35+s23+$0x0] =	vst.idx.msk $0xffff, v3  }
0x50: {  	v3 =	vld.idx.msk [tilespmem:v36+s2+$0x0], $0xffff;
	_ =	sdelay $0x4  }
0x51: {  	[tilespmem:v37+s23+$0x0] =	vst.idx.msk $0xffff, v3  }
0x52: {  	v3 =	vld.idx.msk [tilespmem:v38+s2+$0x0], $0xffff;
	_ =	sdelay $0x4  }
0x53: {  	[tilespmem:v39+s23+$0x0] =	vst.idx.msk $0xffff, v3  }
0x54: {  	v3 =	vld.idx.msk [tilespmem:v40+s2+$0x0], $0xffff;
	_ =	sdelay $0x4  }
0x55: {  	[tilespmem:v41+s23+$0x0] =	vst.idx.msk $0xffff, v3  }
0x56: {  	v3 =	vld.idx.msk [tilespmem:v42+s2+$0x0], $0xffff;
	_ =	sdelay $0x4  }
0x57: {  	[tilespmem:v43+s23+$0x0] =	vst.idx.msk $0xffff, v3  }
0x58: {  	v3 =	vld.idx.msk [tilespmem:v44+s2+$0x0], $0xffff;
	_ =	sdelay $0x4  }
0x59: {  	[tilespmem:v45+s23+$0x0] =	vst.idx.msk $0xffff, v3  }
0x5a: {  	v3 =	vld.idx.msk [tilespmem:v46+s2+$0x0], $0xffff;
	_ =	sdelay $0x4  }
0x5b: {  	[tilespmem:v47+s23+$0x0] =	vst.idx.msk $0xffff, v3  }
0x5c: {  	v3 =	vld.idx.msk [tilespmem:v48+s2+$0x0], $0xffff;
	_ =	sdelay $0x4  }
0x5d: {  	[tilespmem:v49+s23+$0x0] =	vst.idx.msk $0xffff, v3  }
0x5e: {  	v3 =	vld.idx.msk [tilespmem:v50+s2+$0x0], $0xffff;
	_ =	sdelay $0x4  }
0x5f: {  	[tilespmem:v51+s23+$0x0] =	vst.idx.msk $0xffff, v3  }
0x60: {  	v3 =	vld.idx.msk [tilespmem:v52+s2+$0x0], $0xffff;
	_ =	sdelay $0x4  }
0x61: {  	[tilespmem:v53+s23+$0x0] =	vst.idx.msk $0xffff, v3  }
0x62: {  	v3 =	vld.idx.msk [tilespmem:v54+s2+$0x0], $0xffff;
	_ =	sdelay $0x4  }
0x63: {  	[tilespmem:v55+s23+$0x0] =	vst.idx.msk $0xffff, v3  }
0x64: {  	v3 =	vld.idx.msk [tilespmem:v56+s2+$0x0], $0xffff;
	_ =	sdelay $0x4  }
0x65: {  	[tilespmem:v57+s23+$0x0] =	vst.idx.msk $0xffff, v3  }
0x66: {  	v3 =	vld.idx.msk [tilespmem:v58+s2+$0x0], $0xffff;
	_ =	sdelay $0x4  }
0x67: {  	[tilespmem:v59+s23+$0x0] =	vst.idx.msk $0xffff, v3  }
0x68: {  	v3 =	vld.idx.msk [tilespmem:v60+s2+$0x0], $0xffff;
	_ =	sdelay $0x4  }
0x69: {  	[tilespmem:v61+s23+$0x0] =	vst.idx.msk $0xffff, v3  }
0x6a: {  	v5 =	vld.idx.msk [tilespmem:v62+s2+$0x0], $0xffff  }
0x6b: {  	v3 =	vor.u32 $0x1004, v0;
	_ =	sdelay $0x3  }
0x6c: {  	[tilespmem:v63+s23+$0x0] =	vst.idx.msk $0xffff, v5  }
0x6d: {  	v9 =	vor.u32 $0x1000, v0;
	v7 =	vld.idx.msk [tilespmem:v3+s2+$0x0], $0xffff  }
0x6e: {  	v5 =	vor.u32 $0x1084, v0;
	_ =	sdelay $0x3  }
0x6f: {  	[tilespmem:v9+s23+$0x0] =	vst.idx.msk $0xffff, v7  }
0x70: {  	v11 =	vor.u32 $0x1080, v0;
	v9 =	vld.idx.msk [tilespmem:v5+s2+$0x0], $0xffff  }
0x71: {  	v7 =	vor.u32 $0x1104, v0;
	_ =	sdelay $0x3  }
0x72: {  	[tilespmem:v11+s23+$0x0] =	vst.idx.msk $0xffff, v9  }
0x73: {  	v13 =	vor.u32 $0x1100, v0;
	v11 =	vld.idx.msk [tilespmem:v7+s2+$0x0], $0xffff  }
0x74: {  	v9 =	vor.u32 $0x1184, v0;
	_ =	sdelay $0x3  }
0x75: {  	[tilespmem:v13+s23+$0x0] =	vst.idx.msk $0xffff, v11  }
0x76: {  	v15 =	vor.u32 $0x1180, v0;
	v13 =	vld.idx.msk [tilespmem:v9+s2+$0x0], $0xffff  }
0x77: {  	v11 =	vor.u32 $0x1204, v0;
	_ =	sdelay $0x3  }
0x78: {  	[tilespmem:v15+s23+$0x0] =	vst.idx.msk $0xffff, v13  }
0x79: {  	v15 =	vor.u32 $0x1200, v0;
	v13 =	vld.idx.msk [tilespmem:v11+s2+$0x0], $0xfff;
	_ =	sdelay $0x4  }
0x7a: {  	[tilespmem:v15+s23+$0x0] =	vst.idx.msk $0xfff, v13  }
0x7b: {  	_ =	swait.ge [sflag:s22], $0x1260  }
0x7c: {  	[sflag:s22] =	ssyncset.done $0x0  }
0x7d: {  	[sflag:s22] =	ssyncadd.s32 $0xFFFFEDA0  }
0x7e: {  	v15 =	vor.u32 $0x1, v0;
	v13 =	vld.idx.msk [tilespmem:v1+s15+$0x0], $0xffff;
	_ =	sdelay $0x4  }
0x7f: {  	[tilespmem:v15+s23+$0x0] =	vst.idx.msk $0xffff, v13  }
0x80: {  	v15 =	vor.u32 $0x81, v0;
	v13 =	vld.idx.msk [tilespmem:v2+s15+$0x0], $0xffff;
	_ =	sdelay $0x4  }
0x81: {  	[tilespmem:v15+s23+$0x0] =	vst.idx.msk $0xffff, v13  }
0x82: {  	v15 =	vor.u32 $0x101, v0;
	v13 =	vld.idx.msk [tilespmem:v4+s15+$0x0], $0xffff;
	_ =	sdelay $0x4  }
0x83: {  	[tilespmem:v15+s23+$0x0] =	vst.idx.msk $0xffff, v13  }
0x84: {  	v15 =	vor.u32 $0x181, v0;
	v13 =	vld.idx.msk [tilespmem:v6+s15+$0x0], $0xffff;
	_ =	sdelay $0x4  }
0x85: {  	[tilespmem:v15+s23+$0x0] =	vst.idx.msk $0xffff, v13  }
0x86: {  	v15 =	vor.u32 $0x201, v0;
	v13 =	vld.idx.msk [tilespmem:v8+s15+$0x0], $0xffff;
	_ =	sdelay $0x4  }
0x87: {  	[tilespmem:v15+s23+$0x0] =	vst.idx.msk $0xffff, v13  }
0x88: {  	v15 =	vor.u32 $0x281, v0;
	v13 =	vld.idx.msk [tilespmem:v10+s15+$0x0], $0xffff;
	_ =	sdelay $0x4  }
0x89: {  	[tilespmem:v15+s23+$0x0] =	vst.idx.msk $0xffff, v13  }
0x8a: {  	v15 =	vor.u32 $0x301, v0;
	v13 =	vld.idx.msk [tilespmem:v12+s15+$0x0], $0xffff;
	_ =	sdelay $0x4  }
0x8b: {  	[tilespmem:v15+s23+$0x0] =	vst.idx.msk $0xffff, v13  }
0x8c: {  	v15 =	vor.u32 $0x381, v0;
	v13 =	vld.idx.msk [tilespmem:v14+s15+$0x0], $0xffff;
	_ =	sdelay $0x4  }
0x8d: {  	[tilespmem:v15+s23+$0x0] =	vst.idx.msk $0xffff, v13  }
0x8e: {  	v15 =	vor.u32 $0x401, v0;
	v13 =	vld.idx.msk [tilespmem:v16+s15+$0x0], $0xffff;
	_ =	sdelay $0x4  }
0x8f: {  	[tilespmem:v15+s23+$0x0] =	vst.idx.msk $0xffff, v13  }
0x90: {  	v15 =	vor.u32 $0x481, v0;
	v13 =	vld.idx.msk [tilespmem:v18+s15+$0x0], $0xffff;
	_ =	sdelay $0x4  }
0x91: {  	[tilespmem:v15+s23+$0x0] =	vst.idx.msk $0xffff, v13  }
0x92: {  	v15 =	vor.u32 $0x501, v0;
	v13 =	vld.idx.msk [tilespmem:v20+s15+$0x0], $0xffff;
	_ =	sdelay $0x4  }
0x93: {  	[tilespmem:v15+s23+$0x0] =	vst.idx.msk $0xffff, v13  }
0x94: {  	v15 =	vor.u32 $0x581, v0;
	v13 =	vld.idx.msk [tilespmem:v22+s15+$0x0], $0xffff;
	_ =	sdelay $0x4  }
0x95: {  	[tilespmem:v15+s23+$0x0] =	vst.idx.msk $0xffff, v13  }
0x96: {  	v15 =	vor.u32 $0x601, v0;
	v13 =	vld.idx.msk [tilespmem:v24+s15+$0x0], $0xffff;
	_ =	sdelay $0x4  }
0x97: {  	[tilespmem:v15+s23+$0x0] =	vst.idx.msk $0xffff, v13  }
0x98: {  	v15 =	vor.u32 $0x681, v0;
	v13 =	vld.idx.msk [tilespmem:v26+s15+$0x0], $0xffff;
	_ =	sdelay $0x4  }
0x99: {  	[tilespmem:v15+s23+$0x0] =	vst.idx.msk $0xffff, v13  }
0x9a: {  	v15 =	vor.u32 $0x701, v0;
	v13 =	vld.idx.msk [tilespmem:v28+s15+$0x0], $0xffff;
	_ =	sdelay $0x4  }
0x9b: {  	[tilespmem:v15+s23+$0x0] =	vst.idx.msk $0xffff, v13  }
0x9c: {  	v15 =	vor.u32 $0x781, v0;
	v13 =	vld.idx.msk [tilespmem:v30+s15+$0x0], $0xffff;
	_ =	sdelay $0x4  }
0x9d: {  	[tilespmem:v15+s23+$0x0] =	vst.idx.msk $0xffff, v13  }
0x9e: {  	v15 =	vor.u32 $0x801, v0;
	v13 =	vld.idx.msk [tilespmem:v32+s15+$0x0], $0xffff;
	_ =	sdelay $0x4  }
0x9f: {  	[tilespmem:v15+s23+$0x0] =	vst.idx.msk $0xffff, v13  }
0xa0: {  	v15 =	vor.u32 $0x881, v0;
	v13 =	vld.idx.msk [tilespmem:v34+s15+$0x0], $0xffff;
	_ =	sdelay $0x4  }
0xa1: {  	[tilespmem:v15+s23+$0x0] =	vst.idx.msk $0xffff, v13  }
0xa2: {  	v15 =	vor.u32 $0x901, v0;
	v13 =	vld.idx.msk [tilespmem:v36+s15+$0x0], $0xffff;
	_ =	sdelay $0x4  }
0xa3: {  	[tilespmem:v15+s23+$0x0] =	vst.idx.msk $0xffff, v13  }
0xa4: {  	v15 =	vor.u32 $0x981, v0;
	v13 =	vld.idx.msk [tilespmem:v38+s15+$0x0], $0xffff;
	_ =	sdelay $0x4  }
0xa5: {  	[tilespmem:v15+s23+$0x0] =	vst.idx.msk $0xffff, v13  }
0xa6: {  	v15 =	vor.u32 $0xA01, v0;
	v13 =	vld.idx.msk [tilespmem:v40+s15+$0x0], $0xffff;
	_ =	sdelay $0x4  }
0xa7: {  	[tilespmem:v15+s23+$0x0] =	vst.idx.msk $0xffff, v13  }
0xa8: {  	v15 =	vor.u32 $0xA81, v0;
	v13 =	vld.idx.msk [tilespmem:v42+s15+$0x0], $0xffff;
	_ =	sdelay $0x4  }
0xa9: {  	[tilespmem:v15+s23+$0x0] =	vst.idx.msk $0xffff, v13  }
0xaa: {  	v15 =	vor.u32 $0xB01, v0;
	v13 =	vld.idx.msk [tilespmem:v44+s15+$0x0], $0xffff;
	_ =	sdelay $0x4  }
0xab: {  	[tilespmem:v15+s23+$0x0] =	vst.idx.msk $0xffff, v13  }
0xac: {  	v15 =	vor.u32 $0xB81, v0;
	v13 =	vld.idx.msk [tilespmem:v46+s15+$0x0], $0xffff;
	_ =	sdelay $0x4  }
0xad: {  	[tilespmem:v15+s23+$0x0] =	vst.idx.msk $0xffff, v13  }
0xae: {  	v15 =	vor.u32 $0xC01, v0;
	v13 =	vld.idx.msk [tilespmem:v48+s15+$0x0], $0xffff;
	_ =	sdelay $0x4  }
0xaf: {  	[tilespmem:v15+s23+$0x0] =	vst.idx.msk $0xffff, v13  }
0xb0: {  	v15 =	vor.u32 $0xC81, v0;
	v13 =	vld.idx.msk [tilespmem:v50+s15+$0x0], $0xffff;
	_ =	sdelay $0x4  }
0xb1: {  	[tilespmem:v15+s23+$0x0] =	vst.idx.msk $0xffff, v13  }
0xb2: {  	v15 =	vor.u32 $0xD01, v0;
	v13 =	vld.idx.msk [tilespmem:v52+s15+$0x0], $0xffff;
	_ =	sdelay $0x4  }
0xb3: {  	[tilespmem:v15+s23+$0x0] =	vst.idx.msk $0xffff, v13  }
0xb4: {  	v15 =	vor.u32 $0xD81, v0;
	v13 =	vld.idx.msk [tilespmem:v54+s15+$0x0], $0xffff;
	_ =	sdelay $0x4  }
0xb5: {  	[tilespmem:v15+s23+$0x0] =	vst.idx.msk $0xffff, v13  }
0xb6: {  	v15 =	vor.u32 $0xE01, v0;
	v13 =	vld.idx.msk [tilespmem:v56+s15+$0x0], $0xffff;
	_ =	sdelay $0x4  }
0xb7: {  	[tilespmem:v15+s23+$0x0] =	vst.idx.msk $0xffff, v13  }
0xb8: {  	v15 =	vor.u32 $0xE81, v0;
	v13 =	vld.idx.msk [tilespmem:v58+s15+$0x0], $0xffff;
	_ =	sdelay $0x4  }
0xb9: {  	[tilespmem:v15+s23+$0x0] =	vst.idx.msk $0xffff, v13  }
0xba: {  	v15 =	vor.u32 $0xF01, v0;
	v13 =	vld.idx.msk [tilespmem:v60+s15+$0x0], $0xffff;
	_ =	sdelay $0x4  }
0xbb: {  	[tilespmem:v15+s23+$0x0] =	vst.idx.msk $0xffff, v13  }
0xbc: {  	v15 =	vor.u32 $0xF81, v0;
	v13 =	vld.idx.msk [tilespmem:v62+s15+$0x0], $0xffff;
	_ =	sdelay $0x4  }
0xbd: {  	[tilespmem:v15+s23+$0x0] =	vst.idx.msk $0xffff, v13  }
0xbe: {  	v15 =	vor.u32 $0x1001, v0;
	v13 =	vld.idx.msk [tilespmem:v3+s15+$0x0], $0xffff;
	_ =	sdelay $0x4  }
0xbf: {  	[tilespmem:v15+s23+$0x0] =	vst.idx.msk $0xffff, v13  }
0xc0: {  	v15 =	vor.u32 $0x1081, v0;
	v13 =	vld.idx.msk [tilespmem:v5+s15+$0x0], $0xffff;
	_ =	sdelay $0x4  }
0xc1: {  	[tilespmem:v15+s23+$0x0] =	vst.idx.msk $0xffff, v13  }
0xc2: {  	v15 =	vor.u32 $0x1101, v0;
	v13 =	vld.idx.msk [tilespmem:v7+s15+$0x0], $0xffff;
	_ =	sdelay $0x4  }
0xc3: {  	[tilespmem:v15+s23+$0x0] =	vst.idx.msk $0xffff, v13  }
0xc4: {  	v15 =	vor.u32 $0x1181, v0;
	v13 =	vld.idx.msk [tilespmem:v9+s15+$0x0], $0xffff;
	_ =	sdelay $0x4  }
0xc5: {  	[tilespmem:v15+s23+$0x0] =	vst.idx.msk $0xffff, v13  }
0xc6: {  	v15 =	vor.u32 $0x1201, v0;
	v13 =	vld.idx.msk [tilespmem:v11+s15+$0x0], $0xfff;
	_ =	sdelay $0x4  }
0xc7: {  	[tilespmem:v15+s23+$0x0] =	vst.idx.msk $0xfff, v13  }
0xc8: {  	_ =	swait.ge [sflag:s22], $0x1260  }
0xc9: {  	[sflag:s22] =	ssyncset.done $0x0  }
0xca: {  	[sflag:s22] =	ssyncadd.s32 $0xFFFFEDA0  }
0xcb: {  	v15 =	vor.u32 $0x2, v0;
	v13 =	vld.idx.msk [tilespmem:v1+s16+$0x0], $0xffff;
	_ =	sdelay $0x4  }
0xcc: {  	[tilespmem:v15+s23+$0x0] =	vst.idx.msk $0xffff, v13  }
0xcd: {  	v15 =	vor.u32 $0x82, v0;
	v13 =	vld.idx.msk [tilespmem:v2+s16+$0x0], $0xffff;
	_ =	sdelay $0x4  }
0xce: {  	[tilespmem:v15+s23+$0x0] =	vst.idx.msk $0xffff, v13  }
0xcf: {  	v15 =	vor.u32 $0x102, v0;
	v13 =	vld.idx.msk [tilespmem:v4+s16+$0x0], $0xffff;
	_ =	sdelay $0x4  }
0xd0: {  	[tilespmem:v15+s23+$0x0] =	vst.idx.msk $0xffff, v13  }
0xd1: {  	v15 =	vor.u32 $0x182, v0;
	v13 =	vld.idx.msk [tilespmem:v6+s16+$0x0], $0xffff;
	_ =	sdelay $0x4  }
0xd2: {  	[tilespmem:v15+s23+$0x0] =	vst.idx.msk $0xffff, v13  }
0xd3: {  	v15 =	vor.u32 $0x202, v0;
	v13 =	vld.idx.msk [tilespmem:v8+s16+$0x0], $0xffff;
	_ =	sdelay $0x4  }
0xd4: {  	[tilespmem:v15+s23+$0x0] =	vst.idx.msk $0xffff, v13  }
0xd5: {  	v15 =	vor.u32 $0x282, v0;
	v13 =	vld.idx.msk [tilespmem:v10+s16+$0x0], $0xffff;
	_ =	sdelay $0x4  }
0xd6: {  	[tilespmem:v15+s23+$0x0] =	vst.idx.msk $0xffff, v13  }
0xd7: {  	v15 =	vor.u32 $0x302, v0;
	v13 =	vld.idx.msk [tilespmem:v12+s16+$0x0], $0xffff;
	_ =	sdelay $0x4  }
0xd8: {  	[tilespmem:v15+s23+$0x0] =	vst.idx.msk $0xffff, v13  }
0xd9: {  	v15 =	vor.u32 $0x382, v0;
	v13 =	vld.idx.msk [tilespmem:v14+s16+$0x0], $0xffff;
	_ =	sdelay $0x4  }
0xda: {  	[tilespmem:v15+s23+$0x0] =	vst.idx.msk $0xffff, v13  }
0xdb: {  	v15 =	vor.u32 $0x402, v0;
	v13 =	vld.idx.msk [tilespmem:v16+s16+$0x0], $0xffff;
	_ =	sdelay $0x4  }
0xdc: {  	[tilespmem:v15+s23+$0x0] =	vst.idx.msk $0xffff, v13  }
0xdd: {  	v15 =	vor.u32 $0x482, v0;
	v13 =	vld.idx.msk [tilespmem:v18+s16+$0x0], $0xffff;
	_ =	sdelay $0x4  }
0xde: {  	[tilespmem:v15+s23+$0x0] =	vst.idx.msk $0xffff, v13  }
0xdf: {  	v15 =	vor.u32 $0x502, v0;
	v13 =	vld.idx.msk [tilespmem:v20+s16+$0x0], $0xffff;
	_ =	sdelay $0x4  }
0xe0: {  	[tilespmem:v15+s23+$0x0] =	vst.idx.msk $0xffff, v13  }
0xe1: {  	v15 =	vor.u32 $0x582, v0;
	v13 =	vld.idx.msk [tilespmem:v22+s16+$0x0], $0xffff;
	_ =	sdelay $0x4  }
0xe2: {  	[tilespmem:v15+s23+$0x0] =	vst.idx.msk $0xffff, v13  }
0xe3: {  	v15 =	vor.u32 $0x602, v0;
	v13 =	vld.idx.msk [tilespmem:v24+s16+$0x0], $0xffff;
	_ =	sdelay $0x4  }
0xe4: {  	[tilespmem:v15+s23+$0x0] =	vst.idx.msk $0xffff, v13  }
0xe5: {  	v15 =	vor.u32 $0x682, v0;
	v13 =	vld.idx.msk [tilespmem:v26+s16+$0x0], $0xffff;
	_ =	sdelay $0x4  }
0xe6: {  	[tilespmem:v15+s23+$0x0] =	vst.idx.msk $0xffff, v13  }
0xe7: {  	v15 =	vor.u32 $0x702, v0;
	v13 =	vld.idx.msk [tilespmem:v28+s16+$0x0], $0xffff;
	_ =	sdelay $0x4  }
0xe8: {  	[tilespmem:v15+s23+$0x0] =	vst.idx.msk $0xffff, v13  }
0xe9: {  	v15 =	vor.u32 $0x782, v0;
	v13 =	vld.idx.msk [tilespmem:v30+s16+$0x0], $0xffff;
	_ =	sdelay $0x4  }
0xea: {  	[tilespmem:v15+s23+$0x0] =	vst.idx.msk $0xffff, v13  }
0xeb: {  	v15 =	vor.u32 $0x802, v0;
	v13 =	vld.idx.msk [tilespmem:v32+s16+$0x0], $0xffff;
	_ =	sdelay $0x4  }
0xec: {  	[tilespmem:v15+s23+$0x0] =	vst.idx.msk $0xffff, v13  }
0xed: {  	v15 =	vor.u32 $0x882, v0;
	v13 =	vld.idx.msk [tilespmem:v34+s16+$0x0], $0xffff;
	_ =	sdelay $0x4  }
0xee: {  	[tilespmem:v15+s23+$0x0] =	vst.idx.msk $0xffff, v13  }
0xef: {  	v15 =	vor.u32 $0x902, v0;
	v13 =	vld.idx.msk [tilespmem:v36+s16+$0x0], $0xffff;
	_ =	sdelay $0x4  }
0xf0: {  	[tilespmem:v15+s23+$0x0] =	vst.idx.msk $0xffff, v13  }
0xf1: {  	v15 =	vor.u32 $0x982, v0;
	v13 =	vld.idx.msk [tilespmem:v38+s16+$0x0], $0xffff;
	_ =	sdelay $0x4  }
0xf2: {  	[tilespmem:v15+s23+$0x0] =	vst.idx.msk $0xffff, v13  }
0xf3: {  	v15 =	vor.u32 $0xA02, v0;
	v13 =	vld.idx.msk [tilespmem:v40+s16+$0x0], $0xffff;
	_ =	sdelay $0x4  }
0xf4: {  	[tilespmem:v15+s23+$0x0] =	vst.idx.msk $0xffff, v13  }
0xf5: {  	v15 =	vor.u32 $0xA82, v0;
	v13 =	vld.idx.msk [tilespmem:v42+s16+$0x0], $0xffff;
	_ =	sdelay $0x4  }
0xf6: {  	[tilespmem:v15+s23+$0x0] =	vst.idx.msk $0xffff, v13  }
0xf7: {  	v15 =	vor.u32 $0xB02, v0;
	v13 =	vld.idx.msk [tilespmem:v44+s16+$0x0], $0xffff;
	_ =	sdelay $0x4  }
0xf8: {  	[tilespmem:v15+s23+$0x0] =	vst.idx.msk $0xffff, v13  }
0xf9: {  	v15 =	vor.u32 $0xB82, v0;
	v13 =	vld.idx.msk [tilespmem:v46+s16+$0x0], $0xffff;
	_ =	sdelay $0x4  }
0xfa: {  	[tilespmem:v15+s23+$0x0] =	vst.idx.msk $0xffff, v13  }
0xfb: {  	v15 =	vor.u32 $0xC02, v0;
	v13 =	vld.idx.msk [tilespmem:v48+s16+$0x0], $0xffff;
	_ =	sdelay $0x4  }
0xfc: {  	[tilespmem:v15+s23+$0x0] =	vst.idx.msk $0xffff, v13  }
0xfd: {  	v15 =	vor.u32 $0xC82, v0;
	v13 =	vld.idx.msk [tilespmem:v50+s16+$0x0], $0xffff;
	_ =	sdelay $0x4  }
0xfe: {  	[tilespmem:v15+s23+$0x0] =	vst.idx.msk $0xffff, v13  }
0xff: {  	v15 =	vor.u32 $0xD02, v0;
	v13 =	vld.idx.msk [tilespmem:v52+s16+$0x0], $0xffff;
	_ =	sdelay $0x4  }
0x100: {  	[tilespmem:v15+s23+$0x0] =	vst.idx.msk $0xffff, v13  }
0x101: {  	v15 =	vor.u32 $0xD82, v0;
	v13 =	vld.idx.msk [tilespmem:v54+s16+$0x0], $0xffff;
	_ =	sdelay $0x4  }
0x102: {  	[tilespmem:v15+s23+$0x0] =	vst.idx.msk $0xffff, v13  }
0x103: {  	v15 =	vor.u32 $0xE02, v0;
	v13 =	vld.idx.msk [tilespmem:v56+s16+$0x0], $0xffff;
	_ =	sdelay $0x4  }
0x104: {  	[tilespmem:v15+s23+$0x0] =	vst.idx.msk $0xffff, v13  }
0x105: {  	v15 =	vor.u32 $0xE82, v0;
	v13 =	vld.idx.msk [tilespmem:v58+s16+$0x0], $0xffff;
	_ =	sdelay $0x4  }
0x106: {  	[tilespmem:v15+s23+$0x0] =	vst.idx.msk $0xffff, v13  }
0x107: {  	v15 =	vor.u32 $0xF02, v0;
	v13 =	vld.idx.msk [tilespmem:v60+s16+$0x0], $0xffff;
	_ =	sdelay $0x4  }
0x108: {  	[tilespmem:v15+s23+$0x0] =	vst.idx.msk $0xffff, v13  }
0x109: {  	v15 =	vor.u32 $0xF82, v0;
	v13 =	vld.idx.msk [tilespmem:v62+s16+$0x0], $0xffff;
	_ =	sdelay $0x4  }
0x10a: {  	[tilespmem:v15+s23+$0x0] =	vst.idx.msk $0xffff, v13  }
0x10b: {  	v15 =	vor.u32 $0x1002, v0;
	v13 =	vld.idx.msk [tilespmem:v3+s16+$0x0], $0xffff;
	_ =	sdelay $0x4  }
0x10c: {  	[tilespmem:v15+s23+$0x0] =	vst.idx.msk $0xffff, v13  }
0x10d: {  	v15 =	vor.u32 $0x1082, v0;
	v13 =	vld.idx.msk [tilespmem:v5+s16+$0x0], $0xffff;
	_ =	sdelay $0x4  }
0x10e: {  	[tilespmem:v15+s23+$0x0] =	vst.idx.msk $0xffff, v13  }
0x10f: {  	v15 =	vor.u32 $0x1102, v0;
	v13 =	vld.idx.msk [tilespmem:v7+s16+$0x0], $0xffff;
	_ =	sdelay $0x4  }
0x110: {  	[tilespmem:v15+s23+$0x0] =	vst.idx.msk $0xffff, v13  }
0x111: {  	v15 =	vor.u32 $0x1182, v0;
	v13 =	vld.idx.msk [tilespmem:v9+s16+$0x0], $0xffff;
	_ =	sdelay $0x4  }
0x112: {  	[tilespmem:v15+s23+$0x0] =	vst.idx.msk $0xffff, v13  }
0x113: {  	v15 =	vor.u32 $0x1202, v0;
	v13 =	vld.idx.msk [tilespmem:v11+s16+$0x0], $0xfff;
	_ =	sdelay $0x4  }
0x114: {  	[tilespmem:v15+s23+$0x0] =	vst.idx.msk $0xfff, v13  }
0x115: {  	_ =	swait.ge [sflag:s22], $0x1260  }
0x116: {  	[sflag:s22] =	ssyncset.done $0x0  }
0x117: {  	[sflag:s22] =	ssyncadd.s32 $0xFFFFEDA0  }
0x118: {  	v15 =	vor.u32 $0x3, v0;
	v13 =	vld.idx.msk [tilespmem:v1+s17+$0x0], $0xffff;
	_ =	sdelay $0x4  }
0x119: {  	[tilespmem:v15+s23+$0x0] =	vst.idx.msk $0xffff, v13  }
0x11a: {  	v15 =	vor.u32 $0x83, v0;
	v13 =	vld.idx.msk [tilespmem:v2+s17+$0x0], $0xffff;
	_ =	sdelay $0x4  }
0x11b: {  	[tilespmem:v15+s23+$0x0] =	vst.idx.msk $0xffff, v13  }
0x11c: {  	v15 =	vor.u32 $0x103, v0;
	v13 =	vld.idx.msk [tilespmem:v4+s17+$0x0], $0xffff;
	_ =	sdelay $0x4  }
0x11d: {  	[tilespmem:v15+s23+$0x0] =	vst.idx.msk $0xffff, v13  }
0x11e: {  	v15 =	vor.u32 $0x183, v0;
	v13 =	vld.idx.msk [tilespmem:v6+s17+$0x0], $0xffff;
	_ =	sdelay $0x4  }
0x11f: {  	[tilespmem:v15+s23+$0x0] =	vst.idx.msk $0xffff, v13  }
0x120: {  	v15 =	vor.u32 $0x203, v0;
	v13 =	vld.idx.msk [tilespmem:v8+s17+$0x0], $0xffff;
	_ =	sdelay $0x4  }
0x121: {  	[tilespmem:v15+s23+$0x0] =	vst.idx.msk $0xffff, v13  }
0x122: {  	v15 =	vor.u32 $0x283, v0;
	v13 =	vld.idx.msk [tilespmem:v10+s17+$0x0], $0xffff;
	_ =	sdelay $0x4  }
0x123: {  	[tilespmem:v15+s23+$0x0] =	vst.idx.msk $0xffff, v13  }
0x124: {  	v15 =	vor.u32 $0x303, v0;
	v13 =	vld.idx.msk [tilespmem:v12+s17+$0x0], $0xffff;
	_ =	sdelay $0x4  }
0x125: {  	[tilespmem:v15+s23+$0x0] =	vst.idx.msk $0xffff, v13  }
0x126: {  	v15 =	vor.u32 $0x383, v0;
	v13 =	vld.idx.msk [tilespmem:v14+s17+$0x0], $0xffff;
	_ =	sdelay $0x4  }
0x127: {  	[tilespmem:v15+s23+$0x0] =	vst.idx.msk $0xffff, v13  }
0x128: {  	v15 =	vor.u32 $0x403, v0;
	v13 =	vld.idx.msk [tilespmem:v16+s17+$0x0], $0xffff;
	_ =	sdelay $0x4  }
0x129: {  	[tilespmem:v15+s23+$0x0] =	vst.idx.msk $0xffff, v13  }
0x12a: {  	v15 =	vor.u32 $0x483, v0;
	v13 =	vld.idx.msk [tilespmem:v18+s17+$0x0], $0xffff;
	_ =	sdelay $0x4  }
0x12b: {  	[tilespmem:v15+s23+$0x0] =	vst.idx.msk $0xffff, v13  }
0x12c: {  	v15 =	vor.u32 $0x503, v0;
	v13 =	vld.idx.msk [tilespmem:v20+s17+$0x0], $0xffff;
	_ =	sdelay $0x4  }
0x12d: {  	[tilespmem:v15+s23+$0x0] =	vst.idx.msk $0xffff, v13  }
0x12e: {  	v15 =	vor.u32 $0x583, v0;
	v13 =	vld.idx.msk [tilespmem:v22+s17+$0x0], $0xffff;
	_ =	sdelay $0x4  }
0x12f: {  	[tilespmem:v15+s23+$0x0] =	vst.idx.msk $0xffff, v13  }
0x130: {  	v15 =	vor.u32 $0x603, v0;
	v13 =	vld.idx.msk [tilespmem:v24+s17+$0x0], $0xffff;
	_ =	sdelay $0x4  }
0x131: {  	[tilespmem:v15+s23+$0x0] =	vst.idx.msk $0xffff, v13  }
0x132: {  	v15 =	vor.u32 $0x683, v0;
	v13 =	vld.idx.msk [tilespmem:v26+s17+$0x0], $0xffff;
	_ =	sdelay $0x4  }
0x133: {  	[tilespmem:v15+s23+$0x0] =	vst.idx.msk $0xffff, v13  }
0x134: {  	v15 =	vor.u32 $0x703, v0;
	v13 =	vld.idx.msk [tilespmem:v28+s17+$0x0], $0xffff;
	_ =	sdelay $0x4  }
0x135: {  	[tilespmem:v15+s23+$0x0] =	vst.idx.msk $0xffff, v13  }
0x136: {  	v15 =	vor.u32 $0x783, v0;
	v13 =	vld.idx.msk [tilespmem:v30+s17+$0x0], $0xffff;
	_ =	sdelay $0x4  }
0x137: {  	[tilespmem:v15+s23+$0x0] =	vst.idx.msk $0xffff, v13  }
0x138: {  	v15 =	vor.u32 $0x803, v0;
	v13 =	vld.idx.msk [tilespmem:v32+s17+$0x0], $0xffff;
	_ =	sdelay $0x4  }
0x139: {  	[tilespmem:v15+s23+$0x0] =	vst.idx.msk $0xffff, v13  }
0x13a: {  	v15 =	vor.u32 $0x883, v0;
	v13 =	vld.idx.msk [tilespmem:v34+s17+$0x0], $0xffff;
	_ =	sdelay $0x4  }
0x13b: {  	[tilespmem:v15+s23+$0x0] =	vst.idx.msk $0xffff, v13  }
0x13c: {  	v15 =	vor.u32 $0x903, v0;
	v13 =	vld.idx.msk [tilespmem:v36+s17+$0x0], $0xffff;
	_ =	sdelay $0x4  }
0x13d: {  	[tilespmem:v15+s23+$0x0] =	vst.idx.msk $0xffff, v13  }
0x13e: {  	v15 =	vor.u32 $0x983, v0;
	v13 =	vld.idx.msk [tilespmem:v38+s17+$0x0], $0xffff;
	_ =	sdelay $0x4  }
0x13f: {  	[tilespmem:v15+s23+$0x0] =	vst.idx.msk $0xffff, v13  }
0x140: {  	v15 =	vor.u32 $0xA03, v0;
	v13 =	vld.idx.msk [tilespmem:v40+s17+$0x0], $0xffff;
	_ =	sdelay $0x4  }
0x141: {  	[tilespmem:v15+s23+$0x0] =	vst.idx.msk $0xffff, v13  }
0x142: {  	v15 =	vor.u32 $0xA83, v0;
	v13 =	vld.idx.msk [tilespmem:v42+s17+$0x0], $0xffff;
	_ =	sdelay $0x4  }
0x143: {  	[tilespmem:v15+s23+$0x0] =	vst.idx.msk $0xffff, v13  }
0x144: {  	v15 =	vor.u32 $0xB03, v0;
	v13 =	vld.idx.msk [tilespmem:v44+s17+$0x0], $0xffff;
	_ =	sdelay $0x4  }
0x145: {  	[tilespmem:v15+s23+$0x0] =	vst.idx.msk $0xffff, v13  }
0x146: {  	v15 =	vor.u32 $0xB83, v0;
	v13 =	vld.idx.msk [tilespmem:v46+s17+$0x0], $0xffff;
	_ =	sdelay $0x4  }
0x147: {  	[tilespmem:v15+s23+$0x0] =	vst.idx.msk $0xffff, v13  }
0x148: {  	v15 =	vor.u32 $0xC03, v0;
	v13 =	vld.idx.msk [tilespmem:v48+s17+$0x0], $0xffff;
	_ =	sdelay $0x4  }
0x149: {  	[tilespmem:v15+s23+$0x0] =	vst.idx.msk $0xffff, v13  }
0x14a: {  	v15 =	vor.u32 $0xC83, v0;
	v13 =	vld.idx.msk [tilespmem:v50+s17+$0x0], $0xffff;
	_ =	sdelay $0x4  }
0x14b: {  	[tilespmem:v15+s23+$0x0] =	vst.idx.msk $0xffff, v13  }
0x14c: {  	v15 =	vor.u32 $0xD03, v0;
	v13 =	vld.idx.msk [tilespmem:v52+s17+$0x0], $0xffff;
	_ =	sdelay $0x4  }
0x14d: {  	[tilespmem:v15+s23+$0x0] =	vst.idx.msk $0xffff, v13  }
0x14e: {  	v15 =	vor.u32 $0xD83, v0;
	v13 =	vld.idx.msk [tilespmem:v54+s17+$0x0], $0xffff;
	_ =	sdelay $0x4  }
0x14f: {  	[tilespmem:v15+s23+$0x0] =	vst.idx.msk $0xffff, v13  }
0x150: {  	v15 =	vor.u32 $0xE03, v0;
	v13 =	vld.idx.msk [tilespmem:v56+s17+$0x0], $0xffff;
	_ =	sdelay $0x4  }
0x151: {  	[tilespmem:v15+s23+$0x0] =	vst.idx.msk $0xffff, v13  }
0x152: {  	v15 =	vor.u32 $0xE83, v0;
	v13 =	vld.idx.msk [tilespmem:v58+s17+$0x0], $0xffff;
	_ =	sdelay $0x4  }
0x153: {  	[tilespmem:v15+s23+$0x0] =	vst.idx.msk $0xffff, v13  }
0x154: {  	v15 =	vor.u32 $0xF03, v0;
	v13 =	vld.idx.msk [tilespmem:v60+s17+$0x0], $0xffff;
	_ =	sdelay $0x4  }
0x155: {  	[tilespmem:v15+s23+$0x0] =	vst.idx.msk $0xffff, v13  }
0x156: {  	v15 =	vor.u32 $0xF83, v0;
	v13 =	vld.idx.msk [tilespmem:v62+s17+$0x0], $0xffff;
	_ =	sdelay $0x4  }
0x157: {  	[tilespmem:v15+s23+$0x0] =	vst.idx.msk $0xffff, v13  }
0x158: {  	v15 =	vor.u32 $0x1003, v0;
	v13 =	vld.idx.msk [tilespmem:v3+s17+$0x0], $0xffff;
	_ =	sdelay $0x4  }
0x159: {  	[tilespmem:v15+s23+$0x0] =	vst.idx.msk $0xffff, v13  }
0x15a: {  	v15 =	vor.u32 $0x1083, v0;
	v13 =	vld.idx.msk [tilespmem:v5+s17+$0x0], $0xffff;
	_ =	sdelay $0x4  }
0x15b: {  	[tilespmem:v15+s23+$0x0] =	vst.idx.msk $0xffff, v13  }
0x15c: {  	v15 =	vor.u32 $0x1103, v0;
	v13 =	vld.idx.msk [tilespmem:v7+s17+$0x0], $0xffff;
	_ =	sdelay $0x4  }
0x15d: {  	[tilespmem:v15+s23+$0x0] =	vst.idx.msk $0xffff, v13  }
0x15e: {  	v15 =	vor.u32 $0x1183, v0;
	v13 =	vld.idx.msk [tilespmem:v9+s17+$0x0], $0xffff;
	_ =	sdelay $0x4  }
0x15f: {  	[tilespmem:v15+s23+$0x0] =	vst.idx.msk $0xffff, v13  }
0x160: {  	v15 =	vor.u32 $0x1203, v0;
	v13 =	vld.idx.msk [tilespmem:v11+s17+$0x0], $0xfff;
	_ =	sdelay $0x4  }
0x161: {  	[tilespmem:v15+s23+$0x0] =	vst.idx.msk $0xfff, v13  }
0x162: {  	_ =	swait.ge [sflag:s22], $0x1260  }
0x163: {  	[sflag:s22] =	ssyncset.done $0x0  }
0x164: {  	[sflag:s22] =	ssyncadd.s32 $0xFFFFEDA0  }
0x165: {  	v13 =	vld.idx.msk [tilespmem:v1+s18+$0x0], $0xffff;
	_ =	sdelay $0x4  }
0x166: {  	[tilespmem:v1+s23+$0x0] =	vst.idx.msk $0xffff, v13  }
0x167: {  	v13 =	vld.idx.msk [tilespmem:v2+s18+$0x0], $0xffff;
	_ =	sdelay $0x4  }
0x168: {  	[tilespmem:v2+s23+$0x0] =	vst.idx.msk $0xffff, v13  }
0x169: {  	v13 =	vld.idx.msk [tilespmem:v4+s18+$0x0], $0xffff;
	_ =	sdelay $0x4  }
0x16a: {  	[tilespmem:v4+s23+$0x0] =	vst.idx.msk $0xffff, v13  }
0x16b: {  	v13 =	vld.idx.msk [tilespmem:v6+s18+$0x0], $0xffff;
	_ =	sdelay $0x4  }
0x16c: {  	[tilespmem:v6+s23+$0x0] =	vst.idx.msk $0xffff, v13  }
0x16d: {  	v13 =	vld.idx.msk [tilespmem:v8+s18+$0x0], $0xffff;
	_ =	sdelay $0x4  }
0x16e: {  	[tilespmem:v8+s23+$0x0] =	vst.idx.msk $0xffff, v13  }
0x16f: {  	v13 =	vld.idx.msk [tilespmem:v10+s18+$0x0], $0xffff;
	_ =	sdelay $0x4  }
0x170: {  	[tilespmem:v10+s23+$0x0] =	vst.idx.msk $0xffff, v13  }
0x171: {  	v13 =	vld.idx.msk [tilespmem:v12+s18+$0x0], $0xffff;
	_ =	sdelay $0x4  }
0x172: {  	[tilespmem:v12+s23+$0x0] =	vst.idx.msk $0xffff, v13  }
0x173: {  	v13 =	vld.idx.msk [tilespmem:v14+s18+$0x0], $0xffff;
	_ =	sdelay $0x4  }
0x174: {  	[tilespmem:v14+s23+$0x0] =	vst.idx.msk $0xffff, v13  }
0x175: {  	v13 =	vld.idx.msk [tilespmem:v16+s18+$0x0], $0xffff;
	_ =	sdelay $0x4  }
0x176: {  	[tilespmem:v16+s23+$0x0] =	vst.idx.msk $0xffff, v13  }
0x177: {  	v13 =	vld.idx.msk [tilespmem:v18+s18+$0x0], $0xffff;
	_ =	sdelay $0x4  }
0x178: {  	[tilespmem:v18+s23+$0x0] =	vst.idx.msk $0xffff, v13  }
0x179: {  	v13 =	vld.idx.msk [tilespmem:v20+s18+$0x0], $0xffff;
	_ =	sdelay $0x4  }
0x17a: {  	[tilespmem:v20+s23+$0x0] =	vst.idx.msk $0xffff, v13  }
0x17b: {  	v13 =	vld.idx.msk [tilespmem:v22+s18+$0x0], $0xffff;
	_ =	sdelay $0x4  }
0x17c: {  	[tilespmem:v22+s23+$0x0] =	vst.idx.msk $0xffff, v13  }
0x17d: {  	v13 =	vld.idx.msk [tilespmem:v24+s18+$0x0], $0xffff;
	_ =	sdelay $0x4  }
0x17e: {  	[tilespmem:v24+s23+$0x0] =	vst.idx.msk $0xffff, v13  }
0x17f: {  	v13 =	vld.idx.msk [tilespmem:v26+s18+$0x0], $0xffff;
	_ =	sdelay $0x4  }
0x180: {  	[tilespmem:v26+s23+$0x0] =	vst.idx.msk $0xffff, v13  }
0x181: {  	v13 =	vld.idx.msk [tilespmem:v28+s18+$0x0], $0xffff;
	_ =	sdelay $0x4  }
0x182: {  	[tilespmem:v28+s23+$0x0] =	vst.idx.msk $0xffff, v13  }
0x183: {  	v13 =	vld.idx.msk [tilespmem:v30+s18+$0x0], $0xffff;
	_ =	sdelay $0x4  }
0x184: {  	[tilespmem:v30+s23+$0x0] =	vst.idx.msk $0xffff, v13  }
0x185: {  	v13 =	vld.idx.msk [tilespmem:v32+s18+$0x0], $0xffff;
	_ =	sdelay $0x4  }
0x186: {  	[tilespmem:v32+s23+$0x0] =	vst.idx.msk $0xffff, v13  }
0x187: {  	v13 =	vld.idx.msk [tilespmem:v34+s18+$0x0], $0xffff;
	_ =	sdelay $0x4  }
0x188: {  	[tilespmem:v34+s23+$0x0] =	vst.idx.msk $0xffff, v13  }
0x189: {  	v13 =	vld.idx.msk [tilespmem:v36+s18+$0x0], $0xffff;
	_ =	sdelay $0x4  }
0x18a: {  	[tilespmem:v36+s23+$0x0] =	vst.idx.msk $0xffff, v13  }
0x18b: {  	v13 =	vld.idx.msk [tilespmem:v38+s18+$0x0], $0xffff;
	_ =	sdelay $0x4  }
0x18c: {  	[tilespmem:v38+s23+$0x0] =	vst.idx.msk $0xffff, v13  }
0x18d: {  	v13 =	vld.idx.msk [tilespmem:v40+s18+$0x0], $0xffff;
	_ =	sdelay $0x4  }
0x18e: {  	[tilespmem:v40+s23+$0x0] =	vst.idx.msk $0xffff, v13  }
0x18f: {  	v13 =	vld.idx.msk [tilespmem:v42+s18+$0x0], $0xffff;
	_ =	sdelay $0x4  }
0x190: {  	[tilespmem:v42+s23+$0x0] =	vst.idx.msk $0xffff, v13  }
0x191: {  	v13 =	vld.idx.msk [tilespmem:v44+s18+$0x0], $0xffff;
	_ =	sdelay $0x4  }
0x192: {  	[tilespmem:v44+s23+$0x0] =	vst.idx.msk $0xffff, v13  }
0x193: {  	v13 =	vld.idx.msk [tilespmem:v46+s18+$0x0], $0xffff;
	_ =	sdelay $0x4  }
0x194: {  	[tilespmem:v46+s23+$0x0] =	vst.idx.msk $0xffff, v13  }
0x195: {  	v13 =	vld.idx.msk [tilespmem:v48+s18+$0x0], $0xffff;
	_ =	sdelay $0x4  }
0x196: {  	[tilespmem:v48+s23+$0x0] =	vst.idx.msk $0xffff, v13  }
0x197: {  	v13 =	vld.idx.msk [tilespmem:v50+s18+$0x0], $0xffff;
	_ =	sdelay $0x4  }
0x198: {  	[tilespmem:v50+s23+$0x0] =	vst.idx.msk $0xffff, v13  }
0x199: {  	v13 =	vld.idx.msk [tilespmem:v52+s18+$0x0], $0xffff;
	_ =	sdelay $0x4  }
0x19a: {  	[tilespmem:v52+s23+$0x0] =	vst.idx.msk $0xffff, v13  }
0x19b: {  	v13 =	vld.idx.msk [tilespmem:v54+s18+$0x0], $0xffff;
	_ =	sdelay $0x4  }
0x19c: {  	[tilespmem:v54+s23+$0x0] =	vst.idx.msk $0xffff, v13  }
0x19d: {  	v13 =	vld.idx.msk [tilespmem:v56+s18+$0x0], $0xffff;
	_ =	sdelay $0x4  }
0x19e: {  	[tilespmem:v56+s23+$0x0] =	vst.idx.msk $0xffff, v13  }
0x19f: {  	v13 =	vld.idx.msk [tilespmem:v58+s18+$0x0], $0xffff;
	_ =	sdelay $0x4  }
0x1a0: {  	[tilespmem:v58+s23+$0x0] =	vst.idx.msk $0xffff, v13  }
0x1a1: {  	v13 =	vld.idx.msk [tilespmem:v60+s18+$0x0], $0xffff;
	_ =	sdelay $0x4  }
0x1a2: {  	[tilespmem:v60+s23+$0x0] =	vst.idx.msk $0xffff, v13  }
0x1a3: {  	v13 =	vld.idx.msk [tilespmem:v62+s18+$0x0], $0xffff;
	_ =	sdelay $0x4  }
0x1a4: {  	[tilespmem:v62+s23+$0x0] =	vst.idx.msk $0xffff, v13  }
0x1a5: {  	v13 =	vld.idx.msk [tilespmem:v3+s18+$0x0], $0xffff;
	_ =	sdelay $0x4  }
0x1a6: {  	[tilespmem:v3+s23+$0x0] =	vst.idx.msk $0xffff, v13  }
0x1a7: {  	v13 =	vld.idx.msk [tilespmem:v5+s18+$0x0], $0xffff;
	_ =	sdelay $0x4  }
0x1a8: {  	[tilespmem:v5+s23+$0x0] =	vst.idx.msk $0xffff, v13  }
0x1a9: {  	v13 =	vld.idx.msk [tilespmem:v7+s18+$0x0], $0xffff;
	_ =	sdelay $0x4  }
0x1aa: {  	[tilespmem:v7+s23+$0x0] =	vst.idx.msk $0xffff, v13  }
0x1ab: {  	v13 =	vld.idx.msk [tilespmem:v9+s18+$0x0], $0xffff;
	_ =	sdelay $0x4  }
0x1ac: {  	[tilespmem:v9+s23+$0x0] =	vst.idx.msk $0xffff, v13  }
0x1ad: {  	v13 =	vld.idx.msk [tilespmem:v11+s18+$0x0], $0xfff;
	_ =	sdelay $0x4  }
0x1ae: {  	[tilespmem:v11+s23+$0x0] =	vst.idx.msk $0xfff, v13  }
0x1af: {  	_ =	swait.ge [sflag:s22], $0x1260  }
0x1b0: {  	[sflag:s22] =	ssyncset.done $0x0  }
0x1b1: {  	[sflag:s22] =	ssyncadd.s32 $0xFFFFEDA0  }
0x1b2: {  	v15 =	vor.u32 $0x5, v0;
	v13 =	vld.idx.msk [tilespmem:v1+s19+$0x0], $0xffff;
	_ =	sdelay $0x4  }
0x1b3: {  	[tilespmem:v15+s23+$0x0] =	vst.idx.msk $0xffff, v13  }
0x1b4: {  	v15 =	vor.u32 $0x85, v0;
	v13 =	vld.idx.msk [tilespmem:v2+s19+$0x0], $0xffff;
	_ =	sdelay $0x4  }
0x1b5: {  	[tilespmem:v15+s23+$0x0] =	vst.idx.msk $0xffff, v13  }
0x1b6: {  	v15 =	vor.u32 $0x105, v0;
	v13 =	vld.idx.msk [tilespmem:v4+s19+$0x0], $0xffff;
	_ =	sdelay $0x4  }
0x1b7: {  	[tilespmem:v15+s23+$0x0] =	vst.idx.msk $0xffff, v13  }
0x1b8: {  	v15 =	vor.u32 $0x185, v0;
	v13 =	vld.idx.msk [tilespmem:v6+s19+$0x0], $0xffff;
	_ =	sdelay $0x4  }
0x1b9: {  	[tilespmem:v15+s23+$0x0] =	vst.idx.msk $0xffff, v13  }
0x1ba: {  	v15 =	vor.u32 $0x205, v0;
	v13 =	vld.idx.msk [tilespmem:v8+s19+$0x0], $0xffff;
	_ =	sdelay $0x4  }
0x1bb: {  	[tilespmem:v15+s23+$0x0] =	vst.idx.msk $0xffff, v13  }
0x1bc: {  	v15 =	vor.u32 $0x285, v0;
	v13 =	vld.idx.msk [tilespmem:v10+s19+$0x0], $0xffff;
	_ =	sdelay $0x4  }
0x1bd: {  	[tilespmem:v15+s23+$0x0] =	vst.idx.msk $0xffff, v13  }
0x1be: {  	v15 =	vor.u32 $0x305, v0;
	v13 =	vld.idx.msk [tilespmem:v12+s19+$0x0], $0xffff;
	_ =	sdelay $0x4  }
0x1bf: {  	[tilespmem:v15+s23+$0x0] =	vst.idx.msk $0xffff, v13  }
0x1c0: {  	v15 =	vor.u32 $0x385, v0;
	v13 =	vld.idx.msk [tilespmem:v14+s19+$0x0], $0xffff;
	_ =	sdelay $0x4  }
0x1c1: {  	[tilespmem:v15+s23+$0x0] =	vst.idx.msk $0xffff, v13  }
0x1c2: {  	v15 =	vor.u32 $0x405, v0;
	v13 =	vld.idx.msk [tilespmem:v16+s19+$0x0], $0xffff;
	_ =	sdelay $0x4  }
0x1c3: {  	[tilespmem:v15+s23+$0x0] =	vst.idx.msk $0xffff, v13  }
0x1c4: {  	v15 =	vor.u32 $0x485, v0;
	v13 =	vld.idx.msk [tilespmem:v18+s19+$0x0], $0xffff;
	_ =	sdelay $0x4  }
0x1c5: {  	[tilespmem:v15+s23+$0x0] =	vst.idx.msk $0xffff, v13  }
0x1c6: {  	v15 =	vor.u32 $0x505, v0;
	v13 =	vld.idx.msk [tilespmem:v20+s19+$0x0], $0xffff;
	_ =	sdelay $0x4  }
0x1c7: {  	[tilespmem:v15+s23+$0x0] =	vst.idx.msk $0xffff, v13  }
0x1c8: {  	v15 =	vor.u32 $0x585, v0;
	v13 =	vld.idx.msk [tilespmem:v22+s19+$0x0], $0xffff;
	_ =	sdelay $0x4  }
0x1c9: {  	[tilespmem:v15+s23+$0x0] =	vst.idx.msk $0xffff, v13  }
0x1ca: {  	v15 =	vor.u32 $0x605, v0;
	v13 =	vld.idx.msk [tilespmem:v24+s19+$0x0], $0xffff;
	_ =	sdelay $0x4  }
0x1cb: {  	[tilespmem:v15+s23+$0x0] =	vst.idx.msk $0xffff, v13  }
0x1cc: {  	v15 =	vor.u32 $0x685, v0;
	v13 =	vld.idx.msk [tilespmem:v26+s19+$0x0], $0xffff;
	_ =	sdelay $0x4  }
0x1cd: {  	[tilespmem:v15+s23+$0x0] =	vst.idx.msk $0xffff, v13  }
0x1ce: {  	v15 =	vor.u32 $0x705, v0;
	v13 =	vld.idx.msk [tilespmem:v28+s19+$0x0], $0xffff;
	_ =	sdelay $0x4  }
0x1cf: {  	[tilespmem:v15+s23+$0x0] =	vst.idx.msk $0xffff, v13  }
0x1d0: {  	v15 =	vor.u32 $0x785, v0;
	v13 =	vld.idx.msk [tilespmem:v30+s19+$0x0], $0xffff;
	_ =	sdelay $0x4  }
0x1d1: {  	[tilespmem:v15+s23+$0x0] =	vst.idx.msk $0xffff, v13  }
0x1d2: {  	v15 =	vor.u32 $0x805, v0;
	v13 =	vld.idx.msk [tilespmem:v32+s19+$0x0], $0xffff;
	_ =	sdelay $0x4  }
0x1d3: {  	[tilespmem:v15+s23+$0x0] =	vst.idx.msk $0xffff, v13  }
0x1d4: {  	v15 =	vor.u32 $0x885, v0;
	v13 =	vld.idx.msk [tilespmem:v34+s19+$0x0], $0xffff;
	_ =	sdelay $0x4  }
0x1d5: {  	[tilespmem:v15+s23+$0x0] =	vst.idx.msk $0xffff, v13  }
0x1d6: {  	v15 =	vor.u32 $0x905, v0;
	v13 =	vld.idx.msk [tilespmem:v36+s19+$0x0], $0xffff;
	_ =	sdelay $0x4  }
0x1d7: {  	[tilespmem:v15+s23+$0x0] =	vst.idx.msk $0xffff, v13  }
0x1d8: {  	v15 =	vor.u32 $0x985, v0;
	v13 =	vld.idx.msk [tilespmem:v38+s19+$0x0], $0xffff;
	_ =	sdelay $0x4  }
0x1d9: {  	[tilespmem:v15+s23+$0x0] =	vst.idx.msk $0xffff, v13  }
0x1da: {  	v15 =	vor.u32 $0xA05, v0;
	v13 =	vld.idx.msk [tilespmem:v40+s19+$0x0], $0xffff;
	_ =	sdelay $0x4  }
0x1db: {  	[tilespmem:v15+s23+$0x0] =	vst.idx.msk $0xffff, v13  }
0x1dc: {  	v15 =	vor.u32 $0xA85, v0;
	v13 =	vld.idx.msk [tilespmem:v42+s19+$0x0], $0xffff;
	_ =	sdelay $0x4  }
0x1dd: {  	[tilespmem:v15+s23+$0x0] =	vst.idx.msk $0xffff, v13  }
0x1de: {  	v15 =	vor.u32 $0xB05, v0;
	v13 =	vld.idx.msk [tilespmem:v44+s19+$0x0], $0xffff;
	_ =	sdelay $0x4  }
0x1df: {  	[tilespmem:v15+s23+$0x0] =	vst.idx.msk $0xffff, v13  }
0x1e0: {  	v15 =	vor.u32 $0xB85, v0;
	v13 =	vld.idx.msk [tilespmem:v46+s19+$0x0], $0xffff;
	_ =	sdelay $0x4  }
0x1e1: {  	[tilespmem:v15+s23+$0x0] =	vst.idx.msk $0xffff, v13  }
0x1e2: {  	v15 =	vor.u32 $0xC05, v0;
	v13 =	vld.idx.msk [tilespmem:v48+s19+$0x0], $0xffff;
	_ =	sdelay $0x4  }
0x1e3: {  	[tilespmem:v15+s23+$0x0] =	vst.idx.msk $0xffff, v13  }
0x1e4: {  	v15 =	vor.u32 $0xC85, v0;
	v13 =	vld.idx.msk [tilespmem:v50+s19+$0x0], $0xffff;
	_ =	sdelay $0x4  }
0x1e5: {  	[tilespmem:v15+s23+$0x0] =	vst.idx.msk $0xffff, v13  }
0x1e6: {  	v15 =	vor.u32 $0xD05, v0;
	v13 =	vld.idx.msk [tilespmem:v52+s19+$0x0], $0xffff;
	_ =	sdelay $0x4  }
0x1e7: {  	[tilespmem:v15+s23+$0x0] =	vst.idx.msk $0xffff, v13  }
0x1e8: {  	v15 =	vor.u32 $0xD85, v0;
	v13 =	vld.idx.msk [tilespmem:v54+s19+$0x0], $0xffff;
	_ =	sdelay $0x4  }
0x1e9: {  	[tilespmem:v15+s23+$0x0] =	vst.idx.msk $0xffff, v13  }
0x1ea: {  	v15 =	vor.u32 $0xE05, v0;
	v13 =	vld.idx.msk [tilespmem:v56+s19+$0x0], $0xffff;
	_ =	sdelay $0x4  }
0x1eb: {  	[tilespmem:v15+s23+$0x0] =	vst.idx.msk $0xffff, v13  }
0x1ec: {  	v15 =	vor.u32 $0xE85, v0;
	v13 =	vld.idx.msk [tilespmem:v58+s19+$0x0], $0xffff;
	_ =	sdelay $0x4  }
0x1ed: {  	[tilespmem:v15+s23+$0x0] =	vst.idx.msk $0xffff, v13  }
0x1ee: {  	v15 =	vor.u32 $0xF05, v0;
	v13 =	vld.idx.msk [tilespmem:v60+s19+$0x0], $0xffff;
	_ =	sdelay $0x4  }
0x1ef: {  	[tilespmem:v15+s23+$0x0] =	vst.idx.msk $0xffff, v13  }
0x1f0: {  	v15 =	vor.u32 $0xF85, v0;
	v13 =	vld.idx.msk [tilespmem:v62+s19+$0x0], $0xffff;
	_ =	sdelay $0x4  }
0x1f1: {  	[tilespmem:v15+s23+$0x0] =	vst.idx.msk $0xffff, v13  }
0x1f2: {  	v15 =	vor.u32 $0x1005, v0;
	v13 =	vld.idx.msk [tilespmem:v3+s19+$0x0], $0xffff;
	_ =	sdelay $0x4  }
0x1f3: {  	[tilespmem:v15+s23+$0x0] =	vst.idx.msk $0xffff, v13  }
0x1f4: {  	v15 =	vor.u32 $0x1085, v0;
	v13 =	vld.idx.msk [tilespmem:v5+s19+$0x0], $0xffff;
	_ =	sdelay $0x4  }
0x1f5: {  	[tilespmem:v15+s23+$0x0] =	vst.idx.msk $0xffff, v13  }
0x1f6: {  	v15 =	vor.u32 $0x1105, v0;
	v13 =	vld.idx.msk [tilespmem:v7+s19+$0x0], $0xffff;
	_ =	sdelay $0x4  }
0x1f7: {  	[tilespmem:v15+s23+$0x0] =	vst.idx.msk $0xffff, v13  }
0x1f8: {  	v15 =	vor.u32 $0x1185, v0;
	v13 =	vld.idx.msk [tilespmem:v9+s19+$0x0], $0xffff;
	_ =	sdelay $0x4  }
0x1f9: {  	[tilespmem:v15+s23+$0x0] =	vst.idx.msk $0xffff, v13  }
0x1fa: {  	v15 =	vor.u32 $0x1205, v0;
	v13 =	vld.idx.msk [tilespmem:v11+s19+$0x0], $0xfff;
	_ =	sdelay $0x4  }
0x1fb: {  	[tilespmem:v15+s23+$0x0] =	vst.idx.msk $0xfff, v13  }
0x1fc: {  	_ =	swait.ge [sflag:s22], $0x1260  }
0x1fd: {  	[sflag:s22] =	ssyncset.done $0x0  }
0x1fe: {  	[sflag:s22] =	ssyncadd.s32 $0xFFFFEDA0  }
0x1ff: {  	v15 =	vor.u32 $0x6, v0;
	v13 =	vld.idx.msk [tilespmem:v1+s20+$0x0], $0xffff;
	_ =	sdelay $0x4  }
0x200: {  	[tilespmem:v15+s23+$0x0] =	vst.idx.msk $0xffff, v13  }
0x201: {  	v15 =	vor.u32 $0x86, v0;
	v13 =	vld.idx.msk [tilespmem:v2+s20+$0x0], $0xffff;
	_ =	sdelay $0x4  }
0x202: {  	[tilespmem:v15+s23+$0x0] =	vst.idx.msk $0xffff, v13  }
0x203: {  	v15 =	vor.u32 $0x106, v0;
	v13 =	vld.idx.msk [tilespmem:v4+s20+$0x0], $0xffff;
	_ =	sdelay $0x4  }
0x204: {  	[tilespmem:v15+s23+$0x0] =	vst.idx.msk $0xffff, v13  }
0x205: {  	v15 =	vor.u32 $0x186, v0;
	v13 =	vld.idx.msk [tilespmem:v6+s20+$0x0], $0xffff;
	_ =	sdelay $0x4  }
0x206: {  	[tilespmem:v15+s23+$0x0] =	vst.idx.msk $0xffff, v13  }
0x207: {  	v15 =	vor.u32 $0x206, v0;
	v13 =	vld.idx.msk [tilespmem:v8+s20+$0x0], $0xffff;
	_ =	sdelay $0x4  }
0x208: {  	[tilespmem:v15+s23+$0x0] =	vst.idx.msk $0xffff, v13  }
0x209: {  	v15 =	vor.u32 $0x286, v0;
	v13 =	vld.idx.msk [tilespmem:v10+s20+$0x0], $0xffff;
	_ =	sdelay $0x4  }
0x20a: {  	[tilespmem:v15+s23+$0x0] =	vst.idx.msk $0xffff, v13  }
0x20b: {  	v15 =	vor.u32 $0x306, v0;
	v13 =	vld.idx.msk [tilespmem:v12+s20+$0x0], $0xffff;
	_ =	sdelay $0x4  }
0x20c: {  	[tilespmem:v15+s23+$0x0] =	vst.idx.msk $0xffff, v13  }
0x20d: {  	v15 =	vor.u32 $0x386, v0;
	v13 =	vld.idx.msk [tilespmem:v14+s20+$0x0], $0xffff;
	_ =	sdelay $0x4  }
0x20e: {  	[tilespmem:v15+s23+$0x0] =	vst.idx.msk $0xffff, v13  }
0x20f: {  	v15 =	vor.u32 $0x406, v0;
	v13 =	vld.idx.msk [tilespmem:v16+s20+$0x0], $0xffff;
	_ =	sdelay $0x4  }
0x210: {  	[tilespmem:v15+s23+$0x0] =	vst.idx.msk $0xffff, v13  }
0x211: {  	v15 =	vor.u32 $0x486, v0;
	v13 =	vld.idx.msk [tilespmem:v18+s20+$0x0], $0xffff;
	_ =	sdelay $0x4  }
0x212: {  	[tilespmem:v15+s23+$0x0] =	vst.idx.msk $0xffff, v13  }
0x213: {  	v15 =	vor.u32 $0x506, v0;
	v13 =	vld.idx.msk [tilespmem:v20+s20+$0x0], $0xffff;
	_ =	sdelay $0x4  }
0x214: {  	[tilespmem:v15+s23+$0x0] =	vst.idx.msk $0xffff, v13  }
0x215: {  	v15 =	vor.u32 $0x586, v0;
	v13 =	vld.idx.msk [tilespmem:v22+s20+$0x0], $0xffff;
	_ =	sdelay $0x4  }
0x216: {  	[tilespmem:v15+s23+$0x0] =	vst.idx.msk $0xffff, v13  }
0x217: {  	v15 =	vor.u32 $0x606, v0;
	v13 =	vld.idx.msk [tilespmem:v24+s20+$0x0], $0xffff;
	_ =	sdelay $0x4  }
0x218: {  	[tilespmem:v15+s23+$0x0] =	vst.idx.msk $0xffff, v13  }
0x219: {  	v15 =	vor.u32 $0x686, v0;
	v13 =	vld.idx.msk [tilespmem:v26+s20+$0x0], $0xffff;
	_ =	sdelay $0x4  }
0x21a: {  	[tilespmem:v15+s23+$0x0] =	vst.idx.msk $0xffff, v13  }
0x21b: {  	v15 =	vor.u32 $0x706, v0;
	v13 =	vld.idx.msk [tilespmem:v28+s20+$0x0], $0xffff;
	_ =	sdelay $0x4  }
0x21c: {  	[tilespmem:v15+s23+$0x0] =	vst.idx.msk $0xffff, v13  }
0x21d: {  	v15 =	vor.u32 $0x786, v0;
	v13 =	vld.idx.msk [tilespmem:v30+s20+$0x0], $0xffff;
	_ =	sdelay $0x4  }
0x21e: {  	[tilespmem:v15+s23+$0x0] =	vst.idx.msk $0xffff, v13  }
0x21f: {  	v15 =	vor.u32 $0x806, v0;
	v13 =	vld.idx.msk [tilespmem:v32+s20+$0x0], $0xffff;
	_ =	sdelay $0x4  }
0x220: {  	[tilespmem:v15+s23+$0x0] =	vst.idx.msk $0xffff, v13  }
0x221: {  	v15 =	vor.u32 $0x886, v0;
	v13 =	vld.idx.msk [tilespmem:v34+s20+$0x0], $0xffff;
	_ =	sdelay $0x4  }
0x222: {  	[tilespmem:v15+s23+$0x0] =	vst.idx.msk $0xffff, v13  }
0x223: {  	v15 =	vor.u32 $0x906, v0;
	v13 =	vld.idx.msk [tilespmem:v36+s20+$0x0], $0xffff;
	_ =	sdelay $0x4  }
0x224: {  	[tilespmem:v15+s23+$0x0] =	vst.idx.msk $0xffff, v13  }
0x225: {  	v15 =	vor.u32 $0x986, v0;
	v13 =	vld.idx.msk [tilespmem:v38+s20+$0x0], $0xffff;
	_ =	sdelay $0x4  }
0x226: {  	[tilespmem:v15+s23+$0x0] =	vst.idx.msk $0xffff, v13  }
0x227: {  	v15 =	vor.u32 $0xA06, v0;
	v13 =	vld.idx.msk [tilespmem:v40+s20+$0x0], $0xffff;
	_ =	sdelay $0x4  }
0x228: {  	[tilespmem:v15+s23+$0x0] =	vst.idx.msk $0xffff, v13  }
0x229: {  	v15 =	vor.u32 $0xA86, v0;
	v13 =	vld.idx.msk [tilespmem:v42+s20+$0x0], $0xffff;
	_ =	sdelay $0x4  }
0x22a: {  	[tilespmem:v15+s23+$0x0] =	vst.idx.msk $0xffff, v13  }
0x22b: {  	v15 =	vor.u32 $0xB06, v0;
	v13 =	vld.idx.msk [tilespmem:v44+s20+$0x0], $0xffff;
	_ =	sdelay $0x4  }
0x22c: {  	[tilespmem:v15+s23+$0x0] =	vst.idx.msk $0xffff, v13  }
0x22d: {  	v15 =	vor.u32 $0xB86, v0;
	v13 =	vld.idx.msk [tilespmem:v46+s20+$0x0], $0xffff;
	_ =	sdelay $0x4  }
0x22e: {  	[tilespmem:v15+s23+$0x0] =	vst.idx.msk $0xffff, v13  }
0x22f: {  	v15 =	vor.u32 $0xC06, v0;
	v13 =	vld.idx.msk [tilespmem:v48+s20+$0x0], $0xffff;
	_ =	sdelay $0x4  }
0x230: {  	[tilespmem:v15+s23+$0x0] =	vst.idx.msk $0xffff, v13  }
0x231: {  	v15 =	vor.u32 $0xC86, v0;
	v13 =	vld.idx.msk [tilespmem:v50+s20+$0x0], $0xffff;
	_ =	sdelay $0x4  }
0x232: {  	[tilespmem:v15+s23+$0x0] =	vst.idx.msk $0xffff, v13  }
0x233: {  	v15 =	vor.u32 $0xD06, v0;
	v13 =	vld.idx.msk [tilespmem:v52+s20+$0x0], $0xffff;
	_ =	sdelay $0x4  }
0x234: {  	[tilespmem:v15+s23+$0x0] =	vst.idx.msk $0xffff, v13  }
0x235: {  	v15 =	vor.u32 $0xD86, v0;
	v13 =	vld.idx.msk [tilespmem:v54+s20+$0x0], $0xffff;
	_ =	sdelay $0x4  }
0x236: {  	[tilespmem:v15+s23+$0x0] =	vst.idx.msk $0xffff, v13  }
0x237: {  	v15 =	vor.u32 $0xE06, v0;
	v13 =	vld.idx.msk [tilespmem:v56+s20+$0x0], $0xffff;
	_ =	sdelay $0x4  }
0x238: {  	[tilespmem:v15+s23+$0x0] =	vst.idx.msk $0xffff, v13  }
0x239: {  	v15 =	vor.u32 $0xE86, v0;
	v13 =	vld.idx.msk [tilespmem:v58+s20+$0x0], $0xffff;
	_ =	sdelay $0x4  }
0x23a: {  	[tilespmem:v15+s23+$0x0] =	vst.idx.msk $0xffff, v13  }
0x23b: {  	v15 =	vor.u32 $0xF06, v0;
	v13 =	vld.idx.msk [tilespmem:v60+s20+$0x0], $0xffff;
	_ =	sdelay $0x4  }
0x23c: {  	[tilespmem:v15+s23+$0x0] =	vst.idx.msk $0xffff, v13  }
0x23d: {  	v15 =	vor.u32 $0xF86, v0;
	v13 =	vld.idx.msk [tilespmem:v62+s20+$0x0], $0xffff;
	_ =	sdelay $0x4  }
0x23e: {  	[tilespmem:v15+s23+$0x0] =	vst.idx.msk $0xffff, v13  }
0x23f: {  	v15 =	vor.u32 $0x1006, v0;
	v13 =	vld.idx.msk [tilespmem:v3+s20+$0x0], $0xffff;
	_ =	sdelay $0x4  }
0x240: {  	[tilespmem:v15+s23+$0x0] =	vst.idx.msk $0xffff, v13  }
0x241: {  	v15 =	vor.u32 $0x1086, v0;
	v13 =	vld.idx.msk [tilespmem:v5+s20+$0x0], $0xffff;
	_ =	sdelay $0x4  }
0x242: {  	[tilespmem:v15+s23+$0x0] =	vst.idx.msk $0xffff, v13  }
0x243: {  	v15 =	vor.u32 $0x1106, v0;
	v13 =	vld.idx.msk [tilespmem:v7+s20+$0x0], $0xffff;
	_ =	sdelay $0x4  }
0x244: {  	[tilespmem:v15+s23+$0x0] =	vst.idx.msk $0xffff, v13  }
0x245: {  	v15 =	vor.u32 $0x1186, v0;
	v13 =	vld.idx.msk [tilespmem:v9+s20+$0x0], $0xffff;
	_ =	sdelay $0x4  }
0x246: {  	[tilespmem:v15+s23+$0x0] =	vst.idx.msk $0xffff, v13  }
0x247: {  	v15 =	vor.u32 $0x1206, v0;
	v13 =	vld.idx.msk [tilespmem:v11+s20+$0x0], $0xfff;
	_ =	sdelay $0x4  }
0x248: {  	[tilespmem:v15+s23+$0x0] =	vst.idx.msk $0xfff, v13  }
0x249: {  	_ =	swait.ge [sflag:s22], $0x1260  }
0x24a: {  	[sflag:s22] =	ssyncset.done $0x0  }
0x24b: {  	[sflag:s22] =	ssyncadd.s32 $0xFFFFEDA0  }
0x24c: {  	v15 =	vor.u32 $0x7, v0;
	v13 =	vld.idx.msk [tilespmem:v1+s21+$0x0], $0xffff;
	_ =	sdelay $0x4  }
0x24d: {  	[tilespmem:v15+s23+$0x0] =	vst.idx.msk $0xffff, v13  }
0x24e: {  	v15 =	vor.u32 $0x87, v0;
	v13 =	vld.idx.msk [tilespmem:v2+s21+$0x0], $0xffff;
	_ =	sdelay $0x4  }
0x24f: {  	[tilespmem:v15+s23+$0x0] =	vst.idx.msk $0xffff, v13  }
0x250: {  	v15 =	vor.u32 $0x107, v0;
	v13 =	vld.idx.msk [tilespmem:v4+s21+$0x0], $0xffff;
	_ =	sdelay $0x4  }
0x251: {  	[tilespmem:v15+s23+$0x0] =	vst.idx.msk $0xffff, v13  }
0x252: {  	v15 =	vor.u32 $0x187, v0;
	v13 =	vld.idx.msk [tilespmem:v6+s21+$0x0], $0xffff;
	_ =	sdelay $0x4  }
0x253: {  	[tilespmem:v15+s23+$0x0] =	vst.idx.msk $0xffff, v13  }
0x254: {  	v15 =	vor.u32 $0x207, v0;
	v13 =	vld.idx.msk [tilespmem:v8+s21+$0x0], $0xffff;
	_ =	sdelay $0x4  }
0x255: {  	[tilespmem:v15+s23+$0x0] =	vst.idx.msk $0xffff, v13  }
0x256: {  	v15 =	vor.u32 $0x287, v0;
	v13 =	vld.idx.msk [tilespmem:v10+s21+$0x0], $0xffff;
	_ =	sdelay $0x4  }
0x257: {  	[tilespmem:v15+s23+$0x0] =	vst.idx.msk $0xffff, v13  }
0x258: {  	v15 =	vor.u32 $0x307, v0;
	v13 =	vld.idx.msk [tilespmem:v12+s21+$0x0], $0xffff;
	_ =	sdelay $0x4  }
0x259: {  	[tilespmem:v15+s23+$0x0] =	vst.idx.msk $0xffff, v13  }
0x25a: {  	v15 =	vor.u32 $0x387, v0;
	v13 =	vld.idx.msk [tilespmem:v14+s21+$0x0], $0xffff;
	_ =	sdelay $0x4  }
0x25b: {  	[tilespmem:v15+s23+$0x0] =	vst.idx.msk $0xffff, v13  }
0x25c: {  	v15 =	vor.u32 $0x407, v0;
	v13 =	vld.idx.msk [tilespmem:v16+s21+$0x0], $0xffff;
	_ =	sdelay $0x4  }
0x25d: {  	[tilespmem:v15+s23+$0x0] =	vst.idx.msk $0xffff, v13  }
0x25e: {  	v15 =	vor.u32 $0x487, v0;
	v13 =	vld.idx.msk [tilespmem:v18+s21+$0x0], $0xffff;
	_ =	sdelay $0x4  }
0x25f: {  	[tilespmem:v15+s23+$0x0] =	vst.idx.msk $0xffff, v13  }
0x260: {  	v15 =	vor.u32 $0x507, v0;
	v13 =	vld.idx.msk [tilespmem:v20+s21+$0x0], $0xffff;
	_ =	sdelay $0x4  }
0x261: {  	[tilespmem:v15+s23+$0x0] =	vst.idx.msk $0xffff, v13  }
0x262: {  	v15 =	vor.u32 $0x587, v0;
	v13 =	vld.idx.msk [tilespmem:v22+s21+$0x0], $0xffff;
	_ =	sdelay $0x4  }
0x263: {  	[tilespmem:v15+s23+$0x0] =	vst.idx.msk $0xffff, v13  }
0x264: {  	v15 =	vor.u32 $0x607, v0;
	v13 =	vld.idx.msk [tilespmem:v24+s21+$0x0], $0xffff;
	_ =	sdelay $0x4  }
0x265: {  	[tilespmem:v15+s23+$0x0] =	vst.idx.msk $0xffff, v13  }
0x266: {  	v15 =	vor.u32 $0x687, v0;
	v13 =	vld.idx.msk [tilespmem:v26+s21+$0x0], $0xffff;
	_ =	sdelay $0x4  }
0x267: {  	[tilespmem:v15+s23+$0x0] =	vst.idx.msk $0xffff, v13  }
0x268: {  	v15 =	vor.u32 $0x707, v0;
	v13 =	vld.idx.msk [tilespmem:v28+s21+$0x0], $0xffff;
	_ =	sdelay $0x4  }
0x269: {  	[tilespmem:v15+s23+$0x0] =	vst.idx.msk $0xffff, v13  }
0x26a: {  	v15 =	vor.u32 $0x787, v0;
	v13 =	vld.idx.msk [tilespmem:v30+s21+$0x0], $0xffff;
	_ =	sdelay $0x4  }
0x26b: {  	[tilespmem:v15+s23+$0x0] =	vst.idx.msk $0xffff, v13  }
0x26c: {  	v15 =	vor.u32 $0x807, v0;
	v13 =	vld.idx.msk [tilespmem:v32+s21+$0x0], $0xffff;
	_ =	sdelay $0x4  }
0x26d: {  	[tilespmem:v15+s23+$0x0] =	vst.idx.msk $0xffff, v13  }
0x26e: {  	v15 =	vor.u32 $0x887, v0;
	v13 =	vld.idx.msk [tilespmem:v34+s21+$0x0], $0xffff;
	_ =	sdelay $0x4  }
0x26f: {  	[tilespmem:v15+s23+$0x0] =	vst.idx.msk $0xffff, v13  }
0x270: {  	v15 =	vor.u32 $0x907, v0;
	v13 =	vld.idx.msk [tilespmem:v36+s21+$0x0], $0xffff;
	_ =	sdelay $0x4  }
0x271: {  	[tilespmem:v15+s23+$0x0] =	vst.idx.msk $0xffff, v13  }
0x272: {  	v15 =	vor.u32 $0x987, v0;
	v13 =	vld.idx.msk [tilespmem:v38+s21+$0x0], $0xffff;
	_ =	sdelay $0x4  }
0x273: {  	[tilespmem:v15+s23+$0x0] =	vst.idx.msk $0xffff, v13  }
0x274: {  	v15 =	vor.u32 $0xA07, v0;
	v13 =	vld.idx.msk [tilespmem:v40+s21+$0x0], $0xffff;
	_ =	sdelay $0x4  }
0x275: {  	[tilespmem:v15+s23+$0x0] =	vst.idx.msk $0xffff, v13  }
0x276: {  	v15 =	vor.u32 $0xA87, v0;
	v13 =	vld.idx.msk [tilespmem:v42+s21+$0x0], $0xffff;
	_ =	sdelay $0x4  }
0x277: {  	[tilespmem:v15+s23+$0x0] =	vst.idx.msk $0xffff, v13  }
0x278: {  	v15 =	vor.u32 $0xB07, v0;
	v13 =	vld.idx.msk [tilespmem:v44+s21+$0x0], $0xffff;
	_ =	sdelay $0x4  }
0x279: {  	[tilespmem:v15+s23+$0x0] =	vst.idx.msk $0xffff, v13  }
0x27a: {  	v15 =	vor.u32 $0xB87, v0;
	v13 =	vld.idx.msk [tilespmem:v46+s21+$0x0], $0xffff;
	_ =	sdelay $0x4  }
0x27b: {  	[tilespmem:v15+s23+$0x0] =	vst.idx.msk $0xffff, v13  }
0x27c: {  	v15 =	vor.u32 $0xC07, v0;
	v13 =	vld.idx.msk [tilespmem:v48+s21+$0x0], $0xffff;
	_ =	sdelay $0x4  }
0x27d: {  	[tilespmem:v15+s23+$0x0] =	vst.idx.msk $0xffff, v13  }
0x27e: {  	v15 =	vor.u32 $0xC87, v0;
	v13 =	vld.idx.msk [tilespmem:v50+s21+$0x0], $0xffff;
	_ =	sdelay $0x4  }
0x27f: {  	[tilespmem:v15+s23+$0x0] =	vst.idx.msk $0xffff, v13  }
0x280: {  	v15 =	vor.u32 $0xD07, v0;
	v13 =	vld.idx.msk [tilespmem:v52+s21+$0x0], $0xffff;
	_ =	sdelay $0x4  }
0x281: {  	[tilespmem:v15+s23+$0x0] =	vst.idx.msk $0xffff, v13  }
0x282: {  	v15 =	vor.u32 $0xD87, v0;
	v13 =	vld.idx.msk [tilespmem:v54+s21+$0x0], $0xffff;
	_ =	sdelay $0x4  }
0x283: {  	[tilespmem:v15+s23+$0x0] =	vst.idx.msk $0xffff, v13  }
0x284: {  	v15 =	vor.u32 $0xE07, v0;
	v13 =	vld.idx.msk [tilespmem:v56+s21+$0x0], $0xffff;
	_ =	sdelay $0x4  }
0x285: {  	[tilespmem:v15+s23+$0x0] =	vst.idx.msk $0xffff, v13  }
0x286: {  	v15 =	vor.u32 $0xE87, v0;
	v13 =	vld.idx.msk [tilespmem:v58+s21+$0x0], $0xffff;
	_ =	sdelay $0x4  }
0x287: {  	[tilespmem:v15+s23+$0x0] =	vst.idx.msk $0xffff, v13  }
0x288: {  	v15 =	vor.u32 $0xF07, v0;
	v13 =	vld.idx.msk [tilespmem:v60+s21+$0x0], $0xffff;
	_ =	sdelay $0x4  }
0x289: {  	[tilespmem:v15+s23+$0x0] =	vst.idx.msk $0xffff, v13  }
0x28a: {  	v15 =	vor.u32 $0xF87, v0;
	v13 =	vld.idx.msk [tilespmem:v62+s21+$0x0], $0xffff;
	_ =	sdelay $0x4  }
0x28b: {  	[tilespmem:v15+s23+$0x0] =	vst.idx.msk $0xffff, v13  }
0x28c: {  	v13 =	vor.u32 $0x1007, v0;
	v3 =	vld.idx.msk [tilespmem:v3+s21+$0x0], $0xffff;
	_ =	sdelay $0x4  }
0x28d: {  	[tilespmem:v13+s23+$0x0] =	vst.idx.msk $0xffff, v3  }
0x28e: {  	v3 =	vld.idx.msk [tilespmem:v5+s21+$0x0], $0xffff;
	v5 =	vor.u32 $0x1087, v0;
	_ =	sdelay $0x4  }
0x28f: {  	[tilespmem:v5+s23+$0x0] =	vst.idx.msk $0xffff, v3  }
0x290: {  	v5 =	vor.u32 $0x1107, v0;
	v3 =	vld.idx.msk [tilespmem:v7+s21+$0x0], $0xffff;
	_ =	sdelay $0x4  }
0x291: {  	[tilespmem:v5+s23+$0x0] =	vst.idx.msk $0xffff, v3  }
0x292: {  	v5 =	vor.u32 $0x1187, v0;
	v3 =	vld.idx.msk [tilespmem:v9+s21+$0x0], $0xffff;
	_ =	sdelay $0x4  }
0x293: {  	[tilespmem:v5+s23+$0x0] =	vst.idx.msk $0xffff, v3  }
0x294: {  	v5 =	vor.u32 $0x1207, v0;
	v3 =	vld.idx.msk [tilespmem:v11+s21+$0x0], $0xfff;
	_ =	sdelay $0x3  }
0x295: {  	p0 =	sne.s32 s12, $0x1  }
.Ltmp0:
0x296: {  	[tilespmem:v5+s23+$0x0] =	vst.idx.msk $0xfff, v3;
	(pc) =	sbr.rel @p0 .LBB2_1-.Ltmp0, $4  }
0x297: {  	[hbm4b:s11+s2] =	stream.linear.scatter [tilespmem:s23], [sflag:$0x2], $0x1260, $0x38;
	[tilespmem:$0xA560] =	vst v63  }
0x298: {  	_ =	swait.ge [sflag:s24], $0x1260  }
0x299: {  	[sflag:s24] =	ssyncset.done $0x0  }
0x29a: {  	s12 =	sadd.s32 $0xFFFFFFFF, s12;
	[sflag:s24] =	ssyncadd.s32 $0xFFFFEDA0  }
0x29b: {  	_ =	sfence.sel $0x180000  }
0x29c: {  	[bflag:$0x0] =	sbarrier.arrive $0xFFFF  }
0x29d: {  	p0 =	sne.s32 s0, $0x0;
	_ =	strace $0x90000047  }
0x29e: {  	s0 =	sadd.s32 @!p0 $0x100000, s1;
	[bflag:$0x2] =	sbarrier.arrive $0xFFFF  }
0x29f: {  	[sflag:s0] =	ssyncadd.tile.s32 @!p0 $0x1;
	_ =	shalt  }
.Lfunc_end2:
_tile_overlayer_lowered:
.L_overlay_start_2:
0x2a0: {  	(tag) =	ssettag $0x2  }
0x2a1: {  	s0 =	rddreg [dreg:$0x0];
	s2 =	stileid.u32  }
0x2a2: {  	s1 =	rddreg [dreg:$0x1];
	p0 =	sne.s32 s2, $0x0  }
0x2a3: {  	s3 =	rddreg [dreg:$0x2];
	[bflag:$0x3] =	sbarrier.arrive $0xFFFF;
	s2 =	simm.s32 @!p0 $0x1C02  }
0x2a4: {  	[timem:s3], [sflag:s2] =	dma.local @!p0 [hbm:s0], s1  }
0x2a5: {  	s0 =	simm.s32 @!p0 $0x2  }
0x2a6: {  	_ =	swait.ge @!p0 [sflag:s0], s1  }
0x2a7: {  	s1 =	ssub.s32 @!p0 $0x0, s1;
	[sflag:s0] =	ssyncset.done @!p0 $0x0  }
0x2a8: {  	[sflag:s0] =	ssyncadd.s32 @!p0 s1  }
0x2a9: {  	[bflag:$0x3] =	sbarrier.arrive $0xFFFF  }
0x2aa: {  	_ =	shalt  }

</sc_bundles>
